<compile_context>
chip_gen: v7x
topology: tpu7x:2x2x1
jax: 0.10.2.dev20260603
libtpu: 0.0.44.dev20260713+nightly
codegen_flags: <defaults>
</compile_context>

<pallas_src>
import functools

import jax
import jax.numpy as jnp
from jax import lax
from jax.experimental import pallas as pl
from jax.experimental.pallas import tpu as pltpu
from jax.experimental.pallas import tpu_sc as plsc

N = 10000
E = 320000
D = 128

NC = 2
NS = 16
NW = NC * NS
E_PER_W = E // NW
CHUNK = 80
N_CHUNKS = E_PER_W // CHUNK
NPAD = 10240
ROWS_PER_TILE = NPAD // NS


def _sc_segsum_kernel(y_hbm, src_hbm, dst_hbm, z2_hbm, z1_hbm,
                      *refs, with_deg):
    if with_deg:
        (s_out, deg_out, src_v, dst_v, rows_v, ones_v, acc_sp, deg_sp,
         si, sg, ss) = refs
    else:
        (s_out, src_v, dst_v, rows_v, ones_v, acc_sp, si, sg, ss) = refs
        deg_out = deg_sp = None
    cid = lax.axis_index("c")
    sid = lax.axis_index("s")
    wid = cid * NS + sid
    n_desc = 2 if with_deg else 1

    row0 = sid * ROWS_PER_TILE

    def issue_idx(k, b):
        base = wid * E_PER_W + k * CHUNK
        pltpu.async_copy(src_hbm.at[pl.ds(base, CHUNK)], src_v.at[b], si.at[b])
        pltpu.async_copy(dst_hbm.at[pl.ds(base, CHUNK)], dst_v.at[b], si.at[b])

    def wait_idx(b):
        pltpu.make_async_copy(src_hbm.at[pl.ds(0, CHUNK)], src_v.at[b],
                              si.at[b]).wait()
        pltpu.make_async_copy(dst_hbm.at[pl.ds(0, CHUNK)], dst_v.at[b],
                              si.at[b]).wait()

    def issue_gather(b):
        pltpu.async_copy(y_hbm.at[src_v.at[b]], rows_v.at[b], sg.at[b])

    def wait_gather(b):
        pltpu.make_async_copy(y_hbm.at[src_v.at[b]], rows_v.at[b],
                              sg.at[b]).wait()

    def issue_scatter(b):
        pltpu.async_copy(rows_v.at[b], acc_sp.at[dst_v.at[b]], ss.at[b],
                         add=True)
        if with_deg:
            pltpu.async_copy(ones_v, deg_sp.at[dst_v.at[b]], ss.at[b], add=True)

    def drain_scatter(b):
        pltpu.make_async_copy(rows_v.at[b], acc_sp.at[dst_v.at[b]],
                              ss.at[b]).wait()
        if with_deg:
            pltpu.make_async_copy(ones_v, deg_sp.at[dst_v.at[b]],
                                  ss.at[b]).wait()

    def stage(k, *, drain):
        b, bm1, bm2 = k % 3, (k - 1) % 3, (k - 2) % 3
        wait_gather(bm2)
        issue_scatter(bm2)
        if drain:
            drain_scatter(b)
        issue_idx(k, b)
        wait_idx(bm1)
        issue_gather(bm1)

    issue_idx(0, 0)
    issue_idx(1, 1)
    wait_idx(0)
    issue_gather(0)

    pltpu.sync_copy(z2_hbm, acc_sp.at[pl.ds(row0, ROWS_PER_TILE)])
    if with_deg:
        pltpu.sync_copy(z1_hbm, deg_sp.at[pl.ds(row0, ROWS_PER_TILE)])
        for i in range(CHUNK // 16):
            ones_v[pl.ds(i * 16, 16)] = jnp.ones((16,), jnp.float32)

    plsc.subcore_barrier()

    stage(2, drain=False)
    stage(3, drain=True)
    stage(4, drain=True)

    def body(j, _):
        k = 5 + 3 * j
        stage(k, drain=True)
        stage(k + 1, drain=True)
        stage(k + 2, drain=True)
        return _

    lax.fori_loop(0, (N_CHUNKS - 5) // 3, body, None)

    kl = N_CHUNKS - 1
    wait_gather((kl - 1) % 3)
    issue_scatter((kl - 1) % 3)
    wait_idx(kl % 3)
    issue_gather(kl % 3)
    wait_gather(kl % 3)
    issue_scatter(kl % 3)
    drain_scatter(0)
    drain_scatter(1)
    drain_scatter(2)

    plsc.subcore_barrier()

    pltpu.sync_copy(acc_sp.at[pl.ds(row0, ROWS_PER_TILE)],
                    s_out.at[cid, pl.ds(row0, ROWS_PER_TILE)])
    if with_deg:
        pltpu.sync_copy(deg_sp.at[pl.ds(row0, ROWS_PER_TILE)],
                        deg_out.at[cid, pl.ds(row0, ROWS_PER_TILE)])


assert (N_CHUNKS - 5) % 3 == 0


def _sc_segsum(y, src, dst, with_deg):
    z2 = jnp.zeros((ROWS_PER_TILE, D), jnp.float32)
    z1 = jnp.zeros((ROWS_PER_TILE,), jnp.float32)
    mesh = plsc.VectorSubcoreMesh(core_axis_name="c", subcore_axis_name="s",
                                  num_cores=NC, num_subcores=NS)
    out_type = [jax.ShapeDtypeStruct((NC, NPAD, D), jnp.float32)]
    scratch = [
        pltpu.VMEM((3, CHUNK), jnp.int32),
        pltpu.VMEM((3, CHUNK), jnp.int32),
        pltpu.VMEM((3, CHUNK, D), jnp.float32),
        pltpu.VMEM((CHUNK,), jnp.float32),
        pltpu.VMEM_SHARED((NPAD, D), jnp.float32),
        pltpu.SemaphoreType.DMA((3,)),
        pltpu.SemaphoreType.DMA((3,)),
        pltpu.SemaphoreType.DMA((3,)),
    ]
    if with_deg:
        out_type.append(jax.ShapeDtypeStruct((NC, NPAD), jnp.float32))
        scratch.insert(5, pltpu.VMEM_SHARED((NPAD,), jnp.float32))
    fn = pl.kernel(
        functools.partial(_sc_segsum_kernel, with_deg=with_deg),
        out_type=out_type,
        mesh=mesh,
        scratch_types=scratch,
    )
    return fn(y, src, dst, z2, z1)


ROW_BLK = 2000
N_BLKS = N // ROW_BLK


def _tc_layer_kernel(sp_ref, dp_ref, x_ref, w_ref, b_ref,
                     h_ref, stats_ref, cat_ref, *, with_stats):
    s = sp_ref[0] + sp_ref[1]
    deg = dp_ref[0] + dp_ref[1]
    recip = 1.0 / jnp.maximum(deg, 1.0)
    cat_ref[:, :D] = s * recip
    cat_ref[:, D:] = x_ref[...]
    h = jnp.dot(cat_ref[...], w_ref[...],
                preferred_element_type=jnp.float32) + b_ref[...]
    h_ref[...] = h
    if with_stats:
        i = pl.program_id(0)

        @pl.when(i == 0)
        def _():
            stats_ref[...] = jnp.zeros_like(stats_ref)

        stats_ref[0:1, :] += jnp.sum(h, axis=0, keepdims=True)
        stats_ref[1:2, :] += jnp.sum(h * h, axis=0, keepdims=True)


def _tc_layer(s_part, deg_part, x, w_cat, b, with_stats):
    dp = deg_part.reshape(NC, NPAD, 1)
    out_shape = [jax.ShapeDtypeStruct((N, D), jnp.float32)]
    out_specs = [pl.BlockSpec((ROW_BLK, D), lambda i: (i, 0))]
    if with_stats:
        out_shape.append(jax.ShapeDtypeStruct((2, D), jnp.float32))
        out_specs.append(pl.BlockSpec((2, D), lambda i: (0, 0)))
    kfn = functools.partial(_tc_layer_kernel, with_stats=with_stats)
    if not with_stats:
        def kfn(sp, dp_, x_, w_, b_, h_, cat_):
            _tc_layer_kernel(sp, dp_, x_, w_, b_, h_, None, cat_,
                             with_stats=False)
    res = pl.pallas_call(
        kfn,
        grid=(N_BLKS,),
        in_specs=[
            pl.BlockSpec((NC, ROW_BLK, D), lambda i: (0, i, 0)),
            pl.BlockSpec((NC, ROW_BLK, 1), lambda i: (0, i, 0)),
            pl.BlockSpec((ROW_BLK, D), lambda i: (i, 0)),
            pl.BlockSpec((2 * D, D), lambda i: (0, 0)),
            pl.BlockSpec((1, D), lambda i: (0, 0)),
        ],
        out_specs=out_specs if with_stats else out_specs[0],
        out_shape=out_shape if with_stats else out_shape[0],
        scratch_shapes=[pltpu.VMEM((ROW_BLK, 2 * D), jnp.float32)],
    )(s_part, dp, x, w_cat, b)
    return res


def _tc_bn_relu_kernel(h_ref, stats_ref, g_ref, bt_ref, o_ref):
    mean = stats_ref[0:1, :] / N
    var = stats_ref[1:2, :] / N - mean * mean
    rstd = lax.rsqrt(var + 1e-5)
    o_ref[...] = jnp.maximum(
        (h_ref[...] - mean) * rstd * g_ref[...] + bt_ref[...], 0.0)


def _tc_bn_relu(h_pre, stats, gamma, beta):
    return pl.pallas_call(
        _tc_bn_relu_kernel,
        grid=(N_BLKS,),
        in_specs=[
            pl.BlockSpec((ROW_BLK, D), lambda i: (i, 0)),
            pl.BlockSpec((2, D), lambda i: (0, 0)),
            pl.BlockSpec((1, D), lambda i: (0, 0)),
            pl.BlockSpec((1, D), lambda i: (0, 0)),
        ],
        out_specs=pl.BlockSpec((ROW_BLK, D), lambda i: (i, 0)),
        out_shape=jax.ShapeDtypeStruct((N, D), jnp.float32),
    )(h_pre, stats, gamma, beta)


def kernel(x, edge_index, W1_l, b1_l, W1_r, gamma, beta, W2_l, b2_l, W2_r):
    src = edge_index[0]
    dst = edge_index[1]
    w1 = jnp.concatenate([W1_l, W1_r], axis=0)
    w2 = jnp.concatenate([W2_l, W2_r], axis=0)
    b1 = b1_l.reshape(1, D)
    b2 = b2_l.reshape(1, D)
    g2 = gamma.reshape(1, D)
    bt2 = beta.reshape(1, D)

    s1, deg = _sc_segsum(x, src, dst, with_deg=True)
    h_pre, stats = _tc_layer(s1, deg, x, w1, b1, with_stats=True)
    h = _tc_bn_relu(h_pre, stats, g2, bt2)
    (s2,) = _sc_segsum(h, src, dst, with_deg=False)
    out = _tc_layer(s2, deg, h, w2, b2, with_stats=False)
    return out

# --- scband reference (transcript-rebuilt; emitter-appended) ---
"""Pipeline reference for scband-graph-sage2-80676665688553 (READ-ONLY COPY).

The authoritative reference and input builder live on the scoring server;
editing this copy changes nothing except your own understanding.
"""

import jax, jax.numpy as jnp
import numpy as np

N = 10000
E = 320000
D_IN = 128
D_HID = 128
D_OUT = 128


def setup_inputs(seed: int = 0) -> dict:
    key = jax.random.key(seed)
    ks = jax.random.split(key, 10)
    x = jax.random.normal(ks[0], (N, D_IN), dtype=jnp.float32)
    edge_index = jax.random.randint(ks[1], (2, E), 0, N)
    s1 = 1.0 / np.sqrt(D_IN)
    s2 = 1.0 / np.sqrt(D_HID)
    W1_l = jax.random.uniform(ks[2], (D_IN, D_HID), jnp.float32, -s1, s1)
    b1_l = jnp.zeros((D_HID,), jnp.float32)
    W1_r = jax.random.uniform(ks[3], (D_IN, D_HID), jnp.float32, -s1, s1)
    gamma = jnp.ones((D_HID,), jnp.float32)
    beta = jnp.zeros((D_HID,), jnp.float32)
    W2_l = jax.random.uniform(ks[4], (D_HID, D_OUT), jnp.float32, -s2, s2)
    b2_l = jnp.zeros((D_OUT,), jnp.float32)
    W2_r = jax.random.uniform(ks[5], (D_HID, D_OUT), jnp.float32, -s2, s2)
    return {
        "x": x,
        "edge_index": edge_index,
        "W1_l": W1_l,
        "b1_l": b1_l,
        "W1_r": W1_r,
        "gamma": gamma,
        "beta": beta,
        "W2_l": W2_l,
        "b2_l": b2_l,
        "W2_r": W2_r,
    }


def _sage_conv(x, edge_index, W_l, b_l, W_r):
    # PyG-style SAGEConv with mean aggregation:
    # out = lin_l(mean_{j in N(i)} x_j) + lin_r(x_i)
    src = edge_index[0]
    dst = edge_index[1]
    msgs = jnp.take(x, src, axis=0)
    agg_sum = jax.ops.segment_sum(msgs, dst, num_segments=N)
    deg = jax.ops.segment_sum(jnp.ones((edge_index.shape[1],), x.dtype), dst, num_segments=N)
    agg = agg_sum / jnp.clip(deg, 1.0)[:, None]
    return agg @ W_l + b_l + x @ W_r


def reference(x, edge_index, W1_l, b1_l, W1_r, gamma, beta, W2_l, b2_l, W2_r):
    h = _sage_conv(x, edge_index, W1_l, b1_l, W1_r)
    # BatchNorm1d (training-mode batch statistics, biased variance, eps=1e-5)
    mean = jnp.mean(h, axis=0)
    var = jnp.var(h, axis=0)
    h = (h - mean) / jnp.sqrt(var + 1e-5) * gamma + beta
    h = jax.nn.relu(h)
    # dropout is identity in eval mode
    out = _sage_conv(h, edge_index, W2_l, b2_l, W2_r)
    return out

if __name__ == "__main__":
    import jax
    _d = setup_inputs()
    print(jax.jit(kernel)(*tuple(_d.values())))

</pallas_src>

<mosaic_0001>
#map = affine_map<(d0, d1) -> (0, 0)>
#map1 = affine_map<(d0, d1) -> (0)>
#map2 = affine_map<(d0, d1) -> (0, 0, 0)>
module attributes {stable_mosaic.version = 14 : i64} {
  func.func @_sc_segsum_kernel(%arg0: i32, %arg1: i32, %arg2: memref<10000x128xf32, #tpu.memory_space<hbm>>, %arg3: memref<320000xi32, #tpu.memory_space<hbm>>, %arg4: memref<320000xi32, #tpu.memory_space<hbm>>, %arg5: memref<640x128xf32, #tpu.memory_space<hbm>>, %arg6: memref<640xf32, #tpu.memory_space<hbm>>, %arg7: memref<2x10240x128xf32, #tpu.memory_space<hbm>>, %arg8: memref<2x10240xf32, #tpu.memory_space<hbm>>, %arg9: memref<3x80xi32, #tpu.memory_space<vmem>>, %arg10: memref<3x80xi32, #tpu.memory_space<vmem>>, %arg11: memref<3x80x128xf32, #tpu.memory_space<vmem>>, %arg12: memref<80xf32, #tpu.memory_space<vmem>>, %arg13: memref<10240x128xf32, #tpu.memory_space<vmem_shared>>, %arg14: memref<10240xf32, #tpu.memory_space<vmem_shared>>, %arg15: memref<3x!tpu.dma_semaphore, #tpu.memory_space<semaphore_mem>>, %arg16: memref<3x!tpu.dma_semaphore, #tpu.memory_space<semaphore_mem>>, %arg17: memref<3x!tpu.dma_semaphore, #tpu.memory_space<semaphore_mem>>) attributes {dimension_semantics = [#tpu.dimension_semantics<core_parallel>, #tpu.dimension_semantics<subcore_parallel>], iteration_bounds = array<i64: 2, 16>, scalar_prefetch = 0 : i64, scratch_operands = 9 : i64, tpu.core_type = #tpu.core_type<sc_vector_subcore>, window_params = [{transform_indices = #map}, {transform_indices = #map1}, {transform_indices = #map1}, {transform_indices = #map}, {transform_indices = #map1}, {transform_indices = #map2}, {transform_indices = #map}]} {
    %mul3A = arith.constant 16 : i32
    %mul3A_0 = arith.muli %arg0, %mul3A : i32
    %add3A = arith.addi %mul3A_0, %arg1 : i32
    %mul3A_1 = arith.constant 640 : i32
    %mul3A_2 = arith.muli %arg1, %mul3A_1 : i32
    %mul3A_3 = arith.constant 10000 : i32
    %mul3A_4 = arith.muli %add3A, %mul3A_3 : i32
    %add3A_5 = arith.constant 0 : i32
    %add3A_6 = arith.addi %mul3A_4, %add3A_5 : i32
    %dma_start3A = arith.constant 0 : i32
    %dma_start3A_7 = arith.constant 0 : i32
    %dma_start3A_8 = arith.constant 0 : i32
    %dma_start3A_9 = tpu.memref_slice %arg9[%dma_start3A, %dma_start3A_8] : memref<3x80xi32, #tpu.memory_space<vmem>> -> memref<1x80xi32, #tpu.memory_space<vmem>>
    %dma_start3A_10 = tpu.memref_squeeze %dma_start3A_9 : memref<1x80xi32, #tpu.memory_space<vmem>> -> memref<80xi32, #tpu.memory_space<vmem>>
    %dma_start3A_11 = tpu.memref_slice %arg3[%add3A_6] : memref<320000xi32, #tpu.memory_space<hbm>> -> memref<80xi32, #tpu.memory_space<hbm>>
    %dma_start3A_12 = tpu.memref_slice %arg15[%dma_start3A_7] : memref<3x!tpu.dma_semaphore, #tpu.memory_space<semaphore_mem>> -> memref<1x!tpu.dma_semaphore, #tpu.memory_space<semaphore_mem>>
    %dma_start3A_13 = tpu.memref_squeeze %dma_start3A_12 : memref<1x!tpu.dma_semaphore, #tpu.memory_space<semaphore_mem>> -> memref<!tpu.dma_semaphore, #tpu.memory_space<semaphore_mem>>
    %dma_start3A_14 = arith.constant 0 : i32
    %dma_start3A_15 = tpu.memref_slice %arg9[%dma_start3A, %dma_start3A_14] : memref<3x80xi32, #tpu.memory_space<vmem>> -> memref<1x80xi32, #tpu.memory_space<vmem>>
    %dma_start3A_16 = tpu.memref_squeeze %dma_start3A_15 : memref<1x80xi32, #tpu.memory_space<vmem>> -> memref<80xi32, #tpu.memory_space<vmem>>
    %dma_start3A_17 = tpu.memref_slice %arg3[%add3A_6] : memref<320000xi32, #tpu.memory_space<hbm>> -> memref<80xi32, #tpu.memory_space<hbm>>
    tpu.enqueue_dma source(%dma_start3A_17 : memref<80xi32, #tpu.memory_space<hbm>>) target(%dma_start3A_16 : memref<80xi32, #tpu.memory_space<vmem>>) target_semaphore(%dma_start3A_13 : memref<!tpu.dma_semaphore, #tpu.memory_space<semaphore_mem>>)
    %dma_start3A_18 = arith.constant 0 : i32
    %dma_start3A_19 = arith.constant 0 : i32
    %dma_start3A_20 = arith.constant 0 : i32
    %dma_start3A_21 = tpu.memref_slice %arg10[%dma_start3A_18, %dma_start3A_20] : memref<3x80xi32, #tpu.memory_space<vmem>> -> memref<1x80xi32, #tpu.memory_space<vmem>>
    %dma_start3A_22 = tpu.memref_squeeze %dma_start3A_21 : memref<1x80xi32, #tpu.memory_space<vmem>> -> memref<80xi32, #tpu.memory_space<vmem>>
    %dma_start3A_23 = tpu.memref_slice %arg4[%add3A_6] : memref<320000xi32, #tpu.memory_space<hbm>> -> memref<80xi32, #tpu.memory_space<hbm>>
    %dma_start3A_24 = tpu.memref_slice %arg15[%dma_start3A_19] : memref<3x!tpu.dma_semaphore, #tpu.memory_space<semaphore_mem>> -> memref<1x!tpu.dma_semaphore, #tpu.memory_space<semaphore_mem>>
    %dma_start3A_25 = tpu.memref_squeeze %dma_start3A_24 : memref<1x!tpu.dma_semaphore, #tpu.memory_space<semaphore_mem>> -> memref<!tpu.dma_semaphore, #tpu.memory_space<semaphore_mem>>
    %dma_start3A_26 = arith.constant 0 : i32
    %dma_start3A_27 = tpu.memref_slice %arg10[%dma_start3A_18, %dma_start3A_26] : memref<3x80xi32, #tpu.memory_space<vmem>> -> memref<1x80xi32, #tpu.memory_space<vmem>>
    %dma_start3A_28 = tpu.memref_squeeze %dma_start3A_27 : memref<1x80xi32, #tpu.memory_space<vmem>> -> memref<80xi32, #tpu.memory_space<vmem>>
    %dma_start3A_29 = tpu.memref_slice %arg4[%add3A_6] : memref<320000xi32, #tpu.memory_space<hbm>> -> memref<80xi32, #tpu.memory_space<hbm>>
    tpu.enqueue_dma source(%dma_start3A_29 : memref<80xi32, #tpu.memory_space<hbm>>) target(%dma_start3A_28 : memref<80xi32, #tpu.memory_space<vmem>>) target_semaphore(%dma_start3A_25 : memref<!tpu.dma_semaphore, #tpu.memory_space<semaphore_mem>>)
    %mul3A_30 = arith.constant 10000 : i32
    %mul3A_31 = arith.muli %add3A, %mul3A_30 : i32
    %add3A_32 = arith.constant 80 : i32
    %add3A_33 = arith.addi %mul3A_31, %add3A_32 : i32
    %dma_start3A_34 = arith.constant 1 : i32
    %dma_start3A_35 = arith.constant 1 : i32
    %dma_start3A_36 = arith.constant 0 : i32
    %dma_start3A_37 = tpu.memref_slice %arg9[%dma_start3A_34, %dma_start3A_36] : memref<3x80xi32, #tpu.memory_space<vmem>> -> memref<1x80xi32, #tpu.memory_space<vmem>>
    %dma_start3A_38 = tpu.memref_squeeze %dma_start3A_37 : memref<1x80xi32, #tpu.memory_space<vmem>> -> memref<80xi32, #tpu.memory_space<vmem>>
    %dma_start3A_39 = tpu.memref_slice %arg3[%add3A_33] : memref<320000xi32, #tpu.memory_space<hbm>> -> memref<80xi32, #tpu.memory_space<hbm>>
    %dma_start3A_40 = tpu.memref_slice %arg15[%dma_start3A_35] : memref<3x!tpu.dma_semaphore, #tpu.memory_space<semaphore_mem>> -> memref<1x!tpu.dma_semaphore, #tpu.memory_space<semaphore_mem>>
    %dma_start3A_41 = tpu.memref_squeeze %dma_start3A_40 : memref<1x!tpu.dma_semaphore, #tpu.memory_space<semaphore_mem>> -> memref<!tpu.dma_semaphore, #tpu.memory_space<semaphore_mem>>
    %dma_start3A_42 = arith.constant 0 : i32
    %dma_start3A_43 = tpu.memref_slice %arg9[%dma_start3A_34, %dma_start3A_42] : memref<3x80xi32, #tpu.memory_space<vmem>> -> memref<1x80xi32, #tpu.memory_space<vmem>>
    %dma_start3A_44 = tpu.memref_squeeze %dma_start3A_43 : memref<1x80xi32, #tpu.memory_space<vmem>> -> memref<80xi32, #tpu.memory_space<vmem>>
    %dma_start3A_45 = tpu.memref_slice %arg3[%add3A_33] : memref<320000xi32, #tpu.memory_space<hbm>> -> memref<80xi32, #tpu.memory_space<hbm>>
    tpu.enqueue_dma source(%dma_start3A_45 : memref<80xi32, #tpu.memory_space<hbm>>) target(%dma_start3A_44 : memref<80xi32, #tpu.memory_space<vmem>>) target_semaphore(%dma_start3A_41 : memref<!tpu.dma_semaphore, #tpu.memory_space<semaphore_mem>>)
    %dma_start3A_46 = arith.constant 1 : i32
    %dma_start3A_47 = arith.constant 1 : i32
    %dma_start3A_48 = arith.constant 0 : i32
    %dma_start3A_49 = tpu.memref_slice %arg10[%dma_start3A_46, %dma_start3A_48] : memref<3x80xi32, #tpu.memory_space<vmem>> -> memref<1x80xi32, #tpu.memory_space<vmem>>
    %dma_start3A_50 = tpu.memref_squeeze %dma_start3A_49 : memref<1x80xi32, #tpu.memory_space<vmem>> -> memref<80xi32, #tpu.memory_space<vmem>>
    %dma_start3A_51 = tpu.memref_slice %arg4[%add3A_33] : memref<320000xi32, #tpu.memory_space<hbm>> -> memref<80xi32, #tpu.memory_space<hbm>>
    %dma_start3A_52 = tpu.memref_slice %arg15[%dma_start3A_47] : memref<3x!tpu.dma_semaphore, #tpu.memory_space<semaphore_mem>> -> memref<1x!tpu.dma_semaphore, #tpu.memory_space<semaphore_mem>>
    %dma_start3A_53 = tpu.memref_squeeze %dma_start3A_52 : memref<1x!tpu.dma_semaphore, #tpu.memory_space<semaphore_mem>> -> memref<!tpu.dma_semaphore, #tpu.memory_space<semaphore_mem>>
    %dma_start3A_54 = arith.constant 0 : i32
    %dma_start3A_55 = tpu.memref_slice %arg10[%dma_start3A_46, %dma_start3A_54] : memref<3x80xi32, #tpu.memory_space<vmem>> -> memref<1x80xi32, #tpu.memory_space<vmem>>
    %dma_start3A_56 = tpu.memref_squeeze %dma_start3A_55 : memref<1x80xi32, #tpu.memory_space<vmem>> -> memref<80xi32, #tpu.memory_space<vmem>>
    %dma_start3A_57 = tpu.memref_slice %arg4[%add3A_33] : memref<320000xi32, #tpu.memory_space<hbm>> -> memref<80xi32, #tpu.memory_space<hbm>>
    tpu.enqueue_dma source(%dma_start3A_57 : memref<80xi32, #tpu.memory_space<hbm>>) target(%dma_start3A_56 : memref<80xi32, #tpu.memory_space<vmem>>) target_semaphore(%dma_start3A_53 : memref<!tpu.dma_semaphore, #tpu.memory_space<semaphore_mem>>)
    %dma_wait3A = arith.constant 0 : i32
    %dma_wait3A_58 = arith.constant 0 : i32
    %dma_wait3A_59 = arith.constant 0 : i32
    %dma_wait3A_60 = tpu.memref_slice %arg9[%dma_wait3A, %dma_wait3A_59] : memref<3x80xi32, #tpu.memory_space<vmem>> -> memref<1x80xi32, #tpu.memory_space<vmem>>
    %dma_wait3A_61 = tpu.memref_squeeze %dma_wait3A_60 : memref<1x80xi32, #tpu.memory_space<vmem>> -> memref<80xi32, #tpu.memory_space<vmem>>
    %dma_wait3A_62 = arith.constant 0 : i32
    %dma_wait3A_63 = tpu.memref_slice %arg3[%dma_wait3A_62] : memref<320000xi32, #tpu.memory_space<hbm>> -> memref<80xi32, #tpu.memory_space<hbm>>
    %dma_wait3A_64 = tpu.memref_slice %arg15[%dma_wait3A_58] : memref<3x!tpu.dma_semaphore, #tpu.memory_space<semaphore_mem>> -> memref<1x!tpu.dma_semaphore, #tpu.memory_space<semaphore_mem>>
    %dma_wait3A_65 = tpu.memref_squeeze %dma_wait3A_64 : memref<1x!tpu.dma_semaphore, #tpu.memory_space<semaphore_mem>> -> memref<!tpu.dma_semaphore, #tpu.memory_space<semaphore_mem>>
    %dma_wait3A_66 = arith.constant 0 : i32
    %dma_wait3A_67 = tpu.memref_slice %arg9[%dma_wait3A, %dma_wait3A_66] : memref<3x80xi32, #tpu.memory_space<vmem>> -> memref<1x80xi32, #tpu.memory_space<vmem>>
    %dma_wait3A_68 = tpu.memref_squeeze %dma_wait3A_67 : memref<1x80xi32, #tpu.memory_space<vmem>> -> memref<80xi32, #tpu.memory_space<vmem>>
    %dma_wait3A_69 = arith.constant 0 : i32
    %dma_wait3A_70 = tpu.memref_slice %arg3[%dma_wait3A_69] : memref<320000xi32, #tpu.memory_space<hbm>> -> memref<80xi32, #tpu.memory_space<hbm>>
    tpu.wait_dma2 semaphore(%dma_wait3A_65 : memref<!tpu.dma_semaphore, #tpu.memory_space<semaphore_mem>>) src(%dma_wait3A_70 : memref<80xi32, #tpu.memory_space<hbm>>) dst(%dma_wait3A_68 : memref<80xi32, #tpu.memory_space<vmem>>)
    %dma_wait3A_71 = arith.constant 0 : i32
    %dma_wait3A_72 = arith.constant 0 : i32
    %dma_wait3A_73 = arith.constant 0 : i32
    %dma_wait3A_74 = tpu.memref_slice %arg10[%dma_wait3A_71, %dma_wait3A_73] : memref<3x80xi32, #tpu.memory_space<vmem>> -> memref<1x80xi32, #tpu.memory_space<vmem>>
    %dma_wait3A_75 = tpu.memref_squeeze %dma_wait3A_74 : memref<1x80xi32, #tpu.memory_space<vmem>> -> memref<80xi32, #tpu.memory_space<vmem>>
    %dma_wait3A_76 = arith.constant 0 : i32
    %dma_wait3A_77 = tpu.memref_slice %arg4[%dma_wait3A_76] : memref<320000xi32, #tpu.memory_space<hbm>> -> memref<80xi32, #tpu.memory_space<hbm>>
    %dma_wait3A_78 = tpu.memref_slice %arg15[%dma_wait3A_72] : memref<3x!tpu.dma_semaphore, #tpu.memory_space<semaphore_mem>> -> memref<1x!tpu.dma_semaphore, #tpu.memory_space<semaphore_mem>>
    %dma_wait3A_79 = tpu.memref_squeeze %dma_wait3A_78 : memref<1x!tpu.dma_semaphore, #tpu.memory_space<semaphore_mem>> -> memref<!tpu.dma_semaphore, #tpu.memory_space<semaphore_mem>>
    %dma_wait3A_80 = arith.constant 0 : i32
    %dma_wait3A_81 = tpu.memref_slice %arg10[%dma_wait3A_71, %dma_wait3A_80] : memref<3x80xi32, #tpu.memory_space<vmem>> -> memref<1x80xi32, #tpu.memory_space<vmem>>
    %dma_wait3A_82 = tpu.memref_squeeze %dma_wait3A_81 : memref<1x80xi32, #tpu.memory_space<vmem>> -> memref<80xi32, #tpu.memory_space<vmem>>
    %dma_wait3A_83 = arith.constant 0 : i32
    %dma_wait3A_84 = tpu.memref_slice %arg4[%dma_wait3A_83] : memref<320000xi32, #tpu.memory_space<hbm>> -> memref<80xi32, #tpu.memory_space<hbm>>
    tpu.wait_dma2 semaphore(%dma_wait3A_79 : memref<!tpu.dma_semaphore, #tpu.memory_space<semaphore_mem>>) src(%dma_wait3A_84 : memref<80xi32, #tpu.memory_space<hbm>>) dst(%dma_wait3A_82 : memref<80xi32, #tpu.memory_space<vmem>>)
    %dma_start3A_85 = arith.constant 0 : i32
    %dma_start3A_86 = arith.constant 0 : i32
    %dma_start3A_87 = arith.constant 0 : i32
    %dma_start3A_88 = arith.constant 0 : i32
    %dma_start3A_89 = arith.constant 0 : i32
    %dma_start3A_90 = tpu.memref_slice %arg11[%dma_start3A_86, %dma_start3A_88, %dma_start3A_89] : memref<3x80x128xf32, #tpu.memory_space<vmem>> -> memref<1x80x128xf32, #tpu.memory_space<vmem>>
    %dma_start3A_91 = tpu.memref_squeeze %dma_start3A_90 : memref<1x80x128xf32, #tpu.memory_space<vmem>> -> memref<80x128xf32, #tpu.memory_space<vmem>>
    %dma_start3A_92 = arith.constant 0 : i32
    %dma_start3A_93 = tpu.memref_slice %arg9[%dma_start3A_85, %dma_start3A_92] : memref<3x80xi32, #tpu.memory_space<vmem>> -> memref<1x80xi32, #tpu.memory_space<vmem>>
    %dma_start3A_94 = tpu.memref_squeeze %dma_start3A_93 : memref<1x80xi32, #tpu.memory_space<vmem>> -> memref<80xi32, #tpu.memory_space<vmem>>
    %dma_start3A_95 = arith.constant 0 : i32
    %dma_start3A_96 = arith.constant 0 : i32
    %dma_start3A_97 = tpu.memref_slice %arg2[%dma_start3A_95, %dma_start3A_96] : memref<10000x128xf32, #tpu.memory_space<hbm>> -> memref<10000x128xf32, #tpu.memory_space<hbm>>
    %dma_start3A_98 = tpu.memref_slice %arg16[%dma_start3A_87] : memref<3x!tpu.dma_semaphore, #tpu.memory_space<semaphore_mem>> -> memref<1x!tpu.dma_semaphore, #tpu.memory_space<semaphore_mem>>
    %dma_start3A_99 = tpu.memref_squeeze %dma_start3A_98 : memref<1x!tpu.dma_semaphore, #tpu.memory_space<semaphore_mem>> -> memref<!tpu.dma_semaphore, #tpu.memory_space<semaphore_mem>>
    tpu.enqueue_indirect_dma source(%dma_start3A_97 : memref<10000x128xf32, #tpu.memory_space<hbm>>) target(%dma_start3A_91 : memref<80x128xf32, #tpu.memory_space<vmem>>) offsets(%dma_start3A_94 : memref<80xi32, #tpu.memory_space<vmem>>) semaphore(%dma_start3A_99 : memref<!tpu.dma_semaphore, #tpu.memory_space<semaphore_mem>>)
    "tpu.region"() ({
      %run_scoped3A = tpu.sem_alloc : memref<!tpu.dma_semaphore, #tpu.memory_space<semaphore_mem>>
      %dma_start3A_704 = arith.constant 0 : i32
      %dma_start3A_705 = tpu.memref_slice %arg13[%mul3A_2, %dma_start3A_704] : memref<10240x128xf32, #tpu.memory_space<vmem_shared>> -> memref<640x128xf32, #tpu.memory_space<vmem_shared>>
      tpu.enqueue_dma source(%arg5 : memref<640x128xf32, #tpu.memory_space<hbm>>) target(%dma_start3A_705 : memref<640x128xf32, #tpu.memory_space<vmem_shared>>) target_semaphore(%run_scoped3A : memref<!tpu.dma_semaphore, #tpu.memory_space<semaphore_mem>>)
      %dma_wait3A_706 = arith.constant 0 : i32
      %dma_wait3A_707 = tpu.memref_slice %arg13[%mul3A_2, %dma_wait3A_706] : memref<10240x128xf32, #tpu.memory_space<vmem_shared>> -> memref<640x128xf32, #tpu.memory_space<vmem_shared>>
      tpu.wait_dma2 semaphore(%run_scoped3A : memref<!tpu.dma_semaphore, #tpu.memory_space<semaphore_mem>>) src(%arg5 : memref<640x128xf32, #tpu.memory_space<hbm>>) dst(%dma_wait3A_707 : memref<640x128xf32, #tpu.memory_space<vmem_shared>>)
      tpu.yield
    }) : () -> ()
    "tpu.region"() ({
      %run_scoped3A = tpu.sem_alloc : memref<!tpu.dma_semaphore, #tpu.memory_space<semaphore_mem>>
      %dma_start3A_704 = tpu.memref_slice %arg14[%mul3A_2] : memref<10240xf32, #tpu.memory_space<vmem_shared>> -> memref<640xf32, #tpu.memory_space<vmem_shared>>
      tpu.enqueue_dma source(%arg6 : memref<640xf32, #tpu.memory_space<hbm>>) target(%dma_start3A_704 : memref<640xf32, #tpu.memory_space<vmem_shared>>) target_semaphore(%run_scoped3A : memref<!tpu.dma_semaphore, #tpu.memory_space<semaphore_mem>>)
      %dma_wait3A_705 = tpu.memref_slice %arg14[%mul3A_2] : memref<10240xf32, #tpu.memory_space<vmem_shared>> -> memref<640xf32, #tpu.memory_space<vmem_shared>>
      tpu.wait_dma2 semaphore(%run_scoped3A : memref<!tpu.dma_semaphore, #tpu.memory_space<semaphore_mem>>) src(%arg6 : memref<640xf32, #tpu.memory_space<hbm>>) dst(%dma_wait3A_705 : memref<640xf32, #tpu.memory_space<vmem_shared>>)
      tpu.yield
    }) : () -> ()
    %broadcast_in_dim3A = arith.constant 1.000000e+00 : f32
    %broadcast_in_dim3A_100 = vector.broadcast %broadcast_in_dim3A : f32 to vector<16xf32>
    %swap3A = arith.constant 0 : index
    %swap3A_101 = tpu.vector_load %arg12[%swap3A] {strides = array<i32>} : memref<80xf32, #tpu.memory_space<vmem>>, vector<16xf32>,
    %swap3A_102 = vector.shape_cast %swap3A_101 : vector<16xf32> to vector<16xf32>
    %swap3A_103 = vector.shape_cast %broadcast_in_dim3A_100 : vector<16xf32> to vector<16xf32>
    tpu.vector_store %arg12[%swap3A], %swap3A_103 {strides = array<i32>} : memref<80xf32, #tpu.memory_space<vmem>>, vector<16xf32>,
    %broadcast_in_dim3A_104 = arith.constant 1.000000e+00 : f32
    %broadcast_in_dim3A_105 = vector.broadcast %broadcast_in_dim3A_104 : f32 to vector<16xf32>
    %swap3A_106 = arith.constant 16 : index
    %swap3A_107 = tpu.vector_load %arg12[%swap3A_106] {strides = array<i32>} : memref<80xf32, #tpu.memory_space<vmem>>, vector<16xf32>,
    %swap3A_108 = vector.shape_cast %swap3A_107 : vector<16xf32> to vector<16xf32>
    %swap3A_109 = vector.shape_cast %broadcast_in_dim3A_105 : vector<16xf32> to vector<16xf32>
    tpu.vector_store %arg12[%swap3A_106], %swap3A_109 {strides = array<i32>} : memref<80xf32, #tpu.memory_space<vmem>>, vector<16xf32>,
    %broadcast_in_dim3A_110 = arith.constant 1.000000e+00 : f32
    %broadcast_in_dim3A_111 = vector.broadcast %broadcast_in_dim3A_110 : f32 to vector<16xf32>
    %swap3A_112 = arith.constant 32 : index
    %swap3A_113 = tpu.vector_load %arg12[%swap3A_112] {strides = array<i32>} : memref<80xf32, #tpu.memory_space<vmem>>, vector<16xf32>,
    %swap3A_114 = vector.shape_cast %swap3A_113 : vector<16xf32> to vector<16xf32>
    %swap3A_115 = vector.shape_cast %broadcast_in_dim3A_111 : vector<16xf32> to vector<16xf32>
    tpu.vector_store %arg12[%swap3A_112], %swap3A_115 {strides = array<i32>} : memref<80xf32, #tpu.memory_space<vmem>>, vector<16xf32>,
    %broadcast_in_dim3A_116 = arith.constant 1.000000e+00 : f32
    %broadcast_in_dim3A_117 = vector.broadcast %broadcast_in_dim3A_116 : f32 to vector<16xf32>
    %swap3A_118 = arith.constant 48 : index
    %swap3A_119 = tpu.vector_load %arg12[%swap3A_118] {strides = array<i32>} : memref<80xf32, #tpu.memory_space<vmem>>, vector<16xf32>,
    %swap3A_120 = vector.shape_cast %swap3A_119 : vector<16xf32> to vector<16xf32>
    %swap3A_121 = vector.shape_cast %broadcast_in_dim3A_117 : vector<16xf32> to vector<16xf32>
    tpu.vector_store %arg12[%swap3A_118], %swap3A_121 {strides = array<i32>} : memref<80xf32, #tpu.memory_space<vmem>>, vector<16xf32>,
    %broadcast_in_dim3A_122 = arith.constant 1.000000e+00 : f32
    %broadcast_in_dim3A_123 = vector.broadcast %broadcast_in_dim3A_122 : f32 to vector<16xf32>
    %swap3A_124 = arith.constant 64 : index
    %swap3A_125 = tpu.vector_load %arg12[%swap3A_124] {strides = array<i32>} : memref<80xf32, #tpu.memory_space<vmem>>, vector<16xf32>,
    %swap3A_126 = vector.shape_cast %swap3A_125 : vector<16xf32> to vector<16xf32>
    %swap3A_127 = vector.shape_cast %broadcast_in_dim3A_123 : vector<16xf32> to vector<16xf32>
    tpu.vector_store %arg12[%swap3A_124], %swap3A_127 {strides = array<i32>} : memref<80xf32, #tpu.memory_space<vmem>>, vector<16xf32>,
    %barrier3A = arith.constant 0 : index
    tpu.barrier barrier_id(%barrier3A)
    %dma_wait3A_128 = arith.constant 0 : i32
    %dma_wait3A_129 = arith.constant 0 : i32
    %dma_wait3A_130 = arith.constant 0 : i32
    %dma_wait3A_131 = arith.constant 0 : i32
    %dma_wait3A_132 = arith.constant 0 : i32
    %dma_wait3A_133 = tpu.memref_slice %arg11[%dma_wait3A_129, %dma_wait3A_131, %dma_wait3A_132] : memref<3x80x128xf32, #tpu.memory_space<vmem>> -> memref<1x80x128xf32, #tpu.memory_space<vmem>>
    %dma_wait3A_134 = tpu.memref_squeeze %dma_wait3A_133 : memref<1x80x128xf32, #tpu.memory_space<vmem>> -> memref<80x128xf32, #tpu.memory_space<vmem>>
    %dma_wait3A_135 = arith.constant 0 : i32
    %dma_wait3A_136 = tpu.memref_slice %arg9[%dma_wait3A_128, %dma_wait3A_135] : memref<3x80xi32, #tpu.memory_space<vmem>> -> memref<1x80xi32, #tpu.memory_space<vmem>>
    %dma_wait3A_137 = tpu.memref_squeeze %dma_wait3A_136 : memref<1x80xi32, #tpu.memory_space<vmem>> -> memref<80xi32, #tpu.memory_space<vmem>>
    %dma_wait3A_138 = arith.constant 0 : i32
    %dma_wait3A_139 = arith.constant 0 : i32
    %dma_wait3A_140 = tpu.memref_slice %arg2[%dma_wait3A_138, %dma_wait3A_139] : memref<10000x128xf32, #tpu.memory_space<hbm>> -> memref<10000x128xf32, #tpu.memory_space<hbm>>
    %dma_wait3A_141 = tpu.memref_slice %arg16[%dma_wait3A_130] : memref<3x!tpu.dma_semaphore, #tpu.memory_space<semaphore_mem>> -> memref<1x!tpu.dma_semaphore, #tpu.memory_space<semaphore_mem>>
    %dma_wait3A_142 = tpu.memref_squeeze %dma_wait3A_141 : memref<1x!tpu.dma_semaphore, #tpu.memory_space<semaphore_mem>> -> memref<!tpu.dma_semaphore, #tpu.memory_space<semaphore_mem>>
    tpu.wait_indirect_dma semaphore(%dma_wait3A_142 : memref<!tpu.dma_semaphore, #tpu.memory_space<semaphore_mem>>) src(%dma_wait3A_140 : memref<10000x128xf32, #tpu.memory_space<hbm>>) dst(%dma_wait3A_134 : memref<80x128xf32, #tpu.memory_space<vmem>>)
    %dma_start3A_143 = arith.constant 0 : i32
    %dma_start3A_144 = arith.constant 0 : i32
    %dma_start3A_145 = arith.constant 0 : i32
    %dma_start3A_146 = arith.constant 0 : i32
    %dma_start3A_147 = arith.constant 0 : i32
    %dma_start3A_148 = tpu.memref_slice %arg11[%dma_start3A_143, %dma_start3A_146, %dma_start3A_147] : memref<3x80x128xf32, #tpu.memory_space<vmem>> -> memref<1x80x128xf32, #tpu.memory_space<vmem>>
    %dma_start3A_149 = tpu.memref_squeeze %dma_start3A_148 : memref<1x80x128xf32, #tpu.memory_space<vmem>> -> memref<80x128xf32, #tpu.memory_space<vmem>>
    %dma_start3A_150 = arith.constant 0 : i32
    %dma_start3A_151 = tpu.memref_slice %arg10[%dma_start3A_144, %dma_start3A_150] : memref<3x80xi32, #tpu.memory_space<vmem>> -> memref<1x80xi32, #tpu.memory_space<vmem>>
    %dma_start3A_152 = tpu.memref_squeeze %dma_start3A_151 : memref<1x80xi32, #tpu.memory_space<vmem>> -> memref<80xi32, #tpu.memory_space<vmem>>
    %dma_start3A_153 = arith.constant 0 : i32
    %dma_start3A_154 = arith.constant 0 : i32
    %dma_start3A_155 = tpu.memref_slice %arg13[%dma_start3A_153, %dma_start3A_154] : memref<10240x128xf32, #tpu.memory_space<vmem_shared>> -> memref<10240x128xf32, #tpu.memory_space<vmem_shared>>
    %dma_start3A_156 = tpu.memref_slice %arg17[%dma_start3A_145] : memref<3x!tpu.dma_semaphore, #tpu.memory_space<semaphore_mem>> -> memref<1x!tpu.dma_semaphore, #tpu.memory_space<semaphore_mem>>
    %dma_start3A_157 = tpu.memref_squeeze %dma_start3A_156 : memref<1x!tpu.dma_semaphore, #tpu.memory_space<semaphore_mem>> -> memref<!tpu.dma_semaphore, #tpu.memory_space<semaphore_mem>>
    tpu.enqueue_indirect_dma source(%dma_start3A_149 : memref<80x128xf32, #tpu.memory_space<vmem>>) target(%dma_start3A_155 : memref<10240x128xf32, #tpu.memory_space<vmem_shared>>) offsets(%dma_start3A_152 : memref<80xi32, #tpu.memory_space<vmem>>) semaphore(%dma_start3A_157 : memref<!tpu.dma_semaphore, #tpu.memory_space<semaphore_mem>>) {add = true}
    %dma_start3A_158 = arith.constant 0 : i32
    %dma_start3A_159 = arith.constant 0 : i32
    %dma_start3A_160 = arith.constant 0 : i32
    %dma_start3A_161 = tpu.memref_slice %arg10[%dma_start3A_158, %dma_start3A_160] : memref<3x80xi32, #tpu.memory_space<vmem>> -> memref<1x80xi32, #tpu.memory_space<vmem>>
    %dma_start3A_162 = tpu.memref_squeeze %dma_start3A_161 : memref<1x80xi32, #tpu.memory_space<vmem>> -> memref<80xi32, #tpu.memory_space<vmem>>
    %dma_start3A_163 = arith.constant 0 : i32
    %dma_start3A_164 = tpu.memref_slice %arg14[%dma_start3A_163] : memref<10240xf32, #tpu.memory_space<vmem_shared>> -> memref<10240xf32, #tpu.memory_space<vmem_shared>>
    %dma_start3A_165 = tpu.memref_slice %arg17[%dma_start3A_159] : memref<3x!tpu.dma_semaphore, #tpu.memory_space<semaphore_mem>> -> memref<1x!tpu.dma_semaphore, #tpu.memory_space<semaphore_mem>>
    %dma_start3A_166 = tpu.memref_squeeze %dma_start3A_165 : memref<1x!tpu.dma_semaphore, #tpu.memory_space<semaphore_mem>> -> memref<!tpu.dma_semaphore, #tpu.memory_space<semaphore_mem>>
    tpu.enqueue_indirect_dma source(%arg12 : memref<80xf32, #tpu.memory_space<vmem>>) target(%dma_start3A_164 : memref<10240xf32, #tpu.memory_space<vmem_shared>>) offsets(%dma_start3A_162 : memref<80xi32, #tpu.memory_space<vmem>>) semaphore(%dma_start3A_166 : memref<!tpu.dma_semaphore, #tpu.memory_space<semaphore_mem>>) {add = true}
    %mul3A_167 = arith.constant 10000 : i32
    %mul3A_168 = arith.muli %add3A, %mul3A_167 : i32
    %add3A_169 = arith.constant 160 : i32
    %add3A_170 = arith.addi %mul3A_168, %add3A_169 : i32
    %dma_start3A_171 = arith.constant 2 : i32
    %dma_start3A_172 = arith.constant 2 : i32
    %dma_start3A_173 = arith.constant 0 : i32
    %dma_start3A_174 = tpu.memref_slice %arg9[%dma_start3A_171, %dma_start3A_173] : memref<3x80xi32, #tpu.memory_space<vmem>> -> memref<1x80xi32, #tpu.memory_space<vmem>>
    %dma_start3A_175 = tpu.memref_squeeze %dma_start3A_174 : memref<1x80xi32, #tpu.memory_space<vmem>> -> memref<80xi32, #tpu.memory_space<vmem>>
    %dma_start3A_176 = tpu.memref_slice %arg3[%add3A_170] : memref<320000xi32, #tpu.memory_space<hbm>> -> memref<80xi32, #tpu.memory_space<hbm>>
    %dma_start3A_177 = tpu.memref_slice %arg15[%dma_start3A_172] : memref<3x!tpu.dma_semaphore, #tpu.memory_space<semaphore_mem>> -> memref<1x!tpu.dma_semaphore, #tpu.memory_space<semaphore_mem>>
    %dma_start3A_178 = tpu.memref_squeeze %dma_start3A_177 : memref<1x!tpu.dma_semaphore, #tpu.memory_space<semaphore_mem>> -> memref<!tpu.dma_semaphore, #tpu.memory_space<semaphore_mem>>
    %dma_start3A_179 = arith.constant 0 : i32
    %dma_start3A_180 = tpu.memref_slice %arg9[%dma_start3A_171, %dma_start3A_179] : memref<3x80xi32, #tpu.memory_space<vmem>> -> memref<1x80xi32, #tpu.memory_space<vmem>>
    %dma_start3A_181 = tpu.memref_squeeze %dma_start3A_180 : memref<1x80xi32, #tpu.memory_space<vmem>> -> memref<80xi32, #tpu.memory_space<vmem>>
    %dma_start3A_182 = tpu.memref_slice %arg3[%add3A_170] : memref<320000xi32, #tpu.memory_space<hbm>> -> memref<80xi32, #tpu.memory_space<hbm>>
    tpu.enqueue_dma source(%dma_start3A_182 : memref<80xi32, #tpu.memory_space<hbm>>) target(%dma_start3A_181 : memref<80xi32, #tpu.memory_space<vmem>>) target_semaphore(%dma_start3A_178 : memref<!tpu.dma_semaphore, #tpu.memory_space<semaphore_mem>>)
    %dma_start3A_183 = arith.constant 2 : i32
    %dma_start3A_184 = arith.constant 2 : i32
    %dma_start3A_185 = arith.constant 0 : i32
    %dma_start3A_186 = tpu.memref_slice %arg10[%dma_start3A_183, %dma_start3A_185] : memref<3x80xi32, #tpu.memory_space<vmem>> -> memref<1x80xi32, #tpu.memory_space<vmem>>
    %dma_start3A_187 = tpu.memref_squeeze %dma_start3A_186 : memref<1x80xi32, #tpu.memory_space<vmem>> -> memref<80xi32, #tpu.memory_space<vmem>>
    %dma_start3A_188 = tpu.memref_slice %arg4[%add3A_170] : memref<320000xi32, #tpu.memory_space<hbm>> -> memref<80xi32, #tpu.memory_space<hbm>>
    %dma_start3A_189 = tpu.memref_slice %arg15[%dma_start3A_184] : memref<3x!tpu.dma_semaphore, #tpu.memory_space<semaphore_mem>> -> memref<1x!tpu.dma_semaphore, #tpu.memory_space<semaphore_mem>>
    %dma_start3A_190 = tpu.memref_squeeze %dma_start3A_189 : memref<1x!tpu.dma_semaphore, #tpu.memory_space<semaphore_mem>> -> memref<!tpu.dma_semaphore, #tpu.memory_space<semaphore_mem>>
    %dma_start3A_191 = arith.constant 0 : i32
    %dma_start3A_192 = tpu.memref_slice %arg10[%dma_start3A_183, %dma_start3A_191] : memref<3x80xi32, #tpu.memory_space<vmem>> -> memref<1x80xi32, #tpu.memory_space<vmem>>
    %dma_start3A_193 = tpu.memref_squeeze %dma_start3A_192 : memref<1x80xi32, #tpu.memory_space<vmem>> -> memref<80xi32, #tpu.memory_space<vmem>>
    %dma_start3A_194 = tpu.memref_slice %arg4[%add3A_170] : memref<320000xi32, #tpu.memory_space<hbm>> -> memref<80xi32, #tpu.memory_space<hbm>>
    tpu.enqueue_dma source(%dma_start3A_194 : memref<80xi32, #tpu.memory_space<hbm>>) target(%dma_start3A_193 : memref<80xi32, #tpu.memory_space<vmem>>) target_semaphore(%dma_start3A_190 : memref<!tpu.dma_semaphore, #tpu.memory_space<semaphore_mem>>)
    %dma_wait3A_195 = arith.constant 1 : i32
    %dma_wait3A_196 = arith.constant 1 : i32
    %dma_wait3A_197 = arith.constant 0 : i32
    %dma_wait3A_198 = tpu.memref_slice %arg9[%dma_wait3A_195, %dma_wait3A_197] : memref<3x80xi32, #tpu.memory_space<vmem>> -> memref<1x80xi32, #tpu.memory_space<vmem>>
    %dma_wait3A_199 = tpu.memref_squeeze %dma_wait3A_198 : memref<1x80xi32, #tpu.memory_space<vmem>> -> memref<80xi32, #tpu.memory_space<vmem>>
    %dma_wait3A_200 = arith.constant 0 : i32
    %dma_wait3A_201 = tpu.memref_slice %arg3[%dma_wait3A_200] : memref<320000xi32, #tpu.memory_space<hbm>> -> memref<80xi32, #tpu.memory_space<hbm>>
    %dma_wait3A_202 = tpu.memref_slice %arg15[%dma_wait3A_196] : memref<3x!tpu.dma_semaphore, #tpu.memory_space<semaphore_mem>> -> memref<1x!tpu.dma_semaphore, #tpu.memory_space<semaphore_mem>>
    %dma_wait3A_203 = tpu.memref_squeeze %dma_wait3A_202 : memref<1x!tpu.dma_semaphore, #tpu.memory_space<semaphore_mem>> -> memref<!tpu.dma_semaphore, #tpu.memory_space<semaphore_mem>>
    %dma_wait3A_204 = arith.constant 0 : i32
    %dma_wait3A_205 = tpu.memref_slice %arg9[%dma_wait3A_195, %dma_wait3A_204] : memref<3x80xi32, #tpu.memory_space<vmem>> -> memref<1x80xi32, #tpu.memory_space<vmem>>
    %dma_wait3A_206 = tpu.memref_squeeze %dma_wait3A_205 : memref<1x80xi32, #tpu.memory_space<vmem>> -> memref<80xi32, #tpu.memory_space<vmem>>
    %dma_wait3A_207 = arith.constant 0 : i32
    %dma_wait3A_208 = tpu.memref_slice %arg3[%dma_wait3A_207] : memref<320000xi32, #tpu.memory_space<hbm>> -> memref<80xi32, #tpu.memory_space<hbm>>
    tpu.wait_dma2 semaphore(%dma_wait3A_203 : memref<!tpu.dma_semaphore, #tpu.memory_space<semaphore_mem>>) src(%dma_wait3A_208 : memref<80xi32, #tpu.memory_space<hbm>>) dst(%dma_wait3A_206 : memref<80xi32, #tpu.memory_space<vmem>>)
    %dma_wait3A_209 = arith.constant 1 : i32
    %dma_wait3A_210 = arith.constant 1 : i32
    %dma_wait3A_211 = arith.constant 0 : i32
    %dma_wait3A_212 = tpu.memref_slice %arg10[%dma_wait3A_209, %dma_wait3A_211] : memref<3x80xi32, #tpu.memory_space<vmem>> -> memref<1x80xi32, #tpu.memory_space<vmem>>
    %dma_wait3A_213 = tpu.memref_squeeze %dma_wait3A_212 : memref<1x80xi32, #tpu.memory_space<vmem>> -> memref<80xi32, #tpu.memory_space<vmem>>
    %dma_wait3A_214 = arith.constant 0 : i32
    %dma_wait3A_215 = tpu.memref_slice %arg4[%dma_wait3A_214] : memref<320000xi32, #tpu.memory_space<hbm>> -> memref<80xi32, #tpu.memory_space<hbm>>
    %dma_wait3A_216 = tpu.memref_slice %arg15[%dma_wait3A_210] : memref<3x!tpu.dma_semaphore, #tpu.memory_space<semaphore_mem>> -> memref<1x!tpu.dma_semaphore, #tpu.memory_space<semaphore_mem>>
    %dma_wait3A_217 = tpu.memref_squeeze %dma_wait3A_216 : memref<1x!tpu.dma_semaphore, #tpu.memory_space<semaphore_mem>> -> memref<!tpu.dma_semaphore, #tpu.memory_space<semaphore_mem>>
    %dma_wait3A_218 = arith.constant 0 : i32
    %dma_wait3A_219 = tpu.memref_slice %arg10[%dma_wait3A_209, %dma_wait3A_218] : memref<3x80xi32, #tpu.memory_space<vmem>> -> memref<1x80xi32, #tpu.memory_space<vmem>>
    %dma_wait3A_220 = tpu.memref_squeeze %dma_wait3A_219 : memref<1x80xi32, #tpu.memory_space<vmem>> -> memref<80xi32, #tpu.memory_space<vmem>>
    %dma_wait3A_221 = arith.constant 0 : i32
    %dma_wait3A_222 = tpu.memref_slice %arg4[%dma_wait3A_221] : memref<320000xi32, #tpu.memory_space<hbm>> -> memref<80xi32, #tpu.memory_space<hbm>>
    tpu.wait_dma2 semaphore(%dma_wait3A_217 : memref<!tpu.dma_semaphore, #tpu.memory_space<semaphore_mem>>) src(%dma_wait3A_222 : memref<80xi32, #tpu.memory_space<hbm>>) dst(%dma_wait3A_220 : memref<80xi32, #tpu.memory_space<vmem>>)
    %dma_start3A_223 = arith.constant 1 : i32
    %dma_start3A_224 = arith.constant 1 : i32
    %dma_start3A_225 = arith.constant 1 : i32
    %dma_start3A_226 = arith.constant 0 : i32
    %dma_start3A_227 = arith.constant 0 : i32
    %dma_start3A_228 = tpu.memref_slice %arg11[%dma_start3A_224, %dma_start3A_226, %dma_start3A_227] : memref<3x80x128xf32, #tpu.memory_space<vmem>> -> memref<1x80x128xf32, #tpu.memory_space<vmem>>
    %dma_start3A_229 = tpu.memref_squeeze %dma_start3A_228 : memref<1x80x128xf32, #tpu.memory_space<vmem>> -> memref<80x128xf32, #tpu.memory_space<vmem>>
    %dma_start3A_230 = arith.constant 0 : i32
    %dma_start3A_231 = tpu.memref_slice %arg9[%dma_start3A_223, %dma_start3A_230] : memref<3x80xi32, #tpu.memory_space<vmem>> -> memref<1x80xi32, #tpu.memory_space<vmem>>
    %dma_start3A_232 = tpu.memref_squeeze %dma_start3A_231 : memref<1x80xi32, #tpu.memory_space<vmem>> -> memref<80xi32, #tpu.memory_space<vmem>>
    %dma_start3A_233 = arith.constant 0 : i32
    %dma_start3A_234 = arith.constant 0 : i32
    %dma_start3A_235 = tpu.memref_slice %arg2[%dma_start3A_233, %dma_start3A_234] : memref<10000x128xf32, #tpu.memory_space<hbm>> -> memref<10000x128xf32, #tpu.memory_space<hbm>>
    %dma_start3A_236 = tpu.memref_slice %arg16[%dma_start3A_225] : memref<3x!tpu.dma_semaphore, #tpu.memory_space<semaphore_mem>> -> memref<1x!tpu.dma_semaphore, #tpu.memory_space<semaphore_mem>>
    %dma_start3A_237 = tpu.memref_squeeze %dma_start3A_236 : memref<1x!tpu.dma_semaphore, #tpu.memory_space<semaphore_mem>> -> memref<!tpu.dma_semaphore, #tpu.memory_space<semaphore_mem>>
    tpu.enqueue_indirect_dma source(%dma_start3A_235 : memref<10000x128xf32, #tpu.memory_space<hbm>>) target(%dma_start3A_229 : memref<80x128xf32, #tpu.memory_space<vmem>>) offsets(%dma_start3A_232 : memref<80xi32, #tpu.memory_space<vmem>>) semaphore(%dma_start3A_237 : memref<!tpu.dma_semaphore, #tpu.memory_space<semaphore_mem>>)
    %dma_wait3A_238 = arith.constant 1 : i32
    %dma_wait3A_239 = arith.constant 1 : i32
    %dma_wait3A_240 = arith.constant 1 : i32
    %dma_wait3A_241 = arith.constant 0 : i32
    %dma_wait3A_242 = arith.constant 0 : i32
    %dma_wait3A_243 = tpu.memref_slice %arg11[%dma_wait3A_239, %dma_wait3A_241, %dma_wait3A_242] : memref<3x80x128xf32, #tpu.memory_space<vmem>> -> memref<1x80x128xf32, #tpu.memory_space<vmem>>
    %dma_wait3A_244 = tpu.memref_squeeze %dma_wait3A_243 : memref<1x80x128xf32, #tpu.memory_space<vmem>> -> memref<80x128xf32, #tpu.memory_space<vmem>>
    %dma_wait3A_245 = arith.constant 0 : i32
    %dma_wait3A_246 = tpu.memref_slice %arg9[%dma_wait3A_238, %dma_wait3A_245] : memref<3x80xi32, #tpu.memory_space<vmem>> -> memref<1x80xi32, #tpu.memory_space<vmem>>
    %dma_wait3A_247 = tpu.memref_squeeze %dma_wait3A_246 : memref<1x80xi32, #tpu.memory_space<vmem>> -> memref<80xi32, #tpu.memory_space<vmem>>
    %dma_wait3A_248 = arith.constant 0 : i32
    %dma_wait3A_249 = arith.constant 0 : i32
    %dma_wait3A_250 = tpu.memref_slice %arg2[%dma_wait3A_248, %dma_wait3A_249] : memref<10000x128xf32, #tpu.memory_space<hbm>> -> memref<10000x128xf32, #tpu.memory_space<hbm>>
    %dma_wait3A_251 = tpu.memref_slice %arg16[%dma_wait3A_240] : memref<3x!tpu.dma_semaphore, #tpu.memory_space<semaphore_mem>> -> memref<1x!tpu.dma_semaphore, #tpu.memory_space<semaphore_mem>>
    %dma_wait3A_252 = tpu.memref_squeeze %dma_wait3A_251 : memref<1x!tpu.dma_semaphore, #tpu.memory_space<semaphore_mem>> -> memref<!tpu.dma_semaphore, #tpu.memory_space<semaphore_mem>>
    tpu.wait_indirect_dma semaphore(%dma_wait3A_252 : memref<!tpu.dma_semaphore, #tpu.memory_space<semaphore_mem>>) src(%dma_wait3A_250 : memref<10000x128xf32, #tpu.memory_space<hbm>>) dst(%dma_wait3A_244 : memref<80x128xf32, #tpu.memory_space<vmem>>)
    %dma_start3A_253 = arith.constant 1 : i32
    %dma_start3A_254 = arith.constant 1 : i32
    %dma_start3A_255 = arith.constant 1 : i32
    %dma_start3A_256 = arith.constant 0 : i32
    %dma_start3A_257 = arith.constant 0 : i32
    %dma_start3A_258 = tpu.memref_slice %arg11[%dma_start3A_253, %dma_start3A_256, %dma_start3A_257] : memref<3x80x128xf32, #tpu.memory_space<vmem>> -> memref<1x80x128xf32, #tpu.memory_space<vmem>>
    %dma_start3A_259 = tpu.memref_squeeze %dma_start3A_258 : memref<1x80x128xf32, #tpu.memory_space<vmem>> -> memref<80x128xf32, #tpu.memory_space<vmem>>
    %dma_start3A_260 = arith.constant 0 : i32
    %dma_start3A_261 = tpu.memref_slice %arg10[%dma_start3A_254, %dma_start3A_260] : memref<3x80xi32, #tpu.memory_space<vmem>> -> memref<1x80xi32, #tpu.memory_space<vmem>>
    %dma_start3A_262 = tpu.memref_squeeze %dma_start3A_261 : memref<1x80xi32, #tpu.memory_space<vmem>> -> memref<80xi32, #tpu.memory_space<vmem>>
    %dma_start3A_263 = arith.constant 0 : i32
    %dma_start3A_264 = arith.constant 0 : i32
    %dma_start3A_265 = tpu.memref_slice %arg13[%dma_start3A_263, %dma_start3A_264] : memref<10240x128xf32, #tpu.memory_space<vmem_shared>> -> memref<10240x128xf32, #tpu.memory_space<vmem_shared>>
    %dma_start3A_266 = tpu.memref_slice %arg17[%dma_start3A_255] : memref<3x!tpu.dma_semaphore, #tpu.memory_space<semaphore_mem>> -> memref<1x!tpu.dma_semaphore, #tpu.memory_space<semaphore_mem>>
    %dma_start3A_267 = tpu.memref_squeeze %dma_start3A_266 : memref<1x!tpu.dma_semaphore, #tpu.memory_space<semaphore_mem>> -> memref<!tpu.dma_semaphore, #tpu.memory_space<semaphore_mem>>
    tpu.enqueue_indirect_dma source(%dma_start3A_259 : memref<80x128xf32, #tpu.memory_space<vmem>>) target(%dma_start3A_265 : memref<10240x128xf32, #tpu.memory_space<vmem_shared>>) offsets(%dma_start3A_262 : memref<80xi32, #tpu.memory_space<vmem>>) semaphore(%dma_start3A_267 : memref<!tpu.dma_semaphore, #tpu.memory_space<semaphore_mem>>) {add = true}
    %dma_start3A_268 = arith.constant 1 : i32
    %dma_start3A_269 = arith.constant 1 : i32
    %dma_start3A_270 = arith.constant 0 : i32
    %dma_start3A_271 = tpu.memref_slice %arg10[%dma_start3A_268, %dma_start3A_270] : memref<3x80xi32, #tpu.memory_space<vmem>> -> memref<1x80xi32, #tpu.memory_space<vmem>>
    %dma_start3A_272 = tpu.memref_squeeze %dma_start3A_271 : memref<1x80xi32, #tpu.memory_space<vmem>> -> memref<80xi32, #tpu.memory_space<vmem>>
    %dma_start3A_273 = arith.constant 0 : i32
    %dma_start3A_274 = tpu.memref_slice %arg14[%dma_start3A_273] : memref<10240xf32, #tpu.memory_space<vmem_shared>> -> memref<10240xf32, #tpu.memory_space<vmem_shared>>
    %dma_start3A_275 = tpu.memref_slice %arg17[%dma_start3A_269] : memref<3x!tpu.dma_semaphore, #tpu.memory_space<semaphore_mem>> -> memref<1x!tpu.dma_semaphore, #tpu.memory_space<semaphore_mem>>
    %dma_start3A_276 = tpu.memref_squeeze %dma_start3A_275 : memref<1x!tpu.dma_semaphore, #tpu.memory_space<semaphore_mem>> -> memref<!tpu.dma_semaphore, #tpu.memory_space<semaphore_mem>>
    tpu.enqueue_indirect_dma source(%arg12 : memref<80xf32, #tpu.memory_space<vmem>>) target(%dma_start3A_274 : memref<10240xf32, #tpu.memory_space<vmem_shared>>) offsets(%dma_start3A_272 : memref<80xi32, #tpu.memory_space<vmem>>) semaphore(%dma_start3A_276 : memref<!tpu.dma_semaphore, #tpu.memory_space<semaphore_mem>>) {add = true}
    %dma_wait3A_277 = arith.constant 0 : i32
    %dma_wait3A_278 = arith.constant 0 : i32
    %dma_wait3A_279 = arith.constant 0 : i32
    %dma_wait3A_280 = arith.constant 0 : i32
    %dma_wait3A_281 = arith.constant 0 : i32
    %dma_wait3A_282 = tpu.memref_slice %arg11[%dma_wait3A_277, %dma_wait3A_280, %dma_wait3A_281] : memref<3x80x128xf32, #tpu.memory_space<vmem>> -> memref<1x80x128xf32, #tpu.memory_space<vmem>>
    %dma_wait3A_283 = tpu.memref_squeeze %dma_wait3A_282 : memref<1x80x128xf32, #tpu.memory_space<vmem>> -> memref<80x128xf32, #tpu.memory_space<vmem>>
    %dma_wait3A_284 = arith.constant 0 : i32
    %dma_wait3A_285 = tpu.memref_slice %arg10[%dma_wait3A_278, %dma_wait3A_284] : memref<3x80xi32, #tpu.memory_space<vmem>> -> memref<1x80xi32, #tpu.memory_space<vmem>>
    %dma_wait3A_286 = tpu.memref_squeeze %dma_wait3A_285 : memref<1x80xi32, #tpu.memory_space<vmem>> -> memref<80xi32, #tpu.memory_space<vmem>>
    %dma_wait3A_287 = arith.constant 0 : i32
    %dma_wait3A_288 = arith.constant 0 : i32
    %dma_wait3A_289 = tpu.memref_slice %arg13[%dma_wait3A_287, %dma_wait3A_288] : memref<10240x128xf32, #tpu.memory_space<vmem_shared>> -> memref<10240x128xf32, #tpu.memory_space<vmem_shared>>
    %dma_wait3A_290 = tpu.memref_slice %arg17[%dma_wait3A_279] : memref<3x!tpu.dma_semaphore, #tpu.memory_space<semaphore_mem>> -> memref<1x!tpu.dma_semaphore, #tpu.memory_space<semaphore_mem>>
    %dma_wait3A_291 = tpu.memref_squeeze %dma_wait3A_290 : memref<1x!tpu.dma_semaphore, #tpu.memory_space<semaphore_mem>> -> memref<!tpu.dma_semaphore, #tpu.memory_space<semaphore_mem>>
    tpu.wait_indirect_dma semaphore(%dma_wait3A_291 : memref<!tpu.dma_semaphore, #tpu.memory_space<semaphore_mem>>) src(%dma_wait3A_283 : memref<80x128xf32, #tpu.memory_space<vmem>>) dst(%dma_wait3A_289 : memref<10240x128xf32, #tpu.memory_space<vmem_shared>>)
    %dma_wait3A_292 = arith.constant 0 : i32
    %dma_wait3A_293 = arith.constant 0 : i32
    %dma_wait3A_294 = arith.constant 0 : i32
    %dma_wait3A_295 = tpu.memref_slice %arg10[%dma_wait3A_292, %dma_wait3A_294] : memref<3x80xi32, #tpu.memory_space<vmem>> -> memref<1x80xi32, #tpu.memory_space<vmem>>
    %dma_wait3A_296 = tpu.memref_squeeze %dma_wait3A_295 : memref<1x80xi32, #tpu.memory_space<vmem>> -> memref<80xi32, #tpu.memory_space<vmem>>
    %dma_wait3A_297 = arith.constant 0 : i32
    %dma_wait3A_298 = tpu.memref_slice %arg14[%dma_wait3A_297] : memref<10240xf32, #tpu.memory_space<vmem_shared>> -> memref<10240xf32, #tpu.memory_space<vmem_shared>>
    %dma_wait3A_299 = tpu.memref_slice %arg17[%dma_wait3A_293] : memref<3x!tpu.dma_semaphore, #tpu.memory_space<semaphore_mem>> -> memref<1x!tpu.dma_semaphore, #tpu.memory_space<semaphore_mem>>
    %dma_wait3A_300 = tpu.memref_squeeze %dma_wait3A_299 : memref<1x!tpu.dma_semaphore, #tpu.memory_space<semaphore_mem>> -> memref<!tpu.dma_semaphore, #tpu.memory_space<semaphore_mem>>
    tpu.wait_indirect_dma semaphore(%dma_wait3A_300 : memref<!tpu.dma_semaphore, #tpu.memory_space<semaphore_mem>>) src(%arg12 : memref<80xf32, #tpu.memory_space<vmem>>) dst(%dma_wait3A_298 : memref<10240xf32, #tpu.memory_space<vmem_shared>>)
    %mul3A_301 = arith.constant 10000 : i32
    %mul3A_302 = arith.muli %add3A, %mul3A_301 : i32
    %add3A_303 = arith.constant 240 : i32
    %add3A_304 = arith.addi %mul3A_302, %add3A_303 : i32
    %dma_start3A_305 = arith.constant 0 : i32
    %dma_start3A_306 = arith.constant 0 : i32
    %dma_start3A_307 = arith.constant 0 : i32
    %dma_start3A_308 = tpu.memref_slice %arg9[%dma_start3A_305, %dma_start3A_307] : memref<3x80xi32, #tpu.memory_space<vmem>> -> memref<1x80xi32, #tpu.memory_space<vmem>>
    %dma_start3A_309 = tpu.memref_squeeze %dma_start3A_308 : memref<1x80xi32, #tpu.memory_space<vmem>> -> memref<80xi32, #tpu.memory_space<vmem>>
    %dma_start3A_310 = tpu.memref_slice %arg3[%add3A_304] : memref<320000xi32, #tpu.memory_space<hbm>> -> memref<80xi32, #tpu.memory_space<hbm>>
    %dma_start3A_311 = tpu.memref_slice %arg15[%dma_start3A_306] : memref<3x!tpu.dma_semaphore, #tpu.memory_space<semaphore_mem>> -> memref<1x!tpu.dma_semaphore, #tpu.memory_space<semaphore_mem>>
    %dma_start3A_312 = tpu.memref_squeeze %dma_start3A_311 : memref<1x!tpu.dma_semaphore, #tpu.memory_space<semaphore_mem>> -> memref<!tpu.dma_semaphore, #tpu.memory_space<semaphore_mem>>
    %dma_start3A_313 = arith.constant 0 : i32
    %dma_start3A_314 = tpu.memref_slice %arg9[%dma_start3A_305, %dma_start3A_313] : memref<3x80xi32, #tpu.memory_space<vmem>> -> memref<1x80xi32, #tpu.memory_space<vmem>>
    %dma_start3A_315 = tpu.memref_squeeze %dma_start3A_314 : memref<1x80xi32, #tpu.memory_space<vmem>> -> memref<80xi32, #tpu.memory_space<vmem>>
    %dma_start3A_316 = tpu.memref_slice %arg3[%add3A_304] : memref<320000xi32, #tpu.memory_space<hbm>> -> memref<80xi32, #tpu.memory_space<hbm>>
    tpu.enqueue_dma source(%dma_start3A_316 : memref<80xi32, #tpu.memory_space<hbm>>) target(%dma_start3A_315 : memref<80xi32, #tpu.memory_space<vmem>>) target_semaphore(%dma_start3A_312 : memref<!tpu.dma_semaphore, #tpu.memory_space<semaphore_mem>>)
    %dma_start3A_317 = arith.constant 0 : i32
    %dma_start3A_318 = arith.constant 0 : i32
    %dma_start3A_319 = arith.constant 0 : i32
    %dma_start3A_320 = tpu.memref_slice %arg10[%dma_start3A_317, %dma_start3A_319] : memref<3x80xi32, #tpu.memory_space<vmem>> -> memref<1x80xi32, #tpu.memory_space<vmem>>
    %dma_start3A_321 = tpu.memref_squeeze %dma_start3A_320 : memref<1x80xi32, #tpu.memory_space<vmem>> -> memref<80xi32, #tpu.memory_space<vmem>>
    %dma_start3A_322 = tpu.memref_slice %arg4[%add3A_304] : memref<320000xi32, #tpu.memory_space<hbm>> -> memref<80xi32, #tpu.memory_space<hbm>>
    %dma_start3A_323 = tpu.memref_slice %arg15[%dma_start3A_318] : memref<3x!tpu.dma_semaphore, #tpu.memory_space<semaphore_mem>> -> memref<1x!tpu.dma_semaphore, #tpu.memory_space<semaphore_mem>>
    %dma_start3A_324 = tpu.memref_squeeze %dma_start3A_323 : memref<1x!tpu.dma_semaphore, #tpu.memory_space<semaphore_mem>> -> memref<!tpu.dma_semaphore, #tpu.memory_space<semaphore_mem>>
    %dma_start3A_325 = arith.constant 0 : i32
    %dma_start3A_326 = tpu.memref_slice %arg10[%dma_start3A_317, %dma_start3A_325] : memref<3x80xi32, #tpu.memory_space<vmem>> -> memref<1x80xi32, #tpu.memory_space<vmem>>
    %dma_start3A_327 = tpu.memref_squeeze %dma_start3A_326 : memref<1x80xi32, #tpu.memory_space<vmem>> -> memref<80xi32, #tpu.memory_space<vmem>>
    %dma_start3A_328 = tpu.memref_slice %arg4[%add3A_304] : memref<320000xi32, #tpu.memory_space<hbm>> -> memref<80xi32, #tpu.memory_space<hbm>>
    tpu.enqueue_dma source(%dma_start3A_328 : memref<80xi32, #tpu.memory_space<hbm>>) target(%dma_start3A_327 : memref<80xi32, #tpu.memory_space<vmem>>) target_semaphore(%dma_start3A_324 : memref<!tpu.dma_semaphore, #tpu.memory_space<semaphore_mem>>)
    %dma_wait3A_329 = arith.constant 2 : i32
    %dma_wait3A_330 = arith.constant 2 : i32
    %dma_wait3A_331 = arith.constant 0 : i32
    %dma_wait3A_332 = tpu.memref_slice %arg9[%dma_wait3A_329, %dma_wait3A_331] : memref<3x80xi32, #tpu.memory_space<vmem>> -> memref<1x80xi32, #tpu.memory_space<vmem>>
    %dma_wait3A_333 = tpu.memref_squeeze %dma_wait3A_332 : memref<1x80xi32, #tpu.memory_space<vmem>> -> memref<80xi32, #tpu.memory_space<vmem>>
    %dma_wait3A_334 = arith.constant 0 : i32
    %dma_wait3A_335 = tpu.memref_slice %arg3[%dma_wait3A_334] : memref<320000xi32, #tpu.memory_space<hbm>> -> memref<80xi32, #tpu.memory_space<hbm>>
    %dma_wait3A_336 = tpu.memref_slice %arg15[%dma_wait3A_330] : memref<3x!tpu.dma_semaphore, #tpu.memory_space<semaphore_mem>> -> memref<1x!tpu.dma_semaphore, #tpu.memory_space<semaphore_mem>>
    %dma_wait3A_337 = tpu.memref_squeeze %dma_wait3A_336 : memref<1x!tpu.dma_semaphore, #tpu.memory_space<semaphore_mem>> -> memref<!tpu.dma_semaphore, #tpu.memory_space<semaphore_mem>>
    %dma_wait3A_338 = arith.constant 0 : i32
    %dma_wait3A_339 = tpu.memref_slice %arg9[%dma_wait3A_329, %dma_wait3A_338] : memref<3x80xi32, #tpu.memory_space<vmem>> -> memref<1x80xi32, #tpu.memory_space<vmem>>
    %dma_wait3A_340 = tpu.memref_squeeze %dma_wait3A_339 : memref<1x80xi32, #tpu.memory_space<vmem>> -> memref<80xi32, #tpu.memory_space<vmem>>
    %dma_wait3A_341 = arith.constant 0 : i32
    %dma_wait3A_342 = tpu.memref_slice %arg3[%dma_wait3A_341] : memref<320000xi32, #tpu.memory_space<hbm>> -> memref<80xi32, #tpu.memory_space<hbm>>
    tpu.wait_dma2 semaphore(%dma_wait3A_337 : memref<!tpu.dma_semaphore, #tpu.memory_space<semaphore_mem>>) src(%dma_wait3A_342 : memref<80xi32, #tpu.memory_space<hbm>>) dst(%dma_wait3A_340 : memref<80xi32, #tpu.memory_space<vmem>>)
    %dma_wait3A_343 = arith.constant 2 : i32
    %dma_wait3A_344 = arith.constant 2 : i32
    %dma_wait3A_345 = arith.constant 0 : i32
    %dma_wait3A_346 = tpu.memref_slice %arg10[%dma_wait3A_343, %dma_wait3A_345] : memref<3x80xi32, #tpu.memory_space<vmem>> -> memref<1x80xi32, #tpu.memory_space<vmem>>
    %dma_wait3A_347 = tpu.memref_squeeze %dma_wait3A_346 : memref<1x80xi32, #tpu.memory_space<vmem>> -> memref<80xi32, #tpu.memory_space<vmem>>
    %dma_wait3A_348 = arith.constant 0 : i32
    %dma_wait3A_349 = tpu.memref_slice %arg4[%dma_wait3A_348] : memref<320000xi32, #tpu.memory_space<hbm>> -> memref<80xi32, #tpu.memory_space<hbm>>
    %dma_wait3A_350 = tpu.memref_slice %arg15[%dma_wait3A_344] : memref<3x!tpu.dma_semaphore, #tpu.memory_space<semaphore_mem>> -> memref<1x!tpu.dma_semaphore, #tpu.memory_space<semaphore_mem>>
    %dma_wait3A_351 = tpu.memref_squeeze %dma_wait3A_350 : memref<1x!tpu.dma_semaphore, #tpu.memory_space<semaphore_mem>> -> memref<!tpu.dma_semaphore, #tpu.memory_space<semaphore_mem>>
    %dma_wait3A_352 = arith.constant 0 : i32
    %dma_wait3A_353 = tpu.memref_slice %arg10[%dma_wait3A_343, %dma_wait3A_352] : memref<3x80xi32, #tpu.memory_space<vmem>> -> memref<1x80xi32, #tpu.memory_space<vmem>>
    %dma_wait3A_354 = tpu.memref_squeeze %dma_wait3A_353 : memref<1x80xi32, #tpu.memory_space<vmem>> -> memref<80xi32, #tpu.memory_space<vmem>>
    %dma_wait3A_355 = arith.constant 0 : i32
    %dma_wait3A_356 = tpu.memref_slice %arg4[%dma_wait3A_355] : memref<320000xi32, #tpu.memory_space<hbm>> -> memref<80xi32, #tpu.memory_space<hbm>>
    tpu.wait_dma2 semaphore(%dma_wait3A_351 : memref<!tpu.dma_semaphore, #tpu.memory_space<semaphore_mem>>) src(%dma_wait3A_356 : memref<80xi32, #tpu.memory_space<hbm>>) dst(%dma_wait3A_354 : memref<80xi32, #tpu.memory_space<vmem>>)
    %dma_start3A_357 = arith.constant 2 : i32
    %dma_start3A_358 = arith.constant 2 : i32
    %dma_start3A_359 = arith.constant 2 : i32
    %dma_start3A_360 = arith.constant 0 : i32
    %dma_start3A_361 = arith.constant 0 : i32
    %dma_start3A_362 = tpu.memref_slice %arg11[%dma_start3A_358, %dma_start3A_360, %dma_start3A_361] : memref<3x80x128xf32, #tpu.memory_space<vmem>> -> memref<1x80x128xf32, #tpu.memory_space<vmem>>
    %dma_start3A_363 = tpu.memref_squeeze %dma_start3A_362 : memref<1x80x128xf32, #tpu.memory_space<vmem>> -> memref<80x128xf32, #tpu.memory_space<vmem>>
    %dma_start3A_364 = arith.constant 0 : i32
    %dma_start3A_365 = tpu.memref_slice %arg9[%dma_start3A_357, %dma_start3A_364] : memref<3x80xi32, #tpu.memory_space<vmem>> -> memref<1x80xi32, #tpu.memory_space<vmem>>
    %dma_start3A_366 = tpu.memref_squeeze %dma_start3A_365 : memref<1x80xi32, #tpu.memory_space<vmem>> -> memref<80xi32, #tpu.memory_space<vmem>>
    %dma_start3A_367 = arith.constant 0 : i32
    %dma_start3A_368 = arith.constant 0 : i32
    %dma_start3A_369 = tpu.memref_slice %arg2[%dma_start3A_367, %dma_start3A_368] : memref<10000x128xf32, #tpu.memory_space<hbm>> -> memref<10000x128xf32, #tpu.memory_space<hbm>>
    %dma_start3A_370 = tpu.memref_slice %arg16[%dma_start3A_359] : memref<3x!tpu.dma_semaphore, #tpu.memory_space<semaphore_mem>> -> memref<1x!tpu.dma_semaphore, #tpu.memory_space<semaphore_mem>>
    %dma_start3A_371 = tpu.memref_squeeze %dma_start3A_370 : memref<1x!tpu.dma_semaphore, #tpu.memory_space<semaphore_mem>> -> memref<!tpu.dma_semaphore, #tpu.memory_space<semaphore_mem>>
    tpu.enqueue_indirect_dma source(%dma_start3A_369 : memref<10000x128xf32, #tpu.memory_space<hbm>>) target(%dma_start3A_363 : memref<80x128xf32, #tpu.memory_space<vmem>>) offsets(%dma_start3A_366 : memref<80xi32, #tpu.memory_space<vmem>>) semaphore(%dma_start3A_371 : memref<!tpu.dma_semaphore, #tpu.memory_space<semaphore_mem>>)
    %dma_wait3A_372 = arith.constant 2 : i32
    %dma_wait3A_373 = arith.constant 2 : i32
    %dma_wait3A_374 = arith.constant 2 : i32
    %dma_wait3A_375 = arith.constant 0 : i32
    %dma_wait3A_376 = arith.constant 0 : i32
    %dma_wait3A_377 = tpu.memref_slice %arg11[%dma_wait3A_373, %dma_wait3A_375, %dma_wait3A_376] : memref<3x80x128xf32, #tpu.memory_space<vmem>> -> memref<1x80x128xf32, #tpu.memory_space<vmem>>
    %dma_wait3A_378 = tpu.memref_squeeze %dma_wait3A_377 : memref<1x80x128xf32, #tpu.memory_space<vmem>> -> memref<80x128xf32, #tpu.memory_space<vmem>>
    %dma_wait3A_379 = arith.constant 0 : i32
    %dma_wait3A_380 = tpu.memref_slice %arg9[%dma_wait3A_372, %dma_wait3A_379] : memref<3x80xi32, #tpu.memory_space<vmem>> -> memref<1x80xi32, #tpu.memory_space<vmem>>
    %dma_wait3A_381 = tpu.memref_squeeze %dma_wait3A_380 : memref<1x80xi32, #tpu.memory_space<vmem>> -> memref<80xi32, #tpu.memory_space<vmem>>
    %dma_wait3A_382 = arith.constant 0 : i32
    %dma_wait3A_383 = arith.constant 0 : i32
    %dma_wait3A_384 = tpu.memref_slice %arg2[%dma_wait3A_382, %dma_wait3A_383] : memref<10000x128xf32, #tpu.memory_space<hbm>> -> memref<10000x128xf32, #tpu.memory_space<hbm>>
    %dma_wait3A_385 = tpu.memref_slice %arg16[%dma_wait3A_374] : memref<3x!tpu.dma_semaphore, #tpu.memory_space<semaphore_mem>> -> memref<1x!tpu.dma_semaphore, #tpu.memory_space<semaphore_mem>>
    %dma_wait3A_386 = tpu.memref_squeeze %dma_wait3A_385 : memref<1x!tpu.dma_semaphore, #tpu.memory_space<semaphore_mem>> -> memref<!tpu.dma_semaphore, #tpu.memory_space<semaphore_mem>>
    tpu.wait_indirect_dma semaphore(%dma_wait3A_386 : memref<!tpu.dma_semaphore, #tpu.memory_space<semaphore_mem>>) src(%dma_wait3A_384 : memref<10000x128xf32, #tpu.memory_space<hbm>>) dst(%dma_wait3A_378 : memref<80x128xf32, #tpu.memory_space<vmem>>)
    %dma_start3A_387 = arith.constant 2 : i32
    %dma_start3A_388 = arith.constant 2 : i32
    %dma_start3A_389 = arith.constant 2 : i32
    %dma_start3A_390 = arith.constant 0 : i32
    %dma_start3A_391 = arith.constant 0 : i32
    %dma_start3A_392 = tpu.memref_slice %arg11[%dma_start3A_387, %dma_start3A_390, %dma_start3A_391] : memref<3x80x128xf32, #tpu.memory_space<vmem>> -> memref<1x80x128xf32, #tpu.memory_space<vmem>>
    %dma_start3A_393 = tpu.memref_squeeze %dma_start3A_392 : memref<1x80x128xf32, #tpu.memory_space<vmem>> -> memref<80x128xf32, #tpu.memory_space<vmem>>
    %dma_start3A_394 = arith.constant 0 : i32
    %dma_start3A_395 = tpu.memref_slice %arg10[%dma_start3A_388, %dma_start3A_394] : memref<3x80xi32, #tpu.memory_space<vmem>> -> memref<1x80xi32, #tpu.memory_space<vmem>>
    %dma_start3A_396 = tpu.memref_squeeze %dma_start3A_395 : memref<1x80xi32, #tpu.memory_space<vmem>> -> memref<80xi32, #tpu.memory_space<vmem>>
    %dma_start3A_397 = arith.constant 0 : i32
    %dma_start3A_398 = arith.constant 0 : i32
    %dma_start3A_399 = tpu.memref_slice %arg13[%dma_start3A_397, %dma_start3A_398] : memref<10240x128xf32, #tpu.memory_space<vmem_shared>> -> memref<10240x128xf32, #tpu.memory_space<vmem_shared>>
    %dma_start3A_400 = tpu.memref_slice %arg17[%dma_start3A_389] : memref<3x!tpu.dma_semaphore, #tpu.memory_space<semaphore_mem>> -> memref<1x!tpu.dma_semaphore, #tpu.memory_space<semaphore_mem>>
    %dma_start3A_401 = tpu.memref_squeeze %dma_start3A_400 : memref<1x!tpu.dma_semaphore, #tpu.memory_space<semaphore_mem>> -> memref<!tpu.dma_semaphore, #tpu.memory_space<semaphore_mem>>
    tpu.enqueue_indirect_dma source(%dma_start3A_393 : memref<80x128xf32, #tpu.memory_space<vmem>>) target(%dma_start3A_399 : memref<10240x128xf32, #tpu.memory_space<vmem_shared>>) offsets(%dma_start3A_396 : memref<80xi32, #tpu.memory_space<vmem>>) semaphore(%dma_start3A_401 : memref<!tpu.dma_semaphore, #tpu.memory_space<semaphore_mem>>) {add = true}
    %dma_start3A_402 = arith.constant 2 : i32
    %dma_start3A_403 = arith.constant 2 : i32
    %dma_start3A_404 = arith.constant 0 : i32
    %dma_start3A_405 = tpu.memref_slice %arg10[%dma_start3A_402, %dma_start3A_404] : memref<3x80xi32, #tpu.memory_space<vmem>> -> memref<1x80xi32, #tpu.memory_space<vmem>>
    %dma_start3A_406 = tpu.memref_squeeze %dma_start3A_405 : memref<1x80xi32, #tpu.memory_space<vmem>> -> memref<80xi32, #tpu.memory_space<vmem>>
    %dma_start3A_407 = arith.constant 0 : i32
    %dma_start3A_408 = tpu.memref_slice %arg14[%dma_start3A_407] : memref<10240xf32, #tpu.memory_space<vmem_shared>> -> memref<10240xf32, #tpu.memory_space<vmem_shared>>
    %dma_start3A_409 = tpu.memref_slice %arg17[%dma_start3A_403] : memref<3x!tpu.dma_semaphore, #tpu.memory_space<semaphore_mem>> -> memref<1x!tpu.dma_semaphore, #tpu.memory_space<semaphore_mem>>
    %dma_start3A_410 = tpu.memref_squeeze %dma_start3A_409 : memref<1x!tpu.dma_semaphore, #tpu.memory_space<semaphore_mem>> -> memref<!tpu.dma_semaphore, #tpu.memory_space<semaphore_mem>>
    tpu.enqueue_indirect_dma source(%arg12 : memref<80xf32, #tpu.memory_space<vmem>>) target(%dma_start3A_408 : memref<10240xf32, #tpu.memory_space<vmem_shared>>) offsets(%dma_start3A_406 : memref<80xi32, #tpu.memory_space<vmem>>) semaphore(%dma_start3A_410 : memref<!tpu.dma_semaphore, #tpu.memory_space<semaphore_mem>>) {add = true}
    %dma_wait3A_411 = arith.constant 1 : i32
    %dma_wait3A_412 = arith.constant 1 : i32
    %dma_wait3A_413 = arith.constant 1 : i32
    %dma_wait3A_414 = arith.constant 0 : i32
    %dma_wait3A_415 = arith.constant 0 : i32
    %dma_wait3A_416 = tpu.memref_slice %arg11[%dma_wait3A_411, %dma_wait3A_414, %dma_wait3A_415] : memref<3x80x128xf32, #tpu.memory_space<vmem>> -> memref<1x80x128xf32, #tpu.memory_space<vmem>>
    %dma_wait3A_417 = tpu.memref_squeeze %dma_wait3A_416 : memref<1x80x128xf32, #tpu.memory_space<vmem>> -> memref<80x128xf32, #tpu.memory_space<vmem>>
    %dma_wait3A_418 = arith.constant 0 : i32
    %dma_wait3A_419 = tpu.memref_slice %arg10[%dma_wait3A_412, %dma_wait3A_418] : memref<3x80xi32, #tpu.memory_space<vmem>> -> memref<1x80xi32, #tpu.memory_space<vmem>>
    %dma_wait3A_420 = tpu.memref_squeeze %dma_wait3A_419 : memref<1x80xi32, #tpu.memory_space<vmem>> -> memref<80xi32, #tpu.memory_space<vmem>>
    %dma_wait3A_421 = arith.constant 0 : i32
    %dma_wait3A_422 = arith.constant 0 : i32
    %dma_wait3A_423 = tpu.memref_slice %arg13[%dma_wait3A_421, %dma_wait3A_422] : memref<10240x128xf32, #tpu.memory_space<vmem_shared>> -> memref<10240x128xf32, #tpu.memory_space<vmem_shared>>
    %dma_wait3A_424 = tpu.memref_slice %arg17[%dma_wait3A_413] : memref<3x!tpu.dma_semaphore, #tpu.memory_space<semaphore_mem>> -> memref<1x!tpu.dma_semaphore, #tpu.memory_space<semaphore_mem>>
    %dma_wait3A_425 = tpu.memref_squeeze %dma_wait3A_424 : memref<1x!tpu.dma_semaphore, #tpu.memory_space<semaphore_mem>> -> memref<!tpu.dma_semaphore, #tpu.memory_space<semaphore_mem>>
    tpu.wait_indirect_dma semaphore(%dma_wait3A_425 : memref<!tpu.dma_semaphore, #tpu.memory_space<semaphore_mem>>) src(%dma_wait3A_417 : memref<80x128xf32, #tpu.memory_space<vmem>>) dst(%dma_wait3A_423 : memref<10240x128xf32, #tpu.memory_space<vmem_shared>>)
    %dma_wait3A_426 = arith.constant 1 : i32
    %dma_wait3A_427 = arith.constant 1 : i32
    %dma_wait3A_428 = arith.constant 0 : i32
    %dma_wait3A_429 = tpu.memref_slice %arg10[%dma_wait3A_426, %dma_wait3A_428] : memref<3x80xi32, #tpu.memory_space<vmem>> -> memref<1x80xi32, #tpu.memory_space<vmem>>
    %dma_wait3A_430 = tpu.memref_squeeze %dma_wait3A_429 : memref<1x80xi32, #tpu.memory_space<vmem>> -> memref<80xi32, #tpu.memory_space<vmem>>
    %dma_wait3A_431 = arith.constant 0 : i32
    %dma_wait3A_432 = tpu.memref_slice %arg14[%dma_wait3A_431] : memref<10240xf32, #tpu.memory_space<vmem_shared>> -> memref<10240xf32, #tpu.memory_space<vmem_shared>>
    %dma_wait3A_433 = tpu.memref_slice %arg17[%dma_wait3A_427] : memref<3x!tpu.dma_semaphore, #tpu.memory_space<semaphore_mem>> -> memref<1x!tpu.dma_semaphore, #tpu.memory_space<semaphore_mem>>
    %dma_wait3A_434 = tpu.memref_squeeze %dma_wait3A_433 : memref<1x!tpu.dma_semaphore, #tpu.memory_space<semaphore_mem>> -> memref<!tpu.dma_semaphore, #tpu.memory_space<semaphore_mem>>
    tpu.wait_indirect_dma semaphore(%dma_wait3A_434 : memref<!tpu.dma_semaphore, #tpu.memory_space<semaphore_mem>>) src(%arg12 : memref<80xf32, #tpu.memory_space<vmem>>) dst(%dma_wait3A_432 : memref<10240xf32, #tpu.memory_space<vmem_shared>>)
    %mul3A_435 = arith.constant 10000 : i32
    %mul3A_436 = arith.muli %add3A, %mul3A_435 : i32
    %add3A_437 = arith.constant 320 : i32
    %add3A_438 = arith.addi %mul3A_436, %add3A_437 : i32
    %dma_start3A_439 = arith.constant 1 : i32
    %dma_start3A_440 = arith.constant 1 : i32
    %dma_start3A_441 = arith.constant 0 : i32
    %dma_start3A_442 = tpu.memref_slice %arg9[%dma_start3A_439, %dma_start3A_441] : memref<3x80xi32, #tpu.memory_space<vmem>> -> memref<1x80xi32, #tpu.memory_space<vmem>>
    %dma_start3A_443 = tpu.memref_squeeze %dma_start3A_442 : memref<1x80xi32, #tpu.memory_space<vmem>> -> memref<80xi32, #tpu.memory_space<vmem>>
    %dma_start3A_444 = tpu.memref_slice %arg3[%add3A_438] : memref<320000xi32, #tpu.memory_space<hbm>> -> memref<80xi32, #tpu.memory_space<hbm>>
    %dma_start3A_445 = tpu.memref_slice %arg15[%dma_start3A_440] : memref<3x!tpu.dma_semaphore, #tpu.memory_space<semaphore_mem>> -> memref<1x!tpu.dma_semaphore, #tpu.memory_space<semaphore_mem>>
    %dma_start3A_446 = tpu.memref_squeeze %dma_start3A_445 : memref<1x!tpu.dma_semaphore, #tpu.memory_space<semaphore_mem>> -> memref<!tpu.dma_semaphore, #tpu.memory_space<semaphore_mem>>
    %dma_start3A_447 = arith.constant 0 : i32
    %dma_start3A_448 = tpu.memref_slice %arg9[%dma_start3A_439, %dma_start3A_447] : memref<3x80xi32, #tpu.memory_space<vmem>> -> memref<1x80xi32, #tpu.memory_space<vmem>>
    %dma_start3A_449 = tpu.memref_squeeze %dma_start3A_448 : memref<1x80xi32, #tpu.memory_space<vmem>> -> memref<80xi32, #tpu.memory_space<vmem>>
    %dma_start3A_450 = tpu.memref_slice %arg3[%add3A_438] : memref<320000xi32, #tpu.memory_space<hbm>> -> memref<80xi32, #tpu.memory_space<hbm>>
    tpu.enqueue_dma source(%dma_start3A_450 : memref<80xi32, #tpu.memory_space<hbm>>) target(%dma_start3A_449 : memref<80xi32, #tpu.memory_space<vmem>>) target_semaphore(%dma_start3A_446 : memref<!tpu.dma_semaphore, #tpu.memory_space<semaphore_mem>>)
    %dma_start3A_451 = arith.constant 1 : i32
    %dma_start3A_452 = arith.constant 1 : i32
    %dma_start3A_453 = arith.constant 0 : i32
    %dma_start3A_454 = tpu.memref_slice %arg10[%dma_start3A_451, %dma_start3A_453] : memref<3x80xi32, #tpu.memory_space<vmem>> -> memref<1x80xi32, #tpu.memory_space<vmem>>
    %dma_start3A_455 = tpu.memref_squeeze %dma_start3A_454 : memref<1x80xi32, #tpu.memory_space<vmem>> -> memref<80xi32, #tpu.memory_space<vmem>>
    %dma_start3A_456 = tpu.memref_slice %arg4[%add3A_438] : memref<320000xi32, #tpu.memory_space<hbm>> -> memref<80xi32, #tpu.memory_space<hbm>>
    %dma_start3A_457 = tpu.memref_slice %arg15[%dma_start3A_452] : memref<3x!tpu.dma_semaphore, #tpu.memory_space<semaphore_mem>> -> memref<1x!tpu.dma_semaphore, #tpu.memory_space<semaphore_mem>>
    %dma_start3A_458 = tpu.memref_squeeze %dma_start3A_457 : memref<1x!tpu.dma_semaphore, #tpu.memory_space<semaphore_mem>> -> memref<!tpu.dma_semaphore, #tpu.memory_space<semaphore_mem>>
    %dma_start3A_459 = arith.constant 0 : i32
    %dma_start3A_460 = tpu.memref_slice %arg10[%dma_start3A_451, %dma_start3A_459] : memref<3x80xi32, #tpu.memory_space<vmem>> -> memref<1x80xi32, #tpu.memory_space<vmem>>
    %dma_start3A_461 = tpu.memref_squeeze %dma_start3A_460 : memref<1x80xi32, #tpu.memory_space<vmem>> -> memref<80xi32, #tpu.memory_space<vmem>>
    %dma_start3A_462 = tpu.memref_slice %arg4[%add3A_438] : memref<320000xi32, #tpu.memory_space<hbm>> -> memref<80xi32, #tpu.memory_space<hbm>>
    tpu.enqueue_dma source(%dma_start3A_462 : memref<80xi32, #tpu.memory_space<hbm>>) target(%dma_start3A_461 : memref<80xi32, #tpu.memory_space<vmem>>) target_semaphore(%dma_start3A_458 : memref<!tpu.dma_semaphore, #tpu.memory_space<semaphore_mem>>)
    %dma_wait3A_463 = arith.constant 0 : i32
    %dma_wait3A_464 = arith.constant 0 : i32
    %dma_wait3A_465 = arith.constant 0 : i32
    %dma_wait3A_466 = tpu.memref_slice %arg9[%dma_wait3A_463, %dma_wait3A_465] : memref<3x80xi32, #tpu.memory_space<vmem>> -> memref<1x80xi32, #tpu.memory_space<vmem>>
    %dma_wait3A_467 = tpu.memref_squeeze %dma_wait3A_466 : memref<1x80xi32, #tpu.memory_space<vmem>> -> memref<80xi32, #tpu.memory_space<vmem>>
    %dma_wait3A_468 = arith.constant 0 : i32
    %dma_wait3A_469 = tpu.memref_slice %arg3[%dma_wait3A_468] : memref<320000xi32, #tpu.memory_space<hbm>> -> memref<80xi32, #tpu.memory_space<hbm>>
    %dma_wait3A_470 = tpu.memref_slice %arg15[%dma_wait3A_464] : memref<3x!tpu.dma_semaphore, #tpu.memory_space<semaphore_mem>> -> memref<1x!tpu.dma_semaphore, #tpu.memory_space<semaphore_mem>>
    %dma_wait3A_471 = tpu.memref_squeeze %dma_wait3A_470 : memref<1x!tpu.dma_semaphore, #tpu.memory_space<semaphore_mem>> -> memref<!tpu.dma_semaphore, #tpu.memory_space<semaphore_mem>>
    %dma_wait3A_472 = arith.constant 0 : i32
    %dma_wait3A_473 = tpu.memref_slice %arg9[%dma_wait3A_463, %dma_wait3A_472] : memref<3x80xi32, #tpu.memory_space<vmem>> -> memref<1x80xi32, #tpu.memory_space<vmem>>
    %dma_wait3A_474 = tpu.memref_squeeze %dma_wait3A_473 : memref<1x80xi32, #tpu.memory_space<vmem>> -> memref<80xi32, #tpu.memory_space<vmem>>
    %dma_wait3A_475 = arith.constant 0 : i32
    %dma_wait3A_476 = tpu.memref_slice %arg3[%dma_wait3A_475] : memref<320000xi32, #tpu.memory_space<hbm>> -> memref<80xi32, #tpu.memory_space<hbm>>
    tpu.wait_dma2 semaphore(%dma_wait3A_471 : memref<!tpu.dma_semaphore, #tpu.memory_space<semaphore_mem>>) src(%dma_wait3A_476 : memref<80xi32, #tpu.memory_space<hbm>>) dst(%dma_wait3A_474 : memref<80xi32, #tpu.memory_space<vmem>>)
    %dma_wait3A_477 = arith.constant 0 : i32
    %dma_wait3A_478 = arith.constant 0 : i32
    %dma_wait3A_479 = arith.constant 0 : i32
    %dma_wait3A_480 = tpu.memref_slice %arg10[%dma_wait3A_477, %dma_wait3A_479] : memref<3x80xi32, #tpu.memory_space<vmem>> -> memref<1x80xi32, #tpu.memory_space<vmem>>
    %dma_wait3A_481 = tpu.memref_squeeze %dma_wait3A_480 : memref<1x80xi32, #tpu.memory_space<vmem>> -> memref<80xi32, #tpu.memory_space<vmem>>
    %dma_wait3A_482 = arith.constant 0 : i32
    %dma_wait3A_483 = tpu.memref_slice %arg4[%dma_wait3A_482] : memref<320000xi32, #tpu.memory_space<hbm>> -> memref<80xi32, #tpu.memory_space<hbm>>
    %dma_wait3A_484 = tpu.memref_slice %arg15[%dma_wait3A_478] : memref<3x!tpu.dma_semaphore, #tpu.memory_space<semaphore_mem>> -> memref<1x!tpu.dma_semaphore, #tpu.memory_space<semaphore_mem>>
    %dma_wait3A_485 = tpu.memref_squeeze %dma_wait3A_484 : memref<1x!tpu.dma_semaphore, #tpu.memory_space<semaphore_mem>> -> memref<!tpu.dma_semaphore, #tpu.memory_space<semaphore_mem>>
    %dma_wait3A_486 = arith.constant 0 : i32
    %dma_wait3A_487 = tpu.memref_slice %arg10[%dma_wait3A_477, %dma_wait3A_486] : memref<3x80xi32, #tpu.memory_space<vmem>> -> memref<1x80xi32, #tpu.memory_space<vmem>>
    %dma_wait3A_488 = tpu.memref_squeeze %dma_wait3A_487 : memref<1x80xi32, #tpu.memory_space<vmem>> -> memref<80xi32, #tpu.memory_space<vmem>>
    %dma_wait3A_489 = arith.constant 0 : i32
    %dma_wait3A_490 = tpu.memref_slice %arg4[%dma_wait3A_489] : memref<320000xi32, #tpu.memory_space<hbm>> -> memref<80xi32, #tpu.memory_space<hbm>>
    tpu.wait_dma2 semaphore(%dma_wait3A_485 : memref<!tpu.dma_semaphore, #tpu.memory_space<semaphore_mem>>) src(%dma_wait3A_490 : memref<80xi32, #tpu.memory_space<hbm>>) dst(%dma_wait3A_488 : memref<80xi32, #tpu.memory_space<vmem>>)
    %dma_start3A_491 = arith.constant 0 : i32
    %dma_start3A_492 = arith.constant 0 : i32
    %dma_start3A_493 = arith.constant 0 : i32
    %dma_start3A_494 = arith.constant 0 : i32
    %dma_start3A_495 = arith.constant 0 : i32
    %dma_start3A_496 = tpu.memref_slice %arg11[%dma_start3A_492, %dma_start3A_494, %dma_start3A_495] : memref<3x80x128xf32, #tpu.memory_space<vmem>> -> memref<1x80x128xf32, #tpu.memory_space<vmem>>
    %dma_start3A_497 = tpu.memref_squeeze %dma_start3A_496 : memref<1x80x128xf32, #tpu.memory_space<vmem>> -> memref<80x128xf32, #tpu.memory_space<vmem>>
    %dma_start3A_498 = arith.constant 0 : i32
    %dma_start3A_499 = tpu.memref_slice %arg9[%dma_start3A_491, %dma_start3A_498] : memref<3x80xi32, #tpu.memory_space<vmem>> -> memref<1x80xi32, #tpu.memory_space<vmem>>
    %dma_start3A_500 = tpu.memref_squeeze %dma_start3A_499 : memref<1x80xi32, #tpu.memory_space<vmem>> -> memref<80xi32, #tpu.memory_space<vmem>>
    %dma_start3A_501 = arith.constant 0 : i32
    %dma_start3A_502 = arith.constant 0 : i32
    %dma_start3A_503 = tpu.memref_slice %arg2[%dma_start3A_501, %dma_start3A_502] : memref<10000x128xf32, #tpu.memory_space<hbm>> -> memref<10000x128xf32, #tpu.memory_space<hbm>>
    %dma_start3A_504 = tpu.memref_slice %arg16[%dma_start3A_493] : memref<3x!tpu.dma_semaphore, #tpu.memory_space<semaphore_mem>> -> memref<1x!tpu.dma_semaphore, #tpu.memory_space<semaphore_mem>>
    %dma_start3A_505 = tpu.memref_squeeze %dma_start3A_504 : memref<1x!tpu.dma_semaphore, #tpu.memory_space<semaphore_mem>> -> memref<!tpu.dma_semaphore, #tpu.memory_space<semaphore_mem>>
    tpu.enqueue_indirect_dma source(%dma_start3A_503 : memref<10000x128xf32, #tpu.memory_space<hbm>>) target(%dma_start3A_497 : memref<80x128xf32, #tpu.memory_space<vmem>>) offsets(%dma_start3A_500 : memref<80xi32, #tpu.memory_space<vmem>>) semaphore(%dma_start3A_505 : memref<!tpu.dma_semaphore, #tpu.memory_space<semaphore_mem>>)
    %scan3A = arith.constant 0 : i32
    %scan3A_506 = arith.constant 40 : i32
    %scan3A_507 = arith.addi %scan3A, %scan3A_506 : i32
    %scan3A_508 = arith.constant 1 : i32
    scf.for %scan3A_704 = %scan3A to %scan3A_507 step %scan3A_508  : i32 {
      %mul3A_705 = arith.constant 3 : i32
      %mul3A_706 = arith.muli %mul3A_705, %scan3A_704 : i32
      %add3A_707 = arith.constant 5 : i32
      %add3A_708 = arith.addi %add3A_707, %mul3A_706 : i32
      %jit3A = arith.constant 3 : i32
      %eq3A = arith.constant 0 : i32
      %eq3A_709 = arith.cmpi eq, %jit3A, %eq3A : i32
      %jit3A_710 = arith.constant 1 : i32
      %select_n3A = arith.select %eq3A_709, %jit3A_710, %jit3A : i32
      %rem3A = arith.remsi %add3A_708, %select_n3A : i32
      %ne3A = arith.constant 0 : i32
      %ne3A_711 = arith.cmpi ne, %rem3A, %ne3A : i32
      %lt3A = arith.constant 0 : i32
      %lt3A_712 = arith.cmpi slt, %rem3A, %lt3A : i32
      %lt3A_713 = arith.constant 0 : i32
      %lt3A_714 = arith.cmpi slt, %select_n3A, %lt3A_713 : i32
      %ne3A_715 = arith.xori %lt3A_712, %lt3A_714 : i1
      %and3A = arith.andi %ne3A_715, %ne3A_711 : i1
      %add3A_716 = arith.addi %rem3A, %select_n3A : i32
      %select_n3A_717 = arith.select %and3A, %add3A_716, %rem3A : i32
      %sub3A = arith.constant 1 : i32
      %sub3A_718 = arith.subi %add3A_708, %sub3A : i32
      %jit3A_719 = arith.constant 3 : i32
      %eq3A_720 = arith.constant 0 : i32
      %eq3A_721 = arith.cmpi eq, %jit3A_719, %eq3A_720 : i32
      %jit3A_722 = arith.constant 1 : i32
      %select_n3A_723 = arith.select %eq3A_721, %jit3A_722, %jit3A_719 : i32
      %rem3A_724 = arith.remsi %sub3A_718, %select_n3A_723 : i32
      %ne3A_725 = arith.constant 0 : i32
      %ne3A_726 = arith.cmpi ne, %rem3A_724, %ne3A_725 : i32
      %lt3A_727 = arith.constant 0 : i32
      %lt3A_728 = arith.cmpi slt, %rem3A_724, %lt3A_727 : i32
      %lt3A_729 = arith.constant 0 : i32
      %lt3A_730 = arith.cmpi slt, %select_n3A_723, %lt3A_729 : i32
      %ne3A_731 = arith.xori %lt3A_728, %lt3A_730 : i1
      %and3A_732 = arith.andi %ne3A_731, %ne3A_726 : i1
      %add3A_733 = arith.addi %rem3A_724, %select_n3A_723 : i32
      %select_n3A_734 = arith.select %and3A_732, %add3A_733, %rem3A_724 : i32
      %sub3A_735 = arith.constant 2 : i32
      %sub3A_736 = arith.subi %add3A_708, %sub3A_735 : i32
      %jit3A_737 = arith.constant 3 : i32
      %eq3A_738 = arith.constant 0 : i32
      %eq3A_739 = arith.cmpi eq, %jit3A_737, %eq3A_738 : i32
      %jit3A_740 = arith.constant 1 : i32
      %select_n3A_741 = arith.select %eq3A_739, %jit3A_740, %jit3A_737 : i32
      %rem3A_742 = arith.remsi %sub3A_736, %select_n3A_741 : i32
      %ne3A_743 = arith.constant 0 : i32
      %ne3A_744 = arith.cmpi ne, %rem3A_742, %ne3A_743 : i32
      %lt3A_745 = arith.constant 0 : i32
      %lt3A_746 = arith.cmpi slt, %rem3A_742, %lt3A_745 : i32
      %lt3A_747 = arith.constant 0 : i32
      %lt3A_748 = arith.cmpi slt, %select_n3A_741, %lt3A_747 : i32
      %ne3A_749 = arith.xori %lt3A_746, %lt3A_748 : i1
      %and3A_750 = arith.andi %ne3A_749, %ne3A_744 : i1
      %add3A_751 = arith.addi %rem3A_742, %select_n3A_741 : i32
      %select_n3A_752 = arith.select %and3A_750, %add3A_751, %rem3A_742 : i32
      %dma_wait3A_753 = arith.constant 0 : i32
      %dma_wait3A_754 = arith.constant 0 : i32
      %dma_wait3A_755 = tpu.memref_slice %arg11[%select_n3A_752, %dma_wait3A_753, %dma_wait3A_754] : memref<3x80x128xf32, #tpu.memory_space<vmem>> -> memref<1x80x128xf32, #tpu.memory_space<vmem>>
      %dma_wait3A_756 = tpu.memref_squeeze %dma_wait3A_755 : memref<1x80x128xf32, #tpu.memory_space<vmem>> -> memref<80x128xf32, #tpu.memory_space<vmem>>
      %dma_wait3A_757 = arith.constant 0 : i32
      %dma_wait3A_758 = tpu.memref_slice %arg9[%select_n3A_752, %dma_wait3A_757] : memref<3x80xi32, #tpu.memory_space<vmem>> -> memref<1x80xi32, #tpu.memory_space<vmem>>
      %dma_wait3A_759 = tpu.memref_squeeze %dma_wait3A_758 : memref<1x80xi32, #tpu.memory_space<vmem>> -> memref<80xi32, #tpu.memory_space<vmem>>
      %dma_wait3A_760 = arith.constant 0 : i32
      %dma_wait3A_761 = arith.constant 0 : i32
      %dma_wait3A_762 = tpu.memref_slice %arg2[%dma_wait3A_760, %dma_wait3A_761] : memref<10000x128xf32, #tpu.memory_space<hbm>> -> memref<10000x128xf32, #tpu.memory_space<hbm>>
      %dma_wait3A_763 = tpu.memref_slice %arg16[%select_n3A_752] : memref<3x!tpu.dma_semaphore, #tpu.memory_space<semaphore_mem>> -> memref<1x!tpu.dma_semaphore, #tpu.memory_space<semaphore_mem>>
      %dma_wait3A_764 = tpu.memref_squeeze %dma_wait3A_763 : memref<1x!tpu.dma_semaphore, #tpu.memory_space<semaphore_mem>> -> memref<!tpu.dma_semaphore, #tpu.memory_space<semaphore_mem>>
      tpu.wait_indirect_dma semaphore(%dma_wait3A_764 : memref<!tpu.dma_semaphore, #tpu.memory_space<semaphore_mem>>) src(%dma_wait3A_762 : memref<10000x128xf32, #tpu.memory_space<hbm>>) dst(%dma_wait3A_756 : memref<80x128xf32, #tpu.memory_space<vmem>>)
      %dma_start3A_765 = arith.constant 0 : i32
      %dma_start3A_766 = arith.constant 0 : i32
      %dma_start3A_767 = tpu.memref_slice %arg11[%select_n3A_752, %dma_start3A_765, %dma_start3A_766] : memref<3x80x128xf32, #tpu.memory_space<vmem>> -> memref<1x80x128xf32, #tpu.memory_space<vmem>>
      %dma_start3A_768 = tpu.memref_squeeze %dma_start3A_767 : memref<1x80x128xf32, #tpu.memory_space<vmem>> -> memref<80x128xf32, #tpu.memory_space<vmem>>
      %dma_start3A_769 = arith.constant 0 : i32
      %dma_start3A_770 = tpu.memref_slice %arg10[%select_n3A_752, %dma_start3A_769] : memref<3x80xi32, #tpu.memory_space<vmem>> -> memref<1x80xi32, #tpu.memory_space<vmem>>
      %dma_start3A_771 = tpu.memref_squeeze %dma_start3A_770 : memref<1x80xi32, #tpu.memory_space<vmem>> -> memref<80xi32, #tpu.memory_space<vmem>>
      %dma_start3A_772 = arith.constant 0 : i32
      %dma_start3A_773 = arith.constant 0 : i32
      %dma_start3A_774 = tpu.memref_slice %arg13[%dma_start3A_772, %dma_start3A_773] : memref<10240x128xf32, #tpu.memory_space<vmem_shared>> -> memref<10240x128xf32, #tpu.memory_space<vmem_shared>>
      %dma_start3A_775 = tpu.memref_slice %arg17[%select_n3A_752] : memref<3x!tpu.dma_semaphore, #tpu.memory_space<semaphore_mem>> -> memref<1x!tpu.dma_semaphore, #tpu.memory_space<semaphore_mem>>
      %dma_start3A_776 = tpu.memref_squeeze %dma_start3A_775 : memref<1x!tpu.dma_semaphore, #tpu.memory_space<semaphore_mem>> -> memref<!tpu.dma_semaphore, #tpu.memory_space<semaphore_mem>>
      tpu.enqueue_indirect_dma source(%dma_start3A_768 : memref<80x128xf32, #tpu.memory_space<vmem>>) target(%dma_start3A_774 : memref<10240x128xf32, #tpu.memory_space<vmem_shared>>) offsets(%dma_start3A_771 : memref<80xi32, #tpu.memory_space<vmem>>) semaphore(%dma_start3A_776 : memref<!tpu.dma_semaphore, #tpu.memory_space<semaphore_mem>>) {add = true}
      %dma_start3A_777 = arith.constant 0 : i32
      %dma_start3A_778 = tpu.memref_slice %arg10[%select_n3A_752, %dma_start3A_777] : memref<3x80xi32, #tpu.memory_space<vmem>> -> memref<1x80xi32, #tpu.memory_space<vmem>>
      %dma_start3A_779 = tpu.memref_squeeze %dma_start3A_778 : memref<1x80xi32, #tpu.memory_space<vmem>> -> memref<80xi32, #tpu.memory_space<vmem>>
      %dma_start3A_780 = arith.constant 0 : i32
      %dma_start3A_781 = tpu.memref_slice %arg14[%dma_start3A_780] : memref<10240xf32, #tpu.memory_space<vmem_shared>> -> memref<10240xf32, #tpu.memory_space<vmem_shared>>
      %dma_start3A_782 = tpu.memref_slice %arg17[%select_n3A_752] : memref<3x!tpu.dma_semaphore, #tpu.memory_space<semaphore_mem>> -> memref<1x!tpu.dma_semaphore, #tpu.memory_space<semaphore_mem>>
      %dma_start3A_783 = tpu.memref_squeeze %dma_start3A_782 : memref<1x!tpu.dma_semaphore, #tpu.memory_space<semaphore_mem>> -> memref<!tpu.dma_semaphore, #tpu.memory_space<semaphore_mem>>
      tpu.enqueue_indirect_dma source(%arg12 : memref<80xf32, #tpu.memory_space<vmem>>) target(%dma_start3A_781 : memref<10240xf32, #tpu.memory_space<vmem_shared>>) offsets(%dma_start3A_779 : memref<80xi32, #tpu.memory_space<vmem>>) semaphore(%dma_start3A_783 : memref<!tpu.dma_semaphore, #tpu.memory_space<semaphore_mem>>) {add = true}
      %dma_wait3A_784 = arith.constant 0 : i32
      %dma_wait3A_785 = arith.constant 0 : i32
      %dma_wait3A_786 = tpu.memref_slice %arg11[%select_n3A_717, %dma_wait3A_784, %dma_wait3A_785] : memref<3x80x128xf32, #tpu.memory_space<vmem>> -> memref<1x80x128xf32, #tpu.memory_space<vmem>>
      %dma_wait3A_787 = tpu.memref_squeeze %dma_wait3A_786 : memref<1x80x128xf32, #tpu.memory_space<vmem>> -> memref<80x128xf32, #tpu.memory_space<vmem>>
      %dma_wait3A_788 = arith.constant 0 : i32
      %dma_wait3A_789 = tpu.memref_slice %arg10[%select_n3A_717, %dma_wait3A_788] : memref<3x80xi32, #tpu.memory_space<vmem>> -> memref<1x80xi32, #tpu.memory_space<vmem>>
      %dma_wait3A_790 = tpu.memref_squeeze %dma_wait3A_789 : memref<1x80xi32, #tpu.memory_space<vmem>> -> memref<80xi32, #tpu.memory_space<vmem>>
      %dma_wait3A_791 = arith.constant 0 : i32
      %dma_wait3A_792 = arith.constant 0 : i32
      %dma_wait3A_793 = tpu.memref_slice %arg13[%dma_wait3A_791, %dma_wait3A_792] : memref<10240x128xf32, #tpu.memory_space<vmem_shared>> -> memref<10240x128xf32, #tpu.memory_space<vmem_shared>>
      %dma_wait3A_794 = tpu.memref_slice %arg17[%select_n3A_717] : memref<3x!tpu.dma_semaphore, #tpu.memory_space<semaphore_mem>> -> memref<1x!tpu.dma_semaphore, #tpu.memory_space<semaphore_mem>>
      %dma_wait3A_795 = tpu.memref_squeeze %dma_wait3A_794 : memref<1x!tpu.dma_semaphore, #tpu.memory_space<semaphore_mem>> -> memref<!tpu.dma_semaphore, #tpu.memory_space<semaphore_mem>>
      tpu.wait_indirect_dma semaphore(%dma_wait3A_795 : memref<!tpu.dma_semaphore, #tpu.memory_space<semaphore_mem>>) src(%dma_wait3A_787 : memref<80x128xf32, #tpu.memory_space<vmem>>) dst(%dma_wait3A_793 : memref<10240x128xf32, #tpu.memory_space<vmem_shared>>)
      %dma_wait3A_796 = arith.constant 0 : i32
      %dma_wait3A_797 = tpu.memref_slice %arg10[%select_n3A_717, %dma_wait3A_796] : memref<3x80xi32, #tpu.memory_space<vmem>> -> memref<1x80xi32, #tpu.memory_space<vmem>>
      %dma_wait3A_798 = tpu.memref_squeeze %dma_wait3A_797 : memref<1x80xi32, #tpu.memory_space<vmem>> -> memref<80xi32, #tpu.memory_space<vmem>>
      %dma_wait3A_799 = arith.constant 0 : i32
      %dma_wait3A_800 = tpu.memref_slice %arg14[%dma_wait3A_799] : memref<10240xf32, #tpu.memory_space<vmem_shared>> -> memref<10240xf32, #tpu.memory_space<vmem_shared>>
      %dma_wait3A_801 = tpu.memref_slice %arg17[%select_n3A_717] : memref<3x!tpu.dma_semaphore, #tpu.memory_space<semaphore_mem>> -> memref<1x!tpu.dma_semaphore, #tpu.memory_space<semaphore_mem>>
      %dma_wait3A_802 = tpu.memref_squeeze %dma_wait3A_801 : memref<1x!tpu.dma_semaphore, #tpu.memory_space<semaphore_mem>> -> memref<!tpu.dma_semaphore, #tpu.memory_space<semaphore_mem>>
      tpu.wait_indirect_dma semaphore(%dma_wait3A_802 : memref<!tpu.dma_semaphore, #tpu.memory_space<semaphore_mem>>) src(%arg12 : memref<80xf32, #tpu.memory_space<vmem>>) dst(%dma_wait3A_800 : memref<10240xf32, #tpu.memory_space<vmem_shared>>)
      %mul3A_803 = arith.constant 10000 : i32
      %mul3A_804 = arith.muli %add3A, %mul3A_803 : i32
      %mul3A_805 = arith.constant 80 : i32
      %mul3A_806 = arith.muli %add3A_708, %mul3A_805 : i32
      %add3A_807 = arith.addi %mul3A_804, %mul3A_806 : i32
      %dma_start3A_808 = arith.constant 0 : i32
      %dma_start3A_809 = tpu.memref_slice %arg9[%select_n3A_717, %dma_start3A_808] : memref<3x80xi32, #tpu.memory_space<vmem>> -> memref<1x80xi32, #tpu.memory_space<vmem>>
      %dma_start3A_810 = tpu.memref_squeeze %dma_start3A_809 : memref<1x80xi32, #tpu.memory_space<vmem>> -> memref<80xi32, #tpu.memory_space<vmem>>
      %dma_start3A_811 = tpu.memref_slice %arg3[%add3A_807] : memref<320000xi32, #tpu.memory_space<hbm>> -> memref<80xi32, #tpu.memory_space<hbm>>
      %dma_start3A_812 = tpu.memref_slice %arg15[%select_n3A_717] : memref<3x!tpu.dma_semaphore, #tpu.memory_space<semaphore_mem>> -> memref<1x!tpu.dma_semaphore, #tpu.memory_space<semaphore_mem>>
      %dma_start3A_813 = tpu.memref_squeeze %dma_start3A_812 : memref<1x!tpu.dma_semaphore, #tpu.memory_space<semaphore_mem>> -> memref<!tpu.dma_semaphore, #tpu.memory_space<semaphore_mem>>
      %dma_start3A_814 = arith.constant 0 : i32
      %dma_start3A_815 = tpu.memref_slice %arg9[%select_n3A_717, %dma_start3A_814] : memref<3x80xi32, #tpu.memory_space<vmem>> -> memref<1x80xi32, #tpu.memory_space<vmem>>
      %dma_start3A_816 = tpu.memref_squeeze %dma_start3A_815 : memref<1x80xi32, #tpu.memory_space<vmem>> -> memref<80xi32, #tpu.memory_space<vmem>>
      %dma_start3A_817 = tpu.memref_slice %arg3[%add3A_807] : memref<320000xi32, #tpu.memory_space<hbm>> -> memref<80xi32, #tpu.memory_space<hbm>>
      tpu.enqueue_dma source(%dma_start3A_817 : memref<80xi32, #tpu.memory_space<hbm>>) target(%dma_start3A_816 : memref<80xi32, #tpu.memory_space<vmem>>) target_semaphore(%dma_start3A_813 : memref<!tpu.dma_semaphore, #tpu.memory_space<semaphore_mem>>)
      %dma_start3A_818 = arith.constant 0 : i32
      %dma_start3A_819 = tpu.memref_slice %arg10[%select_n3A_717, %dma_start3A_818] : memref<3x80xi32, #tpu.memory_space<vmem>> -> memref<1x80xi32, #tpu.memory_space<vmem>>
      %dma_start3A_820 = tpu.memref_squeeze %dma_start3A_819 : memref<1x80xi32, #tpu.memory_space<vmem>> -> memref<80xi32, #tpu.memory_space<vmem>>
      %dma_start3A_821 = tpu.memref_slice %arg4[%add3A_807] : memref<320000xi32, #tpu.memory_space<hbm>> -> memref<80xi32, #tpu.memory_space<hbm>>
      %dma_start3A_822 = tpu.memref_slice %arg15[%select_n3A_717] : memref<3x!tpu.dma_semaphore, #tpu.memory_space<semaphore_mem>> -> memref<1x!tpu.dma_semaphore, #tpu.memory_space<semaphore_mem>>
      %dma_start3A_823 = tpu.memref_squeeze %dma_start3A_822 : memref<1x!tpu.dma_semaphore, #tpu.memory_space<semaphore_mem>> -> memref<!tpu.dma_semaphore, #tpu.memory_space<semaphore_mem>>
      %dma_start3A_824 = arith.constant 0 : i32
      %dma_start3A_825 = tpu.memref_slice %arg10[%select_n3A_717, %dma_start3A_824] : memref<3x80xi32, #tpu.memory_space<vmem>> -> memref<1x80xi32, #tpu.memory_space<vmem>>
      %dma_start3A_826 = tpu.memref_squeeze %dma_start3A_825 : memref<1x80xi32, #tpu.memory_space<vmem>> -> memref<80xi32, #tpu.memory_space<vmem>>
      %dma_start3A_827 = tpu.memref_slice %arg4[%add3A_807] : memref<320000xi32, #tpu.memory_space<hbm>> -> memref<80xi32, #tpu.memory_space<hbm>>
      tpu.enqueue_dma source(%dma_start3A_827 : memref<80xi32, #tpu.memory_space<hbm>>) target(%dma_start3A_826 : memref<80xi32, #tpu.memory_space<vmem>>) target_semaphore(%dma_start3A_823 : memref<!tpu.dma_semaphore, #tpu.memory_space<semaphore_mem>>)
      %dma_wait3A_828 = arith.constant 0 : i32
      %dma_wait3A_829 = tpu.memref_slice %arg9[%select_n3A_734, %dma_wait3A_828] : memref<3x80xi32, #tpu.memory_space<vmem>> -> memref<1x80xi32, #tpu.memory_space<vmem>>
      %dma_wait3A_830 = tpu.memref_squeeze %dma_wait3A_829 : memref<1x80xi32, #tpu.memory_space<vmem>> -> memref<80xi32, #tpu.memory_space<vmem>>
      %dma_wait3A_831 = arith.constant 0 : i32
      %dma_wait3A_832 = tpu.memref_slice %arg3[%dma_wait3A_831] : memref<320000xi32, #tpu.memory_space<hbm>> -> memref<80xi32, #tpu.memory_space<hbm>>
      %dma_wait3A_833 = tpu.memref_slice %arg15[%select_n3A_734] : memref<3x!tpu.dma_semaphore, #tpu.memory_space<semaphore_mem>> -> memref<1x!tpu.dma_semaphore, #tpu.memory_space<semaphore_mem>>
      %dma_wait3A_834 = tpu.memref_squeeze %dma_wait3A_833 : memref<1x!tpu.dma_semaphore, #tpu.memory_space<semaphore_mem>> -> memref<!tpu.dma_semaphore, #tpu.memory_space<semaphore_mem>>
      %dma_wait3A_835 = arith.constant 0 : i32
      %dma_wait3A_836 = tpu.memref_slice %arg9[%select_n3A_734, %dma_wait3A_835] : memref<3x80xi32, #tpu.memory_space<vmem>> -> memref<1x80xi32, #tpu.memory_space<vmem>>
      %dma_wait3A_837 = tpu.memref_squeeze %dma_wait3A_836 : memref<1x80xi32, #tpu.memory_space<vmem>> -> memref<80xi32, #tpu.memory_space<vmem>>
      %dma_wait3A_838 = arith.constant 0 : i32
      %dma_wait3A_839 = tpu.memref_slice %arg3[%dma_wait3A_838] : memref<320000xi32, #tpu.memory_space<hbm>> -> memref<80xi32, #tpu.memory_space<hbm>>
      tpu.wait_dma2 semaphore(%dma_wait3A_834 : memref<!tpu.dma_semaphore, #tpu.memory_space<semaphore_mem>>) src(%dma_wait3A_839 : memref<80xi32, #tpu.memory_space<hbm>>) dst(%dma_wait3A_837 : memref<80xi32, #tpu.memory_space<vmem>>)
      %dma_wait3A_840 = arith.constant 0 : i32
      %dma_wait3A_841 = tpu.memref_slice %arg10[%select_n3A_734, %dma_wait3A_840] : memref<3x80xi32, #tpu.memory_space<vmem>> -> memref<1x80xi32, #tpu.memory_space<vmem>>
      %dma_wait3A_842 = tpu.memref_squeeze %dma_wait3A_841 : memref<1x80xi32, #tpu.memory_space<vmem>> -> memref<80xi32, #tpu.memory_space<vmem>>
      %dma_wait3A_843 = arith.constant 0 : i32
      %dma_wait3A_844 = tpu.memref_slice %arg4[%dma_wait3A_843] : memref<320000xi32, #tpu.memory_space<hbm>> -> memref<80xi32, #tpu.memory_space<hbm>>
      %dma_wait3A_845 = tpu.memref_slice %arg15[%select_n3A_734] : memref<3x!tpu.dma_semaphore, #tpu.memory_space<semaphore_mem>> -> memref<1x!tpu.dma_semaphore, #tpu.memory_space<semaphore_mem>>
      %dma_wait3A_846 = tpu.memref_squeeze %dma_wait3A_845 : memref<1x!tpu.dma_semaphore, #tpu.memory_space<semaphore_mem>> -> memref<!tpu.dma_semaphore, #tpu.memory_space<semaphore_mem>>
      %dma_wait3A_847 = arith.constant 0 : i32
      %dma_wait3A_848 = tpu.memref_slice %arg10[%select_n3A_734, %dma_wait3A_847] : memref<3x80xi32, #tpu.memory_space<vmem>> -> memref<1x80xi32, #tpu.memory_space<vmem>>
      %dma_wait3A_849 = tpu.memref_squeeze %dma_wait3A_848 : memref<1x80xi32, #tpu.memory_space<vmem>> -> memref<80xi32, #tpu.memory_space<vmem>>
      %dma_wait3A_850 = arith.constant 0 : i32
      %dma_wait3A_851 = tpu.memref_slice %arg4[%dma_wait3A_850] : memref<320000xi32, #tpu.memory_space<hbm>> -> memref<80xi32, #tpu.memory_space<hbm>>
      tpu.wait_dma2 semaphore(%dma_wait3A_846 : memref<!tpu.dma_semaphore, #tpu.memory_space<semaphore_mem>>) src(%dma_wait3A_851 : memref<80xi32, #tpu.memory_space<hbm>>) dst(%dma_wait3A_849 : memref<80xi32, #tpu.memory_space<vmem>>)
      %dma_start3A_852 = arith.constant 0 : i32
      %dma_start3A_853 = arith.constant 0 : i32
      %dma_start3A_854 = tpu.memref_slice %arg11[%select_n3A_734, %dma_start3A_852, %dma_start3A_853] : memref<3x80x128xf32, #tpu.memory_space<vmem>> -> memref<1x80x128xf32, #tpu.memory_space<vmem>>
      %dma_start3A_855 = tpu.memref_squeeze %dma_start3A_854 : memref<1x80x128xf32, #tpu.memory_space<vmem>> -> memref<80x128xf32, #tpu.memory_space<vmem>>
      %dma_start3A_856 = arith.constant 0 : i32
      %dma_start3A_857 = tpu.memref_slice %arg9[%select_n3A_734, %dma_start3A_856] : memref<3x80xi32, #tpu.memory_space<vmem>> -> memref<1x80xi32, #tpu.memory_space<vmem>>
      %dma_start3A_858 = tpu.memref_squeeze %dma_start3A_857 : memref<1x80xi32, #tpu.memory_space<vmem>> -> memref<80xi32, #tpu.memory_space<vmem>>
      %dma_start3A_859 = arith.constant 0 : i32
      %dma_start3A_860 = arith.constant 0 : i32
      %dma_start3A_861 = tpu.memref_slice %arg2[%dma_start3A_859, %dma_start3A_860] : memref<10000x128xf32, #tpu.memory_space<hbm>> -> memref<10000x128xf32, #tpu.memory_space<hbm>>
      %dma_start3A_862 = tpu.memref_slice %arg16[%select_n3A_734] : memref<3x!tpu.dma_semaphore, #tpu.memory_space<semaphore_mem>> -> memref<1x!tpu.dma_semaphore, #tpu.memory_space<semaphore_mem>>
      %dma_start3A_863 = tpu.memref_squeeze %dma_start3A_862 : memref<1x!tpu.dma_semaphore, #tpu.memory_space<semaphore_mem>> -> memref<!tpu.dma_semaphore, #tpu.memory_space<semaphore_mem>>
      tpu.enqueue_indirect_dma source(%dma_start3A_861 : memref<10000x128xf32, #tpu.memory_space<hbm>>) target(%dma_start3A_855 : memref<80x128xf32, #tpu.memory_space<vmem>>) offsets(%dma_start3A_858 : memref<80xi32, #tpu.memory_space<vmem>>) semaphore(%dma_start3A_863 : memref<!tpu.dma_semaphore, #tpu.memory_space<semaphore_mem>>)
      %add3A_864 = arith.constant 1 : i32
      %add3A_865 = arith.addi %add3A_708, %add3A_864 : i32
      %jit3A_866 = arith.constant 3 : i32
      %eq3A_867 = arith.constant 0 : i32
      %eq3A_868 = arith.cmpi eq, %jit3A_866, %eq3A_867 : i32
      %jit3A_869 = arith.constant 1 : i32
      %select_n3A_870 = arith.select %eq3A_868, %jit3A_869, %jit3A_866 : i32
      %rem3A_871 = arith.remsi %add3A_865, %select_n3A_870 : i32
      %ne3A_872 = arith.constant 0 : i32
      %ne3A_873 = arith.cmpi ne, %rem3A_871, %ne3A_872 : i32
      %lt3A_874 = arith.constant 0 : i32
      %lt3A_875 = arith.cmpi slt, %rem3A_871, %lt3A_874 : i32
      %lt3A_876 = arith.constant 0 : i32
      %lt3A_877 = arith.cmpi slt, %select_n3A_870, %lt3A_876 : i32
      %ne3A_878 = arith.xori %lt3A_875, %lt3A_877 : i1
      %and3A_879 = arith.andi %ne3A_878, %ne3A_873 : i1
      %add3A_880 = arith.addi %rem3A_871, %select_n3A_870 : i32
      %select_n3A_881 = arith.select %and3A_879, %add3A_880, %rem3A_871 : i32
      %sub3A_882 = arith.constant 1 : i32
      %sub3A_883 = arith.subi %add3A_865, %sub3A_882 : i32
      %jit3A_884 = arith.constant 3 : i32
      %eq3A_885 = arith.constant 0 : i32
      %eq3A_886 = arith.cmpi eq, %jit3A_884, %eq3A_885 : i32
      %jit3A_887 = arith.constant 1 : i32
      %select_n3A_888 = arith.select %eq3A_886, %jit3A_887, %jit3A_884 : i32
      %rem3A_889 = arith.remsi %sub3A_883, %select_n3A_888 : i32
      %ne3A_890 = arith.constant 0 : i32
      %ne3A_891 = arith.cmpi ne, %rem3A_889, %ne3A_890 : i32
      %lt3A_892 = arith.constant 0 : i32
      %lt3A_893 = arith.cmpi slt, %rem3A_889, %lt3A_892 : i32
      %lt3A_894 = arith.constant 0 : i32
      %lt3A_895 = arith.cmpi slt, %select_n3A_888, %lt3A_894 : i32
      %ne3A_896 = arith.xori %lt3A_893, %lt3A_895 : i1
      %and3A_897 = arith.andi %ne3A_896, %ne3A_891 : i1
      %add3A_898 = arith.addi %rem3A_889, %select_n3A_888 : i32
      %select_n3A_899 = arith.select %and3A_897, %add3A_898, %rem3A_889 : i32
      %sub3A_900 = arith.constant 2 : i32
      %sub3A_901 = arith.subi %add3A_865, %sub3A_900 : i32
      %jit3A_902 = arith.constant 3 : i32
      %eq3A_903 = arith.constant 0 : i32
      %eq3A_904 = arith.cmpi eq, %jit3A_902, %eq3A_903 : i32
      %jit3A_905 = arith.constant 1 : i32
      %select_n3A_906 = arith.select %eq3A_904, %jit3A_905, %jit3A_902 : i32
      %rem3A_907 = arith.remsi %sub3A_901, %select_n3A_906 : i32
      %ne3A_908 = arith.constant 0 : i32
      %ne3A_909 = arith.cmpi ne, %rem3A_907, %ne3A_908 : i32
      %lt3A_910 = arith.constant 0 : i32
      %lt3A_911 = arith.cmpi slt, %rem3A_907, %lt3A_910 : i32
      %lt3A_912 = arith.constant 0 : i32
      %lt3A_913 = arith.cmpi slt, %select_n3A_906, %lt3A_912 : i32
      %ne3A_914 = arith.xori %lt3A_911, %lt3A_913 : i1
      %and3A_915 = arith.andi %ne3A_914, %ne3A_909 : i1
      %add3A_916 = arith.addi %rem3A_907, %select_n3A_906 : i32
      %select_n3A_917 = arith.select %and3A_915, %add3A_916, %rem3A_907 : i32
      %dma_wait3A_918 = arith.constant 0 : i32
      %dma_wait3A_919 = arith.constant 0 : i32
      %dma_wait3A_920 = tpu.memref_slice %arg11[%select_n3A_917, %dma_wait3A_918, %dma_wait3A_919] : memref<3x80x128xf32, #tpu.memory_space<vmem>> -> memref<1x80x128xf32, #tpu.memory_space<vmem>>
      %dma_wait3A_921 = tpu.memref_squeeze %dma_wait3A_920 : memref<1x80x128xf32, #tpu.memory_space<vmem>> -> memref<80x128xf32, #tpu.memory_space<vmem>>
      %dma_wait3A_922 = arith.constant 0 : i32
      %dma_wait3A_923 = tpu.memref_slice %arg9[%select_n3A_917, %dma_wait3A_922] : memref<3x80xi32, #tpu.memory_space<vmem>> -> memref<1x80xi32, #tpu.memory_space<vmem>>
      %dma_wait3A_924 = tpu.memref_squeeze %dma_wait3A_923 : memref<1x80xi32, #tpu.memory_space<vmem>> -> memref<80xi32, #tpu.memory_space<vmem>>
      %dma_wait3A_925 = arith.constant 0 : i32
      %dma_wait3A_926 = arith.constant 0 : i32
      %dma_wait3A_927 = tpu.memref_slice %arg2[%dma_wait3A_925, %dma_wait3A_926] : memref<10000x128xf32, #tpu.memory_space<hbm>> -> memref<10000x128xf32, #tpu.memory_space<hbm>>
      %dma_wait3A_928 = tpu.memref_slice %arg16[%select_n3A_917] : memref<3x!tpu.dma_semaphore, #tpu.memory_space<semaphore_mem>> -> memref<1x!tpu.dma_semaphore, #tpu.memory_space<semaphore_mem>>
      %dma_wait3A_929 = tpu.memref_squeeze %dma_wait3A_928 : memref<1x!tpu.dma_semaphore, #tpu.memory_space<semaphore_mem>> -> memref<!tpu.dma_semaphore, #tpu.memory_space<semaphore_mem>>
      tpu.wait_indirect_dma semaphore(%dma_wait3A_929 : memref<!tpu.dma_semaphore, #tpu.memory_space<semaphore_mem>>) src(%dma_wait3A_927 : memref<10000x128xf32, #tpu.memory_space<hbm>>) dst(%dma_wait3A_921 : memref<80x128xf32, #tpu.memory_space<vmem>>)
      %dma_start3A_930 = arith.constant 0 : i32
      %dma_start3A_931 = arith.constant 0 : i32
      %dma_start3A_932 = tpu.memref_slice %arg11[%select_n3A_917, %dma_start3A_930, %dma_start3A_931] : memref<3x80x128xf32, #tpu.memory_space<vmem>> -> memref<1x80x128xf32, #tpu.memory_space<vmem>>
      %dma_start3A_933 = tpu.memref_squeeze %dma_start3A_932 : memref<1x80x128xf32, #tpu.memory_space<vmem>> -> memref<80x128xf32, #tpu.memory_space<vmem>>
      %dma_start3A_934 = arith.constant 0 : i32
      %dma_start3A_935 = tpu.memref_slice %arg10[%select_n3A_917, %dma_start3A_934] : memref<3x80xi32, #tpu.memory_space<vmem>> -> memref<1x80xi32, #tpu.memory_space<vmem>>
      %dma_start3A_936 = tpu.memref_squeeze %dma_start3A_935 : memref<1x80xi32, #tpu.memory_space<vmem>> -> memref<80xi32, #tpu.memory_space<vmem>>
      %dma_start3A_937 = arith.constant 0 : i32
      %dma_start3A_938 = arith.constant 0 : i32
      %dma_start3A_939 = tpu.memref_slice %arg13[%dma_start3A_937, %dma_start3A_938] : memref<10240x128xf32, #tpu.memory_space<vmem_shared>> -> memref<10240x128xf32, #tpu.memory_space<vmem_shared>>
      %dma_start3A_940 = tpu.memref_slice %arg17[%select_n3A_917] : memref<3x!tpu.dma_semaphore, #tpu.memory_space<semaphore_mem>> -> memref<1x!tpu.dma_semaphore, #tpu.memory_space<semaphore_mem>>
      %dma_start3A_941 = tpu.memref_squeeze %dma_start3A_940 : memref<1x!tpu.dma_semaphore, #tpu.memory_space<semaphore_mem>> -> memref<!tpu.dma_semaphore, #tpu.memory_space<semaphore_mem>>
      tpu.enqueue_indirect_dma source(%dma_start3A_933 : memref<80x128xf32, #tpu.memory_space<vmem>>) target(%dma_start3A_939 : memref<10240x128xf32, #tpu.memory_space<vmem_shared>>) offsets(%dma_start3A_936 : memref<80xi32, #tpu.memory_space<vmem>>) semaphore(%dma_start3A_941 : memref<!tpu.dma_semaphore, #tpu.memory_space<semaphore_mem>>) {add = true}
      %dma_start3A_942 = arith.constant 0 : i32
      %dma_start3A_943 = tpu.memref_slice %arg10[%select_n3A_917, %dma_start3A_942] : memref<3x80xi32, #tpu.memory_space<vmem>> -> memref<1x80xi32, #tpu.memory_space<vmem>>
      %dma_start3A_944 = tpu.memref_squeeze %dma_start3A_943 : memref<1x80xi32, #tpu.memory_space<vmem>> -> memref<80xi32, #tpu.memory_space<vmem>>
      %dma_start3A_945 = arith.constant 0 : i32
      %dma_start3A_946 = tpu.memref_slice %arg14[%dma_start3A_945] : memref<10240xf32, #tpu.memory_space<vmem_shared>> -> memref<10240xf32, #tpu.memory_space<vmem_shared>>
      %dma_start3A_947 = tpu.memref_slice %arg17[%select_n3A_917] : memref<3x!tpu.dma_semaphore, #tpu.memory_space<semaphore_mem>> -> memref<1x!tpu.dma_semaphore, #tpu.memory_space<semaphore_mem>>
      %dma_start3A_948 = tpu.memref_squeeze %dma_start3A_947 : memref<1x!tpu.dma_semaphore, #tpu.memory_space<semaphore_mem>> -> memref<!tpu.dma_semaphore, #tpu.memory_space<semaphore_mem>>
      tpu.enqueue_indirect_dma source(%arg12 : memref<80xf32, #tpu.memory_space<vmem>>) target(%dma_start3A_946 : memref<10240xf32, #tpu.memory_space<vmem_shared>>) offsets(%dma_start3A_944 : memref<80xi32, #tpu.memory_space<vmem>>) semaphore(%dma_start3A_948 : memref<!tpu.dma_semaphore, #tpu.memory_space<semaphore_mem>>) {add = true}
      %dma_wait3A_949 = arith.constant 0 : i32
      %dma_wait3A_950 = arith.constant 0 : i32
      %dma_wait3A_951 = tpu.memref_slice %arg11[%select_n3A_881, %dma_wait3A_949, %dma_wait3A_950] : memref<3x80x128xf32, #tpu.memory_space<vmem>> -> memref<1x80x128xf32, #tpu.memory_space<vmem>>
      %dma_wait3A_952 = tpu.memref_squeeze %dma_wait3A_951 : memref<1x80x128xf32, #tpu.memory_space<vmem>> -> memref<80x128xf32, #tpu.memory_space<vmem>>
      %dma_wait3A_953 = arith.constant 0 : i32
      %dma_wait3A_954 = tpu.memref_slice %arg10[%select_n3A_881, %dma_wait3A_953] : memref<3x80xi32, #tpu.memory_space<vmem>> -> memref<1x80xi32, #tpu.memory_space<vmem>>
      %dma_wait3A_955 = tpu.memref_squeeze %dma_wait3A_954 : memref<1x80xi32, #tpu.memory_space<vmem>> -> memref<80xi32, #tpu.memory_space<vmem>>
      %dma_wait3A_956 = arith.constant 0 : i32
      %dma_wait3A_957 = arith.constant 0 : i32
      %dma_wait3A_958 = tpu.memref_slice %arg13[%dma_wait3A_956, %dma_wait3A_957] : memref<10240x128xf32, #tpu.memory_space<vmem_shared>> -> memref<10240x128xf32, #tpu.memory_space<vmem_shared>>
      %dma_wait3A_959 = tpu.memref_slice %arg17[%select_n3A_881] : memref<3x!tpu.dma_semaphore, #tpu.memory_space<semaphore_mem>> -> memref<1x!tpu.dma_semaphore, #tpu.memory_space<semaphore_mem>>
      %dma_wait3A_960 = tpu.memref_squeeze %dma_wait3A_959 : memref<1x!tpu.dma_semaphore, #tpu.memory_space<semaphore_mem>> -> memref<!tpu.dma_semaphore, #tpu.memory_space<semaphore_mem>>
      tpu.wait_indirect_dma semaphore(%dma_wait3A_960 : memref<!tpu.dma_semaphore, #tpu.memory_space<semaphore_mem>>) src(%dma_wait3A_952 : memref<80x128xf32, #tpu.memory_space<vmem>>) dst(%dma_wait3A_958 : memref<10240x128xf32, #tpu.memory_space<vmem_shared>>)
      %dma_wait3A_961 = arith.constant 0 : i32
      %dma_wait3A_962 = tpu.memref_slice %arg10[%select_n3A_881, %dma_wait3A_961] : memref<3x80xi32, #tpu.memory_space<vmem>> -> memref<1x80xi32, #tpu.memory_space<vmem>>
      %dma_wait3A_963 = tpu.memref_squeeze %dma_wait3A_962 : memref<1x80xi32, #tpu.memory_space<vmem>> -> memref<80xi32, #tpu.memory_space<vmem>>
      %dma_wait3A_964 = arith.constant 0 : i32
      %dma_wait3A_965 = tpu.memref_slice %arg14[%dma_wait3A_964] : memref<10240xf32, #tpu.memory_space<vmem_shared>> -> memref<10240xf32, #tpu.memory_space<vmem_shared>>
      %dma_wait3A_966 = tpu.memref_slice %arg17[%select_n3A_881] : memref<3x!tpu.dma_semaphore, #tpu.memory_space<semaphore_mem>> -> memref<1x!tpu.dma_semaphore, #tpu.memory_space<semaphore_mem>>
      %dma_wait3A_967 = tpu.memref_squeeze %dma_wait3A_966 : memref<1x!tpu.dma_semaphore, #tpu.memory_space<semaphore_mem>> -> memref<!tpu.dma_semaphore, #tpu.memory_space<semaphore_mem>>
      tpu.wait_indirect_dma semaphore(%dma_wait3A_967 : memref<!tpu.dma_semaphore, #tpu.memory_space<semaphore_mem>>) src(%arg12 : memref<80xf32, #tpu.memory_space<vmem>>) dst(%dma_wait3A_965 : memref<10240xf32, #tpu.memory_space<vmem_shared>>)
      %mul3A_968 = arith.constant 10000 : i32
      %mul3A_969 = arith.muli %add3A, %mul3A_968 : i32
      %mul3A_970 = arith.constant 80 : i32
      %mul3A_971 = arith.muli %add3A_865, %mul3A_970 : i32
      %add3A_972 = arith.addi %mul3A_969, %mul3A_971 : i32
      %dma_start3A_973 = arith.constant 0 : i32
      %dma_start3A_974 = tpu.memref_slice %arg9[%select_n3A_881, %dma_start3A_973] : memref<3x80xi32, #tpu.memory_space<vmem>> -> memref<1x80xi32, #tpu.memory_space<vmem>>
      %dma_start3A_975 = tpu.memref_squeeze %dma_start3A_974 : memref<1x80xi32, #tpu.memory_space<vmem>> -> memref<80xi32, #tpu.memory_space<vmem>>
      %dma_start3A_976 = tpu.memref_slice %arg3[%add3A_972] : memref<320000xi32, #tpu.memory_space<hbm>> -> memref<80xi32, #tpu.memory_space<hbm>>
      %dma_start3A_977 = tpu.memref_slice %arg15[%select_n3A_881] : memref<3x!tpu.dma_semaphore, #tpu.memory_space<semaphore_mem>> -> memref<1x!tpu.dma_semaphore, #tpu.memory_space<semaphore_mem>>
      %dma_start3A_978 = tpu.memref_squeeze %dma_start3A_977 : memref<1x!tpu.dma_semaphore, #tpu.memory_space<semaphore_mem>> -> memref<!tpu.dma_semaphore, #tpu.memory_space<semaphore_mem>>
      %dma_start3A_979 = arith.constant 0 : i32
      %dma_start3A_980 = tpu.memref_slice %arg9[%select_n3A_881, %dma_start3A_979] : memref<3x80xi32, #tpu.memory_space<vmem>> -> memref<1x80xi32, #tpu.memory_space<vmem>>
      %dma_start3A_981 = tpu.memref_squeeze %dma_start3A_980 : memref<1x80xi32, #tpu.memory_space<vmem>> -> memref<80xi32, #tpu.memory_space<vmem>>
      %dma_start3A_982 = tpu.memref_slice %arg3[%add3A_972] : memref<320000xi32, #tpu.memory_space<hbm>> -> memref<80xi32, #tpu.memory_space<hbm>>
      tpu.enqueue_dma source(%dma_start3A_982 : memref<80xi32, #tpu.memory_space<hbm>>) target(%dma_start3A_981 : memref<80xi32, #tpu.memory_space<vmem>>) target_semaphore(%dma_start3A_978 : memref<!tpu.dma_semaphore, #tpu.memory_space<semaphore_mem>>)
      %dma_start3A_983 = arith.constant 0 : i32
      %dma_start3A_984 = tpu.memref_slice %arg10[%select_n3A_881, %dma_start3A_983] : memref<3x80xi32, #tpu.memory_space<vmem>> -> memref<1x80xi32, #tpu.memory_space<vmem>>
      %dma_start3A_985 = tpu.memref_squeeze %dma_start3A_984 : memref<1x80xi32, #tpu.memory_space<vmem>> -> memref<80xi32, #tpu.memory_space<vmem>>
      %dma_start3A_986 = tpu.memref_slice %arg4[%add3A_972] : memref<320000xi32, #tpu.memory_space<hbm>> -> memref<80xi32, #tpu.memory_space<hbm>>
      %dma_start3A_987 = tpu.memref_slice %arg15[%select_n3A_881] : memref<3x!tpu.dma_semaphore, #tpu.memory_space<semaphore_mem>> -> memref<1x!tpu.dma_semaphore, #tpu.memory_space<semaphore_mem>>
      %dma_start3A_988 = tpu.memref_squeeze %dma_start3A_987 : memref<1x!tpu.dma_semaphore, #tpu.memory_space<semaphore_mem>> -> memref<!tpu.dma_semaphore, #tpu.memory_space<semaphore_mem>>
      %dma_start3A_989 = arith.constant 0 : i32
      %dma_start3A_990 = tpu.memref_slice %arg10[%select_n3A_881, %dma_start3A_989] : memref<3x80xi32, #tpu.memory_space<vmem>> -> memref<1x80xi32, #tpu.memory_space<vmem>>
      %dma_start3A_991 = tpu.memref_squeeze %dma_start3A_990 : memref<1x80xi32, #tpu.memory_space<vmem>> -> memref<80xi32, #tpu.memory_space<vmem>>
      %dma_start3A_992 = tpu.memref_slice %arg4[%add3A_972] : memref<320000xi32, #tpu.memory_space<hbm>> -> memref<80xi32, #tpu.memory_space<hbm>>
      tpu.enqueue_dma source(%dma_start3A_992 : memref<80xi32, #tpu.memory_space<hbm>>) target(%dma_start3A_991 : memref<80xi32, #tpu.memory_space<vmem>>) target_semaphore(%dma_start3A_988 : memref<!tpu.dma_semaphore, #tpu.memory_space<semaphore_mem>>)
      %dma_wait3A_993 = arith.constant 0 : i32
      %dma_wait3A_994 = tpu.memref_slice %arg9[%select_n3A_899, %dma_wait3A_993] : memref<3x80xi32, #tpu.memory_space<vmem>> -> memref<1x80xi32, #tpu.memory_space<vmem>>
      %dma_wait3A_995 = tpu.memref_squeeze %dma_wait3A_994 : memref<1x80xi32, #tpu.memory_space<vmem>> -> memref<80xi32, #tpu.memory_space<vmem>>
      %dma_wait3A_996 = arith.constant 0 : i32
      %dma_wait3A_997 = tpu.memref_slice %arg3[%dma_wait3A_996] : memref<320000xi32, #tpu.memory_space<hbm>> -> memref<80xi32, #tpu.memory_space<hbm>>
      %dma_wait3A_998 = tpu.memref_slice %arg15[%select_n3A_899] : memref<3x!tpu.dma_semaphore, #tpu.memory_space<semaphore_mem>> -> memref<1x!tpu.dma_semaphore, #tpu.memory_space<semaphore_mem>>
      %dma_wait3A_999 = tpu.memref_squeeze %dma_wait3A_998 : memref<1x!tpu.dma_semaphore, #tpu.memory_space<semaphore_mem>> -> memref<!tpu.dma_semaphore, #tpu.memory_space<semaphore_mem>>
      %dma_wait3A_1000 = arith.constant 0 : i32
      %dma_wait3A_1001 = tpu.memref_slice %arg9[%select_n3A_899, %dma_wait3A_1000] : memref<3x80xi32, #tpu.memory_space<vmem>> -> memref<1x80xi32, #tpu.memory_space<vmem>>
      %dma_wait3A_1002 = tpu.memref_squeeze %dma_wait3A_1001 : memref<1x80xi32, #tpu.memory_space<vmem>> -> memref<80xi32, #tpu.memory_space<vmem>>
      %dma_wait3A_1003 = arith.constant 0 : i32
      %dma_wait3A_1004 = tpu.memref_slice %arg3[%dma_wait3A_1003] : memref<320000xi32, #tpu.memory_space<hbm>> -> memref<80xi32, #tpu.memory_space<hbm>>
      tpu.wait_dma2 semaphore(%dma_wait3A_999 : memref<!tpu.dma_semaphore, #tpu.memory_space<semaphore_mem>>) src(%dma_wait3A_1004 : memref<80xi32, #tpu.memory_space<hbm>>) dst(%dma_wait3A_1002 : memref<80xi32, #tpu.memory_space<vmem>>)
      %dma_wait3A_1005 = arith.constant 0 : i32
      %dma_wait3A_1006 = tpu.memref_slice %arg10[%select_n3A_899, %dma_wait3A_1005] : memref<3x80xi32, #tpu.memory_space<vmem>> -> memref<1x80xi32, #tpu.memory_space<vmem>>
      %dma_wait3A_1007 = tpu.memref_squeeze %dma_wait3A_1006 : memref<1x80xi32, #tpu.memory_space<vmem>> -> memref<80xi32, #tpu.memory_space<vmem>>
      %dma_wait3A_1008 = arith.constant 0 : i32
      %dma_wait3A_1009 = tpu.memref_slice %arg4[%dma_wait3A_1008] : memref<320000xi32, #tpu.memory_space<hbm>> -> memref<80xi32, #tpu.memory_space<hbm>>
      %dma_wait3A_1010 = tpu.memref_slice %arg15[%select_n3A_899] : memref<3x!tpu.dma_semaphore, #tpu.memory_space<semaphore_mem>> -> memref<1x!tpu.dma_semaphore, #tpu.memory_space<semaphore_mem>>
      %dma_wait3A_1011 = tpu.memref_squeeze %dma_wait3A_1010 : memref<1x!tpu.dma_semaphore, #tpu.memory_space<semaphore_mem>> -> memref<!tpu.dma_semaphore, #tpu.memory_space<semaphore_mem>>
      %dma_wait3A_1012 = arith.constant 0 : i32
      %dma_wait3A_1013 = tpu.memref_slice %arg10[%select_n3A_899, %dma_wait3A_1012] : memref<3x80xi32, #tpu.memory_space<vmem>> -> memref<1x80xi32, #tpu.memory_space<vmem>>
      %dma_wait3A_1014 = tpu.memref_squeeze %dma_wait3A_1013 : memref<1x80xi32, #tpu.memory_space<vmem>> -> memref<80xi32, #tpu.memory_space<vmem>>
      %dma_wait3A_1015 = arith.constant 0 : i32
      %dma_wait3A_1016 = tpu.memref_slice %arg4[%dma_wait3A_1015] : memref<320000xi32, #tpu.memory_space<hbm>> -> memref<80xi32, #tpu.memory_space<hbm>>
      tpu.wait_dma2 semaphore(%dma_wait3A_1011 : memref<!tpu.dma_semaphore, #tpu.memory_space<semaphore_mem>>) src(%dma_wait3A_1016 : memref<80xi32, #tpu.memory_space<hbm>>) dst(%dma_wait3A_1014 : memref<80xi32, #tpu.memory_space<vmem>>)
      %dma_start3A_1017 = arith.constant 0 : i32
      %dma_start3A_1018 = arith.constant 0 : i32
      %dma_start3A_1019 = tpu.memref_slice %arg11[%select_n3A_899, %dma_start3A_1017, %dma_start3A_1018] : memref<3x80x128xf32, #tpu.memory_space<vmem>> -> memref<1x80x128xf32, #tpu.memory_space<vmem>>
      %dma_start3A_1020 = tpu.memref_squeeze %dma_start3A_1019 : memref<1x80x128xf32, #tpu.memory_space<vmem>> -> memref<80x128xf32, #tpu.memory_space<vmem>>
      %dma_start3A_1021 = arith.constant 0 : i32
      %dma_start3A_1022 = tpu.memref_slice %arg9[%select_n3A_899, %dma_start3A_1021] : memref<3x80xi32, #tpu.memory_space<vmem>> -> memref<1x80xi32, #tpu.memory_space<vmem>>
      %dma_start3A_1023 = tpu.memref_squeeze %dma_start3A_1022 : memref<1x80xi32, #tpu.memory_space<vmem>> -> memref<80xi32, #tpu.memory_space<vmem>>
      %dma_start3A_1024 = arith.constant 0 : i32
      %dma_start3A_1025 = arith.constant 0 : i32
      %dma_start3A_1026 = tpu.memref_slice %arg2[%dma_start3A_1024, %dma_start3A_1025] : memref<10000x128xf32, #tpu.memory_space<hbm>> -> memref<10000x128xf32, #tpu.memory_space<hbm>>
      %dma_start3A_1027 = tpu.memref_slice %arg16[%select_n3A_899] : memref<3x!tpu.dma_semaphore, #tpu.memory_space<semaphore_mem>> -> memref<1x!tpu.dma_semaphore, #tpu.memory_space<semaphore_mem>>
      %dma_start3A_1028 = tpu.memref_squeeze %dma_start3A_1027 : memref<1x!tpu.dma_semaphore, #tpu.memory_space<semaphore_mem>> -> memref<!tpu.dma_semaphore, #tpu.memory_space<semaphore_mem>>
      tpu.enqueue_indirect_dma source(%dma_start3A_1026 : memref<10000x128xf32, #tpu.memory_space<hbm>>) target(%dma_start3A_1020 : memref<80x128xf32, #tpu.memory_space<vmem>>) offsets(%dma_start3A_1023 : memref<80xi32, #tpu.memory_space<vmem>>) semaphore(%dma_start3A_1028 : memref<!tpu.dma_semaphore, #tpu.memory_space<semaphore_mem>>)
      %add3A_1029 = arith.constant 2 : i32
      %add3A_1030 = arith.addi %add3A_708, %add3A_1029 : i32
      %jit3A_1031 = arith.constant 3 : i32
      %eq3A_1032 = arith.constant 0 : i32
      %eq3A_1033 = arith.cmpi eq, %jit3A_1031, %eq3A_1032 : i32
      %jit3A_1034 = arith.constant 1 : i32
      %select_n3A_1035 = arith.select %eq3A_1033, %jit3A_1034, %jit3A_1031 : i32
      %rem3A_1036 = arith.remsi %add3A_1030, %select_n3A_1035 : i32
      %ne3A_1037 = arith.constant 0 : i32
      %ne3A_1038 = arith.cmpi ne, %rem3A_1036, %ne3A_1037 : i32
      %lt3A_1039 = arith.constant 0 : i32
      %lt3A_1040 = arith.cmpi slt, %rem3A_1036, %lt3A_1039 : i32
      %lt3A_1041 = arith.constant 0 : i32
      %lt3A_1042 = arith.cmpi slt, %select_n3A_1035, %lt3A_1041 : i32
      %ne3A_1043 = arith.xori %lt3A_1040, %lt3A_1042 : i1
      %and3A_1044 = arith.andi %ne3A_1043, %ne3A_1038 : i1
      %add3A_1045 = arith.addi %rem3A_1036, %select_n3A_1035 : i32
      %select_n3A_1046 = arith.select %and3A_1044, %add3A_1045, %rem3A_1036 : i32
      %sub3A_1047 = arith.constant 1 : i32
      %sub3A_1048 = arith.subi %add3A_1030, %sub3A_1047 : i32
      %jit3A_1049 = arith.constant 3 : i32
      %eq3A_1050 = arith.constant 0 : i32
      %eq3A_1051 = arith.cmpi eq, %jit3A_1049, %eq3A_1050 : i32
      %jit3A_1052 = arith.constant 1 : i32
      %select_n3A_1053 = arith.select %eq3A_1051, %jit3A_1052, %jit3A_1049 : i32
      %rem3A_1054 = arith.remsi %sub3A_1048, %select_n3A_1053 : i32
      %ne3A_1055 = arith.constant 0 : i32
      %ne3A_1056 = arith.cmpi ne, %rem3A_1054, %ne3A_1055 : i32
      %lt3A_1057 = arith.constant 0 : i32
      %lt3A_1058 = arith.cmpi slt, %rem3A_1054, %lt3A_1057 : i32
      %lt3A_1059 = arith.constant 0 : i32
      %lt3A_1060 = arith.cmpi slt, %select_n3A_1053, %lt3A_1059 : i32
      %ne3A_1061 = arith.xori %lt3A_1058, %lt3A_1060 : i1
      %and3A_1062 = arith.andi %ne3A_1061, %ne3A_1056 : i1
      %add3A_1063 = arith.addi %rem3A_1054, %select_n3A_1053 : i32
      %select_n3A_1064 = arith.select %and3A_1062, %add3A_1063, %rem3A_1054 : i32
      %sub3A_1065 = arith.constant 2 : i32
      %sub3A_1066 = arith.subi %add3A_1030, %sub3A_1065 : i32
      %jit3A_1067 = arith.constant 3 : i32
      %eq3A_1068 = arith.constant 0 : i32
      %eq3A_1069 = arith.cmpi eq, %jit3A_1067, %eq3A_1068 : i32
      %jit3A_1070 = arith.constant 1 : i32
      %select_n3A_1071 = arith.select %eq3A_1069, %jit3A_1070, %jit3A_1067 : i32
      %rem3A_1072 = arith.remsi %sub3A_1066, %select_n3A_1071 : i32
      %ne3A_1073 = arith.constant 0 : i32
      %ne3A_1074 = arith.cmpi ne, %rem3A_1072, %ne3A_1073 : i32
      %lt3A_1075 = arith.constant 0 : i32
      %lt3A_1076 = arith.cmpi slt, %rem3A_1072, %lt3A_1075 : i32
      %lt3A_1077 = arith.constant 0 : i32
      %lt3A_1078 = arith.cmpi slt, %select_n3A_1071, %lt3A_1077 : i32
      %ne3A_1079 = arith.xori %lt3A_1076, %lt3A_1078 : i1
      %and3A_1080 = arith.andi %ne3A_1079, %ne3A_1074 : i1
      %add3A_1081 = arith.addi %rem3A_1072, %select_n3A_1071 : i32
      %select_n3A_1082 = arith.select %and3A_1080, %add3A_1081, %rem3A_1072 : i32
      %dma_wait3A_1083 = arith.constant 0 : i32
      %dma_wait3A_1084 = arith.constant 0 : i32
      %dma_wait3A_1085 = tpu.memref_slice %arg11[%select_n3A_1082, %dma_wait3A_1083, %dma_wait3A_1084] : memref<3x80x128xf32, #tpu.memory_space<vmem>> -> memref<1x80x128xf32, #tpu.memory_space<vmem>>
      %dma_wait3A_1086 = tpu.memref_squeeze %dma_wait3A_1085 : memref<1x80x128xf32, #tpu.memory_space<vmem>> -> memref<80x128xf32, #tpu.memory_space<vmem>>
      %dma_wait3A_1087 = arith.constant 0 : i32
      %dma_wait3A_1088 = tpu.memref_slice %arg9[%select_n3A_1082, %dma_wait3A_1087] : memref<3x80xi32, #tpu.memory_space<vmem>> -> memref<1x80xi32, #tpu.memory_space<vmem>>
      %dma_wait3A_1089 = tpu.memref_squeeze %dma_wait3A_1088 : memref<1x80xi32, #tpu.memory_space<vmem>> -> memref<80xi32, #tpu.memory_space<vmem>>
      %dma_wait3A_1090 = arith.constant 0 : i32
      %dma_wait3A_1091 = arith.constant 0 : i32
      %dma_wait3A_1092 = tpu.memref_slice %arg2[%dma_wait3A_1090, %dma_wait3A_1091] : memref<10000x128xf32, #tpu.memory_space<hbm>> -> memref<10000x128xf32, #tpu.memory_space<hbm>>
      %dma_wait3A_1093 = tpu.memref_slice %arg16[%select_n3A_1082] : memref<3x!tpu.dma_semaphore, #tpu.memory_space<semaphore_mem>> -> memref<1x!tpu.dma_semaphore, #tpu.memory_space<semaphore_mem>>
      %dma_wait3A_1094 = tpu.memref_squeeze %dma_wait3A_1093 : memref<1x!tpu.dma_semaphore, #tpu.memory_space<semaphore_mem>> -> memref<!tpu.dma_semaphore, #tpu.memory_space<semaphore_mem>>
      tpu.wait_indirect_dma semaphore(%dma_wait3A_1094 : memref<!tpu.dma_semaphore, #tpu.memory_space<semaphore_mem>>) src(%dma_wait3A_1092 : memref<10000x128xf32, #tpu.memory_space<hbm>>) dst(%dma_wait3A_1086 : memref<80x128xf32, #tpu.memory_space<vmem>>)
      %dma_start3A_1095 = arith.constant 0 : i32
      %dma_start3A_1096 = arith.constant 0 : i32
      %dma_start3A_1097 = tpu.memref_slice %arg11[%select_n3A_1082, %dma_start3A_1095, %dma_start3A_1096] : memref<3x80x128xf32, #tpu.memory_space<vmem>> -> memref<1x80x128xf32, #tpu.memory_space<vmem>>
      %dma_start3A_1098 = tpu.memref_squeeze %dma_start3A_1097 : memref<1x80x128xf32, #tpu.memory_space<vmem>> -> memref<80x128xf32, #tpu.memory_space<vmem>>
      %dma_start3A_1099 = arith.constant 0 : i32
      %dma_start3A_1100 = tpu.memref_slice %arg10[%select_n3A_1082, %dma_start3A_1099] : memref<3x80xi32, #tpu.memory_space<vmem>> -> memref<1x80xi32, #tpu.memory_space<vmem>>
      %dma_start3A_1101 = tpu.memref_squeeze %dma_start3A_1100 : memref<1x80xi32, #tpu.memory_space<vmem>> -> memref<80xi32, #tpu.memory_space<vmem>>
      %dma_start3A_1102 = arith.constant 0 : i32
      %dma_start3A_1103 = arith.constant 0 : i32
      %dma_start3A_1104 = tpu.memref_slice %arg13[%dma_start3A_1102, %dma_start3A_1103] : memref<10240x128xf32, #tpu.memory_space<vmem_shared>> -> memref<10240x128xf32, #tpu.memory_space<vmem_shared>>
      %dma_start3A_1105 = tpu.memref_slice %arg17[%select_n3A_1082] : memref<3x!tpu.dma_semaphore, #tpu.memory_space<semaphore_mem>> -> memref<1x!tpu.dma_semaphore, #tpu.memory_space<semaphore_mem>>
      %dma_start3A_1106 = tpu.memref_squeeze %dma_start3A_1105 : memref<1x!tpu.dma_semaphore, #tpu.memory_space<semaphore_mem>> -> memref<!tpu.dma_semaphore, #tpu.memory_space<semaphore_mem>>
      tpu.enqueue_indirect_dma source(%dma_start3A_1098 : memref<80x128xf32, #tpu.memory_space<vmem>>) target(%dma_start3A_1104 : memref<10240x128xf32, #tpu.memory_space<vmem_shared>>) offsets(%dma_start3A_1101 : memref<80xi32, #tpu.memory_space<vmem>>) semaphore(%dma_start3A_1106 : memref<!tpu.dma_semaphore, #tpu.memory_space<semaphore_mem>>) {add = true}
      %dma_start3A_1107 = arith.constant 0 : i32
      %dma_start3A_1108 = tpu.memref_slice %arg10[%select_n3A_1082, %dma_start3A_1107] : memref<3x80xi32, #tpu.memory_space<vmem>> -> memref<1x80xi32, #tpu.memory_space<vmem>>
      %dma_start3A_1109 = tpu.memref_squeeze %dma_start3A_1108 : memref<1x80xi32, #tpu.memory_space<vmem>> -> memref<80xi32, #tpu.memory_space<vmem>>
      %dma_start3A_1110 = arith.constant 0 : i32
      %dma_start3A_1111 = tpu.memref_slice %arg14[%dma_start3A_1110] : memref<10240xf32, #tpu.memory_space<vmem_shared>> -> memref<10240xf32, #tpu.memory_space<vmem_shared>>
      %dma_start3A_1112 = tpu.memref_slice %arg17[%select_n3A_1082] : memref<3x!tpu.dma_semaphore, #tpu.memory_space<semaphore_mem>> -> memref<1x!tpu.dma_semaphore, #tpu.memory_space<semaphore_mem>>
      %dma_start3A_1113 = tpu.memref_squeeze %dma_start3A_1112 : memref<1x!tpu.dma_semaphore, #tpu.memory_space<semaphore_mem>> -> memref<!tpu.dma_semaphore, #tpu.memory_space<semaphore_mem>>
      tpu.enqueue_indirect_dma source(%arg12 : memref<80xf32, #tpu.memory_space<vmem>>) target(%dma_start3A_1111 : memref<10240xf32, #tpu.memory_space<vmem_shared>>) offsets(%dma_start3A_1109 : memref<80xi32, #tpu.memory_space<vmem>>) semaphore(%dma_start3A_1113 : memref<!tpu.dma_semaphore, #tpu.memory_space<semaphore_mem>>) {add = true}
      %dma_wait3A_1114 = arith.constant 0 : i32
      %dma_wait3A_1115 = arith.constant 0 : i32
      %dma_wait3A_1116 = tpu.memref_slice %arg11[%select_n3A_1046, %dma_wait3A_1114, %dma_wait3A_1115] : memref<3x80x128xf32, #tpu.memory_space<vmem>> -> memref<1x80x128xf32, #tpu.memory_space<vmem>>
      %dma_wait3A_1117 = tpu.memref_squeeze %dma_wait3A_1116 : memref<1x80x128xf32, #tpu.memory_space<vmem>> -> memref<80x128xf32, #tpu.memory_space<vmem>>
      %dma_wait3A_1118 = arith.constant 0 : i32
      %dma_wait3A_1119 = tpu.memref_slice %arg10[%select_n3A_1046, %dma_wait3A_1118] : memref<3x80xi32, #tpu.memory_space<vmem>> -> memref<1x80xi32, #tpu.memory_space<vmem>>
      %dma_wait3A_1120 = tpu.memref_squeeze %dma_wait3A_1119 : memref<1x80xi32, #tpu.memory_space<vmem>> -> memref<80xi32, #tpu.memory_space<vmem>>
      %dma_wait3A_1121 = arith.constant 0 : i32
      %dma_wait3A_1122 = arith.constant 0 : i32
      %dma_wait3A_1123 = tpu.memref_slice %arg13[%dma_wait3A_1121, %dma_wait3A_1122] : memref<10240x128xf32, #tpu.memory_space<vmem_shared>> -> memref<10240x128xf32, #tpu.memory_space<vmem_shared>>
      %dma_wait3A_1124 = tpu.memref_slice %arg17[%select_n3A_1046] : memref<3x!tpu.dma_semaphore, #tpu.memory_space<semaphore_mem>> -> memref<1x!tpu.dma_semaphore, #tpu.memory_space<semaphore_mem>>
      %dma_wait3A_1125 = tpu.memref_squeeze %dma_wait3A_1124 : memref<1x!tpu.dma_semaphore, #tpu.memory_space<semaphore_mem>> -> memref<!tpu.dma_semaphore, #tpu.memory_space<semaphore_mem>>
      tpu.wait_indirect_dma semaphore(%dma_wait3A_1125 : memref<!tpu.dma_semaphore, #tpu.memory_space<semaphore_mem>>) src(%dma_wait3A_1117 : memref<80x128xf32, #tpu.memory_space<vmem>>) dst(%dma_wait3A_1123 : memref<10240x128xf32, #tpu.memory_space<vmem_shared>>)
      %dma_wait3A_1126 = arith.constant 0 : i32
      %dma_wait3A_1127 = tpu.memref_slice %arg10[%select_n3A_1046, %dma_wait3A_1126] : memref<3x80xi32, #tpu.memory_space<vmem>> -> memref<1x80xi32, #tpu.memory_space<vmem>>
      %dma_wait3A_1128 = tpu.memref_squeeze %dma_wait3A_1127 : memref<1x80xi32, #tpu.memory_space<vmem>> -> memref<80xi32, #tpu.memory_space<vmem>>
      %dma_wait3A_1129 = arith.constant 0 : i32
      %dma_wait3A_1130 = tpu.memref_slice %arg14[%dma_wait3A_1129] : memref<10240xf32, #tpu.memory_space<vmem_shared>> -> memref<10240xf32, #tpu.memory_space<vmem_shared>>
      %dma_wait3A_1131 = tpu.memref_slice %arg17[%select_n3A_1046] : memref<3x!tpu.dma_semaphore, #tpu.memory_space<semaphore_mem>> -> memref<1x!tpu.dma_semaphore, #tpu.memory_space<semaphore_mem>>
      %dma_wait3A_1132 = tpu.memref_squeeze %dma_wait3A_1131 : memref<1x!tpu.dma_semaphore, #tpu.memory_space<semaphore_mem>> -> memref<!tpu.dma_semaphore, #tpu.memory_space<semaphore_mem>>
      tpu.wait_indirect_dma semaphore(%dma_wait3A_1132 : memref<!tpu.dma_semaphore, #tpu.memory_space<semaphore_mem>>) src(%arg12 : memref<80xf32, #tpu.memory_space<vmem>>) dst(%dma_wait3A_1130 : memref<10240xf32, #tpu.memory_space<vmem_shared>>)
      %mul3A_1133 = arith.constant 10000 : i32
      %mul3A_1134 = arith.muli %add3A, %mul3A_1133 : i32
      %mul3A_1135 = arith.constant 80 : i32
      %mul3A_1136 = arith.muli %add3A_1030, %mul3A_1135 : i32
      %add3A_1137 = arith.addi %mul3A_1134, %mul3A_1136 : i32
      %dma_start3A_1138 = arith.constant 0 : i32
      %dma_start3A_1139 = tpu.memref_slice %arg9[%select_n3A_1046, %dma_start3A_1138] : memref<3x80xi32, #tpu.memory_space<vmem>> -> memref<1x80xi32, #tpu.memory_space<vmem>>
      %dma_start3A_1140 = tpu.memref_squeeze %dma_start3A_1139 : memref<1x80xi32, #tpu.memory_space<vmem>> -> memref<80xi32, #tpu.memory_space<vmem>>
      %dma_start3A_1141 = tpu.memref_slice %arg3[%add3A_1137] : memref<320000xi32, #tpu.memory_space<hbm>> -> memref<80xi32, #tpu.memory_space<hbm>>
      %dma_start3A_1142 = tpu.memref_slice %arg15[%select_n3A_1046] : memref<3x!tpu.dma_semaphore, #tpu.memory_space<semaphore_mem>> -> memref<1x!tpu.dma_semaphore, #tpu.memory_space<semaphore_mem>>
      %dma_start3A_1143 = tpu.memref_squeeze %dma_start3A_1142 : memref<1x!tpu.dma_semaphore, #tpu.memory_space<semaphore_mem>> -> memref<!tpu.dma_semaphore, #tpu.memory_space<semaphore_mem>>
      %dma_start3A_1144 = arith.constant 0 : i32
      %dma_start3A_1145 = tpu.memref_slice %arg9[%select_n3A_1046, %dma_start3A_1144] : memref<3x80xi32, #tpu.memory_space<vmem>> -> memref<1x80xi32, #tpu.memory_space<vmem>>
      %dma_start3A_1146 = tpu.memref_squeeze %dma_start3A_1145 : memref<1x80xi32, #tpu.memory_space<vmem>> -> memref<80xi32, #tpu.memory_space<vmem>>
      %dma_start3A_1147 = tpu.memref_slice %arg3[%add3A_1137] : memref<320000xi32, #tpu.memory_space<hbm>> -> memref<80xi32, #tpu.memory_space<hbm>>
      tpu.enqueue_dma source(%dma_start3A_1147 : memref<80xi32, #tpu.memory_space<hbm>>) target(%dma_start3A_1146 : memref<80xi32, #tpu.memory_space<vmem>>) target_semaphore(%dma_start3A_1143 : memref<!tpu.dma_semaphore, #tpu.memory_space<semaphore_mem>>)
      %dma_start3A_1148 = arith.constant 0 : i32
      %dma_start3A_1149 = tpu.memref_slice %arg10[%select_n3A_1046, %dma_start3A_1148] : memref<3x80xi32, #tpu.memory_space<vmem>> -> memref<1x80xi32, #tpu.memory_space<vmem>>
      %dma_start3A_1150 = tpu.memref_squeeze %dma_start3A_1149 : memref<1x80xi32, #tpu.memory_space<vmem>> -> memref<80xi32, #tpu.memory_space<vmem>>
      %dma_start3A_1151 = tpu.memref_slice %arg4[%add3A_1137] : memref<320000xi32, #tpu.memory_space<hbm>> -> memref<80xi32, #tpu.memory_space<hbm>>
      %dma_start3A_1152 = tpu.memref_slice %arg15[%select_n3A_1046] : memref<3x!tpu.dma_semaphore, #tpu.memory_space<semaphore_mem>> -> memref<1x!tpu.dma_semaphore, #tpu.memory_space<semaphore_mem>>
      %dma_start3A_1153 = tpu.memref_squeeze %dma_start3A_1152 : memref<1x!tpu.dma_semaphore, #tpu.memory_space<semaphore_mem>> -> memref<!tpu.dma_semaphore, #tpu.memory_space<semaphore_mem>>
      %dma_start3A_1154 = arith.constant 0 : i32
      %dma_start3A_1155 = tpu.memref_slice %arg10[%select_n3A_1046, %dma_start3A_1154] : memref<3x80xi32, #tpu.memory_space<vmem>> -> memref<1x80xi32, #tpu.memory_space<vmem>>
      %dma_start3A_1156 = tpu.memref_squeeze %dma_start3A_1155 : memref<1x80xi32, #tpu.memory_space<vmem>> -> memref<80xi32, #tpu.memory_space<vmem>>
      %dma_start3A_1157 = tpu.memref_slice %arg4[%add3A_1137] : memref<320000xi32, #tpu.memory_space<hbm>> -> memref<80xi32, #tpu.memory_space<hbm>>
      tpu.enqueue_dma source(%dma_start3A_1157 : memref<80xi32, #tpu.memory_space<hbm>>) target(%dma_start3A_1156 : memref<80xi32, #tpu.memory_space<vmem>>) target_semaphore(%dma_start3A_1153 : memref<!tpu.dma_semaphore, #tpu.memory_space<semaphore_mem>>)
      %dma_wait3A_1158 = arith.constant 0 : i32
      %dma_wait3A_1159 = tpu.memref_slice %arg9[%select_n3A_1064, %dma_wait3A_1158] : memref<3x80xi32, #tpu.memory_space<vmem>> -> memref<1x80xi32, #tpu.memory_space<vmem>>
      %dma_wait3A_1160 = tpu.memref_squeeze %dma_wait3A_1159 : memref<1x80xi32, #tpu.memory_space<vmem>> -> memref<80xi32, #tpu.memory_space<vmem>>
      %dma_wait3A_1161 = arith.constant 0 : i32
      %dma_wait3A_1162 = tpu.memref_slice %arg3[%dma_wait3A_1161] : memref<320000xi32, #tpu.memory_space<hbm>> -> memref<80xi32, #tpu.memory_space<hbm>>
      %dma_wait3A_1163 = tpu.memref_slice %arg15[%select_n3A_1064] : memref<3x!tpu.dma_semaphore, #tpu.memory_space<semaphore_mem>> -> memref<1x!tpu.dma_semaphore, #tpu.memory_space<semaphore_mem>>
      %dma_wait3A_1164 = tpu.memref_squeeze %dma_wait3A_1163 : memref<1x!tpu.dma_semaphore, #tpu.memory_space<semaphore_mem>> -> memref<!tpu.dma_semaphore, #tpu.memory_space<semaphore_mem>>
      %dma_wait3A_1165 = arith.constant 0 : i32
      %dma_wait3A_1166 = tpu.memref_slice %arg9[%select_n3A_1064, %dma_wait3A_1165] : memref<3x80xi32, #tpu.memory_space<vmem>> -> memref<1x80xi32, #tpu.memory_space<vmem>>
      %dma_wait3A_1167 = tpu.memref_squeeze %dma_wait3A_1166 : memref<1x80xi32, #tpu.memory_space<vmem>> -> memref<80xi32, #tpu.memory_space<vmem>>
      %dma_wait3A_1168 = arith.constant 0 : i32
      %dma_wait3A_1169 = tpu.memref_slice %arg3[%dma_wait3A_1168] : memref<320000xi32, #tpu.memory_space<hbm>> -> memref<80xi32, #tpu.memory_space<hbm>>
      tpu.wait_dma2 semaphore(%dma_wait3A_1164 : memref<!tpu.dma_semaphore, #tpu.memory_space<semaphore_mem>>) src(%dma_wait3A_1169 : memref<80xi32, #tpu.memory_space<hbm>>) dst(%dma_wait3A_1167 : memref<80xi32, #tpu.memory_space<vmem>>)
      %dma_wait3A_1170 = arith.constant 0 : i32
      %dma_wait3A_1171 = tpu.memref_slice %arg10[%select_n3A_1064, %dma_wait3A_1170] : memref<3x80xi32, #tpu.memory_space<vmem>> -> memref<1x80xi32, #tpu.memory_space<vmem>>
      %dma_wait3A_1172 = tpu.memref_squeeze %dma_wait3A_1171 : memref<1x80xi32, #tpu.memory_space<vmem>> -> memref<80xi32, #tpu.memory_space<vmem>>
      %dma_wait3A_1173 = arith.constant 0 : i32
      %dma_wait3A_1174 = tpu.memref_slice %arg4[%dma_wait3A_1173] : memref<320000xi32, #tpu.memory_space<hbm>> -> memref<80xi32, #tpu.memory_space<hbm>>
      %dma_wait3A_1175 = tpu.memref_slice %arg15[%select_n3A_1064] : memref<3x!tpu.dma_semaphore, #tpu.memory_space<semaphore_mem>> -> memref<1x!tpu.dma_semaphore, #tpu.memory_space<semaphore_mem>>
      %dma_wait3A_1176 = tpu.memref_squeeze %dma_wait3A_1175 : memref<1x!tpu.dma_semaphore, #tpu.memory_space<semaphore_mem>> -> memref<!tpu.dma_semaphore, #tpu.memory_space<semaphore_mem>>
      %dma_wait3A_1177 = arith.constant 0 : i32
      %dma_wait3A_1178 = tpu.memref_slice %arg10[%select_n3A_1064, %dma_wait3A_1177] : memref<3x80xi32, #tpu.memory_space<vmem>> -> memref<1x80xi32, #tpu.memory_space<vmem>>
      %dma_wait3A_1179 = tpu.memref_squeeze %dma_wait3A_1178 : memref<1x80xi32, #tpu.memory_space<vmem>> -> memref<80xi32, #tpu.memory_space<vmem>>
      %dma_wait3A_1180 = arith.constant 0 : i32
      %dma_wait3A_1181 = tpu.memref_slice %arg4[%dma_wait3A_1180] : memref<320000xi32, #tpu.memory_space<hbm>> -> memref<80xi32, #tpu.memory_space<hbm>>
      tpu.wait_dma2 semaphore(%dma_wait3A_1176 : memref<!tpu.dma_semaphore, #tpu.memory_space<semaphore_mem>>) src(%dma_wait3A_1181 : memref<80xi32, #tpu.memory_space<hbm>>) dst(%dma_wait3A_1179 : memref<80xi32, #tpu.memory_space<vmem>>)
      %dma_start3A_1182 = arith.constant 0 : i32
      %dma_start3A_1183 = arith.constant 0 : i32
      %dma_start3A_1184 = tpu.memref_slice %arg11[%select_n3A_1064, %dma_start3A_1182, %dma_start3A_1183] : memref<3x80x128xf32, #tpu.memory_space<vmem>> -> memref<1x80x128xf32, #tpu.memory_space<vmem>>
      %dma_start3A_1185 = tpu.memref_squeeze %dma_start3A_1184 : memref<1x80x128xf32, #tpu.memory_space<vmem>> -> memref<80x128xf32, #tpu.memory_space<vmem>>
      %dma_start3A_1186 = arith.constant 0 : i32
      %dma_start3A_1187 = tpu.memref_slice %arg9[%select_n3A_1064, %dma_start3A_1186] : memref<3x80xi32, #tpu.memory_space<vmem>> -> memref<1x80xi32, #tpu.memory_space<vmem>>
      %dma_start3A_1188 = tpu.memref_squeeze %dma_start3A_1187 : memref<1x80xi32, #tpu.memory_space<vmem>> -> memref<80xi32, #tpu.memory_space<vmem>>
      %dma_start3A_1189 = arith.constant 0 : i32
      %dma_start3A_1190 = arith.constant 0 : i32
      %dma_start3A_1191 = tpu.memref_slice %arg2[%dma_start3A_1189, %dma_start3A_1190] : memref<10000x128xf32, #tpu.memory_space<hbm>> -> memref<10000x128xf32, #tpu.memory_space<hbm>>
      %dma_start3A_1192 = tpu.memref_slice %arg16[%select_n3A_1064] : memref<3x!tpu.dma_semaphore, #tpu.memory_space<semaphore_mem>> -> memref<1x!tpu.dma_semaphore, #tpu.memory_space<semaphore_mem>>
      %dma_start3A_1193 = tpu.memref_squeeze %dma_start3A_1192 : memref<1x!tpu.dma_semaphore, #tpu.memory_space<semaphore_mem>> -> memref<!tpu.dma_semaphore, #tpu.memory_space<semaphore_mem>>
      tpu.enqueue_indirect_dma source(%dma_start3A_1191 : memref<10000x128xf32, #tpu.memory_space<hbm>>) target(%dma_start3A_1185 : memref<80x128xf32, #tpu.memory_space<vmem>>) offsets(%dma_start3A_1188 : memref<80xi32, #tpu.memory_space<vmem>>) semaphore(%dma_start3A_1193 : memref<!tpu.dma_semaphore, #tpu.memory_space<semaphore_mem>>)
    }
    %scan3A_509 = arith.constant 40 : i32
    %dma_wait3A_510 = arith.constant 0 : i32
    %dma_wait3A_511 = arith.constant 0 : i32
    %dma_wait3A_512 = arith.constant 0 : i32
    %dma_wait3A_513 = arith.constant 0 : i32
    %dma_wait3A_514 = arith.constant 0 : i32
    %dma_wait3A_515 = tpu.memref_slice %arg11[%dma_wait3A_511, %dma_wait3A_513, %dma_wait3A_514] : memref<3x80x128xf32, #tpu.memory_space<vmem>> -> memref<1x80x128xf32, #tpu.memory_space<vmem>>
    %dma_wait3A_516 = tpu.memref_squeeze %dma_wait3A_515 : memref<1x80x128xf32, #tpu.memory_space<vmem>> -> memref<80x128xf32, #tpu.memory_space<vmem>>
    %dma_wait3A_517 = arith.constant 0 : i32
    %dma_wait3A_518 = tpu.memref_slice %arg9[%dma_wait3A_510, %dma_wait3A_517] : memref<3x80xi32, #tpu.memory_space<vmem>> -> memref<1x80xi32, #tpu.memory_space<vmem>>
    %dma_wait3A_519 = tpu.memref_squeeze %dma_wait3A_518 : memref<1x80xi32, #tpu.memory_space<vmem>> -> memref<80xi32, #tpu.memory_space<vmem>>
    %dma_wait3A_520 = arith.constant 0 : i32
    %dma_wait3A_521 = arith.constant 0 : i32
    %dma_wait3A_522 = tpu.memref_slice %arg2[%dma_wait3A_520, %dma_wait3A_521] : memref<10000x128xf32, #tpu.memory_space<hbm>> -> memref<10000x128xf32, #tpu.memory_space<hbm>>
    %dma_wait3A_523 = tpu.memref_slice %arg16[%dma_wait3A_512] : memref<3x!tpu.dma_semaphore, #tpu.memory_space<semaphore_mem>> -> memref<1x!tpu.dma_semaphore, #tpu.memory_space<semaphore_mem>>
    %dma_wait3A_524 = tpu.memref_squeeze %dma_wait3A_523 : memref<1x!tpu.dma_semaphore, #tpu.memory_space<semaphore_mem>> -> memref<!tpu.dma_semaphore, #tpu.memory_space<semaphore_mem>>
    tpu.wait_indirect_dma semaphore(%dma_wait3A_524 : memref<!tpu.dma_semaphore, #tpu.memory_space<semaphore_mem>>) src(%dma_wait3A_522 : memref<10000x128xf32, #tpu.memory_space<hbm>>) dst(%dma_wait3A_516 : memref<80x128xf32, #tpu.memory_space<vmem>>)
    %dma_start3A_525 = arith.constant 0 : i32
    %dma_start3A_526 = arith.constant 0 : i32
    %dma_start3A_527 = arith.constant 0 : i32
    %dma_start3A_528 = arith.constant 0 : i32
    %dma_start3A_529 = arith.constant 0 : i32
    %dma_start3A_530 = tpu.memref_slice %arg11[%dma_start3A_525, %dma_start3A_528, %dma_start3A_529] : memref<3x80x128xf32, #tpu.memory_space<vmem>> -> memref<1x80x128xf32, #tpu.memory_space<vmem>>
    %dma_start3A_531 = tpu.memref_squeeze %dma_start3A_530 : memref<1x80x128xf32, #tpu.memory_space<vmem>> -> memref<80x128xf32, #tpu.memory_space<vmem>>
    %dma_start3A_532 = arith.constant 0 : i32
    %dma_start3A_533 = tpu.memref_slice %arg10[%dma_start3A_526, %dma_start3A_532] : memref<3x80xi32, #tpu.memory_space<vmem>> -> memref<1x80xi32, #tpu.memory_space<vmem>>
    %dma_start3A_534 = tpu.memref_squeeze %dma_start3A_533 : memref<1x80xi32, #tpu.memory_space<vmem>> -> memref<80xi32, #tpu.memory_space<vmem>>
    %dma_start3A_535 = arith.constant 0 : i32
    %dma_start3A_536 = arith.constant 0 : i32
    %dma_start3A_537 = tpu.memref_slice %arg13[%dma_start3A_535, %dma_start3A_536] : memref<10240x128xf32, #tpu.memory_space<vmem_shared>> -> memref<10240x128xf32, #tpu.memory_space<vmem_shared>>
    %dma_start3A_538 = tpu.memref_slice %arg17[%dma_start3A_527] : memref<3x!tpu.dma_semaphore, #tpu.memory_space<semaphore_mem>> -> memref<1x!tpu.dma_semaphore, #tpu.memory_space<semaphore_mem>>
    %dma_start3A_539 = tpu.memref_squeeze %dma_start3A_538 : memref<1x!tpu.dma_semaphore, #tpu.memory_space<semaphore_mem>> -> memref<!tpu.dma_semaphore, #tpu.memory_space<semaphore_mem>>
    tpu.enqueue_indirect_dma source(%dma_start3A_531 : memref<80x128xf32, #tpu.memory_space<vmem>>) target(%dma_start3A_537 : memref<10240x128xf32, #tpu.memory_space<vmem_shared>>) offsets(%dma_start3A_534 : memref<80xi32, #tpu.memory_space<vmem>>) semaphore(%dma_start3A_539 : memref<!tpu.dma_semaphore, #tpu.memory_space<semaphore_mem>>) {add = true}
    %dma_start3A_540 = arith.constant 0 : i32
    %dma_start3A_541 = arith.constant 0 : i32
    %dma_start3A_542 = arith.constant 0 : i32
    %dma_start3A_543 = tpu.memref_slice %arg10[%dma_start3A_540, %dma_start3A_542] : memref<3x80xi32, #tpu.memory_space<vmem>> -> memref<1x80xi32, #tpu.memory_space<vmem>>
    %dma_start3A_544 = tpu.memref_squeeze %dma_start3A_543 : memref<1x80xi32, #tpu.memory_space<vmem>> -> memref<80xi32, #tpu.memory_space<vmem>>
    %dma_start3A_545 = arith.constant 0 : i32
    %dma_start3A_546 = tpu.memref_slice %arg14[%dma_start3A_545] : memref<10240xf32, #tpu.memory_space<vmem_shared>> -> memref<10240xf32, #tpu.memory_space<vmem_shared>>
    %dma_start3A_547 = tpu.memref_slice %arg17[%dma_start3A_541] : memref<3x!tpu.dma_semaphore, #tpu.memory_space<semaphore_mem>> -> memref<1x!tpu.dma_semaphore, #tpu.memory_space<semaphore_mem>>
    %dma_start3A_548 = tpu.memref_squeeze %dma_start3A_547 : memref<1x!tpu.dma_semaphore, #tpu.memory_space<semaphore_mem>> -> memref<!tpu.dma_semaphore, #tpu.memory_space<semaphore_mem>>
    tpu.enqueue_indirect_dma source(%arg12 : memref<80xf32, #tpu.memory_space<vmem>>) target(%dma_start3A_546 : memref<10240xf32, #tpu.memory_space<vmem_shared>>) offsets(%dma_start3A_544 : memref<80xi32, #tpu.memory_space<vmem>>) semaphore(%dma_start3A_548 : memref<!tpu.dma_semaphore, #tpu.memory_space<semaphore_mem>>) {add = true}
    %dma_wait3A_549 = arith.constant 1 : i32
    %dma_wait3A_550 = arith.constant 1 : i32
    %dma_wait3A_551 = arith.constant 0 : i32
    %dma_wait3A_552 = tpu.memref_slice %arg9[%dma_wait3A_549, %dma_wait3A_551] : memref<3x80xi32, #tpu.memory_space<vmem>> -> memref<1x80xi32, #tpu.memory_space<vmem>>
    %dma_wait3A_553 = tpu.memref_squeeze %dma_wait3A_552 : memref<1x80xi32, #tpu.memory_space<vmem>> -> memref<80xi32, #tpu.memory_space<vmem>>
    %dma_wait3A_554 = arith.constant 0 : i32
    %dma_wait3A_555 = tpu.memref_slice %arg3[%dma_wait3A_554] : memref<320000xi32, #tpu.memory_space<hbm>> -> memref<80xi32, #tpu.memory_space<hbm>>
    %dma_wait3A_556 = tpu.memref_slice %arg15[%dma_wait3A_550] : memref<3x!tpu.dma_semaphore, #tpu.memory_space<semaphore_mem>> -> memref<1x!tpu.dma_semaphore, #tpu.memory_space<semaphore_mem>>
    %dma_wait3A_557 = tpu.memref_squeeze %dma_wait3A_556 : memref<1x!tpu.dma_semaphore, #tpu.memory_space<semaphore_mem>> -> memref<!tpu.dma_semaphore, #tpu.memory_space<semaphore_mem>>
    %dma_wait3A_558 = arith.constant 0 : i32
    %dma_wait3A_559 = tpu.memref_slice %arg9[%dma_wait3A_549, %dma_wait3A_558] : memref<3x80xi32, #tpu.memory_space<vmem>> -> memref<1x80xi32, #tpu.memory_space<vmem>>
    %dma_wait3A_560 = tpu.memref_squeeze %dma_wait3A_559 : memref<1x80xi32, #tpu.memory_space<vmem>> -> memref<80xi32, #tpu.memory_space<vmem>>
    %dma_wait3A_561 = arith.constant 0 : i32
    %dma_wait3A_562 = tpu.memref_slice %arg3[%dma_wait3A_561] : memref<320000xi32, #tpu.memory_space<hbm>> -> memref<80xi32, #tpu.memory_space<hbm>>
    tpu.wait_dma2 semaphore(%dma_wait3A_557 : memref<!tpu.dma_semaphore, #tpu.memory_space<semaphore_mem>>) src(%dma_wait3A_562 : memref<80xi32, #tpu.memory_space<hbm>>) dst(%dma_wait3A_560 : memref<80xi32, #tpu.memory_space<vmem>>)
    %dma_wait3A_563 = arith.constant 1 : i32
    %dma_wait3A_564 = arith.constant 1 : i32
    %dma_wait3A_565 = arith.constant 0 : i32
    %dma_wait3A_566 = tpu.memref_slice %arg10[%dma_wait3A_563, %dma_wait3A_565] : memref<3x80xi32, #tpu.memory_space<vmem>> -> memref<1x80xi32, #tpu.memory_space<vmem>>
    %dma_wait3A_567 = tpu.memref_squeeze %dma_wait3A_566 : memref<1x80xi32, #tpu.memory_space<vmem>> -> memref<80xi32, #tpu.memory_space<vmem>>
    %dma_wait3A_568 = arith.constant 0 : i32
    %dma_wait3A_569 = tpu.memref_slice %arg4[%dma_wait3A_568] : memref<320000xi32, #tpu.memory_space<hbm>> -> memref<80xi32, #tpu.memory_space<hbm>>
    %dma_wait3A_570 = tpu.memref_slice %arg15[%dma_wait3A_564] : memref<3x!tpu.dma_semaphore, #tpu.memory_space<semaphore_mem>> -> memref<1x!tpu.dma_semaphore, #tpu.memory_space<semaphore_mem>>
    %dma_wait3A_571 = tpu.memref_squeeze %dma_wait3A_570 : memref<1x!tpu.dma_semaphore, #tpu.memory_space<semaphore_mem>> -> memref<!tpu.dma_semaphore, #tpu.memory_space<semaphore_mem>>
    %dma_wait3A_572 = arith.constant 0 : i32
    %dma_wait3A_573 = tpu.memref_slice %arg10[%dma_wait3A_563, %dma_wait3A_572] : memref<3x80xi32, #tpu.memory_space<vmem>> -> memref<1x80xi32, #tpu.memory_space<vmem>>
    %dma_wait3A_574 = tpu.memref_squeeze %dma_wait3A_573 : memref<1x80xi32, #tpu.memory_space<vmem>> -> memref<80xi32, #tpu.memory_space<vmem>>
    %dma_wait3A_575 = arith.constant 0 : i32
    %dma_wait3A_576 = tpu.memref_slice %arg4[%dma_wait3A_575] : memref<320000xi32, #tpu.memory_space<hbm>> -> memref<80xi32, #tpu.memory_space<hbm>>
    tpu.wait_dma2 semaphore(%dma_wait3A_571 : memref<!tpu.dma_semaphore, #tpu.memory_space<semaphore_mem>>) src(%dma_wait3A_576 : memref<80xi32, #tpu.memory_space<hbm>>) dst(%dma_wait3A_574 : memref<80xi32, #tpu.memory_space<vmem>>)
    %dma_start3A_577 = arith.constant 1 : i32
    %dma_start3A_578 = arith.constant 1 : i32
    %dma_start3A_579 = arith.constant 1 : i32
    %dma_start3A_580 = arith.constant 0 : i32
    %dma_start3A_581 = arith.constant 0 : i32
    %dma_start3A_582 = tpu.memref_slice %arg11[%dma_start3A_578, %dma_start3A_580, %dma_start3A_581] : memref<3x80x128xf32, #tpu.memory_space<vmem>> -> memref<1x80x128xf32, #tpu.memory_space<vmem>>
    %dma_start3A_583 = tpu.memref_squeeze %dma_start3A_582 : memref<1x80x128xf32, #tpu.memory_space<vmem>> -> memref<80x128xf32, #tpu.memory_space<vmem>>
    %dma_start3A_584 = arith.constant 0 : i32
    %dma_start3A_585 = tpu.memref_slice %arg9[%dma_start3A_577, %dma_start3A_584] : memref<3x80xi32, #tpu.memory_space<vmem>> -> memref<1x80xi32, #tpu.memory_space<vmem>>
    %dma_start3A_586 = tpu.memref_squeeze %dma_start3A_585 : memref<1x80xi32, #tpu.memory_space<vmem>> -> memref<80xi32, #tpu.memory_space<vmem>>
    %dma_start3A_587 = arith.constant 0 : i32
    %dma_start3A_588 = arith.constant 0 : i32
    %dma_start3A_589 = tpu.memref_slice %arg2[%dma_start3A_587, %dma_start3A_588] : memref<10000x128xf32, #tpu.memory_space<hbm>> -> memref<10000x128xf32, #tpu.memory_space<hbm>>
    %dma_start3A_590 = tpu.memref_slice %arg16[%dma_start3A_579] : memref<3x!tpu.dma_semaphore, #tpu.memory_space<semaphore_mem>> -> memref<1x!tpu.dma_semaphore, #tpu.memory_space<semaphore_mem>>
    %dma_start3A_591 = tpu.memref_squeeze %dma_start3A_590 : memref<1x!tpu.dma_semaphore, #tpu.memory_space<semaphore_mem>> -> memref<!tpu.dma_semaphore, #tpu.memory_space<semaphore_mem>>
    tpu.enqueue_indirect_dma source(%dma_start3A_589 : memref<10000x128xf32, #tpu.memory_space<hbm>>) target(%dma_start3A_583 : memref<80x128xf32, #tpu.memory_space<vmem>>) offsets(%dma_start3A_586 : memref<80xi32, #tpu.memory_space<vmem>>) semaphore(%dma_start3A_591 : memref<!tpu.dma_semaphore, #tpu.memory_space<semaphore_mem>>)
    %dma_wait3A_592 = arith.constant 1 : i32
    %dma_wait3A_593 = arith.constant 1 : i32
    %dma_wait3A_594 = arith.constant 1 : i32
    %dma_wait3A_595 = arith.constant 0 : i32
    %dma_wait3A_596 = arith.constant 0 : i32
    %dma_wait3A_597 = tpu.memref_slice %arg11[%dma_wait3A_593, %dma_wait3A_595, %dma_wait3A_596] : memref<3x80x128xf32, #tpu.memory_space<vmem>> -> memref<1x80x128xf32, #tpu.memory_space<vmem>>
    %dma_wait3A_598 = tpu.memref_squeeze %dma_wait3A_597 : memref<1x80x128xf32, #tpu.memory_space<vmem>> -> memref<80x128xf32, #tpu.memory_space<vmem>>
    %dma_wait3A_599 = arith.constant 0 : i32
    %dma_wait3A_600 = tpu.memref_slice %arg9[%dma_wait3A_592, %dma_wait3A_599] : memref<3x80xi32, #tpu.memory_space<vmem>> -> memref<1x80xi32, #tpu.memory_space<vmem>>
    %dma_wait3A_601 = tpu.memref_squeeze %dma_wait3A_600 : memref<1x80xi32, #tpu.memory_space<vmem>> -> memref<80xi32, #tpu.memory_space<vmem>>
    %dma_wait3A_602 = arith.constant 0 : i32
    %dma_wait3A_603 = arith.constant 0 : i32
    %dma_wait3A_604 = tpu.memref_slice %arg2[%dma_wait3A_602, %dma_wait3A_603] : memref<10000x128xf32, #tpu.memory_space<hbm>> -> memref<10000x128xf32, #tpu.memory_space<hbm>>
    %dma_wait3A_605 = tpu.memref_slice %arg16[%dma_wait3A_594] : memref<3x!tpu.dma_semaphore, #tpu.memory_space<semaphore_mem>> -> memref<1x!tpu.dma_semaphore, #tpu.memory_space<semaphore_mem>>
    %dma_wait3A_606 = tpu.memref_squeeze %dma_wait3A_605 : memref<1x!tpu.dma_semaphore, #tpu.memory_space<semaphore_mem>> -> memref<!tpu.dma_semaphore, #tpu.memory_space<semaphore_mem>>
    tpu.wait_indirect_dma semaphore(%dma_wait3A_606 : memref<!tpu.dma_semaphore, #tpu.memory_space<semaphore_mem>>) src(%dma_wait3A_604 : memref<10000x128xf32, #tpu.memory_space<hbm>>) dst(%dma_wait3A_598 : memref<80x128xf32, #tpu.memory_space<vmem>>)
    %dma_start3A_607 = arith.constant 1 : i32
    %dma_start3A_608 = arith.constant 1 : i32
    %dma_start3A_609 = arith.constant 1 : i32
    %dma_start3A_610 = arith.constant 0 : i32
    %dma_start3A_611 = arith.constant 0 : i32
    %dma_start3A_612 = tpu.memref_slice %arg11[%dma_start3A_607, %dma_start3A_610, %dma_start3A_611] : memref<3x80x128xf32, #tpu.memory_space<vmem>> -> memref<1x80x128xf32, #tpu.memory_space<vmem>>
    %dma_start3A_613 = tpu.memref_squeeze %dma_start3A_612 : memref<1x80x128xf32, #tpu.memory_space<vmem>> -> memref<80x128xf32, #tpu.memory_space<vmem>>
    %dma_start3A_614 = arith.constant 0 : i32
    %dma_start3A_615 = tpu.memref_slice %arg10[%dma_start3A_608, %dma_start3A_614] : memref<3x80xi32, #tpu.memory_space<vmem>> -> memref<1x80xi32, #tpu.memory_space<vmem>>
    %dma_start3A_616 = tpu.memref_squeeze %dma_start3A_615 : memref<1x80xi32, #tpu.memory_space<vmem>> -> memref<80xi32, #tpu.memory_space<vmem>>
    %dma_start3A_617 = arith.constant 0 : i32
    %dma_start3A_618 = arith.constant 0 : i32
    %dma_start3A_619 = tpu.memref_slice %arg13[%dma_start3A_617, %dma_start3A_618] : memref<10240x128xf32, #tpu.memory_space<vmem_shared>> -> memref<10240x128xf32, #tpu.memory_space<vmem_shared>>
    %dma_start3A_620 = tpu.memref_slice %arg17[%dma_start3A_609] : memref<3x!tpu.dma_semaphore, #tpu.memory_space<semaphore_mem>> -> memref<1x!tpu.dma_semaphore, #tpu.memory_space<semaphore_mem>>
    %dma_start3A_621 = tpu.memref_squeeze %dma_start3A_620 : memref<1x!tpu.dma_semaphore, #tpu.memory_space<semaphore_mem>> -> memref<!tpu.dma_semaphore, #tpu.memory_space<semaphore_mem>>
    tpu.enqueue_indirect_dma source(%dma_start3A_613 : memref<80x128xf32, #tpu.memory_space<vmem>>) target(%dma_start3A_619 : memref<10240x128xf32, #tpu.memory_space<vmem_shared>>) offsets(%dma_start3A_616 : memref<80xi32, #tpu.memory_space<vmem>>) semaphore(%dma_start3A_621 : memref<!tpu.dma_semaphore, #tpu.memory_space<semaphore_mem>>) {add = true}
    %dma_start3A_622 = arith.constant 1 : i32
    %dma_start3A_623 = arith.constant 1 : i32
    %dma_start3A_624 = arith.constant 0 : i32
    %dma_start3A_625 = tpu.memref_slice %arg10[%dma_start3A_622, %dma_start3A_624] : memref<3x80xi32, #tpu.memory_space<vmem>> -> memref<1x80xi32, #tpu.memory_space<vmem>>
    %dma_start3A_626 = tpu.memref_squeeze %dma_start3A_625 : memref<1x80xi32, #tpu.memory_space<vmem>> -> memref<80xi32, #tpu.memory_space<vmem>>
    %dma_start3A_627 = arith.constant 0 : i32
    %dma_start3A_628 = tpu.memref_slice %arg14[%dma_start3A_627] : memref<10240xf32, #tpu.memory_space<vmem_shared>> -> memref<10240xf32, #tpu.memory_space<vmem_shared>>
    %dma_start3A_629 = tpu.memref_slice %arg17[%dma_start3A_623] : memref<3x!tpu.dma_semaphore, #tpu.memory_space<semaphore_mem>> -> memref<1x!tpu.dma_semaphore, #tpu.memory_space<semaphore_mem>>
    %dma_start3A_630 = tpu.memref_squeeze %dma_start3A_629 : memref<1x!tpu.dma_semaphore, #tpu.memory_space<semaphore_mem>> -> memref<!tpu.dma_semaphore, #tpu.memory_space<semaphore_mem>>
    tpu.enqueue_indirect_dma source(%arg12 : memref<80xf32, #tpu.memory_space<vmem>>) target(%dma_start3A_628 : memref<10240xf32, #tpu.memory_space<vmem_shared>>) offsets(%dma_start3A_626 : memref<80xi32, #tpu.memory_space<vmem>>) semaphore(%dma_start3A_630 : memref<!tpu.dma_semaphore, #tpu.memory_space<semaphore_mem>>) {add = true}
    %dma_wait3A_631 = arith.constant 0 : i32
    %dma_wait3A_632 = arith.constant 0 : i32
    %dma_wait3A_633 = arith.constant 0 : i32
    %dma_wait3A_634 = arith.constant 0 : i32
    %dma_wait3A_635 = arith.constant 0 : i32
    %dma_wait3A_636 = tpu.memref_slice %arg11[%dma_wait3A_631, %dma_wait3A_634, %dma_wait3A_635] : memref<3x80x128xf32, #tpu.memory_space<vmem>> -> memref<1x80x128xf32, #tpu.memory_space<vmem>>
    %dma_wait3A_637 = tpu.memref_squeeze %dma_wait3A_636 : memref<1x80x128xf32, #tpu.memory_space<vmem>> -> memref<80x128xf32, #tpu.memory_space<vmem>>
    %dma_wait3A_638 = arith.constant 0 : i32
    %dma_wait3A_639 = tpu.memref_slice %arg10[%dma_wait3A_632, %dma_wait3A_638] : memref<3x80xi32, #tpu.memory_space<vmem>> -> memref<1x80xi32, #tpu.memory_space<vmem>>
    %dma_wait3A_640 = tpu.memref_squeeze %dma_wait3A_639 : memref<1x80xi32, #tpu.memory_space<vmem>> -> memref<80xi32, #tpu.memory_space<vmem>>
    %dma_wait3A_641 = arith.constant 0 : i32
    %dma_wait3A_642 = arith.constant 0 : i32
    %dma_wait3A_643 = tpu.memref_slice %arg13[%dma_wait3A_641, %dma_wait3A_642] : memref<10240x128xf32, #tpu.memory_space<vmem_shared>> -> memref<10240x128xf32, #tpu.memory_space<vmem_shared>>
    %dma_wait3A_644 = tpu.memref_slice %arg17[%dma_wait3A_633] : memref<3x!tpu.dma_semaphore, #tpu.memory_space<semaphore_mem>> -> memref<1x!tpu.dma_semaphore, #tpu.memory_space<semaphore_mem>>
    %dma_wait3A_645 = tpu.memref_squeeze %dma_wait3A_644 : memref<1x!tpu.dma_semaphore, #tpu.memory_space<semaphore_mem>> -> memref<!tpu.dma_semaphore, #tpu.memory_space<semaphore_mem>>
    tpu.wait_indirect_dma semaphore(%dma_wait3A_645 : memref<!tpu.dma_semaphore, #tpu.memory_space<semaphore_mem>>) src(%dma_wait3A_637 : memref<80x128xf32, #tpu.memory_space<vmem>>) dst(%dma_wait3A_643 : memref<10240x128xf32, #tpu.memory_space<vmem_shared>>)
    %dma_wait3A_646 = arith.constant 0 : i32
    %dma_wait3A_647 = arith.constant 0 : i32
    %dma_wait3A_648 = arith.constant 0 : i32
    %dma_wait3A_649 = tpu.memref_slice %arg10[%dma_wait3A_646, %dma_wait3A_648] : memref<3x80xi32, #tpu.memory_space<vmem>> -> memref<1x80xi32, #tpu.memory_space<vmem>>
    %dma_wait3A_650 = tpu.memref_squeeze %dma_wait3A_649 : memref<1x80xi32, #tpu.memory_space<vmem>> -> memref<80xi32, #tpu.memory_space<vmem>>
    %dma_wait3A_651 = arith.constant 0 : i32
    %dma_wait3A_652 = tpu.memref_slice %arg14[%dma_wait3A_651] : memref<10240xf32, #tpu.memory_space<vmem_shared>> -> memref<10240xf32, #tpu.memory_space<vmem_shared>>
    %dma_wait3A_653 = tpu.memref_slice %arg17[%dma_wait3A_647] : memref<3x!tpu.dma_semaphore, #tpu.memory_space<semaphore_mem>> -> memref<1x!tpu.dma_semaphore, #tpu.memory_space<semaphore_mem>>
    %dma_wait3A_654 = tpu.memref_squeeze %dma_wait3A_653 : memref<1x!tpu.dma_semaphore, #tpu.memory_space<semaphore_mem>> -> memref<!tpu.dma_semaphore, #tpu.memory_space<semaphore_mem>>
    tpu.wait_indirect_dma semaphore(%dma_wait3A_654 : memref<!tpu.dma_semaphore, #tpu.memory_space<semaphore_mem>>) src(%arg12 : memref<80xf32, #tpu.memory_space<vmem>>) dst(%dma_wait3A_652 : memref<10240xf32, #tpu.memory_space<vmem_shared>>)
    %dma_wait3A_655 = arith.constant 1 : i32
    %dma_wait3A_656 = arith.constant 1 : i32
    %dma_wait3A_657 = arith.constant 1 : i32
    %dma_wait3A_658 = arith.constant 0 : i32
    %dma_wait3A_659 = arith.constant 0 : i32
    %dma_wait3A_660 = tpu.memref_slice %arg11[%dma_wait3A_655, %dma_wait3A_658, %dma_wait3A_659] : memref<3x80x128xf32, #tpu.memory_space<vmem>> -> memref<1x80x128xf32, #tpu.memory_space<vmem>>
    %dma_wait3A_661 = tpu.memref_squeeze %dma_wait3A_660 : memref<1x80x128xf32, #tpu.memory_space<vmem>> -> memref<80x128xf32, #tpu.memory_space<vmem>>
    %dma_wait3A_662 = arith.constant 0 : i32
    %dma_wait3A_663 = tpu.memref_slice %arg10[%dma_wait3A_656, %dma_wait3A_662] : memref<3x80xi32, #tpu.memory_space<vmem>> -> memref<1x80xi32, #tpu.memory_space<vmem>>
    %dma_wait3A_664 = tpu.memref_squeeze %dma_wait3A_663 : memref<1x80xi32, #tpu.memory_space<vmem>> -> memref<80xi32, #tpu.memory_space<vmem>>
    %dma_wait3A_665 = arith.constant 0 : i32
    %dma_wait3A_666 = arith.constant 0 : i32
    %dma_wait3A_667 = tpu.memref_slice %arg13[%dma_wait3A_665, %dma_wait3A_666] : memref<10240x128xf32, #tpu.memory_space<vmem_shared>> -> memref<10240x128xf32, #tpu.memory_space<vmem_shared>>
    %dma_wait3A_668 = tpu.memref_slice %arg17[%dma_wait3A_657] : memref<3x!tpu.dma_semaphore, #tpu.memory_space<semaphore_mem>> -> memref<1x!tpu.dma_semaphore, #tpu.memory_space<semaphore_mem>>
    %dma_wait3A_669 = tpu.memref_squeeze %dma_wait3A_668 : memref<1x!tpu.dma_semaphore, #tpu.memory_space<semaphore_mem>> -> memref<!tpu.dma_semaphore, #tpu.memory_space<semaphore_mem>>
    tpu.wait_indirect_dma semaphore(%dma_wait3A_669 : memref<!tpu.dma_semaphore, #tpu.memory_space<semaphore_mem>>) src(%dma_wait3A_661 : memref<80x128xf32, #tpu.memory_space<vmem>>) dst(%dma_wait3A_667 : memref<10240x128xf32, #tpu.memory_space<vmem_shared>>)
    %dma_wait3A_670 = arith.constant 1 : i32
    %dma_wait3A_671 = arith.constant 1 : i32
    %dma_wait3A_672 = arith.constant 0 : i32
    %dma_wait3A_673 = tpu.memref_slice %arg10[%dma_wait3A_670, %dma_wait3A_672] : memref<3x80xi32, #tpu.memory_space<vmem>> -> memref<1x80xi32, #tpu.memory_space<vmem>>
    %dma_wait3A_674 = tpu.memref_squeeze %dma_wait3A_673 : memref<1x80xi32, #tpu.memory_space<vmem>> -> memref<80xi32, #tpu.memory_space<vmem>>
    %dma_wait3A_675 = arith.constant 0 : i32
    %dma_wait3A_676 = tpu.memref_slice %arg14[%dma_wait3A_675] : memref<10240xf32, #tpu.memory_space<vmem_shared>> -> memref<10240xf32, #tpu.memory_space<vmem_shared>>
    %dma_wait3A_677 = tpu.memref_slice %arg17[%dma_wait3A_671] : memref<3x!tpu.dma_semaphore, #tpu.memory_space<semaphore_mem>> -> memref<1x!tpu.dma_semaphore, #tpu.memory_space<semaphore_mem>>
    %dma_wait3A_678 = tpu.memref_squeeze %dma_wait3A_677 : memref<1x!tpu.dma_semaphore, #tpu.memory_space<semaphore_mem>> -> memref<!tpu.dma_semaphore, #tpu.memory_space<semaphore_mem>>
    tpu.wait_indirect_dma semaphore(%dma_wait3A_678 : memref<!tpu.dma_semaphore, #tpu.memory_space<semaphore_mem>>) src(%arg12 : memref<80xf32, #tpu.memory_space<vmem>>) dst(%dma_wait3A_676 : memref<10240xf32, #tpu.memory_space<vmem_shared>>)
    %dma_wait3A_679 = arith.constant 2 : i32
    %dma_wait3A_680 = arith.constant 2 : i32
    %dma_wait3A_681 = arith.constant 2 : i32
    %dma_wait3A_682 = arith.constant 0 : i32
    %dma_wait3A_683 = arith.constant 0 : i32
    %dma_wait3A_684 = tpu.memref_slice %arg11[%dma_wait3A_679, %dma_wait3A_682, %dma_wait3A_683] : memref<3x80x128xf32, #tpu.memory_space<vmem>> -> memref<1x80x128xf32, #tpu.memory_space<vmem>>
    %dma_wait3A_685 = tpu.memref_squeeze %dma_wait3A_684 : memref<1x80x128xf32, #tpu.memory_space<vmem>> -> memref<80x128xf32, #tpu.memory_space<vmem>>
    %dma_wait3A_686 = arith.constant 0 : i32
    %dma_wait3A_687 = tpu.memref_slice %arg10[%dma_wait3A_680, %dma_wait3A_686] : memref<3x80xi32, #tpu.memory_space<vmem>> -> memref<1x80xi32, #tpu.memory_space<vmem>>
    %dma_wait3A_688 = tpu.memref_squeeze %dma_wait3A_687 : memref<1x80xi32, #tpu.memory_space<vmem>> -> memref<80xi32, #tpu.memory_space<vmem>>
    %dma_wait3A_689 = arith.constant 0 : i32
    %dma_wait3A_690 = arith.constant 0 : i32
    %dma_wait3A_691 = tpu.memref_slice %arg13[%dma_wait3A_689, %dma_wait3A_690] : memref<10240x128xf32, #tpu.memory_space<vmem_shared>> -> memref<10240x128xf32, #tpu.memory_space<vmem_shared>>
    %dma_wait3A_692 = tpu.memref_slice %arg17[%dma_wait3A_681] : memref<3x!tpu.dma_semaphore, #tpu.memory_space<semaphore_mem>> -> memref<1x!tpu.dma_semaphore, #tpu.memory_space<semaphore_mem>>
    %dma_wait3A_693 = tpu.memref_squeeze %dma_wait3A_692 : memref<1x!tpu.dma_semaphore, #tpu.memory_space<semaphore_mem>> -> memref<!tpu.dma_semaphore, #tpu.memory_space<semaphore_mem>>
    tpu.wait_indirect_dma semaphore(%dma_wait3A_693 : memref<!tpu.dma_semaphore, #tpu.memory_space<semaphore_mem>>) src(%dma_wait3A_685 : memref<80x128xf32, #tpu.memory_space<vmem>>) dst(%dma_wait3A_691 : memref<10240x128xf32, #tpu.memory_space<vmem_shared>>)
    %dma_wait3A_694 = arith.constant 2 : i32
    %dma_wait3A_695 = arith.constant 2 : i32
    %dma_wait3A_696 = arith.constant 0 : i32
    %dma_wait3A_697 = tpu.memref_slice %arg10[%dma_wait3A_694, %dma_wait3A_696] : memref<3x80xi32, #tpu.memory_space<vmem>> -> memref<1x80xi32, #tpu.memory_space<vmem>>
    %dma_wait3A_698 = tpu.memref_squeeze %dma_wait3A_697 : memref<1x80xi32, #tpu.memory_space<vmem>> -> memref<80xi32, #tpu.memory_space<vmem>>
    %dma_wait3A_699 = arith.constant 0 : i32
    %dma_wait3A_700 = tpu.memref_slice %arg14[%dma_wait3A_699] : memref<10240xf32, #tpu.memory_space<vmem_shared>> -> memref<10240xf32, #tpu.memory_space<vmem_shared>>
    %dma_wait3A_701 = tpu.memref_slice %arg17[%dma_wait3A_695] : memref<3x!tpu.dma_semaphore, #tpu.memory_space<semaphore_mem>> -> memref<1x!tpu.dma_semaphore, #tpu.memory_space<semaphore_mem>>
    %dma_wait3A_702 = tpu.memref_squeeze %dma_wait3A_701 : memref<1x!tpu.dma_semaphore, #tpu.memory_space<semaphore_mem>> -> memref<!tpu.dma_semaphore, #tpu.memory_space<semaphore_mem>>
    tpu.wait_indirect_dma semaphore(%dma_wait3A_702 : memref<!tpu.dma_semaphore, #tpu.memory_space<semaphore_mem>>) src(%arg12 : memref<80xf32, #tpu.memory_space<vmem>>) dst(%dma_wait3A_700 : memref<10240xf32, #tpu.memory_space<vmem_shared>>)
    %barrier3A_703 = arith.constant 0 : index
    tpu.barrier barrier_id(%barrier3A_703)
    "tpu.region"() ({
      %run_scoped3A = tpu.sem_alloc : memref<!tpu.dma_semaphore, #tpu.memory_space<semaphore_mem>>
      %dma_start3A_704 = arith.constant 0 : i32
      %dma_start3A_705 = tpu.memref_slice %arg7[%arg0, %mul3A_2, %dma_start3A_704] : memref<2x10240x128xf32, #tpu.memory_space<hbm>> -> memref<1x640x128xf32, #tpu.memory_space<hbm>>
      %dma_start3A_706 = tpu.memref_squeeze %dma_start3A_705 : memref<1x640x128xf32, #tpu.memory_space<hbm>> -> memref<640x128xf32, #tpu.memory_space<hbm>>
      %dma_start3A_707 = arith.constant 0 : i32
      %dma_start3A_708 = tpu.memref_slice %arg13[%mul3A_2, %dma_start3A_707] : memref<10240x128xf32, #tpu.memory_space<vmem_shared>> -> memref<640x128xf32, #tpu.memory_space<vmem_shared>>
      tpu.enqueue_dma source(%dma_start3A_708 : memref<640x128xf32, #tpu.memory_space<vmem_shared>>) target(%dma_start3A_706 : memref<640x128xf32, #tpu.memory_space<hbm>>) target_semaphore(%run_scoped3A : memref<!tpu.dma_semaphore, #tpu.memory_space<semaphore_mem>>)
      %dma_wait3A_709 = arith.constant 0 : i32
      %dma_wait3A_710 = tpu.memref_slice %arg7[%arg0, %mul3A_2, %dma_wait3A_709] : memref<2x10240x128xf32, #tpu.memory_space<hbm>> -> memref<1x640x128xf32, #tpu.memory_space<hbm>>
      %dma_wait3A_711 = tpu.memref_squeeze %dma_wait3A_710 : memref<1x640x128xf32, #tpu.memory_space<hbm>> -> memref<640x128xf32, #tpu.memory_space<hbm>>
      %dma_wait3A_712 = arith.constant 0 : i32
      %dma_wait3A_713 = tpu.memref_slice %arg13[%mul3A_2, %dma_wait3A_712] : memref<10240x128xf32, #tpu.memory_space<vmem_shared>> -> memref<640x128xf32, #tpu.memory_space<vmem_shared>>
      tpu.wait_dma2 semaphore(%run_scoped3A : memref<!tpu.dma_semaphore, #tpu.memory_space<semaphore_mem>>) src(%dma_wait3A_713 : memref<640x128xf32, #tpu.memory_space<vmem_shared>>) dst(%dma_wait3A_711 : memref<640x128xf32, #tpu.memory_space<hbm>>)
      tpu.yield
    }) : () -> ()
    "tpu.region"() ({
      %run_scoped3A = tpu.sem_alloc : memref<!tpu.dma_semaphore, #tpu.memory_space<semaphore_mem>>
      %dma_start3A_704 = tpu.memref_slice %arg8[%arg0, %mul3A_2] : memref<2x10240xf32, #tpu.memory_space<hbm>> -> memref<1x640xf32, #tpu.memory_space<hbm>>
      %dma_start3A_705 = tpu.memref_squeeze %dma_start3A_704 : memref<1x640xf32, #tpu.memory_space<hbm>> -> memref<640xf32, #tpu.memory_space<hbm>>
      %dma_start3A_706 = tpu.memref_slice %arg14[%mul3A_2] : memref<10240xf32, #tpu.memory_space<vmem_shared>> -> memref<640xf32, #tpu.memory_space<vmem_shared>>
      tpu.enqueue_dma source(%dma_start3A_706 : memref<640xf32, #tpu.memory_space<vmem_shared>>) target(%dma_start3A_705 : memref<640xf32, #tpu.memory_space<hbm>>) target_semaphore(%run_scoped3A : memref<!tpu.dma_semaphore, #tpu.memory_space<semaphore_mem>>)
      %dma_wait3A_707 = tpu.memref_slice %arg8[%arg0, %mul3A_2] : memref<2x10240xf32, #tpu.memory_space<hbm>> -> memref<1x640xf32, #tpu.memory_space<hbm>>
      %dma_wait3A_708 = tpu.memref_squeeze %dma_wait3A_707 : memref<1x640xf32, #tpu.memory_space<hbm>> -> memref<640xf32, #tpu.memory_space<hbm>>
      %dma_wait3A_709 = tpu.memref_slice %arg14[%mul3A_2] : memref<10240xf32, #tpu.memory_space<vmem_shared>> -> memref<640xf32, #tpu.memory_space<vmem_shared>>
      tpu.wait_dma2 semaphore(%run_scoped3A : memref<!tpu.dma_semaphore, #tpu.memory_space<semaphore_mem>>) src(%dma_wait3A_709 : memref<640xf32, #tpu.memory_space<vmem_shared>>) dst(%dma_wait3A_708 : memref<640xf32, #tpu.memory_space<hbm>>)
      tpu.yield
    }) : () -> ()
    return
  }
}

#map = affine_map<(d0, d1) -> (0, 0)>
#map1 = affine_map<(d0, d1) -> (0)>
#map2 = affine_map<(d0, d1) -> (0, 0, 0)>
module attributes {stable_mosaic.version = 14 : i64} {
  func.func @_sc_segsum_kernel(%arg0: i32, %arg1: i32, %arg2: memref<10000x128xf32, #tpu.memory_space<hbm>>, %arg3: memref<320000xi32, #tpu.memory_space<hbm>>, %arg4: memref<320000xi32, #tpu.memory_space<hbm>>, %arg5: memref<640x128xf32, #tpu.memory_space<hbm>>, %arg6: memref<640xf32, #tpu.memory_space<hbm>>, %arg7: memref<2x10240x128xf32, #tpu.memory_space<hbm>>, %arg8: memref<3x80xi32, #tpu.memory_space<vmem>>, %arg9: memref<3x80xi32, #tpu.memory_space<vmem>>, %arg10: memref<3x80x128xf32, #tpu.memory_space<vmem>>, %arg11: memref<80xf32, #tpu.memory_space<vmem>>, %arg12: memref<10240x128xf32, #tpu.memory_space<vmem_shared>>, %arg13: memref<3x!tpu.dma_semaphore, #tpu.memory_space<semaphore_mem>>, %arg14: memref<3x!tpu.dma_semaphore, #tpu.memory_space<semaphore_mem>>, %arg15: memref<3x!tpu.dma_semaphore, #tpu.memory_space<semaphore_mem>>) attributes {dimension_semantics = [#tpu.dimension_semantics<core_parallel>, #tpu.dimension_semantics<subcore_parallel>], iteration_bounds = array<i64: 2, 16>, scalar_prefetch = 0 : i64, scratch_operands = 8 : i64, tpu.core_type = #tpu.core_type<sc_vector_subcore>, window_params = [{transform_indices = #map}, {transform_indices = #map1}, {transform_indices = #map1}, {transform_indices = #map}, {transform_indices = #map1}, {transform_indices = #map2}]} {
    %mul3A = arith.constant 16 : i32
    %mul3A_0 = arith.muli %arg0, %mul3A : i32
    %add3A = arith.addi %mul3A_0, %arg1 : i32
    %mul3A_1 = arith.constant 640 : i32
    %mul3A_2 = arith.muli %arg1, %mul3A_1 : i32
    %mul3A_3 = arith.constant 10000 : i32
    %mul3A_4 = arith.muli %add3A, %mul3A_3 : i32
    %add3A_5 = arith.constant 0 : i32
    %add3A_6 = arith.addi %mul3A_4, %add3A_5 : i32
    %dma_start3A = arith.constant 0 : i32
    %dma_start3A_7 = arith.constant 0 : i32
    %dma_start3A_8 = arith.constant 0 : i32
    %dma_start3A_9 = tpu.memref_slice %arg8[%dma_start3A, %dma_start3A_8] : memref<3x80xi32, #tpu.memory_space<vmem>> -> memref<1x80xi32, #tpu.memory_space<vmem>>
    %dma_start3A_10 = tpu.memref_squeeze %dma_start3A_9 : memref<1x80xi32, #tpu.memory_space<vmem>> -> memref<80xi32, #tpu.memory_space<vmem>>
    %dma_start3A_11 = tpu.memref_slice %arg3[%add3A_6] : memref<320000xi32, #tpu.memory_space<hbm>> -> memref<80xi32, #tpu.memory_space<hbm>>
    %dma_start3A_12 = tpu.memref_slice %arg13[%dma_start3A_7] : memref<3x!tpu.dma_semaphore, #tpu.memory_space<semaphore_mem>> -> memref<1x!tpu.dma_semaphore, #tpu.memory_space<semaphore_mem>>
    %dma_start3A_13 = tpu.memref_squeeze %dma_start3A_12 : memref<1x!tpu.dma_semaphore, #tpu.memory_space<semaphore_mem>> -> memref<!tpu.dma_semaphore, #tpu.memory_space<semaphore_mem>>
    %dma_start3A_14 = arith.constant 0 : i32
    %dma_start3A_15 = tpu.memref_slice %arg8[%dma_start3A, %dma_start3A_14] : memref<3x80xi32, #tpu.memory_space<vmem>> -> memref<1x80xi32, #tpu.memory_space<vmem>>
    %dma_start3A_16 = tpu.memref_squeeze %dma_start3A_15 : memref<1x80xi32, #tpu.memory_space<vmem>> -> memref<80xi32, #tpu.memory_space<vmem>>
    %dma_start3A_17 = tpu.memref_slice %arg3[%add3A_6] : memref<320000xi32, #tpu.memory_space<hbm>> -> memref<80xi32, #tpu.memory_space<hbm>>
    tpu.enqueue_dma source(%dma_start3A_17 : memref<80xi32, #tpu.memory_space<hbm>>) target(%dma_start3A_16 : memref<80xi32, #tpu.memory_space<vmem>>) target_semaphore(%dma_start3A_13 : memref<!tpu.dma_semaphore, #tpu.memory_space<semaphore_mem>>)
    %dma_start3A_18 = arith.constant 0 : i32
    %dma_start3A_19 = arith.constant 0 : i32
    %dma_start3A_20 = arith.constant 0 : i32
    %dma_start3A_21 = tpu.memref_slice %arg9[%dma_start3A_18, %dma_start3A_20] : memref<3x80xi32, #tpu.memory_space<vmem>> -> memref<1x80xi32, #tpu.memory_space<vmem>>
    %dma_start3A_22 = tpu.memref_squeeze %dma_start3A_21 : memref<1x80xi32, #tpu.memory_space<vmem>> -> memref<80xi32, #tpu.memory_space<vmem>>
    %dma_start3A_23 = tpu.memref_slice %arg4[%add3A_6] : memref<320000xi32, #tpu.memory_space<hbm>> -> memref<80xi32, #tpu.memory_space<hbm>>
    %dma_start3A_24 = tpu.memref_slice %arg13[%dma_start3A_19] : memref<3x!tpu.dma_semaphore, #tpu.memory_space<semaphore_mem>> -> memref<1x!tpu.dma_semaphore, #tpu.memory_space<semaphore_mem>>
    %dma_start3A_25 = tpu.memref_squeeze %dma_start3A_24 : memref<1x!tpu.dma_semaphore, #tpu.memory_space<semaphore_mem>> -> memref<!tpu.dma_semaphore, #tpu.memory_space<semaphore_mem>>
    %dma_start3A_26 = arith.constant 0 : i32
    %dma_start3A_27 = tpu.memref_slice %arg9[%dma_start3A_18, %dma_start3A_26] : memref<3x80xi32, #tpu.memory_space<vmem>> -> memref<1x80xi32, #tpu.memory_space<vmem>>
    %dma_start3A_28 = tpu.memref_squeeze %dma_start3A_27 : memref<1x80xi32, #tpu.memory_space<vmem>> -> memref<80xi32, #tpu.memory_space<vmem>>
    %dma_start3A_29 = tpu.memref_slice %arg4[%add3A_6] : memref<320000xi32, #tpu.memory_space<hbm>> -> memref<80xi32, #tpu.memory_space<hbm>>
    tpu.enqueue_dma source(%dma_start3A_29 : memref<80xi32, #tpu.memory_space<hbm>>) target(%dma_start3A_28 : memref<80xi32, #tpu.memory_space<vmem>>) target_semaphore(%dma_start3A_25 : memref<!tpu.dma_semaphore, #tpu.memory_space<semaphore_mem>>)
    %mul3A_30 = arith.constant 10000 : i32
    %mul3A_31 = arith.muli %add3A, %mul3A_30 : i32
    %add3A_32 = arith.constant 80 : i32
    %add3A_33 = arith.addi %mul3A_31, %add3A_32 : i32
    %dma_start3A_34 = arith.constant 1 : i32
    %dma_start3A_35 = arith.constant 1 : i32
    %dma_start3A_36 = arith.constant 0 : i32
    %dma_start3A_37 = tpu.memref_slice %arg8[%dma_start3A_34, %dma_start3A_36] : memref<3x80xi32, #tpu.memory_space<vmem>> -> memref<1x80xi32, #tpu.memory_space<vmem>>
    %dma_start3A_38 = tpu.memref_squeeze %dma_start3A_37 : memref<1x80xi32, #tpu.memory_space<vmem>> -> memref<80xi32, #tpu.memory_space<vmem>>
    %dma_start3A_39 = tpu.memref_slice %arg3[%add3A_33] : memref<320000xi32, #tpu.memory_space<hbm>> -> memref<80xi32, #tpu.memory_space<hbm>>
    %dma_start3A_40 = tpu.memref_slice %arg13[%dma_start3A_35] : memref<3x!tpu.dma_semaphore, #tpu.memory_space<semaphore_mem>> -> memref<1x!tpu.dma_semaphore, #tpu.memory_space<semaphore_mem>>
    %dma_start3A_41 = tpu.memref_squeeze %dma_start3A_40 : memref<1x!tpu.dma_semaphore, #tpu.memory_space<semaphore_mem>> -> memref<!tpu.dma_semaphore, #tpu.memory_space<semaphore_mem>>
    %dma_start3A_42 = arith.constant 0 : i32
    %dma_start3A_43 = tpu.memref_slice %arg8[%dma_start3A_34, %dma_start3A_42] : memref<3x80xi32, #tpu.memory_space<vmem>> -> memref<1x80xi32, #tpu.memory_space<vmem>>
    %dma_start3A_44 = tpu.memref_squeeze %dma_start3A_43 : memref<1x80xi32, #tpu.memory_space<vmem>> -> memref<80xi32, #tpu.memory_space<vmem>>
    %dma_start3A_45 = tpu.memref_slice %arg3[%add3A_33] : memref<320000xi32, #tpu.memory_space<hbm>> -> memref<80xi32, #tpu.memory_space<hbm>>
    tpu.enqueue_dma source(%dma_start3A_45 : memref<80xi32, #tpu.memory_space<hbm>>) target(%dma_start3A_44 : memref<80xi32, #tpu.memory_space<vmem>>) target_semaphore(%dma_start3A_41 : memref<!tpu.dma_semaphore, #tpu.memory_space<semaphore_mem>>)
    %dma_start3A_46 = arith.constant 1 : i32
    %dma_start3A_47 = arith.constant 1 : i32
    %dma_start3A_48 = arith.constant 0 : i32
    %dma_start3A_49 = tpu.memref_slice %arg9[%dma_start3A_46, %dma_start3A_48] : memref<3x80xi32, #tpu.memory_space<vmem>> -> memref<1x80xi32, #tpu.memory_space<vmem>>
    %dma_start3A_50 = tpu.memref_squeeze %dma_start3A_49 : memref<1x80xi32, #tpu.memory_space<vmem>> -> memref<80xi32, #tpu.memory_space<vmem>>
    %dma_start3A_51 = tpu.memref_slice %arg4[%add3A_33] : memref<320000xi32, #tpu.memory_space<hbm>> -> memref<80xi32, #tpu.memory_space<hbm>>
    %dma_start3A_52 = tpu.memref_slice %arg13[%dma_start3A_47] : memref<3x!tpu.dma_semaphore, #tpu.memory_space<semaphore_mem>> -> memref<1x!tpu.dma_semaphore, #tpu.memory_space<semaphore_mem>>
    %dma_start3A_53 = tpu.memref_squeeze %dma_start3A_52 : memref<1x!tpu.dma_semaphore, #tpu.memory_space<semaphore_mem>> -> memref<!tpu.dma_semaphore, #tpu.memory_space<semaphore_mem>>
    %dma_start3A_54 = arith.constant 0 : i32
    %dma_start3A_55 = tpu.memref_slice %arg9[%dma_start3A_46, %dma_start3A_54] : memref<3x80xi32, #tpu.memory_space<vmem>> -> memref<1x80xi32, #tpu.memory_space<vmem>>
    %dma_start3A_56 = tpu.memref_squeeze %dma_start3A_55 : memref<1x80xi32, #tpu.memory_space<vmem>> -> memref<80xi32, #tpu.memory_space<vmem>>
    %dma_start3A_57 = tpu.memref_slice %arg4[%add3A_33] : memref<320000xi32, #tpu.memory_space<hbm>> -> memref<80xi32, #tpu.memory_space<hbm>>
    tpu.enqueue_dma source(%dma_start3A_57 : memref<80xi32, #tpu.memory_space<hbm>>) target(%dma_start3A_56 : memref<80xi32, #tpu.memory_space<vmem>>) target_semaphore(%dma_start3A_53 : memref<!tpu.dma_semaphore, #tpu.memory_space<semaphore_mem>>)
    %dma_wait3A = arith.constant 0 : i32
    %dma_wait3A_58 = arith.constant 0 : i32
    %dma_wait3A_59 = arith.constant 0 : i32
    %dma_wait3A_60 = tpu.memref_slice %arg8[%dma_wait3A, %dma_wait3A_59] : memref<3x80xi32, #tpu.memory_space<vmem>> -> memref<1x80xi32, #tpu.memory_space<vmem>>
    %dma_wait3A_61 = tpu.memref_squeeze %dma_wait3A_60 : memref<1x80xi32, #tpu.memory_space<vmem>> -> memref<80xi32, #tpu.memory_space<vmem>>
    %dma_wait3A_62 = arith.constant 0 : i32
    %dma_wait3A_63 = tpu.memref_slice %arg3[%dma_wait3A_62] : memref<320000xi32, #tpu.memory_space<hbm>> -> memref<80xi32, #tpu.memory_space<hbm>>
    %dma_wait3A_64 = tpu.memref_slice %arg13[%dma_wait3A_58] : memref<3x!tpu.dma_semaphore, #tpu.memory_space<semaphore_mem>> -> memref<1x!tpu.dma_semaphore, #tpu.memory_space<semaphore_mem>>
    %dma_wait3A_65 = tpu.memref_squeeze %dma_wait3A_64 : memref<1x!tpu.dma_semaphore, #tpu.memory_space<semaphore_mem>> -> memref<!tpu.dma_semaphore, #tpu.memory_space<semaphore_mem>>
    %dma_wait3A_66 = arith.constant 0 : i32
    %dma_wait3A_67 = tpu.memref_slice %arg8[%dma_wait3A, %dma_wait3A_66] : memref<3x80xi32, #tpu.memory_space<vmem>> -> memref<1x80xi32, #tpu.memory_space<vmem>>
    %dma_wait3A_68 = tpu.memref_squeeze %dma_wait3A_67 : memref<1x80xi32, #tpu.memory_space<vmem>> -> memref<80xi32, #tpu.memory_space<vmem>>
    %dma_wait3A_69 = arith.constant 0 : i32
    %dma_wait3A_70 = tpu.memref_slice %arg3[%dma_wait3A_69] : memref<320000xi32, #tpu.memory_space<hbm>> -> memref<80xi32, #tpu.memory_space<hbm>>
    tpu.wait_dma2 semaphore(%dma_wait3A_65 : memref<!tpu.dma_semaphore, #tpu.memory_space<semaphore_mem>>) src(%dma_wait3A_70 : memref<80xi32, #tpu.memory_space<hbm>>) dst(%dma_wait3A_68 : memref<80xi32, #tpu.memory_space<vmem>>)
    %dma_wait3A_71 = arith.constant 0 : i32
    %dma_wait3A_72 = arith.constant 0 : i32
    %dma_wait3A_73 = arith.constant 0 : i32
    %dma_wait3A_74 = tpu.memref_slice %arg9[%dma_wait3A_71, %dma_wait3A_73] : memref<3x80xi32, #tpu.memory_space<vmem>> -> memref<1x80xi32, #tpu.memory_space<vmem>>
    %dma_wait3A_75 = tpu.memref_squeeze %dma_wait3A_74 : memref<1x80xi32, #tpu.memory_space<vmem>> -> memref<80xi32, #tpu.memory_space<vmem>>
    %dma_wait3A_76 = arith.constant 0 : i32
    %dma_wait3A_77 = tpu.memref_slice %arg4[%dma_wait3A_76] : memref<320000xi32, #tpu.memory_space<hbm>> -> memref<80xi32, #tpu.memory_space<hbm>>
    %dma_wait3A_78 = tpu.memref_slice %arg13[%dma_wait3A_72] : memref<3x!tpu.dma_semaphore, #tpu.memory_space<semaphore_mem>> -> memref<1x!tpu.dma_semaphore, #tpu.memory_space<semaphore_mem>>
    %dma_wait3A_79 = tpu.memref_squeeze %dma_wait3A_78 : memref<1x!tpu.dma_semaphore, #tpu.memory_space<semaphore_mem>> -> memref<!tpu.dma_semaphore, #tpu.memory_space<semaphore_mem>>
    %dma_wait3A_80 = arith.constant 0 : i32
    %dma_wait3A_81 = tpu.memref_slice %arg9[%dma_wait3A_71, %dma_wait3A_80] : memref<3x80xi32, #tpu.memory_space<vmem>> -> memref<1x80xi32, #tpu.memory_space<vmem>>
    %dma_wait3A_82 = tpu.memref_squeeze %dma_wait3A_81 : memref<1x80xi32, #tpu.memory_space<vmem>> -> memref<80xi32, #tpu.memory_space<vmem>>
    %dma_wait3A_83 = arith.constant 0 : i32
    %dma_wait3A_84 = tpu.memref_slice %arg4[%dma_wait3A_83] : memref<320000xi32, #tpu.memory_space<hbm>> -> memref<80xi32, #tpu.memory_space<hbm>>
    tpu.wait_dma2 semaphore(%dma_wait3A_79 : memref<!tpu.dma_semaphore, #tpu.memory_space<semaphore_mem>>) src(%dma_wait3A_84 : memref<80xi32, #tpu.memory_space<hbm>>) dst(%dma_wait3A_82 : memref<80xi32, #tpu.memory_space<vmem>>)
    %dma_start3A_85 = arith.constant 0 : i32
    %dma_start3A_86 = arith.constant 0 : i32
    %dma_start3A_87 = arith.constant 0 : i32
    %dma_start3A_88 = arith.constant 0 : i32
    %dma_start3A_89 = arith.constant 0 : i32
    %dma_start3A_90 = tpu.memref_slice %arg10[%dma_start3A_86, %dma_start3A_88, %dma_start3A_89] : memref<3x80x128xf32, #tpu.memory_space<vmem>> -> memref<1x80x128xf32, #tpu.memory_space<vmem>>
    %dma_start3A_91 = tpu.memref_squeeze %dma_start3A_90 : memref<1x80x128xf32, #tpu.memory_space<vmem>> -> memref<80x128xf32, #tpu.memory_space<vmem>>
    %dma_start3A_92 = arith.constant 0 : i32
    %dma_start3A_93 = tpu.memref_slice %arg8[%dma_start3A_85, %dma_start3A_92] : memref<3x80xi32, #tpu.memory_space<vmem>> -> memref<1x80xi32, #tpu.memory_space<vmem>>
    %dma_start3A_94 = tpu.memref_squeeze %dma_start3A_93 : memref<1x80xi32, #tpu.memory_space<vmem>> -> memref<80xi32, #tpu.memory_space<vmem>>
    %dma_start3A_95 = arith.constant 0 : i32
    %dma_start3A_96 = arith.constant 0 : i32
    %dma_start3A_97 = tpu.memref_slice %arg2[%dma_start3A_95, %dma_start3A_96] : memref<10000x128xf32, #tpu.memory_space<hbm>> -> memref<10000x128xf32, #tpu.memory_space<hbm>>
    %dma_start3A_98 = tpu.memref_slice %arg14[%dma_start3A_87] : memref<3x!tpu.dma_semaphore, #tpu.memory_space<semaphore_mem>> -> memref<1x!tpu.dma_semaphore, #tpu.memory_space<semaphore_mem>>
    %dma_start3A_99 = tpu.memref_squeeze %dma_start3A_98 : memref<1x!tpu.dma_semaphore, #tpu.memory_space<semaphore_mem>> -> memref<!tpu.dma_semaphore, #tpu.memory_space<semaphore_mem>>
    tpu.enqueue_indirect_dma source(%dma_start3A_97 : memref<10000x128xf32, #tpu.memory_space<hbm>>) target(%dma_start3A_91 : memref<80x128xf32, #tpu.memory_space<vmem>>) offsets(%dma_start3A_94 : memref<80xi32, #tpu.memory_space<vmem>>) semaphore(%dma_start3A_99 : memref<!tpu.dma_semaphore, #tpu.memory_space<semaphore_mem>>)
    "tpu.region"() ({
      %run_scoped3A = tpu.sem_alloc : memref<!tpu.dma_semaphore, #tpu.memory_space<semaphore_mem>>
      %dma_start3A_586 = arith.constant 0 : i32
      %dma_start3A_587 = tpu.memref_slice %arg12[%mul3A_2, %dma_start3A_586] : memref<10240x128xf32, #tpu.memory_space<vmem_shared>> -> memref<640x128xf32, #tpu.memory_space<vmem_shared>>
      tpu.enqueue_dma source(%arg5 : memref<640x128xf32, #tpu.memory_space<hbm>>) target(%dma_start3A_587 : memref<640x128xf32, #tpu.memory_space<vmem_shared>>) target_semaphore(%run_scoped3A : memref<!tpu.dma_semaphore, #tpu.memory_space<semaphore_mem>>)
      %dma_wait3A_588 = arith.constant 0 : i32
      %dma_wait3A_589 = tpu.memref_slice %arg12[%mul3A_2, %dma_wait3A_588] : memref<10240x128xf32, #tpu.memory_space<vmem_shared>> -> memref<640x128xf32, #tpu.memory_space<vmem_shared>>
      tpu.wait_dma2 semaphore(%run_scoped3A : memref<!tpu.dma_semaphore, #tpu.memory_space<semaphore_mem>>) src(%arg5 : memref<640x128xf32, #tpu.memory_space<hbm>>) dst(%dma_wait3A_589 : memref<640x128xf32, #tpu.memory_space<vmem_shared>>)
      tpu.yield
    }) : () -> ()
    %barrier3A = arith.constant 0 : index
    tpu.barrier barrier_id(%barrier3A)
    %dma_wait3A_100 = arith.constant 0 : i32
    %dma_wait3A_101 = arith.constant 0 : i32
    %dma_wait3A_102 = arith.constant 0 : i32
    %dma_wait3A_103 = arith.constant 0 : i32
    %dma_wait3A_104 = arith.constant 0 : i32
    %dma_wait3A_105 = tpu.memref_slice %arg10[%dma_wait3A_101, %dma_wait3A_103, %dma_wait3A_104] : memref<3x80x128xf32, #tpu.memory_space<vmem>> -> memref<1x80x128xf32, #tpu.memory_space<vmem>>
    %dma_wait3A_106 = tpu.memref_squeeze %dma_wait3A_105 : memref<1x80x128xf32, #tpu.memory_space<vmem>> -> memref<80x128xf32, #tpu.memory_space<vmem>>
    %dma_wait3A_107 = arith.constant 0 : i32
    %dma_wait3A_108 = tpu.memref_slice %arg8[%dma_wait3A_100, %dma_wait3A_107] : memref<3x80xi32, #tpu.memory_space<vmem>> -> memref<1x80xi32, #tpu.memory_space<vmem>>
    %dma_wait3A_109 = tpu.memref_squeeze %dma_wait3A_108 : memref<1x80xi32, #tpu.memory_space<vmem>> -> memref<80xi32, #tpu.memory_space<vmem>>
    %dma_wait3A_110 = arith.constant 0 : i32
    %dma_wait3A_111 = arith.constant 0 : i32
    %dma_wait3A_112 = tpu.memref_slice %arg2[%dma_wait3A_110, %dma_wait3A_111] : memref<10000x128xf32, #tpu.memory_space<hbm>> -> memref<10000x128xf32, #tpu.memory_space<hbm>>
    %dma_wait3A_113 = tpu.memref_slice %arg14[%dma_wait3A_102] : memref<3x!tpu.dma_semaphore, #tpu.memory_space<semaphore_mem>> -> memref<1x!tpu.dma_semaphore, #tpu.memory_space<semaphore_mem>>
    %dma_wait3A_114 = tpu.memref_squeeze %dma_wait3A_113 : memref<1x!tpu.dma_semaphore, #tpu.memory_space<semaphore_mem>> -> memref<!tpu.dma_semaphore, #tpu.memory_space<semaphore_mem>>
    tpu.wait_indirect_dma semaphore(%dma_wait3A_114 : memref<!tpu.dma_semaphore, #tpu.memory_space<semaphore_mem>>) src(%dma_wait3A_112 : memref<10000x128xf32, #tpu.memory_space<hbm>>) dst(%dma_wait3A_106 : memref<80x128xf32, #tpu.memory_space<vmem>>)
    %dma_start3A_115 = arith.constant 0 : i32
    %dma_start3A_116 = arith.constant 0 : i32
    %dma_start3A_117 = arith.constant 0 : i32
    %dma_start3A_118 = arith.constant 0 : i32
    %dma_start3A_119 = arith.constant 0 : i32
    %dma_start3A_120 = tpu.memref_slice %arg10[%dma_start3A_115, %dma_start3A_118, %dma_start3A_119] : memref<3x80x128xf32, #tpu.memory_space<vmem>> -> memref<1x80x128xf32, #tpu.memory_space<vmem>>
    %dma_start3A_121 = tpu.memref_squeeze %dma_start3A_120 : memref<1x80x128xf32, #tpu.memory_space<vmem>> -> memref<80x128xf32, #tpu.memory_space<vmem>>
    %dma_start3A_122 = arith.constant 0 : i32
    %dma_start3A_123 = tpu.memref_slice %arg9[%dma_start3A_116, %dma_start3A_122] : memref<3x80xi32, #tpu.memory_space<vmem>> -> memref<1x80xi32, #tpu.memory_space<vmem>>
    %dma_start3A_124 = tpu.memref_squeeze %dma_start3A_123 : memref<1x80xi32, #tpu.memory_space<vmem>> -> memref<80xi32, #tpu.memory_space<vmem>>
    %dma_start3A_125 = arith.constant 0 : i32
    %dma_start3A_126 = arith.constant 0 : i32
    %dma_start3A_127 = tpu.memref_slice %arg12[%dma_start3A_125, %dma_start3A_126] : memref<10240x128xf32, #tpu.memory_space<vmem_shared>> -> memref<10240x128xf32, #tpu.memory_space<vmem_shared>>
    %dma_start3A_128 = tpu.memref_slice %arg15[%dma_start3A_117] : memref<3x!tpu.dma_semaphore, #tpu.memory_space<semaphore_mem>> -> memref<1x!tpu.dma_semaphore, #tpu.memory_space<semaphore_mem>>
    %dma_start3A_129 = tpu.memref_squeeze %dma_start3A_128 : memref<1x!tpu.dma_semaphore, #tpu.memory_space<semaphore_mem>> -> memref<!tpu.dma_semaphore, #tpu.memory_space<semaphore_mem>>
    tpu.enqueue_indirect_dma source(%dma_start3A_121 : memref<80x128xf32, #tpu.memory_space<vmem>>) target(%dma_start3A_127 : memref<10240x128xf32, #tpu.memory_space<vmem_shared>>) offsets(%dma_start3A_124 : memref<80xi32, #tpu.memory_space<vmem>>) semaphore(%dma_start3A_129 : memref<!tpu.dma_semaphore, #tpu.memory_space<semaphore_mem>>) {add = true}
    %mul3A_130 = arith.constant 10000 : i32
    %mul3A_131 = arith.muli %add3A, %mul3A_130 : i32
    %add3A_132 = arith.constant 160 : i32
    %add3A_133 = arith.addi %mul3A_131, %add3A_132 : i32
    %dma_start3A_134 = arith.constant 2 : i32
    %dma_start3A_135 = arith.constant 2 : i32
    %dma_start3A_136 = arith.constant 0 : i32
    %dma_start3A_137 = tpu.memref_slice %arg8[%dma_start3A_134, %dma_start3A_136] : memref<3x80xi32, #tpu.memory_space<vmem>> -> memref<1x80xi32, #tpu.memory_space<vmem>>
    %dma_start3A_138 = tpu.memref_squeeze %dma_start3A_137 : memref<1x80xi32, #tpu.memory_space<vmem>> -> memref<80xi32, #tpu.memory_space<vmem>>
    %dma_start3A_139 = tpu.memref_slice %arg3[%add3A_133] : memref<320000xi32, #tpu.memory_space<hbm>> -> memref<80xi32, #tpu.memory_space<hbm>>
    %dma_start3A_140 = tpu.memref_slice %arg13[%dma_start3A_135] : memref<3x!tpu.dma_semaphore, #tpu.memory_space<semaphore_mem>> -> memref<1x!tpu.dma_semaphore, #tpu.memory_space<semaphore_mem>>
    %dma_start3A_141 = tpu.memref_squeeze %dma_start3A_140 : memref<1x!tpu.dma_semaphore, #tpu.memory_space<semaphore_mem>> -> memref<!tpu.dma_semaphore, #tpu.memory_space<semaphore_mem>>
    %dma_start3A_142 = arith.constant 0 : i32
    %dma_start3A_143 = tpu.memref_slice %arg8[%dma_start3A_134, %dma_start3A_142] : memref<3x80xi32, #tpu.memory_space<vmem>> -> memref<1x80xi32, #tpu.memory_space<vmem>>
    %dma_start3A_144 = tpu.memref_squeeze %dma_start3A_143 : memref<1x80xi32, #tpu.memory_space<vmem>> -> memref<80xi32, #tpu.memory_space<vmem>>
    %dma_start3A_145 = tpu.memref_slice %arg3[%add3A_133] : memref<320000xi32, #tpu.memory_space<hbm>> -> memref<80xi32, #tpu.memory_space<hbm>>
    tpu.enqueue_dma source(%dma_start3A_145 : memref<80xi32, #tpu.memory_space<hbm>>) target(%dma_start3A_144 : memref<80xi32, #tpu.memory_space<vmem>>) target_semaphore(%dma_start3A_141 : memref<!tpu.dma_semaphore, #tpu.memory_space<semaphore_mem>>)
    %dma_start3A_146 = arith.constant 2 : i32
    %dma_start3A_147 = arith.constant 2 : i32
    %dma_start3A_148 = arith.constant 0 : i32
    %dma_start3A_149 = tpu.memref_slice %arg9[%dma_start3A_146, %dma_start3A_148] : memref<3x80xi32, #tpu.memory_space<vmem>> -> memref<1x80xi32, #tpu.memory_space<vmem>>
    %dma_start3A_150 = tpu.memref_squeeze %dma_start3A_149 : memref<1x80xi32, #tpu.memory_space<vmem>> -> memref<80xi32, #tpu.memory_space<vmem>>
    %dma_start3A_151 = tpu.memref_slice %arg4[%add3A_133] : memref<320000xi32, #tpu.memory_space<hbm>> -> memref<80xi32, #tpu.memory_space<hbm>>
    %dma_start3A_152 = tpu.memref_slice %arg13[%dma_start3A_147] : memref<3x!tpu.dma_semaphore, #tpu.memory_space<semaphore_mem>> -> memref<1x!tpu.dma_semaphore, #tpu.memory_space<semaphore_mem>>
    %dma_start3A_153 = tpu.memref_squeeze %dma_start3A_152 : memref<1x!tpu.dma_semaphore, #tpu.memory_space<semaphore_mem>> -> memref<!tpu.dma_semaphore, #tpu.memory_space<semaphore_mem>>
    %dma_start3A_154 = arith.constant 0 : i32
    %dma_start3A_155 = tpu.memref_slice %arg9[%dma_start3A_146, %dma_start3A_154] : memref<3x80xi32, #tpu.memory_space<vmem>> -> memref<1x80xi32, #tpu.memory_space<vmem>>
    %dma_start3A_156 = tpu.memref_squeeze %dma_start3A_155 : memref<1x80xi32, #tpu.memory_space<vmem>> -> memref<80xi32, #tpu.memory_space<vmem>>
    %dma_start3A_157 = tpu.memref_slice %arg4[%add3A_133] : memref<320000xi32, #tpu.memory_space<hbm>> -> memref<80xi32, #tpu.memory_space<hbm>>
    tpu.enqueue_dma source(%dma_start3A_157 : memref<80xi32, #tpu.memory_space<hbm>>) target(%dma_start3A_156 : memref<80xi32, #tpu.memory_space<vmem>>) target_semaphore(%dma_start3A_153 : memref<!tpu.dma_semaphore, #tpu.memory_space<semaphore_mem>>)
    %dma_wait3A_158 = arith.constant 1 : i32
    %dma_wait3A_159 = arith.constant 1 : i32
    %dma_wait3A_160 = arith.constant 0 : i32
    %dma_wait3A_161 = tpu.memref_slice %arg8[%dma_wait3A_158, %dma_wait3A_160] : memref<3x80xi32, #tpu.memory_space<vmem>> -> memref<1x80xi32, #tpu.memory_space<vmem>>
    %dma_wait3A_162 = tpu.memref_squeeze %dma_wait3A_161 : memref<1x80xi32, #tpu.memory_space<vmem>> -> memref<80xi32, #tpu.memory_space<vmem>>
    %dma_wait3A_163 = arith.constant 0 : i32
    %dma_wait3A_164 = tpu.memref_slice %arg3[%dma_wait3A_163] : memref<320000xi32, #tpu.memory_space<hbm>> -> memref<80xi32, #tpu.memory_space<hbm>>
    %dma_wait3A_165 = tpu.memref_slice %arg13[%dma_wait3A_159] : memref<3x!tpu.dma_semaphore, #tpu.memory_space<semaphore_mem>> -> memref<1x!tpu.dma_semaphore, #tpu.memory_space<semaphore_mem>>
    %dma_wait3A_166 = tpu.memref_squeeze %dma_wait3A_165 : memref<1x!tpu.dma_semaphore, #tpu.memory_space<semaphore_mem>> -> memref<!tpu.dma_semaphore, #tpu.memory_space<semaphore_mem>>
    %dma_wait3A_167 = arith.constant 0 : i32
    %dma_wait3A_168 = tpu.memref_slice %arg8[%dma_wait3A_158, %dma_wait3A_167] : memref<3x80xi32, #tpu.memory_space<vmem>> -> memref<1x80xi32, #tpu.memory_space<vmem>>
    %dma_wait3A_169 = tpu.memref_squeeze %dma_wait3A_168 : memref<1x80xi32, #tpu.memory_space<vmem>> -> memref<80xi32, #tpu.memory_space<vmem>>
    %dma_wait3A_170 = arith.constant 0 : i32
    %dma_wait3A_171 = tpu.memref_slice %arg3[%dma_wait3A_170] : memref<320000xi32, #tpu.memory_space<hbm>> -> memref<80xi32, #tpu.memory_space<hbm>>
    tpu.wait_dma2 semaphore(%dma_wait3A_166 : memref<!tpu.dma_semaphore, #tpu.memory_space<semaphore_mem>>) src(%dma_wait3A_171 : memref<80xi32, #tpu.memory_space<hbm>>) dst(%dma_wait3A_169 : memref<80xi32, #tpu.memory_space<vmem>>)
    %dma_wait3A_172 = arith.constant 1 : i32
    %dma_wait3A_173 = arith.constant 1 : i32
    %dma_wait3A_174 = arith.constant 0 : i32
    %dma_wait3A_175 = tpu.memref_slice %arg9[%dma_wait3A_172, %dma_wait3A_174] : memref<3x80xi32, #tpu.memory_space<vmem>> -> memref<1x80xi32, #tpu.memory_space<vmem>>
    %dma_wait3A_176 = tpu.memref_squeeze %dma_wait3A_175 : memref<1x80xi32, #tpu.memory_space<vmem>> -> memref<80xi32, #tpu.memory_space<vmem>>
    %dma_wait3A_177 = arith.constant 0 : i32
    %dma_wait3A_178 = tpu.memref_slice %arg4[%dma_wait3A_177] : memref<320000xi32, #tpu.memory_space<hbm>> -> memref<80xi32, #tpu.memory_space<hbm>>
    %dma_wait3A_179 = tpu.memref_slice %arg13[%dma_wait3A_173] : memref<3x!tpu.dma_semaphore, #tpu.memory_space<semaphore_mem>> -> memref<1x!tpu.dma_semaphore, #tpu.memory_space<semaphore_mem>>
    %dma_wait3A_180 = tpu.memref_squeeze %dma_wait3A_179 : memref<1x!tpu.dma_semaphore, #tpu.memory_space<semaphore_mem>> -> memref<!tpu.dma_semaphore, #tpu.memory_space<semaphore_mem>>
    %dma_wait3A_181 = arith.constant 0 : i32
    %dma_wait3A_182 = tpu.memref_slice %arg9[%dma_wait3A_172, %dma_wait3A_181] : memref<3x80xi32, #tpu.memory_space<vmem>> -> memref<1x80xi32, #tpu.memory_space<vmem>>
    %dma_wait3A_183 = tpu.memref_squeeze %dma_wait3A_182 : memref<1x80xi32, #tpu.memory_space<vmem>> -> memref<80xi32, #tpu.memory_space<vmem>>
    %dma_wait3A_184 = arith.constant 0 : i32
    %dma_wait3A_185 = tpu.memref_slice %arg4[%dma_wait3A_184] : memref<320000xi32, #tpu.memory_space<hbm>> -> memref<80xi32, #tpu.memory_space<hbm>>
    tpu.wait_dma2 semaphore(%dma_wait3A_180 : memref<!tpu.dma_semaphore, #tpu.memory_space<semaphore_mem>>) src(%dma_wait3A_185 : memref<80xi32, #tpu.memory_space<hbm>>) dst(%dma_wait3A_183 : memref<80xi32, #tpu.memory_space<vmem>>)
    %dma_start3A_186 = arith.constant 1 : i32
    %dma_start3A_187 = arith.constant 1 : i32
    %dma_start3A_188 = arith.constant 1 : i32
    %dma_start3A_189 = arith.constant 0 : i32
    %dma_start3A_190 = arith.constant 0 : i32
    %dma_start3A_191 = tpu.memref_slice %arg10[%dma_start3A_187, %dma_start3A_189, %dma_start3A_190] : memref<3x80x128xf32, #tpu.memory_space<vmem>> -> memref<1x80x128xf32, #tpu.memory_space<vmem>>
    %dma_start3A_192 = tpu.memref_squeeze %dma_start3A_191 : memref<1x80x128xf32, #tpu.memory_space<vmem>> -> memref<80x128xf32, #tpu.memory_space<vmem>>
    %dma_start3A_193 = arith.constant 0 : i32
    %dma_start3A_194 = tpu.memref_slice %arg8[%dma_start3A_186, %dma_start3A_193] : memref<3x80xi32, #tpu.memory_space<vmem>> -> memref<1x80xi32, #tpu.memory_space<vmem>>
    %dma_start3A_195 = tpu.memref_squeeze %dma_start3A_194 : memref<1x80xi32, #tpu.memory_space<vmem>> -> memref<80xi32, #tpu.memory_space<vmem>>
    %dma_start3A_196 = arith.constant 0 : i32
    %dma_start3A_197 = arith.constant 0 : i32
    %dma_start3A_198 = tpu.memref_slice %arg2[%dma_start3A_196, %dma_start3A_197] : memref<10000x128xf32, #tpu.memory_space<hbm>> -> memref<10000x128xf32, #tpu.memory_space<hbm>>
    %dma_start3A_199 = tpu.memref_slice %arg14[%dma_start3A_188] : memref<3x!tpu.dma_semaphore, #tpu.memory_space<semaphore_mem>> -> memref<1x!tpu.dma_semaphore, #tpu.memory_space<semaphore_mem>>
    %dma_start3A_200 = tpu.memref_squeeze %dma_start3A_199 : memref<1x!tpu.dma_semaphore, #tpu.memory_space<semaphore_mem>> -> memref<!tpu.dma_semaphore, #tpu.memory_space<semaphore_mem>>
    tpu.enqueue_indirect_dma source(%dma_start3A_198 : memref<10000x128xf32, #tpu.memory_space<hbm>>) target(%dma_start3A_192 : memref<80x128xf32, #tpu.memory_space<vmem>>) offsets(%dma_start3A_195 : memref<80xi32, #tpu.memory_space<vmem>>) semaphore(%dma_start3A_200 : memref<!tpu.dma_semaphore, #tpu.memory_space<semaphore_mem>>)
    %dma_wait3A_201 = arith.constant 1 : i32
    %dma_wait3A_202 = arith.constant 1 : i32
    %dma_wait3A_203 = arith.constant 1 : i32
    %dma_wait3A_204 = arith.constant 0 : i32
    %dma_wait3A_205 = arith.constant 0 : i32
    %dma_wait3A_206 = tpu.memref_slice %arg10[%dma_wait3A_202, %dma_wait3A_204, %dma_wait3A_205] : memref<3x80x128xf32, #tpu.memory_space<vmem>> -> memref<1x80x128xf32, #tpu.memory_space<vmem>>
    %dma_wait3A_207 = tpu.memref_squeeze %dma_wait3A_206 : memref<1x80x128xf32, #tpu.memory_space<vmem>> -> memref<80x128xf32, #tpu.memory_space<vmem>>
    %dma_wait3A_208 = arith.constant 0 : i32
    %dma_wait3A_209 = tpu.memref_slice %arg8[%dma_wait3A_201, %dma_wait3A_208] : memref<3x80xi32, #tpu.memory_space<vmem>> -> memref<1x80xi32, #tpu.memory_space<vmem>>
    %dma_wait3A_210 = tpu.memref_squeeze %dma_wait3A_209 : memref<1x80xi32, #tpu.memory_space<vmem>> -> memref<80xi32, #tpu.memory_space<vmem>>
    %dma_wait3A_211 = arith.constant 0 : i32
    %dma_wait3A_212 = arith.constant 0 : i32
    %dma_wait3A_213 = tpu.memref_slice %arg2[%dma_wait3A_211, %dma_wait3A_212] : memref<10000x128xf32, #tpu.memory_space<hbm>> -> memref<10000x128xf32, #tpu.memory_space<hbm>>
    %dma_wait3A_214 = tpu.memref_slice %arg14[%dma_wait3A_203] : memref<3x!tpu.dma_semaphore, #tpu.memory_space<semaphore_mem>> -> memref<1x!tpu.dma_semaphore, #tpu.memory_space<semaphore_mem>>
    %dma_wait3A_215 = tpu.memref_squeeze %dma_wait3A_214 : memref<1x!tpu.dma_semaphore, #tpu.memory_space<semaphore_mem>> -> memref<!tpu.dma_semaphore, #tpu.memory_space<semaphore_mem>>
    tpu.wait_indirect_dma semaphore(%dma_wait3A_215 : memref<!tpu.dma_semaphore, #tpu.memory_space<semaphore_mem>>) src(%dma_wait3A_213 : memref<10000x128xf32, #tpu.memory_space<hbm>>) dst(%dma_wait3A_207 : memref<80x128xf32, #tpu.memory_space<vmem>>)
    %dma_start3A_216 = arith.constant 1 : i32
    %dma_start3A_217 = arith.constant 1 : i32
    %dma_start3A_218 = arith.constant 1 : i32
    %dma_start3A_219 = arith.constant 0 : i32
    %dma_start3A_220 = arith.constant 0 : i32
    %dma_start3A_221 = tpu.memref_slice %arg10[%dma_start3A_216, %dma_start3A_219, %dma_start3A_220] : memref<3x80x128xf32, #tpu.memory_space<vmem>> -> memref<1x80x128xf32, #tpu.memory_space<vmem>>
    %dma_start3A_222 = tpu.memref_squeeze %dma_start3A_221 : memref<1x80x128xf32, #tpu.memory_space<vmem>> -> memref<80x128xf32, #tpu.memory_space<vmem>>
    %dma_start3A_223 = arith.constant 0 : i32
    %dma_start3A_224 = tpu.memref_slice %arg9[%dma_start3A_217, %dma_start3A_223] : memref<3x80xi32, #tpu.memory_space<vmem>> -> memref<1x80xi32, #tpu.memory_space<vmem>>
    %dma_start3A_225 = tpu.memref_squeeze %dma_start3A_224 : memref<1x80xi32, #tpu.memory_space<vmem>> -> memref<80xi32, #tpu.memory_space<vmem>>
    %dma_start3A_226 = arith.constant 0 : i32
    %dma_start3A_227 = arith.constant 0 : i32
    %dma_start3A_228 = tpu.memref_slice %arg12[%dma_start3A_226, %dma_start3A_227] : memref<10240x128xf32, #tpu.memory_space<vmem_shared>> -> memref<10240x128xf32, #tpu.memory_space<vmem_shared>>
    %dma_start3A_229 = tpu.memref_slice %arg15[%dma_start3A_218] : memref<3x!tpu.dma_semaphore, #tpu.memory_space<semaphore_mem>> -> memref<1x!tpu.dma_semaphore, #tpu.memory_space<semaphore_mem>>
    %dma_start3A_230 = tpu.memref_squeeze %dma_start3A_229 : memref<1x!tpu.dma_semaphore, #tpu.memory_space<semaphore_mem>> -> memref<!tpu.dma_semaphore, #tpu.memory_space<semaphore_mem>>
    tpu.enqueue_indirect_dma source(%dma_start3A_222 : memref<80x128xf32, #tpu.memory_space<vmem>>) target(%dma_start3A_228 : memref<10240x128xf32, #tpu.memory_space<vmem_shared>>) offsets(%dma_start3A_225 : memref<80xi32, #tpu.memory_space<vmem>>) semaphore(%dma_start3A_230 : memref<!tpu.dma_semaphore, #tpu.memory_space<semaphore_mem>>) {add = true}
    %dma_wait3A_231 = arith.constant 0 : i32
    %dma_wait3A_232 = arith.constant 0 : i32
    %dma_wait3A_233 = arith.constant 0 : i32
    %dma_wait3A_234 = arith.constant 0 : i32
    %dma_wait3A_235 = arith.constant 0 : i32
    %dma_wait3A_236 = tpu.memref_slice %arg10[%dma_wait3A_231, %dma_wait3A_234, %dma_wait3A_235] : memref<3x80x128xf32, #tpu.memory_space<vmem>> -> memref<1x80x128xf32, #tpu.memory_space<vmem>>
    %dma_wait3A_237 = tpu.memref_squeeze %dma_wait3A_236 : memref<1x80x128xf32, #tpu.memory_space<vmem>> -> memref<80x128xf32, #tpu.memory_space<vmem>>
    %dma_wait3A_238 = arith.constant 0 : i32
    %dma_wait3A_239 = tpu.memref_slice %arg9[%dma_wait3A_232, %dma_wait3A_238] : memref<3x80xi32, #tpu.memory_space<vmem>> -> memref<1x80xi32, #tpu.memory_space<vmem>>
    %dma_wait3A_240 = tpu.memref_squeeze %dma_wait3A_239 : memref<1x80xi32, #tpu.memory_space<vmem>> -> memref<80xi32, #tpu.memory_space<vmem>>
    %dma_wait3A_241 = arith.constant 0 : i32
    %dma_wait3A_242 = arith.constant 0 : i32
    %dma_wait3A_243 = tpu.memref_slice %arg12[%dma_wait3A_241, %dma_wait3A_242] : memref<10240x128xf32, #tpu.memory_space<vmem_shared>> -> memref<10240x128xf32, #tpu.memory_space<vmem_shared>>
    %dma_wait3A_244 = tpu.memref_slice %arg15[%dma_wait3A_233] : memref<3x!tpu.dma_semaphore, #tpu.memory_space<semaphore_mem>> -> memref<1x!tpu.dma_semaphore, #tpu.memory_space<semaphore_mem>>
    %dma_wait3A_245 = tpu.memref_squeeze %dma_wait3A_244 : memref<1x!tpu.dma_semaphore, #tpu.memory_space<semaphore_mem>> -> memref<!tpu.dma_semaphore, #tpu.memory_space<semaphore_mem>>
    tpu.wait_indirect_dma semaphore(%dma_wait3A_245 : memref<!tpu.dma_semaphore, #tpu.memory_space<semaphore_mem>>) src(%dma_wait3A_237 : memref<80x128xf32, #tpu.memory_space<vmem>>) dst(%dma_wait3A_243 : memref<10240x128xf32, #tpu.memory_space<vmem_shared>>)
    %mul3A_246 = arith.constant 10000 : i32
    %mul3A_247 = arith.muli %add3A, %mul3A_246 : i32
    %add3A_248 = arith.constant 240 : i32
    %add3A_249 = arith.addi %mul3A_247, %add3A_248 : i32
    %dma_start3A_250 = arith.constant 0 : i32
    %dma_start3A_251 = arith.constant 0 : i32
    %dma_start3A_252 = arith.constant 0 : i32
    %dma_start3A_253 = tpu.memref_slice %arg8[%dma_start3A_250, %dma_start3A_252] : memref<3x80xi32, #tpu.memory_space<vmem>> -> memref<1x80xi32, #tpu.memory_space<vmem>>
    %dma_start3A_254 = tpu.memref_squeeze %dma_start3A_253 : memref<1x80xi32, #tpu.memory_space<vmem>> -> memref<80xi32, #tpu.memory_space<vmem>>
    %dma_start3A_255 = tpu.memref_slice %arg3[%add3A_249] : memref<320000xi32, #tpu.memory_space<hbm>> -> memref<80xi32, #tpu.memory_space<hbm>>
    %dma_start3A_256 = tpu.memref_slice %arg13[%dma_start3A_251] : memref<3x!tpu.dma_semaphore, #tpu.memory_space<semaphore_mem>> -> memref<1x!tpu.dma_semaphore, #tpu.memory_space<semaphore_mem>>
    %dma_start3A_257 = tpu.memref_squeeze %dma_start3A_256 : memref<1x!tpu.dma_semaphore, #tpu.memory_space<semaphore_mem>> -> memref<!tpu.dma_semaphore, #tpu.memory_space<semaphore_mem>>
    %dma_start3A_258 = arith.constant 0 : i32
    %dma_start3A_259 = tpu.memref_slice %arg8[%dma_start3A_250, %dma_start3A_258] : memref<3x80xi32, #tpu.memory_space<vmem>> -> memref<1x80xi32, #tpu.memory_space<vmem>>
    %dma_start3A_260 = tpu.memref_squeeze %dma_start3A_259 : memref<1x80xi32, #tpu.memory_space<vmem>> -> memref<80xi32, #tpu.memory_space<vmem>>
    %dma_start3A_261 = tpu.memref_slice %arg3[%add3A_249] : memref<320000xi32, #tpu.memory_space<hbm>> -> memref<80xi32, #tpu.memory_space<hbm>>
    tpu.enqueue_dma source(%dma_start3A_261 : memref<80xi32, #tpu.memory_space<hbm>>) target(%dma_start3A_260 : memref<80xi32, #tpu.memory_space<vmem>>) target_semaphore(%dma_start3A_257 : memref<!tpu.dma_semaphore, #tpu.memory_space<semaphore_mem>>)
    %dma_start3A_262 = arith.constant 0 : i32
    %dma_start3A_263 = arith.constant 0 : i32
    %dma_start3A_264 = arith.constant 0 : i32
    %dma_start3A_265 = tpu.memref_slice %arg9[%dma_start3A_262, %dma_start3A_264] : memref<3x80xi32, #tpu.memory_space<vmem>> -> memref<1x80xi32, #tpu.memory_space<vmem>>
    %dma_start3A_266 = tpu.memref_squeeze %dma_start3A_265 : memref<1x80xi32, #tpu.memory_space<vmem>> -> memref<80xi32, #tpu.memory_space<vmem>>
    %dma_start3A_267 = tpu.memref_slice %arg4[%add3A_249] : memref<320000xi32, #tpu.memory_space<hbm>> -> memref<80xi32, #tpu.memory_space<hbm>>
    %dma_start3A_268 = tpu.memref_slice %arg13[%dma_start3A_263] : memref<3x!tpu.dma_semaphore, #tpu.memory_space<semaphore_mem>> -> memref<1x!tpu.dma_semaphore, #tpu.memory_space<semaphore_mem>>
    %dma_start3A_269 = tpu.memref_squeeze %dma_start3A_268 : memref<1x!tpu.dma_semaphore, #tpu.memory_space<semaphore_mem>> -> memref<!tpu.dma_semaphore, #tpu.memory_space<semaphore_mem>>
    %dma_start3A_270 = arith.constant 0 : i32
    %dma_start3A_271 = tpu.memref_slice %arg9[%dma_start3A_262, %dma_start3A_270] : memref<3x80xi32, #tpu.memory_space<vmem>> -> memref<1x80xi32, #tpu.memory_space<vmem>>
    %dma_start3A_272 = tpu.memref_squeeze %dma_start3A_271 : memref<1x80xi32, #tpu.memory_space<vmem>> -> memref<80xi32, #tpu.memory_space<vmem>>
    %dma_start3A_273 = tpu.memref_slice %arg4[%add3A_249] : memref<320000xi32, #tpu.memory_space<hbm>> -> memref<80xi32, #tpu.memory_space<hbm>>
    tpu.enqueue_dma source(%dma_start3A_273 : memref<80xi32, #tpu.memory_space<hbm>>) target(%dma_start3A_272 : memref<80xi32, #tpu.memory_space<vmem>>) target_semaphore(%dma_start3A_269 : memref<!tpu.dma_semaphore, #tpu.memory_space<semaphore_mem>>)
    %dma_wait3A_274 = arith.constant 2 : i32
    %dma_wait3A_275 = arith.constant 2 : i32
    %dma_wait3A_276 = arith.constant 0 : i32
    %dma_wait3A_277 = tpu.memref_slice %arg8[%dma_wait3A_274, %dma_wait3A_276] : memref<3x80xi32, #tpu.memory_space<vmem>> -> memref<1x80xi32, #tpu.memory_space<vmem>>
    %dma_wait3A_278 = tpu.memref_squeeze %dma_wait3A_277 : memref<1x80xi32, #tpu.memory_space<vmem>> -> memref<80xi32, #tpu.memory_space<vmem>>
    %dma_wait3A_279 = arith.constant 0 : i32
    %dma_wait3A_280 = tpu.memref_slice %arg3[%dma_wait3A_279] : memref<320000xi32, #tpu.memory_space<hbm>> -> memref<80xi32, #tpu.memory_space<hbm>>
    %dma_wait3A_281 = tpu.memref_slice %arg13[%dma_wait3A_275] : memref<3x!tpu.dma_semaphore, #tpu.memory_space<semaphore_mem>> -> memref<1x!tpu.dma_semaphore, #tpu.memory_space<semaphore_mem>>
    %dma_wait3A_282 = tpu.memref_squeeze %dma_wait3A_281 : memref<1x!tpu.dma_semaphore, #tpu.memory_space<semaphore_mem>> -> memref<!tpu.dma_semaphore, #tpu.memory_space<semaphore_mem>>
    %dma_wait3A_283 = arith.constant 0 : i32
    %dma_wait3A_284 = tpu.memref_slice %arg8[%dma_wait3A_274, %dma_wait3A_283] : memref<3x80xi32, #tpu.memory_space<vmem>> -> memref<1x80xi32, #tpu.memory_space<vmem>>
    %dma_wait3A_285 = tpu.memref_squeeze %dma_wait3A_284 : memref<1x80xi32, #tpu.memory_space<vmem>> -> memref<80xi32, #tpu.memory_space<vmem>>
    %dma_wait3A_286 = arith.constant 0 : i32
    %dma_wait3A_287 = tpu.memref_slice %arg3[%dma_wait3A_286] : memref<320000xi32, #tpu.memory_space<hbm>> -> memref<80xi32, #tpu.memory_space<hbm>>
    tpu.wait_dma2 semaphore(%dma_wait3A_282 : memref<!tpu.dma_semaphore, #tpu.memory_space<semaphore_mem>>) src(%dma_wait3A_287 : memref<80xi32, #tpu.memory_space<hbm>>) dst(%dma_wait3A_285 : memref<80xi32, #tpu.memory_space<vmem>>)
    %dma_wait3A_288 = arith.constant 2 : i32
    %dma_wait3A_289 = arith.constant 2 : i32
    %dma_wait3A_290 = arith.constant 0 : i32
    %dma_wait3A_291 = tpu.memref_slice %arg9[%dma_wait3A_288, %dma_wait3A_290] : memref<3x80xi32, #tpu.memory_space<vmem>> -> memref<1x80xi32, #tpu.memory_space<vmem>>
    %dma_wait3A_292 = tpu.memref_squeeze %dma_wait3A_291 : memref<1x80xi32, #tpu.memory_space<vmem>> -> memref<80xi32, #tpu.memory_space<vmem>>
    %dma_wait3A_293 = arith.constant 0 : i32
    %dma_wait3A_294 = tpu.memref_slice %arg4[%dma_wait3A_293] : memref<320000xi32, #tpu.memory_space<hbm>> -> memref<80xi32, #tpu.memory_space<hbm>>
    %dma_wait3A_295 = tpu.memref_slice %arg13[%dma_wait3A_289] : memref<3x!tpu.dma_semaphore, #tpu.memory_space<semaphore_mem>> -> memref<1x!tpu.dma_semaphore, #tpu.memory_space<semaphore_mem>>
    %dma_wait3A_296 = tpu.memref_squeeze %dma_wait3A_295 : memref<1x!tpu.dma_semaphore, #tpu.memory_space<semaphore_mem>> -> memref<!tpu.dma_semaphore, #tpu.memory_space<semaphore_mem>>
    %dma_wait3A_297 = arith.constant 0 : i32
    %dma_wait3A_298 = tpu.memref_slice %arg9[%dma_wait3A_288, %dma_wait3A_297] : memref<3x80xi32, #tpu.memory_space<vmem>> -> memref<1x80xi32, #tpu.memory_space<vmem>>
    %dma_wait3A_299 = tpu.memref_squeeze %dma_wait3A_298 : memref<1x80xi32, #tpu.memory_space<vmem>> -> memref<80xi32, #tpu.memory_space<vmem>>
    %dma_wait3A_300 = arith.constant 0 : i32
    %dma_wait3A_301 = tpu.memref_slice %arg4[%dma_wait3A_300] : memref<320000xi32, #tpu.memory_space<hbm>> -> memref<80xi32, #tpu.memory_space<hbm>>
    tpu.wait_dma2 semaphore(%dma_wait3A_296 : memref<!tpu.dma_semaphore, #tpu.memory_space<semaphore_mem>>) src(%dma_wait3A_301 : memref<80xi32, #tpu.memory_space<hbm>>) dst(%dma_wait3A_299 : memref<80xi32, #tpu.memory_space<vmem>>)
    %dma_start3A_302 = arith.constant 2 : i32
    %dma_start3A_303 = arith.constant 2 : i32
    %dma_start3A_304 = arith.constant 2 : i32
    %dma_start3A_305 = arith.constant 0 : i32
    %dma_start3A_306 = arith.constant 0 : i32
    %dma_start3A_307 = tpu.memref_slice %arg10[%dma_start3A_303, %dma_start3A_305, %dma_start3A_306] : memref<3x80x128xf32, #tpu.memory_space<vmem>> -> memref<1x80x128xf32, #tpu.memory_space<vmem>>
    %dma_start3A_308 = tpu.memref_squeeze %dma_start3A_307 : memref<1x80x128xf32, #tpu.memory_space<vmem>> -> memref<80x128xf32, #tpu.memory_space<vmem>>
    %dma_start3A_309 = arith.constant 0 : i32
    %dma_start3A_310 = tpu.memref_slice %arg8[%dma_start3A_302, %dma_start3A_309] : memref<3x80xi32, #tpu.memory_space<vmem>> -> memref<1x80xi32, #tpu.memory_space<vmem>>
    %dma_start3A_311 = tpu.memref_squeeze %dma_start3A_310 : memref<1x80xi32, #tpu.memory_space<vmem>> -> memref<80xi32, #tpu.memory_space<vmem>>
    %dma_start3A_312 = arith.constant 0 : i32
    %dma_start3A_313 = arith.constant 0 : i32
    %dma_start3A_314 = tpu.memref_slice %arg2[%dma_start3A_312, %dma_start3A_313] : memref<10000x128xf32, #tpu.memory_space<hbm>> -> memref<10000x128xf32, #tpu.memory_space<hbm>>
    %dma_start3A_315 = tpu.memref_slice %arg14[%dma_start3A_304] : memref<3x!tpu.dma_semaphore, #tpu.memory_space<semaphore_mem>> -> memref<1x!tpu.dma_semaphore, #tpu.memory_space<semaphore_mem>>
    %dma_start3A_316 = tpu.memref_squeeze %dma_start3A_315 : memref<1x!tpu.dma_semaphore, #tpu.memory_space<semaphore_mem>> -> memref<!tpu.dma_semaphore, #tpu.memory_space<semaphore_mem>>
    tpu.enqueue_indirect_dma source(%dma_start3A_314 : memref<10000x128xf32, #tpu.memory_space<hbm>>) target(%dma_start3A_308 : memref<80x128xf32, #tpu.memory_space<vmem>>) offsets(%dma_start3A_311 : memref<80xi32, #tpu.memory_space<vmem>>) semaphore(%dma_start3A_316 : memref<!tpu.dma_semaphore, #tpu.memory_space<semaphore_mem>>)
    %dma_wait3A_317 = arith.constant 2 : i32
    %dma_wait3A_318 = arith.constant 2 : i32
    %dma_wait3A_319 = arith.constant 2 : i32
    %dma_wait3A_320 = arith.constant 0 : i32
    %dma_wait3A_321 = arith.constant 0 : i32
    %dma_wait3A_322 = tpu.memref_slice %arg10[%dma_wait3A_318, %dma_wait3A_320, %dma_wait3A_321] : memref<3x80x128xf32, #tpu.memory_space<vmem>> -> memref<1x80x128xf32, #tpu.memory_space<vmem>>
    %dma_wait3A_323 = tpu.memref_squeeze %dma_wait3A_322 : memref<1x80x128xf32, #tpu.memory_space<vmem>> -> memref<80x128xf32, #tpu.memory_space<vmem>>
    %dma_wait3A_324 = arith.constant 0 : i32
    %dma_wait3A_325 = tpu.memref_slice %arg8[%dma_wait3A_317, %dma_wait3A_324] : memref<3x80xi32, #tpu.memory_space<vmem>> -> memref<1x80xi32, #tpu.memory_space<vmem>>
    %dma_wait3A_326 = tpu.memref_squeeze %dma_wait3A_325 : memref<1x80xi32, #tpu.memory_space<vmem>> -> memref<80xi32, #tpu.memory_space<vmem>>
    %dma_wait3A_327 = arith.constant 0 : i32
    %dma_wait3A_328 = arith.constant 0 : i32
    %dma_wait3A_329 = tpu.memref_slice %arg2[%dma_wait3A_327, %dma_wait3A_328] : memref<10000x128xf32, #tpu.memory_space<hbm>> -> memref<10000x128xf32, #tpu.memory_space<hbm>>
    %dma_wait3A_330 = tpu.memref_slice %arg14[%dma_wait3A_319] : memref<3x!tpu.dma_semaphore, #tpu.memory_space<semaphore_mem>> -> memref<1x!tpu.dma_semaphore, #tpu.memory_space<semaphore_mem>>
    %dma_wait3A_331 = tpu.memref_squeeze %dma_wait3A_330 : memref<1x!tpu.dma_semaphore, #tpu.memory_space<semaphore_mem>> -> memref<!tpu.dma_semaphore, #tpu.memory_space<semaphore_mem>>
    tpu.wait_indirect_dma semaphore(%dma_wait3A_331 : memref<!tpu.dma_semaphore, #tpu.memory_space<semaphore_mem>>) src(%dma_wait3A_329 : memref<10000x128xf32, #tpu.memory_space<hbm>>) dst(%dma_wait3A_323 : memref<80x128xf32, #tpu.memory_space<vmem>>)
    %dma_start3A_332 = arith.constant 2 : i32
    %dma_start3A_333 = arith.constant 2 : i32
    %dma_start3A_334 = arith.constant 2 : i32
    %dma_start3A_335 = arith.constant 0 : i32
    %dma_start3A_336 = arith.constant 0 : i32
    %dma_start3A_337 = tpu.memref_slice %arg10[%dma_start3A_332, %dma_start3A_335, %dma_start3A_336] : memref<3x80x128xf32, #tpu.memory_space<vmem>> -> memref<1x80x128xf32, #tpu.memory_space<vmem>>
    %dma_start3A_338 = tpu.memref_squeeze %dma_start3A_337 : memref<1x80x128xf32, #tpu.memory_space<vmem>> -> memref<80x128xf32, #tpu.memory_space<vmem>>
    %dma_start3A_339 = arith.constant 0 : i32
    %dma_start3A_340 = tpu.memref_slice %arg9[%dma_start3A_333, %dma_start3A_339] : memref<3x80xi32, #tpu.memory_space<vmem>> -> memref<1x80xi32, #tpu.memory_space<vmem>>
    %dma_start3A_341 = tpu.memref_squeeze %dma_start3A_340 : memref<1x80xi32, #tpu.memory_space<vmem>> -> memref<80xi32, #tpu.memory_space<vmem>>
    %dma_start3A_342 = arith.constant 0 : i32
    %dma_start3A_343 = arith.constant 0 : i32
    %dma_start3A_344 = tpu.memref_slice %arg12[%dma_start3A_342, %dma_start3A_343] : memref<10240x128xf32, #tpu.memory_space<vmem_shared>> -> memref<10240x128xf32, #tpu.memory_space<vmem_shared>>
    %dma_start3A_345 = tpu.memref_slice %arg15[%dma_start3A_334] : memref<3x!tpu.dma_semaphore, #tpu.memory_space<semaphore_mem>> -> memref<1x!tpu.dma_semaphore, #tpu.memory_space<semaphore_mem>>
    %dma_start3A_346 = tpu.memref_squeeze %dma_start3A_345 : memref<1x!tpu.dma_semaphore, #tpu.memory_space<semaphore_mem>> -> memref<!tpu.dma_semaphore, #tpu.memory_space<semaphore_mem>>
    tpu.enqueue_indirect_dma source(%dma_start3A_338 : memref<80x128xf32, #tpu.memory_space<vmem>>) target(%dma_start3A_344 : memref<10240x128xf32, #tpu.memory_space<vmem_shared>>) offsets(%dma_start3A_341 : memref<80xi32, #tpu.memory_space<vmem>>) semaphore(%dma_start3A_346 : memref<!tpu.dma_semaphore, #tpu.memory_space<semaphore_mem>>) {add = true}
    %dma_wait3A_347 = arith.constant 1 : i32
    %dma_wait3A_348 = arith.constant 1 : i32
    %dma_wait3A_349 = arith.constant 1 : i32
    %dma_wait3A_350 = arith.constant 0 : i32
    %dma_wait3A_351 = arith.constant 0 : i32
    %dma_wait3A_352 = tpu.memref_slice %arg10[%dma_wait3A_347, %dma_wait3A_350, %dma_wait3A_351] : memref<3x80x128xf32, #tpu.memory_space<vmem>> -> memref<1x80x128xf32, #tpu.memory_space<vmem>>
    %dma_wait3A_353 = tpu.memref_squeeze %dma_wait3A_352 : memref<1x80x128xf32, #tpu.memory_space<vmem>> -> memref<80x128xf32, #tpu.memory_space<vmem>>
    %dma_wait3A_354 = arith.constant 0 : i32
    %dma_wait3A_355 = tpu.memref_slice %arg9[%dma_wait3A_348, %dma_wait3A_354] : memref<3x80xi32, #tpu.memory_space<vmem>> -> memref<1x80xi32, #tpu.memory_space<vmem>>
    %dma_wait3A_356 = tpu.memref_squeeze %dma_wait3A_355 : memref<1x80xi32, #tpu.memory_space<vmem>> -> memref<80xi32, #tpu.memory_space<vmem>>
    %dma_wait3A_357 = arith.constant 0 : i32
    %dma_wait3A_358 = arith.constant 0 : i32
    %dma_wait3A_359 = tpu.memref_slice %arg12[%dma_wait3A_357, %dma_wait3A_358] : memref<10240x128xf32, #tpu.memory_space<vmem_shared>> -> memref<10240x128xf32, #tpu.memory_space<vmem_shared>>
    %dma_wait3A_360 = tpu.memref_slice %arg15[%dma_wait3A_349] : memref<3x!tpu.dma_semaphore, #tpu.memory_space<semaphore_mem>> -> memref<1x!tpu.dma_semaphore, #tpu.memory_space<semaphore_mem>>
    %dma_wait3A_361 = tpu.memref_squeeze %dma_wait3A_360 : memref<1x!tpu.dma_semaphore, #tpu.memory_space<semaphore_mem>> -> memref<!tpu.dma_semaphore, #tpu.memory_space<semaphore_mem>>
    tpu.wait_indirect_dma semaphore(%dma_wait3A_361 : memref<!tpu.dma_semaphore, #tpu.memory_space<semaphore_mem>>) src(%dma_wait3A_353 : memref<80x128xf32, #tpu.memory_space<vmem>>) dst(%dma_wait3A_359 : memref<10240x128xf32, #tpu.memory_space<vmem_shared>>)
    %mul3A_362 = arith.constant 10000 : i32
    %mul3A_363 = arith.muli %add3A, %mul3A_362 : i32
    %add3A_364 = arith.constant 320 : i32
    %add3A_365 = arith.addi %mul3A_363, %add3A_364 : i32
    %dma_start3A_366 = arith.constant 1 : i32
    %dma_start3A_367 = arith.constant 1 : i32
    %dma_start3A_368 = arith.constant 0 : i32
    %dma_start3A_369 = tpu.memref_slice %arg8[%dma_start3A_366, %dma_start3A_368] : memref<3x80xi32, #tpu.memory_space<vmem>> -> memref<1x80xi32, #tpu.memory_space<vmem>>
    %dma_start3A_370 = tpu.memref_squeeze %dma_start3A_369 : memref<1x80xi32, #tpu.memory_space<vmem>> -> memref<80xi32, #tpu.memory_space<vmem>>
    %dma_start3A_371 = tpu.memref_slice %arg3[%add3A_365] : memref<320000xi32, #tpu.memory_space<hbm>> -> memref<80xi32, #tpu.memory_space<hbm>>
    %dma_start3A_372 = tpu.memref_slice %arg13[%dma_start3A_367] : memref<3x!tpu.dma_semaphore, #tpu.memory_space<semaphore_mem>> -> memref<1x!tpu.dma_semaphore, #tpu.memory_space<semaphore_mem>>
    %dma_start3A_373 = tpu.memref_squeeze %dma_start3A_372 : memref<1x!tpu.dma_semaphore, #tpu.memory_space<semaphore_mem>> -> memref<!tpu.dma_semaphore, #tpu.memory_space<semaphore_mem>>
    %dma_start3A_374 = arith.constant 0 : i32
    %dma_start3A_375 = tpu.memref_slice %arg8[%dma_start3A_366, %dma_start3A_374] : memref<3x80xi32, #tpu.memory_space<vmem>> -> memref<1x80xi32, #tpu.memory_space<vmem>>
    %dma_start3A_376 = tpu.memref_squeeze %dma_start3A_375 : memref<1x80xi32, #tpu.memory_space<vmem>> -> memref<80xi32, #tpu.memory_space<vmem>>
    %dma_start3A_377 = tpu.memref_slice %arg3[%add3A_365] : memref<320000xi32, #tpu.memory_space<hbm>> -> memref<80xi32, #tpu.memory_space<hbm>>
    tpu.enqueue_dma source(%dma_start3A_377 : memref<80xi32, #tpu.memory_space<hbm>>) target(%dma_start3A_376 : memref<80xi32, #tpu.memory_space<vmem>>) target_semaphore(%dma_start3A_373 : memref<!tpu.dma_semaphore, #tpu.memory_space<semaphore_mem>>)
    %dma_start3A_378 = arith.constant 1 : i32
    %dma_start3A_379 = arith.constant 1 : i32
    %dma_start3A_380 = arith.constant 0 : i32
    %dma_start3A_381 = tpu.memref_slice %arg9[%dma_start3A_378, %dma_start3A_380] : memref<3x80xi32, #tpu.memory_space<vmem>> -> memref<1x80xi32, #tpu.memory_space<vmem>>
    %dma_start3A_382 = tpu.memref_squeeze %dma_start3A_381 : memref<1x80xi32, #tpu.memory_space<vmem>> -> memref<80xi32, #tpu.memory_space<vmem>>
    %dma_start3A_383 = tpu.memref_slice %arg4[%add3A_365] : memref<320000xi32, #tpu.memory_space<hbm>> -> memref<80xi32, #tpu.memory_space<hbm>>
    %dma_start3A_384 = tpu.memref_slice %arg13[%dma_start3A_379] : memref<3x!tpu.dma_semaphore, #tpu.memory_space<semaphore_mem>> -> memref<1x!tpu.dma_semaphore, #tpu.memory_space<semaphore_mem>>
    %dma_start3A_385 = tpu.memref_squeeze %dma_start3A_384 : memref<1x!tpu.dma_semaphore, #tpu.memory_space<semaphore_mem>> -> memref<!tpu.dma_semaphore, #tpu.memory_space<semaphore_mem>>
    %dma_start3A_386 = arith.constant 0 : i32
    %dma_start3A_387 = tpu.memref_slice %arg9[%dma_start3A_378, %dma_start3A_386] : memref<3x80xi32, #tpu.memory_space<vmem>> -> memref<1x80xi32, #tpu.memory_space<vmem>>
    %dma_start3A_388 = tpu.memref_squeeze %dma_start3A_387 : memref<1x80xi32, #tpu.memory_space<vmem>> -> memref<80xi32, #tpu.memory_space<vmem>>
    %dma_start3A_389 = tpu.memref_slice %arg4[%add3A_365] : memref<320000xi32, #tpu.memory_space<hbm>> -> memref<80xi32, #tpu.memory_space<hbm>>
    tpu.enqueue_dma source(%dma_start3A_389 : memref<80xi32, #tpu.memory_space<hbm>>) target(%dma_start3A_388 : memref<80xi32, #tpu.memory_space<vmem>>) target_semaphore(%dma_start3A_385 : memref<!tpu.dma_semaphore, #tpu.memory_space<semaphore_mem>>)
    %dma_wait3A_390 = arith.constant 0 : i32
    %dma_wait3A_391 = arith.constant 0 : i32
    %dma_wait3A_392 = arith.constant 0 : i32
    %dma_wait3A_393 = tpu.memref_slice %arg8[%dma_wait3A_390, %dma_wait3A_392] : memref<3x80xi32, #tpu.memory_space<vmem>> -> memref<1x80xi32, #tpu.memory_space<vmem>>
    %dma_wait3A_394 = tpu.memref_squeeze %dma_wait3A_393 : memref<1x80xi32, #tpu.memory_space<vmem>> -> memref<80xi32, #tpu.memory_space<vmem>>
    %dma_wait3A_395 = arith.constant 0 : i32
    %dma_wait3A_396 = tpu.memref_slice %arg3[%dma_wait3A_395] : memref<320000xi32, #tpu.memory_space<hbm>> -> memref<80xi32, #tpu.memory_space<hbm>>
    %dma_wait3A_397 = tpu.memref_slice %arg13[%dma_wait3A_391] : memref<3x!tpu.dma_semaphore, #tpu.memory_space<semaphore_mem>> -> memref<1x!tpu.dma_semaphore, #tpu.memory_space<semaphore_mem>>
    %dma_wait3A_398 = tpu.memref_squeeze %dma_wait3A_397 : memref<1x!tpu.dma_semaphore, #tpu.memory_space<semaphore_mem>> -> memref<!tpu.dma_semaphore, #tpu.memory_space<semaphore_mem>>
    %dma_wait3A_399 = arith.constant 0 : i32
    %dma_wait3A_400 = tpu.memref_slice %arg8[%dma_wait3A_390, %dma_wait3A_399] : memref<3x80xi32, #tpu.memory_space<vmem>> -> memref<1x80xi32, #tpu.memory_space<vmem>>
    %dma_wait3A_401 = tpu.memref_squeeze %dma_wait3A_400 : memref<1x80xi32, #tpu.memory_space<vmem>> -> memref<80xi32, #tpu.memory_space<vmem>>
    %dma_wait3A_402 = arith.constant 0 : i32
    %dma_wait3A_403 = tpu.memref_slice %arg3[%dma_wait3A_402] : memref<320000xi32, #tpu.memory_space<hbm>> -> memref<80xi32, #tpu.memory_space<hbm>>
    tpu.wait_dma2 semaphore(%dma_wait3A_398 : memref<!tpu.dma_semaphore, #tpu.memory_space<semaphore_mem>>) src(%dma_wait3A_403 : memref<80xi32, #tpu.memory_space<hbm>>) dst(%dma_wait3A_401 : memref<80xi32, #tpu.memory_space<vmem>>)
    %dma_wait3A_404 = arith.constant 0 : i32
    %dma_wait3A_405 = arith.constant 0 : i32
    %dma_wait3A_406 = arith.constant 0 : i32
    %dma_wait3A_407 = tpu.memref_slice %arg9[%dma_wait3A_404, %dma_wait3A_406] : memref<3x80xi32, #tpu.memory_space<vmem>> -> memref<1x80xi32, #tpu.memory_space<vmem>>
    %dma_wait3A_408 = tpu.memref_squeeze %dma_wait3A_407 : memref<1x80xi32, #tpu.memory_space<vmem>> -> memref<80xi32, #tpu.memory_space<vmem>>
    %dma_wait3A_409 = arith.constant 0 : i32
    %dma_wait3A_410 = tpu.memref_slice %arg4[%dma_wait3A_409] : memref<320000xi32, #tpu.memory_space<hbm>> -> memref<80xi32, #tpu.memory_space<hbm>>
    %dma_wait3A_411 = tpu.memref_slice %arg13[%dma_wait3A_405] : memref<3x!tpu.dma_semaphore, #tpu.memory_space<semaphore_mem>> -> memref<1x!tpu.dma_semaphore, #tpu.memory_space<semaphore_mem>>
    %dma_wait3A_412 = tpu.memref_squeeze %dma_wait3A_411 : memref<1x!tpu.dma_semaphore, #tpu.memory_space<semaphore_mem>> -> memref<!tpu.dma_semaphore, #tpu.memory_space<semaphore_mem>>
    %dma_wait3A_413 = arith.constant 0 : i32
    %dma_wait3A_414 = tpu.memref_slice %arg9[%dma_wait3A_404, %dma_wait3A_413] : memref<3x80xi32, #tpu.memory_space<vmem>> -> memref<1x80xi32, #tpu.memory_space<vmem>>
    %dma_wait3A_415 = tpu.memref_squeeze %dma_wait3A_414 : memref<1x80xi32, #tpu.memory_space<vmem>> -> memref<80xi32, #tpu.memory_space<vmem>>
    %dma_wait3A_416 = arith.constant 0 : i32
    %dma_wait3A_417 = tpu.memref_slice %arg4[%dma_wait3A_416] : memref<320000xi32, #tpu.memory_space<hbm>> -> memref<80xi32, #tpu.memory_space<hbm>>
    tpu.wait_dma2 semaphore(%dma_wait3A_412 : memref<!tpu.dma_semaphore, #tpu.memory_space<semaphore_mem>>) src(%dma_wait3A_417 : memref<80xi32, #tpu.memory_space<hbm>>) dst(%dma_wait3A_415 : memref<80xi32, #tpu.memory_space<vmem>>)
    %dma_start3A_418 = arith.constant 0 : i32
    %dma_start3A_419 = arith.constant 0 : i32
    %dma_start3A_420 = arith.constant 0 : i32
    %dma_start3A_421 = arith.constant 0 : i32
    %dma_start3A_422 = arith.constant 0 : i32
    %dma_start3A_423 = tpu.memref_slice %arg10[%dma_start3A_419, %dma_start3A_421, %dma_start3A_422] : memref<3x80x128xf32, #tpu.memory_space<vmem>> -> memref<1x80x128xf32, #tpu.memory_space<vmem>>
    %dma_start3A_424 = tpu.memref_squeeze %dma_start3A_423 : memref<1x80x128xf32, #tpu.memory_space<vmem>> -> memref<80x128xf32, #tpu.memory_space<vmem>>
    %dma_start3A_425 = arith.constant 0 : i32
    %dma_start3A_426 = tpu.memref_slice %arg8[%dma_start3A_418, %dma_start3A_425] : memref<3x80xi32, #tpu.memory_space<vmem>> -> memref<1x80xi32, #tpu.memory_space<vmem>>
    %dma_start3A_427 = tpu.memref_squeeze %dma_start3A_426 : memref<1x80xi32, #tpu.memory_space<vmem>> -> memref<80xi32, #tpu.memory_space<vmem>>
    %dma_start3A_428 = arith.constant 0 : i32
    %dma_start3A_429 = arith.constant 0 : i32
    %dma_start3A_430 = tpu.memref_slice %arg2[%dma_start3A_428, %dma_start3A_429] : memref<10000x128xf32, #tpu.memory_space<hbm>> -> memref<10000x128xf32, #tpu.memory_space<hbm>>
    %dma_start3A_431 = tpu.memref_slice %arg14[%dma_start3A_420] : memref<3x!tpu.dma_semaphore, #tpu.memory_space<semaphore_mem>> -> memref<1x!tpu.dma_semaphore, #tpu.memory_space<semaphore_mem>>
    %dma_start3A_432 = tpu.memref_squeeze %dma_start3A_431 : memref<1x!tpu.dma_semaphore, #tpu.memory_space<semaphore_mem>> -> memref<!tpu.dma_semaphore, #tpu.memory_space<semaphore_mem>>
    tpu.enqueue_indirect_dma source(%dma_start3A_430 : memref<10000x128xf32, #tpu.memory_space<hbm>>) target(%dma_start3A_424 : memref<80x128xf32, #tpu.memory_space<vmem>>) offsets(%dma_start3A_427 : memref<80xi32, #tpu.memory_space<vmem>>) semaphore(%dma_start3A_432 : memref<!tpu.dma_semaphore, #tpu.memory_space<semaphore_mem>>)
    %scan3A = arith.constant 0 : i32
    %scan3A_433 = arith.constant 40 : i32
    %scan3A_434 = arith.addi %scan3A, %scan3A_433 : i32
    %scan3A_435 = arith.constant 1 : i32
    scf.for %scan3A_586 = %scan3A to %scan3A_434 step %scan3A_435  : i32 {
      %mul3A_587 = arith.constant 3 : i32
      %mul3A_588 = arith.muli %mul3A_587, %scan3A_586 : i32
      %add3A_589 = arith.constant 5 : i32
      %add3A_590 = arith.addi %add3A_589, %mul3A_588 : i32
      %jit3A = arith.constant 3 : i32
      %eq3A = arith.constant 0 : i32
      %eq3A_591 = arith.cmpi eq, %jit3A, %eq3A : i32
      %jit3A_592 = arith.constant 1 : i32
      %select_n3A = arith.select %eq3A_591, %jit3A_592, %jit3A : i32
      %rem3A = arith.remsi %add3A_590, %select_n3A : i32
      %ne3A = arith.constant 0 : i32
      %ne3A_593 = arith.cmpi ne, %rem3A, %ne3A : i32
      %lt3A = arith.constant 0 : i32
      %lt3A_594 = arith.cmpi slt, %rem3A, %lt3A : i32
      %lt3A_595 = arith.constant 0 : i32
      %lt3A_596 = arith.cmpi slt, %select_n3A, %lt3A_595 : i32
      %ne3A_597 = arith.xori %lt3A_594, %lt3A_596 : i1
      %and3A = arith.andi %ne3A_597, %ne3A_593 : i1
      %add3A_598 = arith.addi %rem3A, %select_n3A : i32
      %select_n3A_599 = arith.select %and3A, %add3A_598, %rem3A : i32
      %sub3A = arith.constant 1 : i32
      %sub3A_600 = arith.subi %add3A_590, %sub3A : i32
      %jit3A_601 = arith.constant 3 : i32
      %eq3A_602 = arith.constant 0 : i32
      %eq3A_603 = arith.cmpi eq, %jit3A_601, %eq3A_602 : i32
      %jit3A_604 = arith.constant 1 : i32
      %select_n3A_605 = arith.select %eq3A_603, %jit3A_604, %jit3A_601 : i32
      %rem3A_606 = arith.remsi %sub3A_600, %select_n3A_605 : i32
      %ne3A_607 = arith.constant 0 : i32
      %ne3A_608 = arith.cmpi ne, %rem3A_606, %ne3A_607 : i32
      %lt3A_609 = arith.constant 0 : i32
      %lt3A_610 = arith.cmpi slt, %rem3A_606, %lt3A_609 : i32
      %lt3A_611 = arith.constant 0 : i32
      %lt3A_612 = arith.cmpi slt, %select_n3A_605, %lt3A_611 : i32
      %ne3A_613 = arith.xori %lt3A_610, %lt3A_612 : i1
      %and3A_614 = arith.andi %ne3A_613, %ne3A_608 : i1
      %add3A_615 = arith.addi %rem3A_606, %select_n3A_605 : i32
      %select_n3A_616 = arith.select %and3A_614, %add3A_615, %rem3A_606 : i32
      %sub3A_617 = arith.constant 2 : i32
      %sub3A_618 = arith.subi %add3A_590, %sub3A_617 : i32
      %jit3A_619 = arith.constant 3 : i32
      %eq3A_620 = arith.constant 0 : i32
      %eq3A_621 = arith.cmpi eq, %jit3A_619, %eq3A_620 : i32
      %jit3A_622 = arith.constant 1 : i32
      %select_n3A_623 = arith.select %eq3A_621, %jit3A_622, %jit3A_619 : i32
      %rem3A_624 = arith.remsi %sub3A_618, %select_n3A_623 : i32
      %ne3A_625 = arith.constant 0 : i32
      %ne3A_626 = arith.cmpi ne, %rem3A_624, %ne3A_625 : i32
      %lt3A_627 = arith.constant 0 : i32
      %lt3A_628 = arith.cmpi slt, %rem3A_624, %lt3A_627 : i32
      %lt3A_629 = arith.constant 0 : i32
      %lt3A_630 = arith.cmpi slt, %select_n3A_623, %lt3A_629 : i32
      %ne3A_631 = arith.xori %lt3A_628, %lt3A_630 : i1
      %and3A_632 = arith.andi %ne3A_631, %ne3A_626 : i1
      %add3A_633 = arith.addi %rem3A_624, %select_n3A_623 : i32
      %select_n3A_634 = arith.select %and3A_632, %add3A_633, %rem3A_624 : i32
      %dma_wait3A_635 = arith.constant 0 : i32
      %dma_wait3A_636 = arith.constant 0 : i32
      %dma_wait3A_637 = tpu.memref_slice %arg10[%select_n3A_634, %dma_wait3A_635, %dma_wait3A_636] : memref<3x80x128xf32, #tpu.memory_space<vmem>> -> memref<1x80x128xf32, #tpu.memory_space<vmem>>
      %dma_wait3A_638 = tpu.memref_squeeze %dma_wait3A_637 : memref<1x80x128xf32, #tpu.memory_space<vmem>> -> memref<80x128xf32, #tpu.memory_space<vmem>>
      %dma_wait3A_639 = arith.constant 0 : i32
      %dma_wait3A_640 = tpu.memref_slice %arg8[%select_n3A_634, %dma_wait3A_639] : memref<3x80xi32, #tpu.memory_space<vmem>> -> memref<1x80xi32, #tpu.memory_space<vmem>>
      %dma_wait3A_641 = tpu.memref_squeeze %dma_wait3A_640 : memref<1x80xi32, #tpu.memory_space<vmem>> -> memref<80xi32, #tpu.memory_space<vmem>>
      %dma_wait3A_642 = arith.constant 0 : i32
      %dma_wait3A_643 = arith.constant 0 : i32
      %dma_wait3A_644 = tpu.memref_slice %arg2[%dma_wait3A_642, %dma_wait3A_643] : memref<10000x128xf32, #tpu.memory_space<hbm>> -> memref<10000x128xf32, #tpu.memory_space<hbm>>
      %dma_wait3A_645 = tpu.memref_slice %arg14[%select_n3A_634] : memref<3x!tpu.dma_semaphore, #tpu.memory_space<semaphore_mem>> -> memref<1x!tpu.dma_semaphore, #tpu.memory_space<semaphore_mem>>
      %dma_wait3A_646 = tpu.memref_squeeze %dma_wait3A_645 : memref<1x!tpu.dma_semaphore, #tpu.memory_space<semaphore_mem>> -> memref<!tpu.dma_semaphore, #tpu.memory_space<semaphore_mem>>
      tpu.wait_indirect_dma semaphore(%dma_wait3A_646 : memref<!tpu.dma_semaphore, #tpu.memory_space<semaphore_mem>>) src(%dma_wait3A_644 : memref<10000x128xf32, #tpu.memory_space<hbm>>) dst(%dma_wait3A_638 : memref<80x128xf32, #tpu.memory_space<vmem>>)
      %dma_start3A_647 = arith.constant 0 : i32
      %dma_start3A_648 = arith.constant 0 : i32
      %dma_start3A_649 = tpu.memref_slice %arg10[%select_n3A_634, %dma_start3A_647, %dma_start3A_648] : memref<3x80x128xf32, #tpu.memory_space<vmem>> -> memref<1x80x128xf32, #tpu.memory_space<vmem>>
      %dma_start3A_650 = tpu.memref_squeeze %dma_start3A_649 : memref<1x80x128xf32, #tpu.memory_space<vmem>> -> memref<80x128xf32, #tpu.memory_space<vmem>>
      %dma_start3A_651 = arith.constant 0 : i32
      %dma_start3A_652 = tpu.memref_slice %arg9[%select_n3A_634, %dma_start3A_651] : memref<3x80xi32, #tpu.memory_space<vmem>> -> memref<1x80xi32, #tpu.memory_space<vmem>>
      %dma_start3A_653 = tpu.memref_squeeze %dma_start3A_652 : memref<1x80xi32, #tpu.memory_space<vmem>> -> memref<80xi32, #tpu.memory_space<vmem>>
      %dma_start3A_654 = arith.constant 0 : i32
      %dma_start3A_655 = arith.constant 0 : i32
      %dma_start3A_656 = tpu.memref_slice %arg12[%dma_start3A_654, %dma_start3A_655] : memref<10240x128xf32, #tpu.memory_space<vmem_shared>> -> memref<10240x128xf32, #tpu.memory_space<vmem_shared>>
      %dma_start3A_657 = tpu.memref_slice %arg15[%select_n3A_634] : memref<3x!tpu.dma_semaphore, #tpu.memory_space<semaphore_mem>> -> memref<1x!tpu.dma_semaphore, #tpu.memory_space<semaphore_mem>>
      %dma_start3A_658 = tpu.memref_squeeze %dma_start3A_657 : memref<1x!tpu.dma_semaphore, #tpu.memory_space<semaphore_mem>> -> memref<!tpu.dma_semaphore, #tpu.memory_space<semaphore_mem>>
      tpu.enqueue_indirect_dma source(%dma_start3A_650 : memref<80x128xf32, #tpu.memory_space<vmem>>) target(%dma_start3A_656 : memref<10240x128xf32, #tpu.memory_space<vmem_shared>>) offsets(%dma_start3A_653 : memref<80xi32, #tpu.memory_space<vmem>>) semaphore(%dma_start3A_658 : memref<!tpu.dma_semaphore, #tpu.memory_space<semaphore_mem>>) {add = true}
      %dma_wait3A_659 = arith.constant 0 : i32
      %dma_wait3A_660 = arith.constant 0 : i32
      %dma_wait3A_661 = tpu.memref_slice %arg10[%select_n3A_599, %dma_wait3A_659, %dma_wait3A_660] : memref<3x80x128xf32, #tpu.memory_space<vmem>> -> memref<1x80x128xf32, #tpu.memory_space<vmem>>
      %dma_wait3A_662 = tpu.memref_squeeze %dma_wait3A_661 : memref<1x80x128xf32, #tpu.memory_space<vmem>> -> memref<80x128xf32, #tpu.memory_space<vmem>>
      %dma_wait3A_663 = arith.constant 0 : i32
      %dma_wait3A_664 = tpu.memref_slice %arg9[%select_n3A_599, %dma_wait3A_663] : memref<3x80xi32, #tpu.memory_space<vmem>> -> memref<1x80xi32, #tpu.memory_space<vmem>>
      %dma_wait3A_665 = tpu.memref_squeeze %dma_wait3A_664 : memref<1x80xi32, #tpu.memory_space<vmem>> -> memref<80xi32, #tpu.memory_space<vmem>>
      %dma_wait3A_666 = arith.constant 0 : i32
      %dma_wait3A_667 = arith.constant 0 : i32
      %dma_wait3A_668 = tpu.memref_slice %arg12[%dma_wait3A_666, %dma_wait3A_667] : memref<10240x128xf32, #tpu.memory_space<vmem_shared>> -> memref<10240x128xf32, #tpu.memory_space<vmem_shared>>
      %dma_wait3A_669 = tpu.memref_slice %arg15[%select_n3A_599] : memref<3x!tpu.dma_semaphore, #tpu.memory_space<semaphore_mem>> -> memref<1x!tpu.dma_semaphore, #tpu.memory_space<semaphore_mem>>
      %dma_wait3A_670 = tpu.memref_squeeze %dma_wait3A_669 : memref<1x!tpu.dma_semaphore, #tpu.memory_space<semaphore_mem>> -> memref<!tpu.dma_semaphore, #tpu.memory_space<semaphore_mem>>
      tpu.wait_indirect_dma semaphore(%dma_wait3A_670 : memref<!tpu.dma_semaphore, #tpu.memory_space<semaphore_mem>>) src(%dma_wait3A_662 : memref<80x128xf32, #tpu.memory_space<vmem>>) dst(%dma_wait3A_668 : memref<10240x128xf32, #tpu.memory_space<vmem_shared>>)
      %mul3A_671 = arith.constant 10000 : i32
      %mul3A_672 = arith.muli %add3A, %mul3A_671 : i32
      %mul3A_673 = arith.constant 80 : i32
      %mul3A_674 = arith.muli %add3A_590, %mul3A_673 : i32
      %add3A_675 = arith.addi %mul3A_672, %mul3A_674 : i32
      %dma_start3A_676 = arith.constant 0 : i32
      %dma_start3A_677 = tpu.memref_slice %arg8[%select_n3A_599, %dma_start3A_676] : memref<3x80xi32, #tpu.memory_space<vmem>> -> memref<1x80xi32, #tpu.memory_space<vmem>>
      %dma_start3A_678 = tpu.memref_squeeze %dma_start3A_677 : memref<1x80xi32, #tpu.memory_space<vmem>> -> memref<80xi32, #tpu.memory_space<vmem>>
      %dma_start3A_679 = tpu.memref_slice %arg3[%add3A_675] : memref<320000xi32, #tpu.memory_space<hbm>> -> memref<80xi32, #tpu.memory_space<hbm>>
      %dma_start3A_680 = tpu.memref_slice %arg13[%select_n3A_599] : memref<3x!tpu.dma_semaphore, #tpu.memory_space<semaphore_mem>> -> memref<1x!tpu.dma_semaphore, #tpu.memory_space<semaphore_mem>>
      %dma_start3A_681 = tpu.memref_squeeze %dma_start3A_680 : memref<1x!tpu.dma_semaphore, #tpu.memory_space<semaphore_mem>> -> memref<!tpu.dma_semaphore, #tpu.memory_space<semaphore_mem>>
      %dma_start3A_682 = arith.constant 0 : i32
      %dma_start3A_683 = tpu.memref_slice %arg8[%select_n3A_599, %dma_start3A_682] : memref<3x80xi32, #tpu.memory_space<vmem>> -> memref<1x80xi32, #tpu.memory_space<vmem>>
      %dma_start3A_684 = tpu.memref_squeeze %dma_start3A_683 : memref<1x80xi32, #tpu.memory_space<vmem>> -> memref<80xi32, #tpu.memory_space<vmem>>
      %dma_start3A_685 = tpu.memref_slice %arg3[%add3A_675] : memref<320000xi32, #tpu.memory_space<hbm>> -> memref<80xi32, #tpu.memory_space<hbm>>
      tpu.enqueue_dma source(%dma_start3A_685 : memref<80xi32, #tpu.memory_space<hbm>>) target(%dma_start3A_684 : memref<80xi32, #tpu.memory_space<vmem>>) target_semaphore(%dma_start3A_681 : memref<!tpu.dma_semaphore, #tpu.memory_space<semaphore_mem>>)
      %dma_start3A_686 = arith.constant 0 : i32
      %dma_start3A_687 = tpu.memref_slice %arg9[%select_n3A_599, %dma_start3A_686] : memref<3x80xi32, #tpu.memory_space<vmem>> -> memref<1x80xi32, #tpu.memory_space<vmem>>
      %dma_start3A_688 = tpu.memref_squeeze %dma_start3A_687 : memref<1x80xi32, #tpu.memory_space<vmem>> -> memref<80xi32, #tpu.memory_space<vmem>>
      %dma_start3A_689 = tpu.memref_slice %arg4[%add3A_675] : memref<320000xi32, #tpu.memory_space<hbm>> -> memref<80xi32, #tpu.memory_space<hbm>>
      %dma_start3A_690 = tpu.memref_slice %arg13[%select_n3A_599] : memref<3x!tpu.dma_semaphore, #tpu.memory_space<semaphore_mem>> -> memref<1x!tpu.dma_semaphore, #tpu.memory_space<semaphore_mem>>
      %dma_start3A_691 = tpu.memref_squeeze %dma_start3A_690 : memref<1x!tpu.dma_semaphore, #tpu.memory_space<semaphore_mem>> -> memref<!tpu.dma_semaphore, #tpu.memory_space<semaphore_mem>>
      %dma_start3A_692 = arith.constant 0 : i32
      %dma_start3A_693 = tpu.memref_slice %arg9[%select_n3A_599, %dma_start3A_692] : memref<3x80xi32, #tpu.memory_space<vmem>> -> memref<1x80xi32, #tpu.memory_space<vmem>>
      %dma_start3A_694 = tpu.memref_squeeze %dma_start3A_693 : memref<1x80xi32, #tpu.memory_space<vmem>> -> memref<80xi32, #tpu.memory_space<vmem>>
      %dma_start3A_695 = tpu.memref_slice %arg4[%add3A_675] : memref<320000xi32, #tpu.memory_space<hbm>> -> memref<80xi32, #tpu.memory_space<hbm>>
      tpu.enqueue_dma source(%dma_start3A_695 : memref<80xi32, #tpu.memory_space<hbm>>) target(%dma_start3A_694 : memref<80xi32, #tpu.memory_space<vmem>>) target_semaphore(%dma_start3A_691 : memref<!tpu.dma_semaphore, #tpu.memory_space<semaphore_mem>>)
      %dma_wait3A_696 = arith.constant 0 : i32
      %dma_wait3A_697 = tpu.memref_slice %arg8[%select_n3A_616, %dma_wait3A_696] : memref<3x80xi32, #tpu.memory_space<vmem>> -> memref<1x80xi32, #tpu.memory_space<vmem>>
      %dma_wait3A_698 = tpu.memref_squeeze %dma_wait3A_697 : memref<1x80xi32, #tpu.memory_space<vmem>> -> memref<80xi32, #tpu.memory_space<vmem>>
      %dma_wait3A_699 = arith.constant 0 : i32
      %dma_wait3A_700 = tpu.memref_slice %arg3[%dma_wait3A_699] : memref<320000xi32, #tpu.memory_space<hbm>> -> memref<80xi32, #tpu.memory_space<hbm>>
      %dma_wait3A_701 = tpu.memref_slice %arg13[%select_n3A_616] : memref<3x!tpu.dma_semaphore, #tpu.memory_space<semaphore_mem>> -> memref<1x!tpu.dma_semaphore, #tpu.memory_space<semaphore_mem>>
      %dma_wait3A_702 = tpu.memref_squeeze %dma_wait3A_701 : memref<1x!tpu.dma_semaphore, #tpu.memory_space<semaphore_mem>> -> memref<!tpu.dma_semaphore, #tpu.memory_space<semaphore_mem>>
      %dma_wait3A_703 = arith.constant 0 : i32
      %dma_wait3A_704 = tpu.memref_slice %arg8[%select_n3A_616, %dma_wait3A_703] : memref<3x80xi32, #tpu.memory_space<vmem>> -> memref<1x80xi32, #tpu.memory_space<vmem>>
      %dma_wait3A_705 = tpu.memref_squeeze %dma_wait3A_704 : memref<1x80xi32, #tpu.memory_space<vmem>> -> memref<80xi32, #tpu.memory_space<vmem>>
      %dma_wait3A_706 = arith.constant 0 : i32
      %dma_wait3A_707 = tpu.memref_slice %arg3[%dma_wait3A_706] : memref<320000xi32, #tpu.memory_space<hbm>> -> memref<80xi32, #tpu.memory_space<hbm>>
      tpu.wait_dma2 semaphore(%dma_wait3A_702 : memref<!tpu.dma_semaphore, #tpu.memory_space<semaphore_mem>>) src(%dma_wait3A_707 : memref<80xi32, #tpu.memory_space<hbm>>) dst(%dma_wait3A_705 : memref<80xi32, #tpu.memory_space<vmem>>)
      %dma_wait3A_708 = arith.constant 0 : i32
      %dma_wait3A_709 = tpu.memref_slice %arg9[%select_n3A_616, %dma_wait3A_708] : memref<3x80xi32, #tpu.memory_space<vmem>> -> memref<1x80xi32, #tpu.memory_space<vmem>>
      %dma_wait3A_710 = tpu.memref_squeeze %dma_wait3A_709 : memref<1x80xi32, #tpu.memory_space<vmem>> -> memref<80xi32, #tpu.memory_space<vmem>>
      %dma_wait3A_711 = arith.constant 0 : i32
      %dma_wait3A_712 = tpu.memref_slice %arg4[%dma_wait3A_711] : memref<320000xi32, #tpu.memory_space<hbm>> -> memref<80xi32, #tpu.memory_space<hbm>>
      %dma_wait3A_713 = tpu.memref_slice %arg13[%select_n3A_616] : memref<3x!tpu.dma_semaphore, #tpu.memory_space<semaphore_mem>> -> memref<1x!tpu.dma_semaphore, #tpu.memory_space<semaphore_mem>>
      %dma_wait3A_714 = tpu.memref_squeeze %dma_wait3A_713 : memref<1x!tpu.dma_semaphore, #tpu.memory_space<semaphore_mem>> -> memref<!tpu.dma_semaphore, #tpu.memory_space<semaphore_mem>>
      %dma_wait3A_715 = arith.constant 0 : i32
      %dma_wait3A_716 = tpu.memref_slice %arg9[%select_n3A_616, %dma_wait3A_715] : memref<3x80xi32, #tpu.memory_space<vmem>> -> memref<1x80xi32, #tpu.memory_space<vmem>>
      %dma_wait3A_717 = tpu.memref_squeeze %dma_wait3A_716 : memref<1x80xi32, #tpu.memory_space<vmem>> -> memref<80xi32, #tpu.memory_space<vmem>>
      %dma_wait3A_718 = arith.constant 0 : i32
      %dma_wait3A_719 = tpu.memref_slice %arg4[%dma_wait3A_718] : memref<320000xi32, #tpu.memory_space<hbm>> -> memref<80xi32, #tpu.memory_space<hbm>>
      tpu.wait_dma2 semaphore(%dma_wait3A_714 : memref<!tpu.dma_semaphore, #tpu.memory_space<semaphore_mem>>) src(%dma_wait3A_719 : memref<80xi32, #tpu.memory_space<hbm>>) dst(%dma_wait3A_717 : memref<80xi32, #tpu.memory_space<vmem>>)
      %dma_start3A_720 = arith.constant 0 : i32
      %dma_start3A_721 = arith.constant 0 : i32
      %dma_start3A_722 = tpu.memref_slice %arg10[%select_n3A_616, %dma_start3A_720, %dma_start3A_721] : memref<3x80x128xf32, #tpu.memory_space<vmem>> -> memref<1x80x128xf32, #tpu.memory_space<vmem>>
      %dma_start3A_723 = tpu.memref_squeeze %dma_start3A_722 : memref<1x80x128xf32, #tpu.memory_space<vmem>> -> memref<80x128xf32, #tpu.memory_space<vmem>>
      %dma_start3A_724 = arith.constant 0 : i32
      %dma_start3A_725 = tpu.memref_slice %arg8[%select_n3A_616, %dma_start3A_724] : memref<3x80xi32, #tpu.memory_space<vmem>> -> memref<1x80xi32, #tpu.memory_space<vmem>>
      %dma_start3A_726 = tpu.memref_squeeze %dma_start3A_725 : memref<1x80xi32, #tpu.memory_space<vmem>> -> memref<80xi32, #tpu.memory_space<vmem>>
      %dma_start3A_727 = arith.constant 0 : i32
      %dma_start3A_728 = arith.constant 0 : i32
      %dma_start3A_729 = tpu.memref_slice %arg2[%dma_start3A_727, %dma_start3A_728] : memref<10000x128xf32, #tpu.memory_space<hbm>> -> memref<10000x128xf32, #tpu.memory_space<hbm>>
      %dma_start3A_730 = tpu.memref_slice %arg14[%select_n3A_616] : memref<3x!tpu.dma_semaphore, #tpu.memory_space<semaphore_mem>> -> memref<1x!tpu.dma_semaphore, #tpu.memory_space<semaphore_mem>>
      %dma_start3A_731 = tpu.memref_squeeze %dma_start3A_730 : memref<1x!tpu.dma_semaphore, #tpu.memory_space<semaphore_mem>> -> memref<!tpu.dma_semaphore, #tpu.memory_space<semaphore_mem>>
      tpu.enqueue_indirect_dma source(%dma_start3A_729 : memref<10000x128xf32, #tpu.memory_space<hbm>>) target(%dma_start3A_723 : memref<80x128xf32, #tpu.memory_space<vmem>>) offsets(%dma_start3A_726 : memref<80xi32, #tpu.memory_space<vmem>>) semaphore(%dma_start3A_731 : memref<!tpu.dma_semaphore, #tpu.memory_space<semaphore_mem>>)
      %add3A_732 = arith.constant 1 : i32
      %add3A_733 = arith.addi %add3A_590, %add3A_732 : i32
      %jit3A_734 = arith.constant 3 : i32
      %eq3A_735 = arith.constant 0 : i32
      %eq3A_736 = arith.cmpi eq, %jit3A_734, %eq3A_735 : i32
      %jit3A_737 = arith.constant 1 : i32
      %select_n3A_738 = arith.select %eq3A_736, %jit3A_737, %jit3A_734 : i32
      %rem3A_739 = arith.remsi %add3A_733, %select_n3A_738 : i32
      %ne3A_740 = arith.constant 0 : i32
      %ne3A_741 = arith.cmpi ne, %rem3A_739, %ne3A_740 : i32
      %lt3A_742 = arith.constant 0 : i32
      %lt3A_743 = arith.cmpi slt, %rem3A_739, %lt3A_742 : i32
      %lt3A_744 = arith.constant 0 : i32
      %lt3A_745 = arith.cmpi slt, %select_n3A_738, %lt3A_744 : i32
      %ne3A_746 = arith.xori %lt3A_743, %lt3A_745 : i1
      %and3A_747 = arith.andi %ne3A_746, %ne3A_741 : i1
      %add3A_748 = arith.addi %rem3A_739, %select_n3A_738 : i32
      %select_n3A_749 = arith.select %and3A_747, %add3A_748, %rem3A_739 : i32
      %sub3A_750 = arith.constant 1 : i32
      %sub3A_751 = arith.subi %add3A_733, %sub3A_750 : i32
      %jit3A_752 = arith.constant 3 : i32
      %eq3A_753 = arith.constant 0 : i32
      %eq3A_754 = arith.cmpi eq, %jit3A_752, %eq3A_753 : i32
      %jit3A_755 = arith.constant 1 : i32
      %select_n3A_756 = arith.select %eq3A_754, %jit3A_755, %jit3A_752 : i32
      %rem3A_757 = arith.remsi %sub3A_751, %select_n3A_756 : i32
      %ne3A_758 = arith.constant 0 : i32
      %ne3A_759 = arith.cmpi ne, %rem3A_757, %ne3A_758 : i32
      %lt3A_760 = arith.constant 0 : i32
      %lt3A_761 = arith.cmpi slt, %rem3A_757, %lt3A_760 : i32
      %lt3A_762 = arith.constant 0 : i32
      %lt3A_763 = arith.cmpi slt, %select_n3A_756, %lt3A_762 : i32
      %ne3A_764 = arith.xori %lt3A_761, %lt3A_763 : i1
      %and3A_765 = arith.andi %ne3A_764, %ne3A_759 : i1
      %add3A_766 = arith.addi %rem3A_757, %select_n3A_756 : i32
      %select_n3A_767 = arith.select %and3A_765, %add3A_766, %rem3A_757 : i32
      %sub3A_768 = arith.constant 2 : i32
      %sub3A_769 = arith.subi %add3A_733, %sub3A_768 : i32
      %jit3A_770 = arith.constant 3 : i32
      %eq3A_771 = arith.constant 0 : i32
      %eq3A_772 = arith.cmpi eq, %jit3A_770, %eq3A_771 : i32
      %jit3A_773 = arith.constant 1 : i32
      %select_n3A_774 = arith.select %eq3A_772, %jit3A_773, %jit3A_770 : i32
      %rem3A_775 = arith.remsi %sub3A_769, %select_n3A_774 : i32
      %ne3A_776 = arith.constant 0 : i32
      %ne3A_777 = arith.cmpi ne, %rem3A_775, %ne3A_776 : i32
      %lt3A_778 = arith.constant 0 : i32
      %lt3A_779 = arith.cmpi slt, %rem3A_775, %lt3A_778 : i32
      %lt3A_780 = arith.constant 0 : i32
      %lt3A_781 = arith.cmpi slt, %select_n3A_774, %lt3A_780 : i32
      %ne3A_782 = arith.xori %lt3A_779, %lt3A_781 : i1
      %and3A_783 = arith.andi %ne3A_782, %ne3A_777 : i1
      %add3A_784 = arith.addi %rem3A_775, %select_n3A_774 : i32
      %select_n3A_785 = arith.select %and3A_783, %add3A_784, %rem3A_775 : i32
      %dma_wait3A_786 = arith.constant 0 : i32
      %dma_wait3A_787 = arith.constant 0 : i32
      %dma_wait3A_788 = tpu.memref_slice %arg10[%select_n3A_785, %dma_wait3A_786, %dma_wait3A_787] : memref<3x80x128xf32, #tpu.memory_space<vmem>> -> memref<1x80x128xf32, #tpu.memory_space<vmem>>
      %dma_wait3A_789 = tpu.memref_squeeze %dma_wait3A_788 : memref<1x80x128xf32, #tpu.memory_space<vmem>> -> memref<80x128xf32, #tpu.memory_space<vmem>>
      %dma_wait3A_790 = arith.constant 0 : i32
      %dma_wait3A_791 = tpu.memref_slice %arg8[%select_n3A_785, %dma_wait3A_790] : memref<3x80xi32, #tpu.memory_space<vmem>> -> memref<1x80xi32, #tpu.memory_space<vmem>>
      %dma_wait3A_792 = tpu.memref_squeeze %dma_wait3A_791 : memref<1x80xi32, #tpu.memory_space<vmem>> -> memref<80xi32, #tpu.memory_space<vmem>>
      %dma_wait3A_793 = arith.constant 0 : i32
      %dma_wait3A_794 = arith.constant 0 : i32
      %dma_wait3A_795 = tpu.memref_slice %arg2[%dma_wait3A_793, %dma_wait3A_794] : memref<10000x128xf32, #tpu.memory_space<hbm>> -> memref<10000x128xf32, #tpu.memory_space<hbm>>
      %dma_wait3A_796 = tpu.memref_slice %arg14[%select_n3A_785] : memref<3x!tpu.dma_semaphore, #tpu.memory_space<semaphore_mem>> -> memref<1x!tpu.dma_semaphore, #tpu.memory_space<semaphore_mem>>
      %dma_wait3A_797 = tpu.memref_squeeze %dma_wait3A_796 : memref<1x!tpu.dma_semaphore, #tpu.memory_space<semaphore_mem>> -> memref<!tpu.dma_semaphore, #tpu.memory_space<semaphore_mem>>
      tpu.wait_indirect_dma semaphore(%dma_wait3A_797 : memref<!tpu.dma_semaphore, #tpu.memory_space<semaphore_mem>>) src(%dma_wait3A_795 : memref<10000x128xf32, #tpu.memory_space<hbm>>) dst(%dma_wait3A_789 : memref<80x128xf32, #tpu.memory_space<vmem>>)
      %dma_start3A_798 = arith.constant 0 : i32
      %dma_start3A_799 = arith.constant 0 : i32
      %dma_start3A_800 = tpu.memref_slice %arg10[%select_n3A_785, %dma_start3A_798, %dma_start3A_799] : memref<3x80x128xf32, #tpu.memory_space<vmem>> -> memref<1x80x128xf32, #tpu.memory_space<vmem>>
      %dma_start3A_801 = tpu.memref_squeeze %dma_start3A_800 : memref<1x80x128xf32, #tpu.memory_space<vmem>> -> memref<80x128xf32, #tpu.memory_space<vmem>>
      %dma_start3A_802 = arith.constant 0 : i32
      %dma_start3A_803 = tpu.memref_slice %arg9[%select_n3A_785, %dma_start3A_802] : memref<3x80xi32, #tpu.memory_space<vmem>> -> memref<1x80xi32, #tpu.memory_space<vmem>>
      %dma_start3A_804 = tpu.memref_squeeze %dma_start3A_803 : memref<1x80xi32, #tpu.memory_space<vmem>> -> memref<80xi32, #tpu.memory_space<vmem>>
      %dma_start3A_805 = arith.constant 0 : i32
      %dma_start3A_806 = arith.constant 0 : i32
      %dma_start3A_807 = tpu.memref_slice %arg12[%dma_start3A_805, %dma_start3A_806] : memref<10240x128xf32, #tpu.memory_space<vmem_shared>> -> memref<10240x128xf32, #tpu.memory_space<vmem_shared>>
      %dma_start3A_808 = tpu.memref_slice %arg15[%select_n3A_785] : memref<3x!tpu.dma_semaphore, #tpu.memory_space<semaphore_mem>> -> memref<1x!tpu.dma_semaphore, #tpu.memory_space<semaphore_mem>>
      %dma_start3A_809 = tpu.memref_squeeze %dma_start3A_808 : memref<1x!tpu.dma_semaphore, #tpu.memory_space<semaphore_mem>> -> memref<!tpu.dma_semaphore, #tpu.memory_space<semaphore_mem>>
      tpu.enqueue_indirect_dma source(%dma_start3A_801 : memref<80x128xf32, #tpu.memory_space<vmem>>) target(%dma_start3A_807 : memref<10240x128xf32, #tpu.memory_space<vmem_shared>>) offsets(%dma_start3A_804 : memref<80xi32, #tpu.memory_space<vmem>>) semaphore(%dma_start3A_809 : memref<!tpu.dma_semaphore, #tpu.memory_space<semaphore_mem>>) {add = true}
      %dma_wait3A_810 = arith.constant 0 : i32
      %dma_wait3A_811 = arith.constant 0 : i32
      %dma_wait3A_812 = tpu.memref_slice %arg10[%select_n3A_749, %dma_wait3A_810, %dma_wait3A_811] : memref<3x80x128xf32, #tpu.memory_space<vmem>> -> memref<1x80x128xf32, #tpu.memory_space<vmem>>
      %dma_wait3A_813 = tpu.memref_squeeze %dma_wait3A_812 : memref<1x80x128xf32, #tpu.memory_space<vmem>> -> memref<80x128xf32, #tpu.memory_space<vmem>>
      %dma_wait3A_814 = arith.constant 0 : i32
      %dma_wait3A_815 = tpu.memref_slice %arg9[%select_n3A_749, %dma_wait3A_814] : memref<3x80xi32, #tpu.memory_space<vmem>> -> memref<1x80xi32, #tpu.memory_space<vmem>>
      %dma_wait3A_816 = tpu.memref_squeeze %dma_wait3A_815 : memref<1x80xi32, #tpu.memory_space<vmem>> -> memref<80xi32, #tpu.memory_space<vmem>>
      %dma_wait3A_817 = arith.constant 0 : i32
      %dma_wait3A_818 = arith.constant 0 : i32
      %dma_wait3A_819 = tpu.memref_slice %arg12[%dma_wait3A_817, %dma_wait3A_818] : memref<10240x128xf32, #tpu.memory_space<vmem_shared>> -> memref<10240x128xf32, #tpu.memory_space<vmem_shared>>
      %dma_wait3A_820 = tpu.memref_slice %arg15[%select_n3A_749] : memref<3x!tpu.dma_semaphore, #tpu.memory_space<semaphore_mem>> -> memref<1x!tpu.dma_semaphore, #tpu.memory_space<semaphore_mem>>
      %dma_wait3A_821 = tpu.memref_squeeze %dma_wait3A_820 : memref<1x!tpu.dma_semaphore, #tpu.memory_space<semaphore_mem>> -> memref<!tpu.dma_semaphore, #tpu.memory_space<semaphore_mem>>
      tpu.wait_indirect_dma semaphore(%dma_wait3A_821 : memref<!tpu.dma_semaphore, #tpu.memory_space<semaphore_mem>>) src(%dma_wait3A_813 : memref<80x128xf32, #tpu.memory_space<vmem>>) dst(%dma_wait3A_819 : memref<10240x128xf32, #tpu.memory_space<vmem_shared>>)
      %mul3A_822 = arith.constant 10000 : i32
      %mul3A_823 = arith.muli %add3A, %mul3A_822 : i32
      %mul3A_824 = arith.constant 80 : i32
      %mul3A_825 = arith.muli %add3A_733, %mul3A_824 : i32
      %add3A_826 = arith.addi %mul3A_823, %mul3A_825 : i32
      %dma_start3A_827 = arith.constant 0 : i32
      %dma_start3A_828 = tpu.memref_slice %arg8[%select_n3A_749, %dma_start3A_827] : memref<3x80xi32, #tpu.memory_space<vmem>> -> memref<1x80xi32, #tpu.memory_space<vmem>>
      %dma_start3A_829 = tpu.memref_squeeze %dma_start3A_828 : memref<1x80xi32, #tpu.memory_space<vmem>> -> memref<80xi32, #tpu.memory_space<vmem>>
      %dma_start3A_830 = tpu.memref_slice %arg3[%add3A_826] : memref<320000xi32, #tpu.memory_space<hbm>> -> memref<80xi32, #tpu.memory_space<hbm>>
      %dma_start3A_831 = tpu.memref_slice %arg13[%select_n3A_749] : memref<3x!tpu.dma_semaphore, #tpu.memory_space<semaphore_mem>> -> memref<1x!tpu.dma_semaphore, #tpu.memory_space<semaphore_mem>>
      %dma_start3A_832 = tpu.memref_squeeze %dma_start3A_831 : memref<1x!tpu.dma_semaphore, #tpu.memory_space<semaphore_mem>> -> memref<!tpu.dma_semaphore, #tpu.memory_space<semaphore_mem>>
      %dma_start3A_833 = arith.constant 0 : i32
      %dma_start3A_834 = tpu.memref_slice %arg8[%select_n3A_749, %dma_start3A_833] : memref<3x80xi32, #tpu.memory_space<vmem>> -> memref<1x80xi32, #tpu.memory_space<vmem>>
      %dma_start3A_835 = tpu.memref_squeeze %dma_start3A_834 : memref<1x80xi32, #tpu.memory_space<vmem>> -> memref<80xi32, #tpu.memory_space<vmem>>
      %dma_start3A_836 = tpu.memref_slice %arg3[%add3A_826] : memref<320000xi32, #tpu.memory_space<hbm>> -> memref<80xi32, #tpu.memory_space<hbm>>
      tpu.enqueue_dma source(%dma_start3A_836 : memref<80xi32, #tpu.memory_space<hbm>>) target(%dma_start3A_835 : memref<80xi32, #tpu.memory_space<vmem>>) target_semaphore(%dma_start3A_832 : memref<!tpu.dma_semaphore, #tpu.memory_space<semaphore_mem>>)
      %dma_start3A_837 = arith.constant 0 : i32
      %dma_start3A_838 = tpu.memref_slice %arg9[%select_n3A_749, %dma_start3A_837] : memref<3x80xi32, #tpu.memory_space<vmem>> -> memref<1x80xi32, #tpu.memory_space<vmem>>
      %dma_start3A_839 = tpu.memref_squeeze %dma_start3A_838 : memref<1x80xi32, #tpu.memory_space<vmem>> -> memref<80xi32, #tpu.memory_space<vmem>>
      %dma_start3A_840 = tpu.memref_slice %arg4[%add3A_826] : memref<320000xi32, #tpu.memory_space<hbm>> -> memref<80xi32, #tpu.memory_space<hbm>>
      %dma_start3A_841 = tpu.memref_slice %arg13[%select_n3A_749] : memref<3x!tpu.dma_semaphore, #tpu.memory_space<semaphore_mem>> -> memref<1x!tpu.dma_semaphore, #tpu.memory_space<semaphore_mem>>
      %dma_start3A_842 = tpu.memref_squeeze %dma_start3A_841 : memref<1x!tpu.dma_semaphore, #tpu.memory_space<semaphore_mem>> -> memref<!tpu.dma_semaphore, #tpu.memory_space<semaphore_mem>>
      %dma_start3A_843 = arith.constant 0 : i32
      %dma_start3A_844 = tpu.memref_slice %arg9[%select_n3A_749, %dma_start3A_843] : memref<3x80xi32, #tpu.memory_space<vmem>> -> memref<1x80xi32, #tpu.memory_space<vmem>>
      %dma_start3A_845 = tpu.memref_squeeze %dma_start3A_844 : memref<1x80xi32, #tpu.memory_space<vmem>> -> memref<80xi32, #tpu.memory_space<vmem>>
      %dma_start3A_846 = tpu.memref_slice %arg4[%add3A_826] : memref<320000xi32, #tpu.memory_space<hbm>> -> memref<80xi32, #tpu.memory_space<hbm>>
      tpu.enqueue_dma source(%dma_start3A_846 : memref<80xi32, #tpu.memory_space<hbm>>) target(%dma_start3A_845 : memref<80xi32, #tpu.memory_space<vmem>>) target_semaphore(%dma_start3A_842 : memref<!tpu.dma_semaphore, #tpu.memory_space<semaphore_mem>>)
      %dma_wait3A_847 = arith.constant 0 : i32
      %dma_wait3A_848 = tpu.memref_slice %arg8[%select_n3A_767, %dma_wait3A_847] : memref<3x80xi32, #tpu.memory_space<vmem>> -> memref<1x80xi32, #tpu.memory_space<vmem>>
      %dma_wait3A_849 = tpu.memref_squeeze %dma_wait3A_848 : memref<1x80xi32, #tpu.memory_space<vmem>> -> memref<80xi32, #tpu.memory_space<vmem>>
      %dma_wait3A_850 = arith.constant 0 : i32
      %dma_wait3A_851 = tpu.memref_slice %arg3[%dma_wait3A_850] : memref<320000xi32, #tpu.memory_space<hbm>> -> memref<80xi32, #tpu.memory_space<hbm>>
      %dma_wait3A_852 = tpu.memref_slice %arg13[%select_n3A_767] : memref<3x!tpu.dma_semaphore, #tpu.memory_space<semaphore_mem>> -> memref<1x!tpu.dma_semaphore, #tpu.memory_space<semaphore_mem>>
      %dma_wait3A_853 = tpu.memref_squeeze %dma_wait3A_852 : memref<1x!tpu.dma_semaphore, #tpu.memory_space<semaphore_mem>> -> memref<!tpu.dma_semaphore, #tpu.memory_space<semaphore_mem>>
      %dma_wait3A_854 = arith.constant 0 : i32
      %dma_wait3A_855 = tpu.memref_slice %arg8[%select_n3A_767, %dma_wait3A_854] : memref<3x80xi32, #tpu.memory_space<vmem>> -> memref<1x80xi32, #tpu.memory_space<vmem>>
      %dma_wait3A_856 = tpu.memref_squeeze %dma_wait3A_855 : memref<1x80xi32, #tpu.memory_space<vmem>> -> memref<80xi32, #tpu.memory_space<vmem>>
      %dma_wait3A_857 = arith.constant 0 : i32
      %dma_wait3A_858 = tpu.memref_slice %arg3[%dma_wait3A_857] : memref<320000xi32, #tpu.memory_space<hbm>> -> memref<80xi32, #tpu.memory_space<hbm>>
      tpu.wait_dma2 semaphore(%dma_wait3A_853 : memref<!tpu.dma_semaphore, #tpu.memory_space<semaphore_mem>>) src(%dma_wait3A_858 : memref<80xi32, #tpu.memory_space<hbm>>) dst(%dma_wait3A_856 : memref<80xi32, #tpu.memory_space<vmem>>)
      %dma_wait3A_859 = arith.constant 0 : i32
      %dma_wait3A_860 = tpu.memref_slice %arg9[%select_n3A_767, %dma_wait3A_859] : memref<3x80xi32, #tpu.memory_space<vmem>> -> memref<1x80xi32, #tpu.memory_space<vmem>>
      %dma_wait3A_861 = tpu.memref_squeeze %dma_wait3A_860 : memref<1x80xi32, #tpu.memory_space<vmem>> -> memref<80xi32, #tpu.memory_space<vmem>>
      %dma_wait3A_862 = arith.constant 0 : i32
      %dma_wait3A_863 = tpu.memref_slice %arg4[%dma_wait3A_862] : memref<320000xi32, #tpu.memory_space<hbm>> -> memref<80xi32, #tpu.memory_space<hbm>>
      %dma_wait3A_864 = tpu.memref_slice %arg13[%select_n3A_767] : memref<3x!tpu.dma_semaphore, #tpu.memory_space<semaphore_mem>> -> memref<1x!tpu.dma_semaphore, #tpu.memory_space<semaphore_mem>>
      %dma_wait3A_865 = tpu.memref_squeeze %dma_wait3A_864 : memref<1x!tpu.dma_semaphore, #tpu.memory_space<semaphore_mem>> -> memref<!tpu.dma_semaphore, #tpu.memory_space<semaphore_mem>>
      %dma_wait3A_866 = arith.constant 0 : i32
      %dma_wait3A_867 = tpu.memref_slice %arg9[%select_n3A_767, %dma_wait3A_866] : memref<3x80xi32, #tpu.memory_space<vmem>> -> memref<1x80xi32, #tpu.memory_space<vmem>>
      %dma_wait3A_868 = tpu.memref_squeeze %dma_wait3A_867 : memref<1x80xi32, #tpu.memory_space<vmem>> -> memref<80xi32, #tpu.memory_space<vmem>>
      %dma_wait3A_869 = arith.constant 0 : i32
      %dma_wait3A_870 = tpu.memref_slice %arg4[%dma_wait3A_869] : memref<320000xi32, #tpu.memory_space<hbm>> -> memref<80xi32, #tpu.memory_space<hbm>>
      tpu.wait_dma2 semaphore(%dma_wait3A_865 : memref<!tpu.dma_semaphore, #tpu.memory_space<semaphore_mem>>) src(%dma_wait3A_870 : memref<80xi32, #tpu.memory_space<hbm>>) dst(%dma_wait3A_868 : memref<80xi32, #tpu.memory_space<vmem>>)
      %dma_start3A_871 = arith.constant 0 : i32
      %dma_start3A_872 = arith.constant 0 : i32
      %dma_start3A_873 = tpu.memref_slice %arg10[%select_n3A_767, %dma_start3A_871, %dma_start3A_872] : memref<3x80x128xf32, #tpu.memory_space<vmem>> -> memref<1x80x128xf32, #tpu.memory_space<vmem>>
      %dma_start3A_874 = tpu.memref_squeeze %dma_start3A_873 : memref<1x80x128xf32, #tpu.memory_space<vmem>> -> memref<80x128xf32, #tpu.memory_space<vmem>>
      %dma_start3A_875 = arith.constant 0 : i32
      %dma_start3A_876 = tpu.memref_slice %arg8[%select_n3A_767, %dma_start3A_875] : memref<3x80xi32, #tpu.memory_space<vmem>> -> memref<1x80xi32, #tpu.memory_space<vmem>>
      %dma_start3A_877 = tpu.memref_squeeze %dma_start3A_876 : memref<1x80xi32, #tpu.memory_space<vmem>> -> memref<80xi32, #tpu.memory_space<vmem>>
      %dma_start3A_878 = arith.constant 0 : i32
      %dma_start3A_879 = arith.constant 0 : i32
      %dma_start3A_880 = tpu.memref_slice %arg2[%dma_start3A_878, %dma_start3A_879] : memref<10000x128xf32, #tpu.memory_space<hbm>> -> memref<10000x128xf32, #tpu.memory_space<hbm>>
      %dma_start3A_881 = tpu.memref_slice %arg14[%select_n3A_767] : memref<3x!tpu.dma_semaphore, #tpu.memory_space<semaphore_mem>> -> memref<1x!tpu.dma_semaphore, #tpu.memory_space<semaphore_mem>>
      %dma_start3A_882 = tpu.memref_squeeze %dma_start3A_881 : memref<1x!tpu.dma_semaphore, #tpu.memory_space<semaphore_mem>> -> memref<!tpu.dma_semaphore, #tpu.memory_space<semaphore_mem>>
      tpu.enqueue_indirect_dma source(%dma_start3A_880 : memref<10000x128xf32, #tpu.memory_space<hbm>>) target(%dma_start3A_874 : memref<80x128xf32, #tpu.memory_space<vmem>>) offsets(%dma_start3A_877 : memref<80xi32, #tpu.memory_space<vmem>>) semaphore(%dma_start3A_882 : memref<!tpu.dma_semaphore, #tpu.memory_space<semaphore_mem>>)
      %add3A_883 = arith.constant 2 : i32
      %add3A_884 = arith.addi %add3A_590, %add3A_883 : i32
      %jit3A_885 = arith.constant 3 : i32
      %eq3A_886 = arith.constant 0 : i32
      %eq3A_887 = arith.cmpi eq, %jit3A_885, %eq3A_886 : i32
      %jit3A_888 = arith.constant 1 : i32
      %select_n3A_889 = arith.select %eq3A_887, %jit3A_888, %jit3A_885 : i32
      %rem3A_890 = arith.remsi %add3A_884, %select_n3A_889 : i32
      %ne3A_891 = arith.constant 0 : i32
      %ne3A_892 = arith.cmpi ne, %rem3A_890, %ne3A_891 : i32
      %lt3A_893 = arith.constant 0 : i32
      %lt3A_894 = arith.cmpi slt, %rem3A_890, %lt3A_893 : i32
      %lt3A_895 = arith.constant 0 : i32
      %lt3A_896 = arith.cmpi slt, %select_n3A_889, %lt3A_895 : i32
      %ne3A_897 = arith.xori %lt3A_894, %lt3A_896 : i1
      %and3A_898 = arith.andi %ne3A_897, %ne3A_892 : i1
      %add3A_899 = arith.addi %rem3A_890, %select_n3A_889 : i32
      %select_n3A_900 = arith.select %and3A_898, %add3A_899, %rem3A_890 : i32
      %sub3A_901 = arith.constant 1 : i32
      %sub3A_902 = arith.subi %add3A_884, %sub3A_901 : i32
      %jit3A_903 = arith.constant 3 : i32
      %eq3A_904 = arith.constant 0 : i32
      %eq3A_905 = arith.cmpi eq, %jit3A_903, %eq3A_904 : i32
      %jit3A_906 = arith.constant 1 : i32
      %select_n3A_907 = arith.select %eq3A_905, %jit3A_906, %jit3A_903 : i32
      %rem3A_908 = arith.remsi %sub3A_902, %select_n3A_907 : i32
      %ne3A_909 = arith.constant 0 : i32
      %ne3A_910 = arith.cmpi ne, %rem3A_908, %ne3A_909 : i32
      %lt3A_911 = arith.constant 0 : i32
      %lt3A_912 = arith.cmpi slt, %rem3A_908, %lt3A_911 : i32
      %lt3A_913 = arith.constant 0 : i32
      %lt3A_914 = arith.cmpi slt, %select_n3A_907, %lt3A_913 : i32
      %ne3A_915 = arith.xori %lt3A_912, %lt3A_914 : i1
      %and3A_916 = arith.andi %ne3A_915, %ne3A_910 : i1
      %add3A_917 = arith.addi %rem3A_908, %select_n3A_907 : i32
      %select_n3A_918 = arith.select %and3A_916, %add3A_917, %rem3A_908 : i32
      %sub3A_919 = arith.constant 2 : i32
      %sub3A_920 = arith.subi %add3A_884, %sub3A_919 : i32
      %jit3A_921 = arith.constant 3 : i32
      %eq3A_922 = arith.constant 0 : i32
      %eq3A_923 = arith.cmpi eq, %jit3A_921, %eq3A_922 : i32
      %jit3A_924 = arith.constant 1 : i32
      %select_n3A_925 = arith.select %eq3A_923, %jit3A_924, %jit3A_921 : i32
      %rem3A_926 = arith.remsi %sub3A_920, %select_n3A_925 : i32
      %ne3A_927 = arith.constant 0 : i32
      %ne3A_928 = arith.cmpi ne, %rem3A_926, %ne3A_927 : i32
      %lt3A_929 = arith.constant 0 : i32
      %lt3A_930 = arith.cmpi slt, %rem3A_926, %lt3A_929 : i32
      %lt3A_931 = arith.constant 0 : i32
      %lt3A_932 = arith.cmpi slt, %select_n3A_925, %lt3A_931 : i32
      %ne3A_933 = arith.xori %lt3A_930, %lt3A_932 : i1
      %and3A_934 = arith.andi %ne3A_933, %ne3A_928 : i1
      %add3A_935 = arith.addi %rem3A_926, %select_n3A_925 : i32
      %select_n3A_936 = arith.select %and3A_934, %add3A_935, %rem3A_926 : i32
      %dma_wait3A_937 = arith.constant 0 : i32
      %dma_wait3A_938 = arith.constant 0 : i32
      %dma_wait3A_939 = tpu.memref_slice %arg10[%select_n3A_936, %dma_wait3A_937, %dma_wait3A_938] : memref<3x80x128xf32, #tpu.memory_space<vmem>> -> memref<1x80x128xf32, #tpu.memory_space<vmem>>
      %dma_wait3A_940 = tpu.memref_squeeze %dma_wait3A_939 : memref<1x80x128xf32, #tpu.memory_space<vmem>> -> memref<80x128xf32, #tpu.memory_space<vmem>>
      %dma_wait3A_941 = arith.constant 0 : i32
      %dma_wait3A_942 = tpu.memref_slice %arg8[%select_n3A_936, %dma_wait3A_941] : memref<3x80xi32, #tpu.memory_space<vmem>> -> memref<1x80xi32, #tpu.memory_space<vmem>>
      %dma_wait3A_943 = tpu.memref_squeeze %dma_wait3A_942 : memref<1x80xi32, #tpu.memory_space<vmem>> -> memref<80xi32, #tpu.memory_space<vmem>>
      %dma_wait3A_944 = arith.constant 0 : i32
      %dma_wait3A_945 = arith.constant 0 : i32
      %dma_wait3A_946 = tpu.memref_slice %arg2[%dma_wait3A_944, %dma_wait3A_945] : memref<10000x128xf32, #tpu.memory_space<hbm>> -> memref<10000x128xf32, #tpu.memory_space<hbm>>
      %dma_wait3A_947 = tpu.memref_slice %arg14[%select_n3A_936] : memref<3x!tpu.dma_semaphore, #tpu.memory_space<semaphore_mem>> -> memref<1x!tpu.dma_semaphore, #tpu.memory_space<semaphore_mem>>
      %dma_wait3A_948 = tpu.memref_squeeze %dma_wait3A_947 : memref<1x!tpu.dma_semaphore, #tpu.memory_space<semaphore_mem>> -> memref<!tpu.dma_semaphore, #tpu.memory_space<semaphore_mem>>
      tpu.wait_indirect_dma semaphore(%dma_wait3A_948 : memref<!tpu.dma_semaphore, #tpu.memory_space<semaphore_mem>>) src(%dma_wait3A_946 : memref<10000x128xf32, #tpu.memory_space<hbm>>) dst(%dma_wait3A_940 : memref<80x128xf32, #tpu.memory_space<vmem>>)
      %dma_start3A_949 = arith.constant 0 : i32
      %dma_start3A_950 = arith.constant 0 : i32
      %dma_start3A_951 = tpu.memref_slice %arg10[%select_n3A_936, %dma_start3A_949, %dma_start3A_950] : memref<3x80x128xf32, #tpu.memory_space<vmem>> -> memref<1x80x128xf32, #tpu.memory_space<vmem>>
      %dma_start3A_952 = tpu.memref_squeeze %dma_start3A_951 : memref<1x80x128xf32, #tpu.memory_space<vmem>> -> memref<80x128xf32, #tpu.memory_space<vmem>>
      %dma_start3A_953 = arith.constant 0 : i32
      %dma_start3A_954 = tpu.memref_slice %arg9[%select_n3A_936, %dma_start3A_953] : memref<3x80xi32, #tpu.memory_space<vmem>> -> memref<1x80xi32, #tpu.memory_space<vmem>>
      %dma_start3A_955 = tpu.memref_squeeze %dma_start3A_954 : memref<1x80xi32, #tpu.memory_space<vmem>> -> memref<80xi32, #tpu.memory_space<vmem>>
      %dma_start3A_956 = arith.constant 0 : i32
      %dma_start3A_957 = arith.constant 0 : i32
      %dma_start3A_958 = tpu.memref_slice %arg12[%dma_start3A_956, %dma_start3A_957] : memref<10240x128xf32, #tpu.memory_space<vmem_shared>> -> memref<10240x128xf32, #tpu.memory_space<vmem_shared>>
      %dma_start3A_959 = tpu.memref_slice %arg15[%select_n3A_936] : memref<3x!tpu.dma_semaphore, #tpu.memory_space<semaphore_mem>> -> memref<1x!tpu.dma_semaphore, #tpu.memory_space<semaphore_mem>>
      %dma_start3A_960 = tpu.memref_squeeze %dma_start3A_959 : memref<1x!tpu.dma_semaphore, #tpu.memory_space<semaphore_mem>> -> memref<!tpu.dma_semaphore, #tpu.memory_space<semaphore_mem>>
      tpu.enqueue_indirect_dma source(%dma_start3A_952 : memref<80x128xf32, #tpu.memory_space<vmem>>) target(%dma_start3A_958 : memref<10240x128xf32, #tpu.memory_space<vmem_shared>>) offsets(%dma_start3A_955 : memref<80xi32, #tpu.memory_space<vmem>>) semaphore(%dma_start3A_960 : memref<!tpu.dma_semaphore, #tpu.memory_space<semaphore_mem>>) {add = true}
      %dma_wait3A_961 = arith.constant 0 : i32
      %dma_wait3A_962 = arith.constant 0 : i32
      %dma_wait3A_963 = tpu.memref_slice %arg10[%select_n3A_900, %dma_wait3A_961, %dma_wait3A_962] : memref<3x80x128xf32, #tpu.memory_space<vmem>> -> memref<1x80x128xf32, #tpu.memory_space<vmem>>
      %dma_wait3A_964 = tpu.memref_squeeze %dma_wait3A_963 : memref<1x80x128xf32, #tpu.memory_space<vmem>> -> memref<80x128xf32, #tpu.memory_space<vmem>>
      %dma_wait3A_965 = arith.constant 0 : i32
      %dma_wait3A_966 = tpu.memref_slice %arg9[%select_n3A_900, %dma_wait3A_965] : memref<3x80xi32, #tpu.memory_space<vmem>> -> memref<1x80xi32, #tpu.memory_space<vmem>>
      %dma_wait3A_967 = tpu.memref_squeeze %dma_wait3A_966 : memref<1x80xi32, #tpu.memory_space<vmem>> -> memref<80xi32, #tpu.memory_space<vmem>>
      %dma_wait3A_968 = arith.constant 0 : i32
      %dma_wait3A_969 = arith.constant 0 : i32
      %dma_wait3A_970 = tpu.memref_slice %arg12[%dma_wait3A_968, %dma_wait3A_969] : memref<10240x128xf32, #tpu.memory_space<vmem_shared>> -> memref<10240x128xf32, #tpu.memory_space<vmem_shared>>
      %dma_wait3A_971 = tpu.memref_slice %arg15[%select_n3A_900] : memref<3x!tpu.dma_semaphore, #tpu.memory_space<semaphore_mem>> -> memref<1x!tpu.dma_semaphore, #tpu.memory_space<semaphore_mem>>
      %dma_wait3A_972 = tpu.memref_squeeze %dma_wait3A_971 : memref<1x!tpu.dma_semaphore, #tpu.memory_space<semaphore_mem>> -> memref<!tpu.dma_semaphore, #tpu.memory_space<semaphore_mem>>
      tpu.wait_indirect_dma semaphore(%dma_wait3A_972 : memref<!tpu.dma_semaphore, #tpu.memory_space<semaphore_mem>>) src(%dma_wait3A_964 : memref<80x128xf32, #tpu.memory_space<vmem>>) dst(%dma_wait3A_970 : memref<10240x128xf32, #tpu.memory_space<vmem_shared>>)
      %mul3A_973 = arith.constant 10000 : i32
      %mul3A_974 = arith.muli %add3A, %mul3A_973 : i32
      %mul3A_975 = arith.constant 80 : i32
      %mul3A_976 = arith.muli %add3A_884, %mul3A_975 : i32
      %add3A_977 = arith.addi %mul3A_974, %mul3A_976 : i32
      %dma_start3A_978 = arith.constant 0 : i32
      %dma_start3A_979 = tpu.memref_slice %arg8[%select_n3A_900, %dma_start3A_978] : memref<3x80xi32, #tpu.memory_space<vmem>> -> memref<1x80xi32, #tpu.memory_space<vmem>>
      %dma_start3A_980 = tpu.memref_squeeze %dma_start3A_979 : memref<1x80xi32, #tpu.memory_space<vmem>> -> memref<80xi32, #tpu.memory_space<vmem>>
      %dma_start3A_981 = tpu.memref_slice %arg3[%add3A_977] : memref<320000xi32, #tpu.memory_space<hbm>> -> memref<80xi32, #tpu.memory_space<hbm>>
      %dma_start3A_982 = tpu.memref_slice %arg13[%select_n3A_900] : memref<3x!tpu.dma_semaphore, #tpu.memory_space<semaphore_mem>> -> memref<1x!tpu.dma_semaphore, #tpu.memory_space<semaphore_mem>>
      %dma_start3A_983 = tpu.memref_squeeze %dma_start3A_982 : memref<1x!tpu.dma_semaphore, #tpu.memory_space<semaphore_mem>> -> memref<!tpu.dma_semaphore, #tpu.memory_space<semaphore_mem>>
      %dma_start3A_984 = arith.constant 0 : i32
      %dma_start3A_985 = tpu.memref_slice %arg8[%select_n3A_900, %dma_start3A_984] : memref<3x80xi32, #tpu.memory_space<vmem>> -> memref<1x80xi32, #tpu.memory_space<vmem>>
      %dma_start3A_986 = tpu.memref_squeeze %dma_start3A_985 : memref<1x80xi32, #tpu.memory_space<vmem>> -> memref<80xi32, #tpu.memory_space<vmem>>
      %dma_start3A_987 = tpu.memref_slice %arg3[%add3A_977] : memref<320000xi32, #tpu.memory_space<hbm>> -> memref<80xi32, #tpu.memory_space<hbm>>
      tpu.enqueue_dma source(%dma_start3A_987 : memref<80xi32, #tpu.memory_space<hbm>>) target(%dma_start3A_986 : memref<80xi32, #tpu.memory_space<vmem>>) target_semaphore(%dma_start3A_983 : memref<!tpu.dma_semaphore, #tpu.memory_space<semaphore_mem>>)
      %dma_start3A_988 = arith.constant 0 : i32
      %dma_start3A_989 = tpu.memref_slice %arg9[%select_n3A_900, %dma_start3A_988] : memref<3x80xi32, #tpu.memory_space<vmem>> -> memref<1x80xi32, #tpu.memory_space<vmem>>
      %dma_start3A_990 = tpu.memref_squeeze %dma_start3A_989 : memref<1x80xi32, #tpu.memory_space<vmem>> -> memref<80xi32, #tpu.memory_space<vmem>>
      %dma_start3A_991 = tpu.memref_slice %arg4[%add3A_977] : memref<320000xi32, #tpu.memory_space<hbm>> -> memref<80xi32, #tpu.memory_space<hbm>>
      %dma_start3A_992 = tpu.memref_slice %arg13[%select_n3A_900] : memref<3x!tpu.dma_semaphore, #tpu.memory_space<semaphore_mem>> -> memref<1x!tpu.dma_semaphore, #tpu.memory_space<semaphore_mem>>
      %dma_start3A_993 = tpu.memref_squeeze %dma_start3A_992 : memref<1x!tpu.dma_semaphore, #tpu.memory_space<semaphore_mem>> -> memref<!tpu.dma_semaphore, #tpu.memory_space<semaphore_mem>>
      %dma_start3A_994 = arith.constant 0 : i32
      %dma_start3A_995 = tpu.memref_slice %arg9[%select_n3A_900, %dma_start3A_994] : memref<3x80xi32, #tpu.memory_space<vmem>> -> memref<1x80xi32, #tpu.memory_space<vmem>>
      %dma_start3A_996 = tpu.memref_squeeze %dma_start3A_995 : memref<1x80xi32, #tpu.memory_space<vmem>> -> memref<80xi32, #tpu.memory_space<vmem>>
      %dma_start3A_997 = tpu.memref_slice %arg4[%add3A_977] : memref<320000xi32, #tpu.memory_space<hbm>> -> memref<80xi32, #tpu.memory_space<hbm>>
      tpu.enqueue_dma source(%dma_start3A_997 : memref<80xi32, #tpu.memory_space<hbm>>) target(%dma_start3A_996 : memref<80xi32, #tpu.memory_space<vmem>>) target_semaphore(%dma_start3A_993 : memref<!tpu.dma_semaphore, #tpu.memory_space<semaphore_mem>>)
      %dma_wait3A_998 = arith.constant 0 : i32
      %dma_wait3A_999 = tpu.memref_slice %arg8[%select_n3A_918, %dma_wait3A_998] : memref<3x80xi32, #tpu.memory_space<vmem>> -> memref<1x80xi32, #tpu.memory_space<vmem>>
      %dma_wait3A_1000 = tpu.memref_squeeze %dma_wait3A_999 : memref<1x80xi32, #tpu.memory_space<vmem>> -> memref<80xi32, #tpu.memory_space<vmem>>
      %dma_wait3A_1001 = arith.constant 0 : i32
      %dma_wait3A_1002 = tpu.memref_slice %arg3[%dma_wait3A_1001] : memref<320000xi32, #tpu.memory_space<hbm>> -> memref<80xi32, #tpu.memory_space<hbm>>
      %dma_wait3A_1003 = tpu.memref_slice %arg13[%select_n3A_918] : memref<3x!tpu.dma_semaphore, #tpu.memory_space<semaphore_mem>> -> memref<1x!tpu.dma_semaphore, #tpu.memory_space<semaphore_mem>>
      %dma_wait3A_1004 = tpu.memref_squeeze %dma_wait3A_1003 : memref<1x!tpu.dma_semaphore, #tpu.memory_space<semaphore_mem>> -> memref<!tpu.dma_semaphore, #tpu.memory_space<semaphore_mem>>
      %dma_wait3A_1005 = arith.constant 0 : i32
      %dma_wait3A_1006 = tpu.memref_slice %arg8[%select_n3A_918, %dma_wait3A_1005] : memref<3x80xi32, #tpu.memory_space<vmem>> -> memref<1x80xi32, #tpu.memory_space<vmem>>
      %dma_wait3A_1007 = tpu.memref_squeeze %dma_wait3A_1006 : memref<1x80xi32, #tpu.memory_space<vmem>> -> memref<80xi32, #tpu.memory_space<vmem>>
      %dma_wait3A_1008 = arith.constant 0 : i32
      %dma_wait3A_1009 = tpu.memref_slice %arg3[%dma_wait3A_1008] : memref<320000xi32, #tpu.memory_space<hbm>> -> memref<80xi32, #tpu.memory_space<hbm>>
      tpu.wait_dma2 semaphore(%dma_wait3A_1004 : memref<!tpu.dma_semaphore, #tpu.memory_space<semaphore_mem>>) src(%dma_wait3A_1009 : memref<80xi32, #tpu.memory_space<hbm>>) dst(%dma_wait3A_1007 : memref<80xi32, #tpu.memory_space<vmem>>)
      %dma_wait3A_1010 = arith.constant 0 : i32
      %dma_wait3A_1011 = tpu.memref_slice %arg9[%select_n3A_918, %dma_wait3A_1010] : memref<3x80xi32, #tpu.memory_space<vmem>> -> memref<1x80xi32, #tpu.memory_space<vmem>>
      %dma_wait3A_1012 = tpu.memref_squeeze %dma_wait3A_1011 : memref<1x80xi32, #tpu.memory_space<vmem>> -> memref<80xi32, #tpu.memory_space<vmem>>
      %dma_wait3A_1013 = arith.constant 0 : i32
      %dma_wait3A_1014 = tpu.memref_slice %arg4[%dma_wait3A_1013] : memref<320000xi32, #tpu.memory_space<hbm>> -> memref<80xi32, #tpu.memory_space<hbm>>
      %dma_wait3A_1015 = tpu.memref_slice %arg13[%select_n3A_918] : memref<3x!tpu.dma_semaphore, #tpu.memory_space<semaphore_mem>> -> memref<1x!tpu.dma_semaphore, #tpu.memory_space<semaphore_mem>>
      %dma_wait3A_1016 = tpu.memref_squeeze %dma_wait3A_1015 : memref<1x!tpu.dma_semaphore, #tpu.memory_space<semaphore_mem>> -> memref<!tpu.dma_semaphore, #tpu.memory_space<semaphore_mem>>
      %dma_wait3A_1017 = arith.constant 0 : i32
      %dma_wait3A_1018 = tpu.memref_slice %arg9[%select_n3A_918, %dma_wait3A_1017] : memref<3x80xi32, #tpu.memory_space<vmem>> -> memref<1x80xi32, #tpu.memory_space<vmem>>
      %dma_wait3A_1019 = tpu.memref_squeeze %dma_wait3A_1018 : memref<1x80xi32, #tpu.memory_space<vmem>> -> memref<80xi32, #tpu.memory_space<vmem>>
      %dma_wait3A_1020 = arith.constant 0 : i32
      %dma_wait3A_1021 = tpu.memref_slice %arg4[%dma_wait3A_1020] : memref<320000xi32, #tpu.memory_space<hbm>> -> memref<80xi32, #tpu.memory_space<hbm>>
      tpu.wait_dma2 semaphore(%dma_wait3A_1016 : memref<!tpu.dma_semaphore, #tpu.memory_space<semaphore_mem>>) src(%dma_wait3A_1021 : memref<80xi32, #tpu.memory_space<hbm>>) dst(%dma_wait3A_1019 : memref<80xi32, #tpu.memory_space<vmem>>)
      %dma_start3A_1022 = arith.constant 0 : i32
      %dma_start3A_1023 = arith.constant 0 : i32
      %dma_start3A_1024 = tpu.memref_slice %arg10[%select_n3A_918, %dma_start3A_1022, %dma_start3A_1023] : memref<3x80x128xf32, #tpu.memory_space<vmem>> -> memref<1x80x128xf32, #tpu.memory_space<vmem>>
      %dma_start3A_1025 = tpu.memref_squeeze %dma_start3A_1024 : memref<1x80x128xf32, #tpu.memory_space<vmem>> -> memref<80x128xf32, #tpu.memory_space<vmem>>
      %dma_start3A_1026 = arith.constant 0 : i32
      %dma_start3A_1027 = tpu.memref_slice %arg8[%select_n3A_918, %dma_start3A_1026] : memref<3x80xi32, #tpu.memory_space<vmem>> -> memref<1x80xi32, #tpu.memory_space<vmem>>
      %dma_start3A_1028 = tpu.memref_squeeze %dma_start3A_1027 : memref<1x80xi32, #tpu.memory_space<vmem>> -> memref<80xi32, #tpu.memory_space<vmem>>
      %dma_start3A_1029 = arith.constant 0 : i32
      %dma_start3A_1030 = arith.constant 0 : i32
      %dma_start3A_1031 = tpu.memref_slice %arg2[%dma_start3A_1029, %dma_start3A_1030] : memref<10000x128xf32, #tpu.memory_space<hbm>> -> memref<10000x128xf32, #tpu.memory_space<hbm>>
      %dma_start3A_1032 = tpu.memref_slice %arg14[%select_n3A_918] : memref<3x!tpu.dma_semaphore, #tpu.memory_space<semaphore_mem>> -> memref<1x!tpu.dma_semaphore, #tpu.memory_space<semaphore_mem>>
      %dma_start3A_1033 = tpu.memref_squeeze %dma_start3A_1032 : memref<1x!tpu.dma_semaphore, #tpu.memory_space<semaphore_mem>> -> memref<!tpu.dma_semaphore, #tpu.memory_space<semaphore_mem>>
      tpu.enqueue_indirect_dma source(%dma_start3A_1031 : memref<10000x128xf32, #tpu.memory_space<hbm>>) target(%dma_start3A_1025 : memref<80x128xf32, #tpu.memory_space<vmem>>) offsets(%dma_start3A_1028 : memref<80xi32, #tpu.memory_space<vmem>>) semaphore(%dma_start3A_1033 : memref<!tpu.dma_semaphore, #tpu.memory_space<semaphore_mem>>)
    }
    %scan3A_436 = arith.constant 40 : i32
    %dma_wait3A_437 = arith.constant 0 : i32
    %dma_wait3A_438 = arith.constant 0 : i32
    %dma_wait3A_439 = arith.constant 0 : i32
    %dma_wait3A_440 = arith.constant 0 : i32
    %dma_wait3A_441 = arith.constant 0 : i32
    %dma_wait3A_442 = tpu.memref_slice %arg10[%dma_wait3A_438, %dma_wait3A_440, %dma_wait3A_441] : memref<3x80x128xf32, #tpu.memory_space<vmem>> -> memref<1x80x128xf32, #tpu.memory_space<vmem>>
    %dma_wait3A_443 = tpu.memref_squeeze %dma_wait3A_442 : memref<1x80x128xf32, #tpu.memory_space<vmem>> -> memref<80x128xf32, #tpu.memory_space<vmem>>
    %dma_wait3A_444 = arith.constant 0 : i32
    %dma_wait3A_445 = tpu.memref_slice %arg8[%dma_wait3A_437, %dma_wait3A_444] : memref<3x80xi32, #tpu.memory_space<vmem>> -> memref<1x80xi32, #tpu.memory_space<vmem>>
    %dma_wait3A_446 = tpu.memref_squeeze %dma_wait3A_445 : memref<1x80xi32, #tpu.memory_space<vmem>> -> memref<80xi32, #tpu.memory_space<vmem>>
    %dma_wait3A_447 = arith.constant 0 : i32
    %dma_wait3A_448 = arith.constant 0 : i32
    %dma_wait3A_449 = tpu.memref_slice %arg2[%dma_wait3A_447, %dma_wait3A_448] : memref<10000x128xf32, #tpu.memory_space<hbm>> -> memref<10000x128xf32, #tpu.memory_space<hbm>>
    %dma_wait3A_450 = tpu.memref_slice %arg14[%dma_wait3A_439] : memref<3x!tpu.dma_semaphore, #tpu.memory_space<semaphore_mem>> -> memref<1x!tpu.dma_semaphore, #tpu.memory_space<semaphore_mem>>
    %dma_wait3A_451 = tpu.memref_squeeze %dma_wait3A_450 : memref<1x!tpu.dma_semaphore, #tpu.memory_space<semaphore_mem>> -> memref<!tpu.dma_semaphore, #tpu.memory_space<semaphore_mem>>
    tpu.wait_indirect_dma semaphore(%dma_wait3A_451 : memref<!tpu.dma_semaphore, #tpu.memory_space<semaphore_mem>>) src(%dma_wait3A_449 : memref<10000x128xf32, #tpu.memory_space<hbm>>) dst(%dma_wait3A_443 : memref<80x128xf32, #tpu.memory_space<vmem>>)
    %dma_start3A_452 = arith.constant 0 : i32
    %dma_start3A_453 = arith.constant 0 : i32
    %dma_start3A_454 = arith.constant 0 : i32
    %dma_start3A_455 = arith.constant 0 : i32
    %dma_start3A_456 = arith.constant 0 : i32
    %dma_start3A_457 = tpu.memref_slice %arg10[%dma_start3A_452, %dma_start3A_455, %dma_start3A_456] : memref<3x80x128xf32, #tpu.memory_space<vmem>> -> memref<1x80x128xf32, #tpu.memory_space<vmem>>
    %dma_start3A_458 = tpu.memref_squeeze %dma_start3A_457 : memref<1x80x128xf32, #tpu.memory_space<vmem>> -> memref<80x128xf32, #tpu.memory_space<vmem>>
    %dma_start3A_459 = arith.constant 0 : i32
    %dma_start3A_460 = tpu.memref_slice %arg9[%dma_start3A_453, %dma_start3A_459] : memref<3x80xi32, #tpu.memory_space<vmem>> -> memref<1x80xi32, #tpu.memory_space<vmem>>
    %dma_start3A_461 = tpu.memref_squeeze %dma_start3A_460 : memref<1x80xi32, #tpu.memory_space<vmem>> -> memref<80xi32, #tpu.memory_space<vmem>>
    %dma_start3A_462 = arith.constant 0 : i32
    %dma_start3A_463 = arith.constant 0 : i32
    %dma_start3A_464 = tpu.memref_slice %arg12[%dma_start3A_462, %dma_start3A_463] : memref<10240x128xf32, #tpu.memory_space<vmem_shared>> -> memref<10240x128xf32, #tpu.memory_space<vmem_shared>>
    %dma_start3A_465 = tpu.memref_slice %arg15[%dma_start3A_454] : memref<3x!tpu.dma_semaphore, #tpu.memory_space<semaphore_mem>> -> memref<1x!tpu.dma_semaphore, #tpu.memory_space<semaphore_mem>>
    %dma_start3A_466 = tpu.memref_squeeze %dma_start3A_465 : memref<1x!tpu.dma_semaphore, #tpu.memory_space<semaphore_mem>> -> memref<!tpu.dma_semaphore, #tpu.memory_space<semaphore_mem>>
    tpu.enqueue_indirect_dma source(%dma_start3A_458 : memref<80x128xf32, #tpu.memory_space<vmem>>) target(%dma_start3A_464 : memref<10240x128xf32, #tpu.memory_space<vmem_shared>>) offsets(%dma_start3A_461 : memref<80xi32, #tpu.memory_space<vmem>>) semaphore(%dma_start3A_466 : memref<!tpu.dma_semaphore, #tpu.memory_space<semaphore_mem>>) {add = true}
    %dma_wait3A_467 = arith.constant 1 : i32
    %dma_wait3A_468 = arith.constant 1 : i32
    %dma_wait3A_469 = arith.constant 0 : i32
    %dma_wait3A_470 = tpu.memref_slice %arg8[%dma_wait3A_467, %dma_wait3A_469] : memref<3x80xi32, #tpu.memory_space<vmem>> -> memref<1x80xi32, #tpu.memory_space<vmem>>
    %dma_wait3A_471 = tpu.memref_squeeze %dma_wait3A_470 : memref<1x80xi32, #tpu.memory_space<vmem>> -> memref<80xi32, #tpu.memory_space<vmem>>
    %dma_wait3A_472 = arith.constant 0 : i32
    %dma_wait3A_473 = tpu.memref_slice %arg3[%dma_wait3A_472] : memref<320000xi32, #tpu.memory_space<hbm>> -> memref<80xi32, #tpu.memory_space<hbm>>
    %dma_wait3A_474 = tpu.memref_slice %arg13[%dma_wait3A_468] : memref<3x!tpu.dma_semaphore, #tpu.memory_space<semaphore_mem>> -> memref<1x!tpu.dma_semaphore, #tpu.memory_space<semaphore_mem>>
    %dma_wait3A_475 = tpu.memref_squeeze %dma_wait3A_474 : memref<1x!tpu.dma_semaphore, #tpu.memory_space<semaphore_mem>> -> memref<!tpu.dma_semaphore, #tpu.memory_space<semaphore_mem>>
    %dma_wait3A_476 = arith.constant 0 : i32
    %dma_wait3A_477 = tpu.memref_slice %arg8[%dma_wait3A_467, %dma_wait3A_476] : memref<3x80xi32, #tpu.memory_space<vmem>> -> memref<1x80xi32, #tpu.memory_space<vmem>>
    %dma_wait3A_478 = tpu.memref_squeeze %dma_wait3A_477 : memref<1x80xi32, #tpu.memory_space<vmem>> -> memref<80xi32, #tpu.memory_space<vmem>>
    %dma_wait3A_479 = arith.constant 0 : i32
    %dma_wait3A_480 = tpu.memref_slice %arg3[%dma_wait3A_479] : memref<320000xi32, #tpu.memory_space<hbm>> -> memref<80xi32, #tpu.memory_space<hbm>>
    tpu.wait_dma2 semaphore(%dma_wait3A_475 : memref<!tpu.dma_semaphore, #tpu.memory_space<semaphore_mem>>) src(%dma_wait3A_480 : memref<80xi32, #tpu.memory_space<hbm>>) dst(%dma_wait3A_478 : memref<80xi32, #tpu.memory_space<vmem>>)
    %dma_wait3A_481 = arith.constant 1 : i32
    %dma_wait3A_482 = arith.constant 1 : i32
    %dma_wait3A_483 = arith.constant 0 : i32
    %dma_wait3A_484 = tpu.memref_slice %arg9[%dma_wait3A_481, %dma_wait3A_483] : memref<3x80xi32, #tpu.memory_space<vmem>> -> memref<1x80xi32, #tpu.memory_space<vmem>>
    %dma_wait3A_485 = tpu.memref_squeeze %dma_wait3A_484 : memref<1x80xi32, #tpu.memory_space<vmem>> -> memref<80xi32, #tpu.memory_space<vmem>>
    %dma_wait3A_486 = arith.constant 0 : i32
    %dma_wait3A_487 = tpu.memref_slice %arg4[%dma_wait3A_486] : memref<320000xi32, #tpu.memory_space<hbm>> -> memref<80xi32, #tpu.memory_space<hbm>>
    %dma_wait3A_488 = tpu.memref_slice %arg13[%dma_wait3A_482] : memref<3x!tpu.dma_semaphore, #tpu.memory_space<semaphore_mem>> -> memref<1x!tpu.dma_semaphore, #tpu.memory_space<semaphore_mem>>
    %dma_wait3A_489 = tpu.memref_squeeze %dma_wait3A_488 : memref<1x!tpu.dma_semaphore, #tpu.memory_space<semaphore_mem>> -> memref<!tpu.dma_semaphore, #tpu.memory_space<semaphore_mem>>
    %dma_wait3A_490 = arith.constant 0 : i32
    %dma_wait3A_491 = tpu.memref_slice %arg9[%dma_wait3A_481, %dma_wait3A_490] : memref<3x80xi32, #tpu.memory_space<vmem>> -> memref<1x80xi32, #tpu.memory_space<vmem>>
    %dma_wait3A_492 = tpu.memref_squeeze %dma_wait3A_491 : memref<1x80xi32, #tpu.memory_space<vmem>> -> memref<80xi32, #tpu.memory_space<vmem>>
    %dma_wait3A_493 = arith.constant 0 : i32
    %dma_wait3A_494 = tpu.memref_slice %arg4[%dma_wait3A_493] : memref<320000xi32, #tpu.memory_space<hbm>> -> memref<80xi32, #tpu.memory_space<hbm>>
    tpu.wait_dma2 semaphore(%dma_wait3A_489 : memref<!tpu.dma_semaphore, #tpu.memory_space<semaphore_mem>>) src(%dma_wait3A_494 : memref<80xi32, #tpu.memory_space<hbm>>) dst(%dma_wait3A_492 : memref<80xi32, #tpu.memory_space<vmem>>)
    %dma_start3A_495 = arith.constant 1 : i32
    %dma_start3A_496 = arith.constant 1 : i32
    %dma_start3A_497 = arith.constant 1 : i32
    %dma_start3A_498 = arith.constant 0 : i32
    %dma_start3A_499 = arith.constant 0 : i32
    %dma_start3A_500 = tpu.memref_slice %arg10[%dma_start3A_496, %dma_start3A_498, %dma_start3A_499] : memref<3x80x128xf32, #tpu.memory_space<vmem>> -> memref<1x80x128xf32, #tpu.memory_space<vmem>>
    %dma_start3A_501 = tpu.memref_squeeze %dma_start3A_500 : memref<1x80x128xf32, #tpu.memory_space<vmem>> -> memref<80x128xf32, #tpu.memory_space<vmem>>
    %dma_start3A_502 = arith.constant 0 : i32
    %dma_start3A_503 = tpu.memref_slice %arg8[%dma_start3A_495, %dma_start3A_502] : memref<3x80xi32, #tpu.memory_space<vmem>> -> memref<1x80xi32, #tpu.memory_space<vmem>>
    %dma_start3A_504 = tpu.memref_squeeze %dma_start3A_503 : memref<1x80xi32, #tpu.memory_space<vmem>> -> memref<80xi32, #tpu.memory_space<vmem>>
    %dma_start3A_505 = arith.constant 0 : i32
    %dma_start3A_506 = arith.constant 0 : i32
    %dma_start3A_507 = tpu.memref_slice %arg2[%dma_start3A_505, %dma_start3A_506] : memref<10000x128xf32, #tpu.memory_space<hbm>> -> memref<10000x128xf32, #tpu.memory_space<hbm>>
    %dma_start3A_508 = tpu.memref_slice %arg14[%dma_start3A_497] : memref<3x!tpu.dma_semaphore, #tpu.memory_space<semaphore_mem>> -> memref<1x!tpu.dma_semaphore, #tpu.memory_space<semaphore_mem>>
    %dma_start3A_509 = tpu.memref_squeeze %dma_start3A_508 : memref<1x!tpu.dma_semaphore, #tpu.memory_space<semaphore_mem>> -> memref<!tpu.dma_semaphore, #tpu.memory_space<semaphore_mem>>
    tpu.enqueue_indirect_dma source(%dma_start3A_507 : memref<10000x128xf32, #tpu.memory_space<hbm>>) target(%dma_start3A_501 : memref<80x128xf32, #tpu.memory_space<vmem>>) offsets(%dma_start3A_504 : memref<80xi32, #tpu.memory_space<vmem>>) semaphore(%dma_start3A_509 : memref<!tpu.dma_semaphore, #tpu.memory_space<semaphore_mem>>)
    %dma_wait3A_510 = arith.constant 1 : i32
    %dma_wait3A_511 = arith.constant 1 : i32
    %dma_wait3A_512 = arith.constant 1 : i32
    %dma_wait3A_513 = arith.constant 0 : i32
    %dma_wait3A_514 = arith.constant 0 : i32
    %dma_wait3A_515 = tpu.memref_slice %arg10[%dma_wait3A_511, %dma_wait3A_513, %dma_wait3A_514] : memref<3x80x128xf32, #tpu.memory_space<vmem>> -> memref<1x80x128xf32, #tpu.memory_space<vmem>>
    %dma_wait3A_516 = tpu.memref_squeeze %dma_wait3A_515 : memref<1x80x128xf32, #tpu.memory_space<vmem>> -> memref<80x128xf32, #tpu.memory_space<vmem>>
    %dma_wait3A_517 = arith.constant 0 : i32
    %dma_wait3A_518 = tpu.memref_slice %arg8[%dma_wait3A_510, %dma_wait3A_517] : memref<3x80xi32, #tpu.memory_space<vmem>> -> memref<1x80xi32, #tpu.memory_space<vmem>>
    %dma_wait3A_519 = tpu.memref_squeeze %dma_wait3A_518 : memref<1x80xi32, #tpu.memory_space<vmem>> -> memref<80xi32, #tpu.memory_space<vmem>>
    %dma_wait3A_520 = arith.constant 0 : i32
    %dma_wait3A_521 = arith.constant 0 : i32
    %dma_wait3A_522 = tpu.memref_slice %arg2[%dma_wait3A_520, %dma_wait3A_521] : memref<10000x128xf32, #tpu.memory_space<hbm>> -> memref<10000x128xf32, #tpu.memory_space<hbm>>
    %dma_wait3A_523 = tpu.memref_slice %arg14[%dma_wait3A_512] : memref<3x!tpu.dma_semaphore, #tpu.memory_space<semaphore_mem>> -> memref<1x!tpu.dma_semaphore, #tpu.memory_space<semaphore_mem>>
    %dma_wait3A_524 = tpu.memref_squeeze %dma_wait3A_523 : memref<1x!tpu.dma_semaphore, #tpu.memory_space<semaphore_mem>> -> memref<!tpu.dma_semaphore, #tpu.memory_space<semaphore_mem>>
    tpu.wait_indirect_dma semaphore(%dma_wait3A_524 : memref<!tpu.dma_semaphore, #tpu.memory_space<semaphore_mem>>) src(%dma_wait3A_522 : memref<10000x128xf32, #tpu.memory_space<hbm>>) dst(%dma_wait3A_516 : memref<80x128xf32, #tpu.memory_space<vmem>>)
    %dma_start3A_525 = arith.constant 1 : i32
    %dma_start3A_526 = arith.constant 1 : i32
    %dma_start3A_527 = arith.constant 1 : i32
    %dma_start3A_528 = arith.constant 0 : i32
    %dma_start3A_529 = arith.constant 0 : i32
    %dma_start3A_530 = tpu.memref_slice %arg10[%dma_start3A_525, %dma_start3A_528, %dma_start3A_529] : memref<3x80x128xf32, #tpu.memory_space<vmem>> -> memref<1x80x128xf32, #tpu.memory_space<vmem>>
    %dma_start3A_531 = tpu.memref_squeeze %dma_start3A_530 : memref<1x80x128xf32, #tpu.memory_space<vmem>> -> memref<80x128xf32, #tpu.memory_space<vmem>>
    %dma_start3A_532 = arith.constant 0 : i32
    %dma_start3A_533 = tpu.memref_slice %arg9[%dma_start3A_526, %dma_start3A_532] : memref<3x80xi32, #tpu.memory_space<vmem>> -> memref<1x80xi32, #tpu.memory_space<vmem>>
    %dma_start3A_534 = tpu.memref_squeeze %dma_start3A_533 : memref<1x80xi32, #tpu.memory_space<vmem>> -> memref<80xi32, #tpu.memory_space<vmem>>
    %dma_start3A_535 = arith.constant 0 : i32
    %dma_start3A_536 = arith.constant 0 : i32
    %dma_start3A_537 = tpu.memref_slice %arg12[%dma_start3A_535, %dma_start3A_536] : memref<10240x128xf32, #tpu.memory_space<vmem_shared>> -> memref<10240x128xf32, #tpu.memory_space<vmem_shared>>
    %dma_start3A_538 = tpu.memref_slice %arg15[%dma_start3A_527] : memref<3x!tpu.dma_semaphore, #tpu.memory_space<semaphore_mem>> -> memref<1x!tpu.dma_semaphore, #tpu.memory_space<semaphore_mem>>
    %dma_start3A_539 = tpu.memref_squeeze %dma_start3A_538 : memref<1x!tpu.dma_semaphore, #tpu.memory_space<semaphore_mem>> -> memref<!tpu.dma_semaphore, #tpu.memory_space<semaphore_mem>>
    tpu.enqueue_indirect_dma source(%dma_start3A_531 : memref<80x128xf32, #tpu.memory_space<vmem>>) target(%dma_start3A_537 : memref<10240x128xf32, #tpu.memory_space<vmem_shared>>) offsets(%dma_start3A_534 : memref<80xi32, #tpu.memory_space<vmem>>) semaphore(%dma_start3A_539 : memref<!tpu.dma_semaphore, #tpu.memory_space<semaphore_mem>>) {add = true}
    %dma_wait3A_540 = arith.constant 0 : i32
    %dma_wait3A_541 = arith.constant 0 : i32
    %dma_wait3A_542 = arith.constant 0 : i32
    %dma_wait3A_543 = arith.constant 0 : i32
    %dma_wait3A_544 = arith.constant 0 : i32
    %dma_wait3A_545 = tpu.memref_slice %arg10[%dma_wait3A_540, %dma_wait3A_543, %dma_wait3A_544] : memref<3x80x128xf32, #tpu.memory_space<vmem>> -> memref<1x80x128xf32, #tpu.memory_space<vmem>>
    %dma_wait3A_546 = tpu.memref_squeeze %dma_wait3A_545 : memref<1x80x128xf32, #tpu.memory_space<vmem>> -> memref<80x128xf32, #tpu.memory_space<vmem>>
    %dma_wait3A_547 = arith.constant 0 : i32
    %dma_wait3A_548 = tpu.memref_slice %arg9[%dma_wait3A_541, %dma_wait3A_547] : memref<3x80xi32, #tpu.memory_space<vmem>> -> memref<1x80xi32, #tpu.memory_space<vmem>>
    %dma_wait3A_549 = tpu.memref_squeeze %dma_wait3A_548 : memref<1x80xi32, #tpu.memory_space<vmem>> -> memref<80xi32, #tpu.memory_space<vmem>>
    %dma_wait3A_550 = arith.constant 0 : i32
    %dma_wait3A_551 = arith.constant 0 : i32
    %dma_wait3A_552 = tpu.memref_slice %arg12[%dma_wait3A_550, %dma_wait3A_551] : memref<10240x128xf32, #tpu.memory_space<vmem_shared>> -> memref<10240x128xf32, #tpu.memory_space<vmem_shared>>
    %dma_wait3A_553 = tpu.memref_slice %arg15[%dma_wait3A_542] : memref<3x!tpu.dma_semaphore, #tpu.memory_space<semaphore_mem>> -> memref<1x!tpu.dma_semaphore, #tpu.memory_space<semaphore_mem>>
    %dma_wait3A_554 = tpu.memref_squeeze %dma_wait3A_553 : memref<1x!tpu.dma_semaphore, #tpu.memory_space<semaphore_mem>> -> memref<!tpu.dma_semaphore, #tpu.memory_space<semaphore_mem>>
    tpu.wait_indirect_dma semaphore(%dma_wait3A_554 : memref<!tpu.dma_semaphore, #tpu.memory_space<semaphore_mem>>) src(%dma_wait3A_546 : memref<80x128xf32, #tpu.memory_space<vmem>>) dst(%dma_wait3A_552 : memref<10240x128xf32, #tpu.memory_space<vmem_shared>>)
    %dma_wait3A_555 = arith.constant 1 : i32
    %dma_wait3A_556 = arith.constant 1 : i32
    %dma_wait3A_557 = arith.constant 1 : i32
    %dma_wait3A_558 = arith.constant 0 : i32
    %dma_wait3A_559 = arith.constant 0 : i32
    %dma_wait3A_560 = tpu.memref_slice %arg10[%dma_wait3A_555, %dma_wait3A_558, %dma_wait3A_559] : memref<3x80x128xf32, #tpu.memory_space<vmem>> -> memref<1x80x128xf32, #tpu.memory_space<vmem>>
    %dma_wait3A_561 = tpu.memref_squeeze %dma_wait3A_560 : memref<1x80x128xf32, #tpu.memory_space<vmem>> -> memref<80x128xf32, #tpu.memory_space<vmem>>
    %dma_wait3A_562 = arith.constant 0 : i32
    %dma_wait3A_563 = tpu.memref_slice %arg9[%dma_wait3A_556, %dma_wait3A_562] : memref<3x80xi32, #tpu.memory_space<vmem>> -> memref<1x80xi32, #tpu.memory_space<vmem>>
    %dma_wait3A_564 = tpu.memref_squeeze %dma_wait3A_563 : memref<1x80xi32, #tpu.memory_space<vmem>> -> memref<80xi32, #tpu.memory_space<vmem>>
    %dma_wait3A_565 = arith.constant 0 : i32
    %dma_wait3A_566 = arith.constant 0 : i32
    %dma_wait3A_567 = tpu.memref_slice %arg12[%dma_wait3A_565, %dma_wait3A_566] : memref<10240x128xf32, #tpu.memory_space<vmem_shared>> -> memref<10240x128xf32, #tpu.memory_space<vmem_shared>>
    %dma_wait3A_568 = tpu.memref_slice %arg15[%dma_wait3A_557] : memref<3x!tpu.dma_semaphore, #tpu.memory_space<semaphore_mem>> -> memref<1x!tpu.dma_semaphore, #tpu.memory_space<semaphore_mem>>
    %dma_wait3A_569 = tpu.memref_squeeze %dma_wait3A_568 : memref<1x!tpu.dma_semaphore, #tpu.memory_space<semaphore_mem>> -> memref<!tpu.dma_semaphore, #tpu.memory_space<semaphore_mem>>
    tpu.wait_indirect_dma semaphore(%dma_wait3A_569 : memref<!tpu.dma_semaphore, #tpu.memory_space<semaphore_mem>>) src(%dma_wait3A_561 : memref<80x128xf32, #tpu.memory_space<vmem>>) dst(%dma_wait3A_567 : memref<10240x128xf32, #tpu.memory_space<vmem_shared>>)
    %dma_wait3A_570 = arith.constant 2 : i32
    %dma_wait3A_571 = arith.constant 2 : i32
    %dma_wait3A_572 = arith.constant 2 : i32
    %dma_wait3A_573 = arith.constant 0 : i32
    %dma_wait3A_574 = arith.constant 0 : i32
    %dma_wait3A_575 = tpu.memref_slice %arg10[%dma_wait3A_570, %dma_wait3A_573, %dma_wait3A_574] : memref<3x80x128xf32, #tpu.memory_space<vmem>> -> memref<1x80x128xf32, #tpu.memory_space<vmem>>
    %dma_wait3A_576 = tpu.memref_squeeze %dma_wait3A_575 : memref<1x80x128xf32, #tpu.memory_space<vmem>> -> memref<80x128xf32, #tpu.memory_space<vmem>>
    %dma_wait3A_577 = arith.constant 0 : i32
    %dma_wait3A_578 = tpu.memref_slice %arg9[%dma_wait3A_571, %dma_wait3A_577] : memref<3x80xi32, #tpu.memory_space<vmem>> -> memref<1x80xi32, #tpu.memory_space<vmem>>
    %dma_wait3A_579 = tpu.memref_squeeze %dma_wait3A_578 : memref<1x80xi32, #tpu.memory_space<vmem>> -> memref<80xi32, #tpu.memory_space<vmem>>
    %dma_wait3A_580 = arith.constant 0 : i32
    %dma_wait3A_581 = arith.constant 0 : i32
    %dma_wait3A_582 = tpu.memref_slice %arg12[%dma_wait3A_580, %dma_wait3A_581] : memref<10240x128xf32, #tpu.memory_space<vmem_shared>> -> memref<10240x128xf32, #tpu.memory_space<vmem_shared>>
    %dma_wait3A_583 = tpu.memref_slice %arg15[%dma_wait3A_572] : memref<3x!tpu.dma_semaphore, #tpu.memory_space<semaphore_mem>> -> memref<1x!tpu.dma_semaphore, #tpu.memory_space<semaphore_mem>>
    %dma_wait3A_584 = tpu.memref_squeeze %dma_wait3A_583 : memref<1x!tpu.dma_semaphore, #tpu.memory_space<semaphore_mem>> -> memref<!tpu.dma_semaphore, #tpu.memory_space<semaphore_mem>>
    tpu.wait_indirect_dma semaphore(%dma_wait3A_584 : memref<!tpu.dma_semaphore, #tpu.memory_space<semaphore_mem>>) src(%dma_wait3A_576 : memref<80x128xf32, #tpu.memory_space<vmem>>) dst(%dma_wait3A_582 : memref<10240x128xf32, #tpu.memory_space<vmem_shared>>)
    %barrier3A_585 = arith.constant 0 : index
    tpu.barrier barrier_id(%barrier3A_585)
    "tpu.region"() ({
      %run_scoped3A = tpu.sem_alloc : memref<!tpu.dma_semaphore, #tpu.memory_space<semaphore_mem>>
      %dma_start3A_586 = arith.constant 0 : i32
      %dma_start3A_587 = tpu.memref_slice %arg7[%arg0, %mul3A_2, %dma_start3A_586] : memref<2x10240x128xf32, #tpu.memory_space<hbm>> -> memref<1x640x128xf32, #tpu.memory_space<hbm>>
      %dma_start3A_588 = tpu.memref_squeeze %dma_start3A_587 : memref<1x640x128xf32, #tpu.memory_space<hbm>> -> memref<640x128xf32, #tpu.memory_space<hbm>>
      %dma_start3A_589 = arith.constant 0 : i32
      %dma_start3A_590 = tpu.memref_slice %arg12[%mul3A_2, %dma_start3A_589] : memref<10240x128xf32, #tpu.memory_space<vmem_shared>> -> memref<640x128xf32, #tpu.memory_space<vmem_shared>>
      tpu.enqueue_dma source(%dma_start3A_590 : memref<640x128xf32, #tpu.memory_space<vmem_shared>>) target(%dma_start3A_588 : memref<640x128xf32, #tpu.memory_space<hbm>>) target_semaphore(%run_scoped3A : memref<!tpu.dma_semaphore, #tpu.memory_space<semaphore_mem>>)
      %dma_wait3A_591 = arith.constant 0 : i32
      %dma_wait3A_592 = tpu.memref_slice %arg7[%arg0, %mul3A_2, %dma_wait3A_591] : memref<2x10240x128xf32, #tpu.memory_space<hbm>> -> memref<1x640x128xf32, #tpu.memory_space<hbm>>
      %dma_wait3A_593 = tpu.memref_squeeze %dma_wait3A_592 : memref<1x640x128xf32, #tpu.memory_space<hbm>> -> memref<640x128xf32, #tpu.memory_space<hbm>>
      %dma_wait3A_594 = arith.constant 0 : i32
      %dma_wait3A_595 = tpu.memref_slice %arg12[%mul3A_2, %dma_wait3A_594] : memref<10240x128xf32, #tpu.memory_space<vmem_shared>> -> memref<640x128xf32, #tpu.memory_space<vmem_shared>>
      tpu.wait_dma2 semaphore(%run_scoped3A : memref<!tpu.dma_semaphore, #tpu.memory_space<semaphore_mem>>) src(%dma_wait3A_595 : memref<640x128xf32, #tpu.memory_space<vmem_shared>>) dst(%dma_wait3A_593 : memref<640x128xf32, #tpu.memory_space<hbm>>)
      tpu.yield
    }) : () -> ()
    return
  }
}

module attributes {stable_mosaic.version = 14 : i64} {
  func.func @_tc_layer_kernel(%arg0: i32, %arg1: memref<2x2000x128xf32, #tpu.memory_space<vmem>>, %arg2: memref<2x2000x1xf32, #tpu.memory_space<vmem>>, %arg3: memref<2000x128xf32, #tpu.memory_space<vmem>>, %arg4: memref<256x128xf32, #tpu.memory_space<vmem>>, %arg5: memref<1x128xf32, #tpu.memory_space<vmem>>, %arg6: memref<2000x128xf32, #tpu.memory_space<vmem>>, %arg7: memref<2x128xf32, #tpu.memory_space<vmem>>, %arg8: memref<2000x256xf32, #tpu.memory_space<vmem>>) attributes {dimension_semantics = [#tpu.dimension_semantics<arbitrary>], iteration_bounds = array<i64: 5>, scalar_prefetch = 0 : i64, scratch_operands = 1 : i64, tpu.core_type = #tpu.core_type<tc>, window_params = [{transform_indices = @transform_0, window_bounds = array<i64: 2, 2000, 128>}, {transform_indices = @transform_1, window_bounds = array<i64: 2, 2000, 1>}, {transform_indices = @transform_2, window_bounds = array<i64: 2000, 128>}, {pipeline_mode = #tpu.pipeline_mode<synchronous>, transform_indices = @transform_3, window_bounds = array<i64: 256, 128>}, {pipeline_mode = #tpu.pipeline_mode<synchronous>, transform_indices = @transform_4, window_bounds = array<i64: 1, 128>}, {transform_indices = @transform_5, window_bounds = array<i64: 2000, 128>}, {pipeline_mode = #tpu.pipeline_mode<synchronous>, transform_indices = @transform_6, window_bounds = array<i64: 2, 128>}]} {
    %get3A = arith.constant 0 : index
    %get3A_0 = arith.constant 0 : index
    %get3A_1 = arith.constant 0 : index
    %get3A_2 = vector.load %arg1[%get3A, %get3A_0, %get3A_1] : memref<2x2000x128xf32, #tpu.memory_space<vmem>>, vector<1x2000x128xf32>
    %get3A_3 = vector.shape_cast %get3A_2 : vector<1x2000x128xf32> to vector<2000x128xf32>
    %get3A_4 = arith.constant 1 : index
    %get3A_5 = arith.constant 0 : index
    %get3A_6 = arith.constant 0 : index
    %get3A_7 = vector.load %arg1[%get3A_4, %get3A_5, %get3A_6] : memref<2x2000x128xf32, #tpu.memory_space<vmem>>, vector<1x2000x128xf32>
    %get3A_8 = vector.shape_cast %get3A_7 : vector<1x2000x128xf32> to vector<2000x128xf32>
    %add3A = arith.addf %get3A_3, %get3A_8 : vector<2000x128xf32>
    %get3A_9 = arith.constant 0 : index
    %get3A_10 = arith.constant 0 : index
    %get3A_11 = arith.constant 0 : index
    %get3A_12 = vector.load %arg2[%get3A_9, %get3A_10, %get3A_11] : memref<2x2000x1xf32, #tpu.memory_space<vmem>>, vector<1x2000x1xf32>
    %get3A_13 = vector.shape_cast %get3A_12 : vector<1x2000x1xf32> to vector<2000x1xf32>
    %get3A_14 = arith.constant 1 : index
    %get3A_15 = arith.constant 0 : index
    %get3A_16 = arith.constant 0 : index
    %get3A_17 = vector.load %arg2[%get3A_14, %get3A_15, %get3A_16] : memref<2x2000x1xf32, #tpu.memory_space<vmem>>, vector<1x2000x1xf32>
    %get3A_18 = vector.shape_cast %get3A_17 : vector<1x2000x1xf32> to vector<2000x1xf32>
    %add3A_19 = arith.addf %get3A_13, %get3A_18 : vector<2000x1xf32>
    %max3A = arith.constant 1.000000e+00 : f32
    %max3A_20 = vector.broadcast %max3A : f32 to vector<2000x1xf32>
    %max3A_21 = arith.maximumf %add3A_19, %max3A_20 : vector<2000x1xf32>
    %div3A = arith.constant 1.000000e+00 : f32
    %div3A_22 = vector.broadcast %div3A : f32 to vector<2000x1xf32>
    %div3A_23 = arith.divf %div3A_22, %max3A_21 : vector<2000x1xf32>
    %mul3A = vector.broadcast %div3A_23 : vector<2000x1xf32> to vector<2000x128xf32>
    %mul3A_24 = arith.mulf %add3A, %mul3A : vector<2000x128xf32>
    %swap3A = arith.constant 0 : index
    %swap3A_25 = arith.constant 0 : index
    %swap3A_26 = vector.load %arg8[%swap3A, %swap3A_25] : memref<2000x256xf32, #tpu.memory_space<vmem>>, vector<2000x128xf32>
    tpu.vector_store %arg8[%swap3A, %swap3A_25], %mul3A_24 {strides = array<i32>} : memref<2000x256xf32, #tpu.memory_space<vmem>>, vector<2000x128xf32>,
    %get3A_27 = arith.constant 0 : index
    %get3A_28 = arith.constant 0 : index
    %get3A_29 = vector.load %arg3[%get3A_27, %get3A_28] : memref<2000x128xf32, #tpu.memory_space<vmem>>, vector<2000x128xf32>
    %swap3A_30 = arith.constant 0 : index
    %swap3A_31 = arith.constant 128 : index
    %swap3A_32 = vector.load %arg8[%swap3A_30, %swap3A_31] : memref<2000x256xf32, #tpu.memory_space<vmem>>, vector<2000x128xf32>
    tpu.vector_store %arg8[%swap3A_30, %swap3A_31], %get3A_29 {strides = array<i32>} : memref<2000x256xf32, #tpu.memory_space<vmem>>, vector<2000x128xf32>,
    %get3A_33 = arith.constant 0 : index
    %get3A_34 = arith.constant 0 : index
    %get3A_35 = vector.load %arg8[%get3A_33, %get3A_34] : memref<2000x256xf32, #tpu.memory_space<vmem>>, vector<2000x256xf32>
    %get3A_36 = arith.constant 0 : index
    %get3A_37 = arith.constant 0 : index
    %get3A_38 = vector.load %arg4[%get3A_36, %get3A_37] : memref<256x128xf32, #tpu.memory_space<vmem>>, vector<256x128xf32>
    %dot_general3A = arith.constant dense<0.000000e+00> : vector<2000x128xf32>
    %dot_general3A_39 = tpu.matmul %get3A_35, %get3A_38, %dot_general3A {dimension_numbers = #tpu.dot_dimension_numbers<[1], [0], [0], [1], [0, 0, 1, 1], [], []>, transpose_lhs_hint = false} : vector<2000x256xf32>, vector<256x128xf32>, vector<2000x128xf32> -> vector<2000x128xf32>
    %get3A_40 = arith.constant 0 : index
    %get3A_41 = arith.constant 0 : index
    %get3A_42 = vector.load %arg5[%get3A_40, %get3A_41] : memref<1x128xf32, #tpu.memory_space<vmem>>, vector<1x128xf32>
    %add3A_43 = vector.broadcast %get3A_42 : vector<1x128xf32> to vector<2000x128xf32>
    %add3A_44 = arith.addf %dot_general3A_39, %add3A_43 : vector<2000x128xf32>
    %swap3A_45 = arith.constant 0 : index
    %swap3A_46 = arith.constant 0 : index
    %swap3A_47 = vector.load %arg6[%swap3A_45, %swap3A_46] : memref<2000x128xf32, #tpu.memory_space<vmem>>, vector<2000x128xf32>
    tpu.vector_store %arg6[%swap3A_45, %swap3A_46], %add3A_44 {strides = array<i32>} : memref<2000x128xf32, #tpu.memory_space<vmem>>, vector<2000x128xf32>,
    %eq3A = arith.constant 0 : i32
    %eq3A_48 = arith.cmpi eq, %arg0, %eq3A : i32
    %convert_element_type3A = arith.extui %eq3A_48 : i1 to i32
    %cond3A = arith.constant 0 : i32
    %cond3A_49 = arith.cmpi ne, %convert_element_type3A, %cond3A : i32
    scf.if %cond3A_49 {
      %broadcast_in_dim3A_69 = arith.constant 0.000000e+00 : f32
      %broadcast_in_dim3A_70 = vector.broadcast %broadcast_in_dim3A_69 : f32 to vector<2x128xf32>
      %swap3A_71 = arith.constant 0 : index
      %swap3A_72 = arith.constant 0 : index
      %swap3A_73 = vector.load %arg7[%swap3A_71, %swap3A_72] : memref<2x128xf32, #tpu.memory_space<vmem>>, vector<2x128xf32>
      tpu.vector_store %arg7[%swap3A_71, %swap3A_72], %broadcast_in_dim3A_70 {strides = array<i32>} : memref<2x128xf32, #tpu.memory_space<vmem>>, vector<2x128xf32>,
    } else {
    }
    %get3A_50 = arith.constant 0 : index
    %get3A_51 = arith.constant 0 : index
    %get3A_52 = vector.load %arg7[%get3A_50, %get3A_51] : memref<2x128xf32, #tpu.memory_space<vmem>>, vector<1x128xf32>
    %reduce_sum3A = arith.constant dense<0.000000e+00> : vector<128xf32>
    %reduce_sum3A_53 = vector.multi_reduction <add>, %add3A_44, %reduce_sum3A [0] : vector<2000x128xf32> to vector<128xf32>
    %broadcast_in_dim3A = vector.shape_cast %reduce_sum3A_53 : vector<128xf32> to vector<1x128xf32>
    %add3A_54 = arith.addf %get3A_52, %broadcast_in_dim3A : vector<1x128xf32>
    %swap3A_55 = arith.constant 0 : index
    %swap3A_56 = arith.constant 0 : index
    %swap3A_57 = vector.load %arg7[%swap3A_55, %swap3A_56] : memref<2x128xf32, #tpu.memory_space<vmem>>, vector<1x128xf32>
    tpu.vector_store %arg7[%swap3A_55, %swap3A_56], %add3A_54 {strides = array<i32>} : memref<2x128xf32, #tpu.memory_space<vmem>>, vector<1x128xf32>,
    %get3A_58 = arith.constant 1 : index
    %get3A_59 = arith.constant 0 : index
    %get3A_60 = vector.load %arg7[%get3A_58, %get3A_59] : memref<2x128xf32, #tpu.memory_space<vmem>>, vector<1x128xf32>
    %mul3A_61 = arith.mulf %add3A_44, %add3A_44 : vector<2000x128xf32>
    %reduce_sum3A_62 = arith.constant dense<0.000000e+00> : vector<128xf32>
    %reduce_sum3A_63 = vector.multi_reduction <add>, %mul3A_61, %reduce_sum3A_62 [0] : vector<2000x128xf32> to vector<128xf32>
    %broadcast_in_dim3A_64 = vector.shape_cast %reduce_sum3A_63 : vector<128xf32> to vector<1x128xf32>
    %add3A_65 = arith.addf %get3A_60, %broadcast_in_dim3A_64 : vector<1x128xf32>
    %swap3A_66 = arith.constant 1 : index
    %swap3A_67 = arith.constant 0 : index
    %swap3A_68 = vector.load %arg7[%swap3A_66, %swap3A_67] : memref<2x128xf32, #tpu.memory_space<vmem>>, vector<1x128xf32>
    tpu.vector_store %arg7[%swap3A_66, %swap3A_67], %add3A_65 {strides = array<i32>} : memref<2x128xf32, #tpu.memory_space<vmem>>, vector<1x128xf32>,
    return
  }
  func.func @transform_0(%arg0: i32) -> (i32, i32, i32) {
    %c0_i32 = arith.constant 0 : i32
    %c0_i32_0 = arith.constant 0 : i32
    %c0_i32_1 = arith.constant 0 : i32
    return %c0_i32, %arg0, %c0_i32_0 : i32, i32, i32
  }
  func.func @transform_1(%arg0: i32) -> (i32, i32, i32) {
    %c0_i32 = arith.constant 0 : i32
    %c0_i32_0 = arith.constant 0 : i32
    %c0_i32_1 = arith.constant 0 : i32
    return %c0_i32, %arg0, %c0_i32_0 : i32, i32, i32
  }
  func.func @transform_2(%arg0: i32) -> (i32, i32) {
    %c0_i32 = arith.constant 0 : i32
    %c0_i32_0 = arith.constant 0 : i32
    return %arg0, %c0_i32 : i32, i32
  }
  func.func @transform_3(%arg0: i32) -> (i32, i32) {
    %c0_i32 = arith.constant 0 : i32
    %c0_i32_0 = arith.constant 0 : i32
    %c0_i32_1 = arith.constant 0 : i32
    return %c0_i32, %c0_i32_0 : i32, i32
  }
  func.func @transform_4(%arg0: i32) -> (i32, i32) {
    %c0_i32 = arith.constant 0 : i32
    %c0_i32_0 = arith.constant 0 : i32
    %c0_i32_1 = arith.constant 0 : i32
    return %c0_i32, %c0_i32_0 : i32, i32
  }
  func.func @transform_5(%arg0: i32) -> (i32, i32) {
    %c0_i32 = arith.constant 0 : i32
    %c0_i32_0 = arith.constant 0 : i32
    return %arg0, %c0_i32 : i32, i32
  }
  func.func @transform_6(%arg0: i32) -> (i32, i32) {
    %c0_i32 = arith.constant 0 : i32
    %c0_i32_0 = arith.constant 0 : i32
    %c0_i32_1 = arith.constant 0 : i32
    return %c0_i32, %c0_i32_0 : i32, i32
  }
}

module attributes {stable_mosaic.version = 14 : i64} {
  func.func @_tc_bn_relu_kernel(%arg0: i32, %arg1: memref<2000x128xf32, #tpu.memory_space<vmem>>, %arg2: memref<2x128xf32, #tpu.memory_space<vmem>>, %arg3: memref<1x128xf32, #tpu.memory_space<vmem>>, %arg4: memref<1x128xf32, #tpu.memory_space<vmem>>, %arg5: memref<2000x128xf32, #tpu.memory_space<vmem>>) attributes {dimension_semantics = [#tpu.dimension_semantics<arbitrary>], iteration_bounds = array<i64: 5>, scalar_prefetch = 0 : i64, scratch_operands = 0 : i64, tpu.core_type = #tpu.core_type<tc>, window_params = [{transform_indices = @transform_0, window_bounds = array<i64: 2000, 128>}, {pipeline_mode = #tpu.pipeline_mode<synchronous>, transform_indices = @transform_1, window_bounds = array<i64: 2, 128>}, {pipeline_mode = #tpu.pipeline_mode<synchronous>, transform_indices = @transform_2, window_bounds = array<i64: 1, 128>}, {pipeline_mode = #tpu.pipeline_mode<synchronous>, transform_indices = @transform_3, window_bounds = array<i64: 1, 128>}, {transform_indices = @transform_4, window_bounds = array<i64: 2000, 128>}]} {
    %get3A = arith.constant 0 : index
    %get3A_0 = arith.constant 0 : index
    %get3A_1 = vector.load %arg2[%get3A, %get3A_0] : memref<2x128xf32, #tpu.memory_space<vmem>>, vector<1x128xf32>
    %div3A = arith.constant 1.000000e+04 : f32
    %div3A_2 = vector.broadcast %div3A : f32 to vector<1x128xf32>
    %div3A_3 = arith.divf %get3A_1, %div3A_2 : vector<1x128xf32>
    %get3A_4 = arith.constant 1 : index
    %get3A_5 = arith.constant 0 : index
    %get3A_6 = vector.load %arg2[%get3A_4, %get3A_5] : memref<2x128xf32, #tpu.memory_space<vmem>>, vector<1x128xf32>
    %div3A_7 = arith.constant 1.000000e+04 : f32
    %div3A_8 = vector.broadcast %div3A_7 : f32 to vector<1x128xf32>
    %div3A_9 = arith.divf %get3A_6, %div3A_8 : vector<1x128xf32>
    %mul3A = arith.mulf %div3A_3, %div3A_3 : vector<1x128xf32>
    %sub3A = arith.subf %div3A_9, %mul3A : vector<1x128xf32>
    %add3A = arith.constant 9.99999974E-6 : f32
    %add3A_10 = vector.broadcast %add3A : f32 to vector<1x128xf32>
    %add3A_11 = arith.addf %sub3A, %add3A_10 : vector<1x128xf32>
    %rsqrt3A = math.rsqrt %add3A_11 : vector<1x128xf32>
    %get3A_12 = arith.constant 0 : index
    %get3A_13 = arith.constant 0 : index
    %get3A_14 = vector.load %arg1[%get3A_12, %get3A_13] : memref<2000x128xf32, #tpu.memory_space<vmem>>, vector<2000x128xf32>
    %sub3A_15 = vector.broadcast %div3A_3 : vector<1x128xf32> to vector<2000x128xf32>
    %sub3A_16 = arith.subf %get3A_14, %sub3A_15 : vector<2000x128xf32>
    %mul3A_17 = vector.broadcast %rsqrt3A : vector<1x128xf32> to vector<2000x128xf32>
    %mul3A_18 = arith.mulf %sub3A_16, %mul3A_17 : vector<2000x128xf32>
    %get3A_19 = arith.constant 0 : index
    %get3A_20 = arith.constant 0 : index
    %get3A_21 = vector.load %arg3[%get3A_19, %get3A_20] : memref<1x128xf32, #tpu.memory_space<vmem>>, vector<1x128xf32>
    %mul3A_22 = vector.broadcast %get3A_21 : vector<1x128xf32> to vector<2000x128xf32>
    %mul3A_23 = arith.mulf %mul3A_18, %mul3A_22 : vector<2000x128xf32>
    %get3A_24 = arith.constant 0 : index
    %get3A_25 = arith.constant 0 : index
    %get3A_26 = vector.load %arg4[%get3A_24, %get3A_25] : memref<1x128xf32, #tpu.memory_space<vmem>>, vector<1x128xf32>
    %add3A_27 = vector.broadcast %get3A_26 : vector<1x128xf32> to vector<2000x128xf32>
    %add3A_28 = arith.addf %mul3A_23, %add3A_27 : vector<2000x128xf32>
    %max3A = arith.constant 0.000000e+00 : f32
    %max3A_29 = vector.broadcast %max3A : f32 to vector<2000x128xf32>
    %max3A_30 = arith.maximumf %add3A_28, %max3A_29 : vector<2000x128xf32>
    %swap3A = arith.constant 0 : index
    %swap3A_31 = arith.constant 0 : index
    %swap3A_32 = vector.load %arg5[%swap3A, %swap3A_31] : memref<2000x128xf32, #tpu.memory_space<vmem>>, vector<2000x128xf32>
    tpu.vector_store %arg5[%swap3A, %swap3A_31], %max3A_30 {strides = array<i32>} : memref<2000x128xf32, #tpu.memory_space<vmem>>, vector<2000x128xf32>,
    return
  }
  func.func @transform_0(%arg0: i32) -> (i32, i32) {
    %c0_i32 = arith.constant 0 : i32
    %c0_i32_0 = arith.constant 0 : i32
    return %arg0, %c0_i32 : i32, i32
  }
  func.func @transform_1(%arg0: i32) -> (i32, i32) {
    %c0_i32 = arith.constant 0 : i32
    %c0_i32_0 = arith.constant 0 : i32
    %c0_i32_1 = arith.constant 0 : i32
    return %c0_i32, %c0_i32_0 : i32, i32
  }
  func.func @transform_2(%arg0: i32) -> (i32, i32) {
    %c0_i32 = arith.constant 0 : i32
    %c0_i32_0 = arith.constant 0 : i32
    %c0_i32_1 = arith.constant 0 : i32
    return %c0_i32, %c0_i32_0 : i32, i32
  }
  func.func @transform_3(%arg0: i32) -> (i32, i32) {
    %c0_i32 = arith.constant 0 : i32
    %c0_i32_0 = arith.constant 0 : i32
    %c0_i32_1 = arith.constant 0 : i32
    return %c0_i32, %c0_i32_0 : i32, i32
  }
  func.func @transform_4(%arg0: i32) -> (i32, i32) {
    %c0_i32 = arith.constant 0 : i32
    %c0_i32_0 = arith.constant 0 : i32
    return %arg0, %c0_i32 : i32, i32
  }
}

module attributes {stable_mosaic.version = 14 : i64} {
  func.func @kfn(%arg0: i32, %arg1: memref<2x2000x128xf32, #tpu.memory_space<vmem>>, %arg2: memref<2x2000x1xf32, #tpu.memory_space<vmem>>, %arg3: memref<2000x128xf32, #tpu.memory_space<vmem>>, %arg4: memref<256x128xf32, #tpu.memory_space<vmem>>, %arg5: memref<1x128xf32, #tpu.memory_space<vmem>>, %arg6: memref<2000x128xf32, #tpu.memory_space<vmem>>, %arg7: memref<2000x256xf32, #tpu.memory_space<vmem>>) attributes {dimension_semantics = [#tpu.dimension_semantics<arbitrary>], iteration_bounds = array<i64: 5>, scalar_prefetch = 0 : i64, scratch_operands = 1 : i64, tpu.core_type = #tpu.core_type<tc>, window_params = [{transform_indices = @transform_0, window_bounds = array<i64: 2, 2000, 128>}, {transform_indices = @transform_1, window_bounds = array<i64: 2, 2000, 1>}, {transform_indices = @transform_2, window_bounds = array<i64: 2000, 128>}, {pipeline_mode = #tpu.pipeline_mode<synchronous>, transform_indices = @transform_3, window_bounds = array<i64: 256, 128>}, {pipeline_mode = #tpu.pipeline_mode<synchronous>, transform_indices = @transform_4, window_bounds = array<i64: 1, 128>}, {transform_indices = @transform_5, window_bounds = array<i64: 2000, 128>}]} {
    %get3A = arith.constant 0 : index
    %get3A_0 = arith.constant 0 : index
    %get3A_1 = arith.constant 0 : index
    %get3A_2 = vector.load %arg1[%get3A, %get3A_0, %get3A_1] : memref<2x2000x128xf32, #tpu.memory_space<vmem>>, vector<1x2000x128xf32>
    %get3A_3 = vector.shape_cast %get3A_2 : vector<1x2000x128xf32> to vector<2000x128xf32>
    %get3A_4 = arith.constant 1 : index
    %get3A_5 = arith.constant 0 : index
    %get3A_6 = arith.constant 0 : index
    %get3A_7 = vector.load %arg1[%get3A_4, %get3A_5, %get3A_6] : memref<2x2000x128xf32, #tpu.memory_space<vmem>>, vector<1x2000x128xf32>
    %get3A_8 = vector.shape_cast %get3A_7 : vector<1x2000x128xf32> to vector<2000x128xf32>
    %add3A = arith.addf %get3A_3, %get3A_8 : vector<2000x128xf32>
    %get3A_9 = arith.constant 0 : index
    %get3A_10 = arith.constant 0 : index
    %get3A_11 = arith.constant 0 : index
    %get3A_12 = vector.load %arg2[%get3A_9, %get3A_10, %get3A_11] : memref<2x2000x1xf32, #tpu.memory_space<vmem>>, vector<1x2000x1xf32>
    %get3A_13 = vector.shape_cast %get3A_12 : vector<1x2000x1xf32> to vector<2000x1xf32>
    %get3A_14 = arith.constant 1 : index
    %get3A_15 = arith.constant 0 : index
    %get3A_16 = arith.constant 0 : index
    %get3A_17 = vector.load %arg2[%get3A_14, %get3A_15, %get3A_16] : memref<2x2000x1xf32, #tpu.memory_space<vmem>>, vector<1x2000x1xf32>
    %get3A_18 = vector.shape_cast %get3A_17 : vector<1x2000x1xf32> to vector<2000x1xf32>
    %add3A_19 = arith.addf %get3A_13, %get3A_18 : vector<2000x1xf32>
    %max3A = arith.constant 1.000000e+00 : f32
    %max3A_20 = vector.broadcast %max3A : f32 to vector<2000x1xf32>
    %max3A_21 = arith.maximumf %add3A_19, %max3A_20 : vector<2000x1xf32>
    %div3A = arith.constant 1.000000e+00 : f32
    %div3A_22 = vector.broadcast %div3A : f32 to vector<2000x1xf32>
    %div3A_23 = arith.divf %div3A_22, %max3A_21 : vector<2000x1xf32>
    %mul3A = vector.broadcast %div3A_23 : vector<2000x1xf32> to vector<2000x128xf32>
    %mul3A_24 = arith.mulf %add3A, %mul3A : vector<2000x128xf32>
    %swap3A = arith.constant 0 : index
    %swap3A_25 = arith.constant 0 : index
    %swap3A_26 = vector.load %arg7[%swap3A, %swap3A_25] : memref<2000x256xf32, #tpu.memory_space<vmem>>, vector<2000x128xf32>
    tpu.vector_store %arg7[%swap3A, %swap3A_25], %mul3A_24 {strides = array<i32>} : memref<2000x256xf32, #tpu.memory_space<vmem>>, vector<2000x128xf32>,
    %get3A_27 = arith.constant 0 : index
    %get3A_28 = arith.constant 0 : index
    %get3A_29 = vector.load %arg3[%get3A_27, %get3A_28] : memref<2000x128xf32, #tpu.memory_space<vmem>>, vector<2000x128xf32>
    %swap3A_30 = arith.constant 0 : index
    %swap3A_31 = arith.constant 128 : index
    %swap3A_32 = vector.load %arg7[%swap3A_30, %swap3A_31] : memref<2000x256xf32, #tpu.memory_space<vmem>>, vector<2000x128xf32>
    tpu.vector_store %arg7[%swap3A_30, %swap3A_31], %get3A_29 {strides = array<i32>} : memref<2000x256xf32, #tpu.memory_space<vmem>>, vector<2000x128xf32>,
    %get3A_33 = arith.constant 0 : index
    %get3A_34 = arith.constant 0 : index
    %get3A_35 = vector.load %arg7[%get3A_33, %get3A_34] : memref<2000x256xf32, #tpu.memory_space<vmem>>, vector<2000x256xf32>
    %get3A_36 = arith.constant 0 : index
    %get3A_37 = arith.constant 0 : index
    %get3A_38 = vector.load %arg4[%get3A_36, %get3A_37] : memref<256x128xf32, #tpu.memory_space<vmem>>, vector<256x128xf32>
    %dot_general3A = arith.constant dense<0.000000e+00> : vector<2000x128xf32>
    %dot_general3A_39 = tpu.matmul %get3A_35, %get3A_38, %dot_general3A {dimension_numbers = #tpu.dot_dimension_numbers<[1], [0], [0], [1], [0, 0, 1, 1], [], []>, transpose_lhs_hint = false} : vector<2000x256xf32>, vector<256x128xf32>, vector<2000x128xf32> -> vector<2000x128xf32>
    %get3A_40 = arith.constant 0 : index
    %get3A_41 = arith.constant 0 : index
    %get3A_42 = vector.load %arg5[%get3A_40, %get3A_41] : memref<1x128xf32, #tpu.memory_space<vmem>>, vector<1x128xf32>
    %add3A_43 = vector.broadcast %get3A_42 : vector<1x128xf32> to vector<2000x128xf32>
    %add3A_44 = arith.addf %dot_general3A_39, %add3A_43 : vector<2000x128xf32>
    %swap3A_45 = arith.constant 0 : index
    %swap3A_46 = arith.constant 0 : index
    %swap3A_47 = vector.load %arg6[%swap3A_45, %swap3A_46] : memref<2000x128xf32, #tpu.memory_space<vmem>>, vector<2000x128xf32>
    tpu.vector_store %arg6[%swap3A_45, %swap3A_46], %add3A_44 {strides = array<i32>} : memref<2000x128xf32, #tpu.memory_space<vmem>>, vector<2000x128xf32>,
    return
  }
  func.func @transform_0(%arg0: i32) -> (i32, i32, i32) {
    %c0_i32 = arith.constant 0 : i32
    %c0_i32_0 = arith.constant 0 : i32
    %c0_i32_1 = arith.constant 0 : i32
    return %c0_i32, %arg0, %c0_i32_0 : i32, i32, i32
  }
  func.func @transform_1(%arg0: i32) -> (i32, i32, i32) {
    %c0_i32 = arith.constant 0 : i32
    %c0_i32_0 = arith.constant 0 : i32
    %c0_i32_1 = arith.constant 0 : i32
    return %c0_i32, %arg0, %c0_i32_0 : i32, i32, i32
  }
  func.func @transform_2(%arg0: i32) -> (i32, i32) {
    %c0_i32 = arith.constant 0 : i32
    %c0_i32_0 = arith.constant 0 : i32
    return %arg0, %c0_i32 : i32, i32
  }
  func.func @transform_3(%arg0: i32) -> (i32, i32) {
    %c0_i32 = arith.constant 0 : i32
    %c0_i32_0 = arith.constant 0 : i32
    %c0_i32_1 = arith.constant 0 : i32
    return %c0_i32, %c0_i32_0 : i32, i32
  }
  func.func @transform_4(%arg0: i32) -> (i32, i32) {
    %c0_i32 = arith.constant 0 : i32
    %c0_i32_0 = arith.constant 0 : i32
    %c0_i32_1 = arith.constant 0 : i32
    return %c0_i32, %c0_i32_0 : i32, i32
  }
  func.func @transform_5(%arg0: i32) -> (i32, i32) {
    %c0_i32 = arith.constant 0 : i32
    %c0_i32_0 = arith.constant 0 : i32
    return %arg0, %c0_i32 : i32, i32
  }
}

</mosaic_0001>

<sc_bundles>
// kernel: kernel.10.cloned.1.call-start
scs
__scs_entry_jumppad:
0x0: {  	(pc) =	sbr.rel $0x88, $3  }
0x1: {  	(tag) =	ssettag $0x0;
	lr =	simm.s32 $0x1  }
0x2: {  	[smem:$0x3F97] =	sst lr;
	_ =	strace $0xD0000000  }
0x3: {  	_ = 	snop  }
0x4: {  	_ = 	snop  }
0x5: {  	_ = 	snop  }
0x6: {  	_ = 	snop  }
0x7: {  	_ = 	snop  }
__scs_overlays_trampoline_lowered:
0x8: {  	[smem:$0x3FA6] =	sst s0  }
0x9: {  	[smem:$0x3FA7] =	sst s1  }
0xa: {  	[smem:$0x3FA8] =	sst s2  }
0xb: {  	[smem:$0x3FA9] =	sst s3  }
0xc: {  	[smem:$0x3FAA] =	sst s4  }
0xd: {  	[smem:$0x3FAB] =	sst s5  }
0xe: {  	[smem:$0x3FAC] =	sst s6  }
0xf: {  	[smem:$0x3FAD] =	sst s7  }
0x10: {  	[smem:$0x3FAE] =	sst s8  }
0x11: {  	[smem:$0x3FAF] =	sst s9;
	s0 =	simm.s32 @!p0 $0x0  }
0x12: {  	s1 =	sld [smem:$0x3F95];
	s0 =	simm.s32 @p0 $0x1  }
0x13: {  	[smem:$0x3FB0] =	sst s0;
	s0 =	simm.s32 @!p1 $0x0  }
0x14: {  	s2 =	sld [smem:$0x3F94];
	s0 =	simm.s32 @p1 $0x1  }
0x15: {  	[smem:$0x3FB1] =	sst s0;
	s0 =	simm.s32 @!p2 $0x0  }
0x16: {  	s3 =	sld [smem:$0x3FDB];
	s0 =	simm.s32 @p2 $0x1  }
0x17: {  	s4 =	simm.s32 $0x1BF5;
	[smem:$0x3FB3] =	sst s0  }
0x18: {  	s0 =	sld [smem:$0x3F96];
	_ =	swait.ge [sflag:s4], $0x0  }
0x19: {  	s7 =	sld [smem:$0x3F97]  }
0x1a: {  	s8 =	sadd.s32 $0xFFFFE003, lr  }
0x1b: {  	s9 =	sadd.s32 $0xFFFFFEF7, lr;
	s5 =	simm.s32 $0xFFFFFFFF;
	p2 =	slt.u32 s8, $0xFFFFF086  }
0x1c: {  	p1 =	slt.u32 s9, $0xF7A;
	s5 =	simm.s32 @!p2 $0x0  }
0x1d: {  	s5 =	simm.s32 @p1 $0x1;
	p0 =	seq.s32 s7, s2  }
0x1e: {  	s7 =	smul.u32 @!p0 $0xF7A, s2;
	p2 =	seq.s32 @!p0 s5, $0x0  }
0x1f: {  	s9 =	smul.u32 $0xF7A, s1;
	s8 =	simm.s32 @!p0 $0x1BF5;
	p2 =	por !p2, p0  }
0x20: {  	[sflag:s8] =	ssyncset.s32 @!p0 $0xFFFFF086;
	s6 =	sadd.s32 @!p0 s3, s7;
	s7 =	simm.s32 @!p0 $0x108  }
0x21: {  	s3 =	sadd.s32 s3, s9;
	s6 =	sadd.s32 @!p0 $0x88, s6;
	s7 =	simm.s32 @p2 $0x1082  }
0x22: {  	[simem:s7], [sflag:s8] =	dma.local @!p0 [hbm:s6], $0xF7A  }
0x23: {  	s9 =	sor.u32 $0xD0000000, s2;
	s6 =	simm.s32 $0x108;
	_ =	swait.ge @!p0 [sflag:s8], $0x0  }
0x24: {  	s3 =	sadd.s32 $0x88, s3;
	s6 =	simm.s32 @!p1 $0x1082;
	[sflag:s4] =	ssyncset.s32 $0xFFFFF086  }
0x25: {  	[simem:s6], [sflag:s4] =	dma.local [hbm:s3], $0xF7A  }
0x26: {  	[smem:$0x3F97] =	sst s1;
	(tag) =	ssettag s2;
	_ =	strace s9  }
0x27: {  	s1 =	sld [smem:$0x3FA7]  }
0x28: {  	s2 =	sld [smem:$0x3FA8]  }
0x29: {  	s4 =	sld [smem:$0x3FAA]  }
0x2a: {  	p0 =	seq.s32 s5, $0x0;
	s5 =	sld [smem:$0x3FAB]  }
0x2b: {  	s6 =	sld [smem:$0x3FAC]  }
0x2c: {  	s7 =	sld [smem:$0x3FAD]  }
0x2d: {  	s3 =	simm.s32 $0x108;
	s8 =	sld [smem:$0x3FAE]  }
0x2e: {  	s3 =	simm.s32 @!p0 $0x1082;
	s9 =	sld [smem:$0x3FAF]  }
0x2f: {  	lr =	sadd.s32 s0, s3;
	s0 =	sld [smem:$0x3FA6]  }
0x30: {  	s3 =	sld [smem:$0x3FA9]  }
0x31: {  	[smem:$0x3FB2] =	sst s10  }
0x32: {  	s10 =	sld [smem:$0x3FB0];
	_ =	sdelay $0x3  }
0x33: {  	p0 =	seq.s32 s10, $0x1;
	s10 =	sld [smem:$0x3FB2];
	_ =	sdelay $0x3  }
0x34: {  	[smem:$0x3FB2] =	sst s10  }
0x35: {  	s10 =	sld [smem:$0x3FB1];
	_ =	sdelay $0x3  }
0x36: {  	p1 =	seq.s32 s10, $0x1;
	s10 =	sld [smem:$0x3FB2];
	_ =	sdelay $0x3  }
0x37: {  	[smem:$0x3FB2] =	sst s10  }
0x38: {  	s10 =	sld [smem:$0x3FB3]  }
0x39: {  	_ = 	snop;
	(pc) =	sbr.ind lr, $3  }
0x3a: {  	_ = 	snop  }
0x3b: {  	_ = 	snop  }
0x3c: {  	p2 =	seq.s32 s10, $0x1;
	s10 =	sld [smem:$0x3FB2]  }
0x3d: {  	_ =	shalt  }
0x3e: {  	_ =	shalt  }
0x3f: {  	_ =	shalt  }
0x40: {  	_ =	shalt  }
0x41: {  	_ =	shalt  }
0x42: {  	_ =	shalt  }
0x43: {  	_ =	shalt  }
0x44: {  	_ =	shalt  }
0x45: {  	_ =	shalt  }
0x46: {  	_ =	shalt  }
0x47: {  	_ =	shalt  }
0x48: {  	_ =	shalt  }
0x49: {  	_ =	shalt  }
0x4a: {  	_ =	shalt  }
0x4b: {  	_ =	shalt  }
0x4c: {  	_ =	shalt  }
0x4d: {  	_ =	shalt  }
0x4e: {  	_ =	shalt  }
0x4f: {  	_ =	shalt  }
0x50: {  	_ =	shalt  }
0x51: {  	_ =	shalt  }
0x52: {  	_ =	shalt  }
0x53: {  	_ =	shalt  }
0x54: {  	_ =	shalt  }
0x55: {  	_ =	shalt  }
0x56: {  	_ =	shalt  }
0x57: {  	_ =	shalt  }
0x58: {  	_ =	shalt  }
0x59: {  	_ =	shalt  }
0x5a: {  	_ =	shalt  }
0x5b: {  	_ =	shalt  }
0x5c: {  	_ =	shalt  }
0x5d: {  	_ =	shalt  }
0x5e: {  	_ =	shalt  }
0x5f: {  	_ =	shalt  }
0x60: {  	_ =	shalt  }
0x61: {  	_ =	shalt  }
0x62: {  	_ =	shalt  }
0x63: {  	_ =	shalt  }
0x64: {  	_ =	shalt  }
0x65: {  	_ =	shalt  }
0x66: {  	_ =	shalt  }
0x67: {  	_ =	shalt  }
0x68: {  	_ =	shalt  }
0x69: {  	_ =	shalt  }
0x6a: {  	_ =	shalt  }
0x6b: {  	_ =	shalt  }
0x6c: {  	_ =	shalt  }
0x6d: {  	_ =	shalt  }
0x6e: {  	_ =	shalt  }
0x6f: {  	_ =	shalt  }
0x70: {  	_ =	shalt  }
0x71: {  	_ =	shalt  }
0x72: {  	_ =	shalt  }
0x73: {  	_ =	shalt  }
0x74: {  	_ =	shalt  }
0x75: {  	_ =	shalt  }
0x76: {  	_ =	shalt  }
0x77: {  	_ =	shalt  }
0x78: {  	_ =	shalt  }
0x79: {  	_ =	shalt  }
0x7a: {  	_ =	shalt  }
0x7b: {  	_ =	shalt  }
0x7c: {  	_ =	shalt  }
0x7d: {  	_ =	shalt  }
0x7e: {  	_ =	shalt  }
0x7f: {  	_ =	shalt  }
0x80: {  	_ =	shalt  }
0x81: {  	_ =	shalt  }
0x82: {  	_ =	shalt  }
0x83: {  	_ =	shalt  }
0x84: {  	_ =	shalt  }
0x85: {  	_ =	shalt  }
0x86: {  	_ =	shalt  }
0x87: {  	_ =	shalt  }
.Lfunc_end0:
.L_simem_size_0:
called_computation.1_lowered:
.L_overlay_start_0:
0x88: {  	s2 =	sld [smem:$0x3FD9]  }
0x89: {  	s3 =	sld [smem:$0x3FFE];
	_ =	sdelay $0x1  }
0x8a: {  	s1 =	srdreg.scid  }
0x8b: {  	s0 =	sand.u32 $0x1, s1  }
0x8c: {  	s17 =	sshll.u32 s0, $0xA;
	s2 =	sadd.s32 s3, s2  }
0x8d: {  	s2 =	sadd.s32 s2, s17  }
0x8e: {  	[smem:$0x3FBE] =	sst s2  }
0x8f: {  	_ = 	snop  }
0x90: {  	s2 =	sld [smem:$0x3FD0];
	(tm) =	ssettm $0x1  }
0x91: {  	s18 =	sld [smem:$0x3FFB];
	_ =	sdelay $0x3  }
0x92: {  	_ =	strace s18  }
0x93: {  	s3 =	sld [smem:$0x3FFC];
	_ =	sdelay $0x3  }
0x94: {  	_ =	strace s3  }
0x95: {  	s3 =	sld [smem:$0x3FFD];
	_ =	sdelay $0x3  }
0x96: {  	_ =	strace s3  }
0x97: {  	_ =	strace $0x8FFFFFFF  }
0x98: {  	s19 =	sld [smem:$0x3FDB];
	_ =	sdelay $0x1  }
0x99: {  	s4 =	simm.s32 $_scs_section_size  }
0x9a: {  	s5 =	simm.s32 $_size__tile_overlayer_lowered;
	s6 =	simm.s32 $_tile_overlayer_lowered  }
0x9b: {  	s22 =	simm.s32 $0x1BFF;
	s21 =	sshll.u32 s6, $0x1;
	s3 =	sadd.s32 s4, s19  }
0x9c: {  	s7 =	simm.s32 $0x0;
	s20 =	sshll.u32 s5, $0x1;
	s5 =	sadd.s32 s21, s3  }
0x9d: {  	[timem:s7], [sflag:s22] =	dma.local [hbm:s5], s20  }
0x9e: {  	_ =	swait.ge [sflag:s22], s20  }
0x9f: {  	s4 =	ssub.s32 $0x0, s20;
	[sflag:s22] =	ssyncset.done $0x0  }
0xa0: {  	[sflag:s22] =	ssyncadd.s32 s4;
	_ =	sdelay $0x1  }
0xa1: {  	s23 =	simm.s32 $0x1B8B  }
0xa2: {  	_ =	swait.ge [sflag:s23], $0x1  }
0xa3: {  	[sflag:s23] =	ssyncset.done $0x0  }
0xa4: {  	s25 =	simm.s32 $0x1B8E;
	s24 =	sld [smem:$0x3FFE];
	[sflag:s23] =	ssyncadd.s32 $0xFFFFFFFF  }
0xa5: {  	s26 =	simm.s32 $execute0_lowered;
	[smem:$0x3FD2] =	sst s25  }
0xa6: {  	s5 =	sshll.u32 s26, $0x1;
	_ =	strace $0x80000049;
	[dreg:$0x1] =	wrdreg $0xFFFFFFFF  }
0xa7: {  	s28 =	simm.s32 $_size_execute0_lowered;
	s3 =	sadd.s32 s3, s5;
	[dreg:$0x0] =	wrdreg $0x0  }
0xa8: {  	s5 =	sshll.u32 s28, $0x1;
	[dreg:$0x2] =	wrdreg s3  }
0xa9: {  	[dreg:$0x3] =	wrdreg s5  }
0xaa: {  	[dreg:$0x4] =	wrdreg $0xC0  }
0xab: {  	_ =	task [dreg:s7], $0x5FFFF  }
0xac: {  	[dreg:$0x1] =	wrdreg $0xFFFFFFFF  }
0xad: {  	[dreg:$0x0] =	wrdreg $0x60  }
0xae: {  	[dreg:$0x2] =	wrdreg s2  }
0xaf: {  	[dreg:$0x3] =	wrdreg s24  }
0xb0: {  	[dreg:$0x4] =	wrdreg $0x7C000  }
0xb1: {  	[dreg:$0x5] =	wrdreg $0x9  }
0xb2: {  	_ =	task.clear_ibuf [dreg:s7], $0x6FFFF;
	_ =	strace $0x90000049  }
0xb3: {  	s29 =	simm.s32 $0x9;
	_ =	strace $0x8000004B  }
0xb4: {  	_ =	swait.ge [sflag:s29], $0x1  }
0xb5: {  	[sflag:s29] =	ssyncadd.s32 $0xFFFFFFFF  }
0xb6: {  	_ =	strace $0x9000004B  }
0xb7: {  	_ =	sfence  }
0xb8: {  	s30 =	sld [smem:$0x0];
	_ =	sdelay $0x2  }
0xb9: {  	s31 =	sshll.u32 s1, $0xD;
	s1 =	sshrl.u32 s1, $0x2  }
0xba: {  	s3 =	sand.u32 $0x4000, s31;
	s1 =	sadd.s32 s1, s30  }
0xbb: {  	s0 =	sor.u32 s3, s0;
	s1 =	sshll.u32 s1, $0x11  }
0xbc: {  	s0 =	sor.u32 s1, s0  }
0xbd: {  	s0 =	sadd.s32 $0x8F2B, s0  }
0xbe: {  	[sflag:s0] =	ssyncadd.remote.s32 $0x1  }
0xbf: {  	_ =	sfence.sel $0xFFFF  }
0xc0: {  	[dreg:$0x0] =	wrdreg $0xFFFFFFFF;
	(pc) =	sbr.abs _section_cstart, $3  }
0xc1: {  	[dreg:$0x1] =	wrdreg $0xFFFFFFFF  }
0xc2: {  	_ =	task.clear_ibuf [dreg:s7], $0x2FFFF;
	_ =	strace $0x9FFFFFFF  }
0xc3: {  	(tm) =	ssettm $0x7FFFFFFF  }
tec
execute0_lowered:
.L_overlay_start_1:
0x0: {  	(tag) =	ssettag $0x1  }
0x1: {  	s1 =	rddreg [dreg:$0x0]  }
0x2: {  	s0 =	rddreg [dreg:$0x1]  }
0x3: {  	s2 =	rddreg [dreg:$0x2];
	s4 =	simm.s32 $0x0;
	s3 =	srdreg.scid  }
0x4: {  	s12 =	stileid.u32;
	s28 =	simm.s32 $0x100;
	s29 =	simm.s32 $0x300  }
0x5: {  	s30 =	simm.s32 $0x2;
	[smem:$0x7FF] =	sst s4;
	s6 =	smul.u32 $0x14000, s12  }
0x6: {  	s3 =	sand.u32 $0x1, s3;
	s8 =	sadd.s32 $0xC400, s0;
	s25 =	smul.u32 $0x50000, s12  }
0x7: {  	s9 =	sadd.s32 $0x2600, s0;
	s10 =	sadd.s32 $0x16400, s0;
	s5 =	smul.u32 $0x140000, s3  }
0x8: {  	_ =	strace $0x8000004A;
	s7 =	sshll.u32 s3, $0x4;
	s21 =	ssub.s32 $0x2, s3  }
0x9: {  	[dreg:$0xa] =	wrdreg s10;
	s3 =	smul.u32 $0x27100, s3;
	s7 =	sor.u32 s12, s7  }
0xa: {  	s22 =	sshrl.u32 s21, $0x1;
	s10 =	sshrl.u32 s25, $0x2;
	s12 =	smul.u32 $0x2710, s12  }
0xb: {  	s5 =	sadd.s32 s6, s5;
	s7 =	smul.u32 $0x2710, s7;
	s10 =	sadd.s32 s10, s2  }
0xc: {  	s5 =	sshrl.u32 s5, $0x3;
	[dreg:$0xf] =	wrdreg s10;
	s3 =	sadd.s32 s12, s3  }
0xd: {  	s10 =	simm.s32 $0x0;
	s0 =	sadd.s32 s5, s0;
	s23 =	sshrl.u32 s7, $0x3  }
0xe: {  	s5 =	ssub.s32 s21, s22;
	s17 =	sadd.s32 $0x230, s3;
	s7 =	sadd.s32 s8, s23  }
0xf: {  	s21 =	sadd.s32 $0x1E0, s3;
	s11 =	sadd.s32 s9, s23;
	[dreg:$0xb] =	wrdreg s7  }
0x10: {  	s3 =	sadd.s32 $0x190, s3;
	s0 =	sadd.s32 $0x18C00, s0;
	[dreg:$0xc] =	wrdreg s11  }
0x11: {  	s24 =	sadd.s32 $0xA, s23;
	s5 =	smax.u32 s5, $0x1;
	[dreg:$0x16] =	wrdreg s0  }
0x12: {  	s31 =	sadd.s32 $0x14, s23;
	s26 =	sadd.s32 s8, s24;
	[dreg:$0x17] =	wrdreg s5  }
0x13: {  	s15 =	sadd.s32 $0x1E, s23;
	s7 =	sadd.s32 s9, s24;
	[dreg:$0xd] =	wrdreg s26  }
0x14: {  	s6 =	sadd.s32 $0x28, s23;
	s13 =	sadd.s32 s8, s31;
	[dreg:$0xe] =	wrdreg s7  }
0x15: {  	s19 =	sshrl.u32 s17, $0x3;
	s14 =	sadd.s32 s9, s31;
	[dreg:$0x10] =	wrdreg s13  }
0x16: {  	s23 =	sshrl.u32 s21, $0x3;
	s16 =	sadd.s32 s8, s15;
	[dreg:$0x11] =	wrdreg s14  }
0x17: {  	s3 =	sshrl.u32 s3, $0x3;
	s18 =	sadd.s32 s8, s6;
	[dreg:$0x12] =	wrdreg s16  }
0x18: {  	s21 =	simm.s32 $0x280;
	s6 =	sadd.s32 s9, s6;
	[dreg:$0x14] =	wrdreg s18  }
0x19: {  	s20 =	sadd.s32 s19, s9;
	s22 =	sadd.s32 s19, s8;
	[dreg:$0x15] =	wrdreg s6  }
0x1a: {  	s24 =	sadd.s32 s23, s9;
	s25 =	sadd.s32 s23, s8;
	[dreg:$0x4] =	wrdreg s20  }
0x1b: {  	s31 =	sadd.s32 s3, s8;
	s19 =	simm.s32 $0x200;
	[dreg:$0x5] =	wrdreg s22  }
0x1c: {  	s23 =	simm.s32 $0x50;
	s5 =	simm.s32 $0x3;
	[dreg:$0x6] =	wrdreg s24  }
0x1d: {  	s8 =	simm.s32 $0x8;
	s7 =	sadd.s32 s9, s15;
	[dreg:$0x7] =	wrdreg s25  }
0x1e: {  	s26 =	sadd.s32 s3, s9;
	[dreg:$0x9] =	wrdreg s31;
	s20 =	simm.s32 $0x80  }
0x1f: {  	s22 =	simm.s32 $0x1;
	s24 =	simm.s32 $0x400;
	s13 =	simm.s32 $0xA  }
0x20: {  	s14 =	simm.s32 $0x4;
	s15 =	simm.s32 $0x2C00;
	s16 =	simm.s32 $0x5  }
0x21: {  	s3 =	simm.s32 $0x7;
	s6 =	simm.s32 $0x5400;
	[dreg:$0x13] =	wrdreg s7  }
0x22: {  	s9 =	simm.s32 $0x9;
	[dreg:$0x8] =	wrdreg s26;
	s7 =	simm.s32 $0x6  }
.LBB2_1:
0x23: {  	s0 =	rddreg [dreg:$0xb]  }
0x24: {  	[tilespmem:s4], [sflag:$0x1] =	stream.linear.gather [hbm4b:s0+s4], $0x50, $0x38;
	[tilespmem:$0x1BC00] =	vst v63  }
0x25: {  	s26 =	rddreg [dreg:$0xc]  }
0x26: {  	[tilespmem:s19], [sflag:$0x1] =	stream.linear.gather [hbm4b:s26+s4], $0x50, $0x38;
	[tilespmem:$0x1BC00] =	vst v63  }
0x27: {  	s11 =	rddreg [dreg:$0xd]  }
0x28: {  	[tilespmem:s20], [sflag:$0x2] =	stream.linear.gather [hbm4b:s11+s4], $0x50, $0x38;
	[tilespmem:$0x1BC00] =	vst v63  }
0x29: {  	s12 =	rddreg [dreg:$0xe]  }
0x2a: {  	[tilespmem:s21], [sflag:$0x2] =	stream.linear.gather [hbm4b:s12+s4], $0x50, $0x38;
	[tilespmem:$0x1BC00] =	vst v63  }
0x2b: {  	_ =	swait.ge [sflag:s22], $0x50  }
0x2c: {  	[sflag:s22] =	ssyncset.done $0x0  }
0x2d: {  	s17 =	stileid.u32;
	[sflag:s22] =	ssyncadd.s32 $0xFFFFFFB0  }
0x2e: {  	s11 =	sshll.u32 s17, $0x6;
	_ =	swait.ge [sflag:s22], $0x50  }
0x2f: {  	s11 =	sor.u32 $0x1C0A, s11;
	[sflag:s22] =	ssyncset.done $0x0;
	s18 =	rddreg [dreg:$0xf]  }
0x30: {  	s25 =	rddreg [dreg:$0xa];
	[sflag:s22] =	ssyncadd.s32 $0xFFFFFFB0;
	s12 =	sshrl.u32 s18, $0x3  }
0x31: {  	[tilespmem:s24], [sflag:$0x4] =	stream.indirect.gather [hbm4b:s1+s23], $0x80, s4, s23, $0xb8;
	[tilespmem:$0x1BC00] =	vst v63  }
0x32: {  	[spmem:s12], [sflag:s11] =	dma.local [hbm:s25], $0x2800  }
0x33: {  	_ =	swait.ge [sflag:s13], $0x2800  }
0x34: {  	[sflag:s13] =	ssyncset.done $0x0  }
0x35: {  	[sflag:s13] =	ssyncadd.s32 $0xFFFFD800  }
0x36: {  	[bflag:$0x0] =	sbarrier.arrive $0xFFFF  }
0x37: {  	_ =	swait.ge [sflag:s14], $0x2800  }
0x38: {  	[sflag:s14] =	ssyncset.done $0x0  }
0x39: {  	[sflag:s14] =	ssyncadd.s32 $0xFFFFD800  }
0x3a: {  	[spmem:s2] =	stream.indirect.scatter.add.f32 [tilespmem:s24], [sflag:$0x7], $0x80, s19, s23, $0xb8;
	[tilespmem:$0x1BC00] =	vst v63  }
0x3b: {  	s26 =	rddreg [dreg:$0x10]  }
0x3c: {  	[tilespmem:s28], [sflag:$0x3] =	stream.linear.gather [hbm4b:s26+s4], $0x50, $0x38;
	[tilespmem:$0x1BC00] =	vst v63  }
0x3d: {  	s13 =	rddreg [dreg:$0x11]  }
0x3e: {  	[tilespmem:s29], [sflag:$0x3] =	stream.linear.gather [hbm4b:s13+s4], $0x50, $0x38;
	[tilespmem:$0x1BC00] =	vst v63  }
0x3f: {  	_ =	swait.ge [sflag:s30], $0x50  }
0x40: {  	[sflag:s30] =	ssyncset.done $0x0  }
0x41: {  	[sflag:s30] =	ssyncadd.s32 $0xFFFFFFB0  }
0x42: {  	_ =	swait.ge [sflag:s30], $0x50  }
0x43: {  	[sflag:s30] =	ssyncset.done $0x0  }
0x44: {  	[sflag:s30] =	ssyncadd.s32 $0xFFFFFFB0  }
0x45: {  	[tilespmem:s15], [sflag:$0x5] =	stream.indirect.gather [hbm4b:s1+s23], $0x80, s20, s23, $0xb8;
	[tilespmem:$0x1BC00] =	vst v63  }
0x46: {  	_ =	swait.ge [sflag:s16], $0x2800  }
0x47: {  	[sflag:s16] =	ssyncset.done $0x0  }
0x48: {  	[sflag:s16] =	ssyncadd.s32 $0xFFFFD800  }
0x49: {  	[spmem:s2] =	stream.indirect.scatter.add.f32 [tilespmem:s15], [sflag:$0x8], $0x80, s21, s23, $0xb8;
	[tilespmem:$0x1BC00] =	vst v63  }
0x4a: {  	_ =	swait.ge [sflag:s3], $0x2800  }
0x4b: {  	[sflag:s3] =	ssyncset.done $0x0  }
0x4c: {  	s14 =	rddreg [dreg:$0x12];
	[sflag:s3] =	ssyncadd.s32 $0xFFFFD800  }
0x4d: {  	[tilespmem:s4], [sflag:$0x1] =	stream.linear.gather [hbm4b:s14+s4], $0x50, $0x38;
	[tilespmem:$0x1BC00] =	vst v63  }
0x4e: {  	s15 =	rddreg [dreg:$0x13]  }
0x4f: {  	[tilespmem:s19], [sflag:$0x1] =	stream.linear.gather [hbm4b:s15+s4], $0x50, $0x38;
	[tilespmem:$0x1BC00] =	vst v63  }
0x50: {  	_ =	swait.ge [sflag:s5], $0x50  }
0x51: {  	[sflag:s5] =	ssyncset.done $0x0  }
0x52: {  	[sflag:s5] =	ssyncadd.s32 $0xFFFFFFB0  }
0x53: {  	_ =	swait.ge [sflag:s5], $0x50  }
0x54: {  	[sflag:s5] =	ssyncset.done $0x0  }
0x55: {  	s17 =	smul.u32 $0x3, s4;
	[sflag:s5] =	ssyncadd.s32 $0xFFFFFFB0  }
0x56: {  	[tilespmem:s6], [sflag:$0x6] =	stream.indirect.gather [hbm4b:s1+s23], $0x80, s28, s23, $0xb8;
	[tilespmem:$0x1BC00] =	vst v63  }
0x57: {  	_ =	swait.ge [sflag:s7], $0x2800  }
0x58: {  	s25 =	sadd.s32 $0x3, s17;
	[sflag:s7] =	ssyncset.done $0x0  }
0x59: {  	s26 =	sand.u32 $0xFF, s25;
	[sflag:s7] =	ssyncadd.s32 $0xFFFFD800  }
0x5a: {  	[spmem:s2] =	stream.indirect.scatter.add.f32 [tilespmem:s6], [sflag:$0x9], $0x80, s29, s23, $0xb8;
	[tilespmem:$0x1BC00] =	vst v63  }
0x5b: {  	s15 =	smul.u32 $0xAB, s26;
	_ =	swait.ge [sflag:s8], $0x2800  }
0x5c: {  	[sflag:s8] =	ssyncset.done $0x0  }
0x5d: {  	s15 =	sshrl.u32 s15, $0x9;
	s16 =	rddreg [dreg:$0x14];
	[sflag:s8] =	ssyncadd.s32 $0xFFFFD800  }
0x5e: {  	[tilespmem:s20], [sflag:$0x2] =	stream.linear.gather [hbm4b:s16+s4], $0x50, $0x38;
	[tilespmem:$0x1BC00] =	vst v63  }
0x5f: {  	s15 =	smul.u32 $0x3, s15;
	s18 =	rddreg [dreg:$0x15]  }
0x60: {  	[tilespmem:s21], [sflag:$0x2] =	stream.linear.gather [hbm4b:s18+s4], $0x50, $0x38;
	[tilespmem:$0x1BC00] =	vst v63  }
0x61: {  	_ =	swait.ge [sflag:s22], $0x50  }
0x62: {  	s14 =	ssub.s32 s25, s15;
	[sflag:s22] =	ssyncset.done $0x0  }
0x63: {  	s14 =	sand.u32 $0xFF, s14;
	[sflag:s22] =	ssyncadd.s32 $0xFFFFFFB0  }
0x64: {  	s0 =	smul.u32 $0xA000, s14;
	_ =	swait.ge [sflag:s22], $0x50  }
0x65: {  	s13 =	sadd.s32 $0x4, s17;
	s17 =	sor.u32 $0x4, s14;
	[sflag:s22] =	ssyncset.done $0x0  }
0x66: {  	s15 =	sshrl.u32 s0, $0x2;
	s18 =	sand.u32 $0xFF, s13;
	[sflag:s22] =	ssyncadd.s32 $0xFFFFFFB0  }
0x67: {  	[tilespmem:s24], [sflag:$0x4] =	stream.indirect.gather [hbm4b:s1+s23], $0x80, s4, s23, $0xb8;
	[tilespmem:$0x1BC00] =	vst v63  }
0x68: {  	s15 =	sor.u32 $0x400, s15;
	s16 =	smul.u32 $0xAB, s18;
	_ =	swait.ge [sflag:s17], $0x2800  }
0x69: {  	s18 =	sshll.u32 s14, $0x7;
	s14 =	sadd.s32 $0x7, s14;
	[sflag:s17] =	ssyncset.done $0x0  }
0x6a: {  	s25 =	sor.u32 $0x200, s18;
	s26 =	sshrl.u32 s16, $0x9;
	[sflag:s17] =	ssyncadd.s32 $0xFFFFD800  }
0x6b: {  	[spmem:s2] =	stream.indirect.scatter.add.f32 [tilespmem:s15], [sflag:s14], $0x80, s25, s23, $0xb8;
	[tilespmem:$0x1BC00] =	vst v63  }
0x6c: {  	s14 =	smul.u32 $0x3, s26;
	_ =	swait.ge [sflag:s9], $0x2800  }
0x6d: {  	s0 =	rddreg [dreg:$0x9]  }
0x6e: {  	s13 =	ssub.s32 s13, s14;
	[sflag:s9] =	ssyncset.done $0x0;
	s16 =	rddreg [dreg:$0x8]  }
0x6f: {  	s13 =	sand.u32 $0xFF, s13;
	[sflag:s9] =	ssyncadd.s32 $0xFFFFD800;
	s15 =	sadd.s32 $0x0, s0  }
0x70: {  	[tilespmem:s28], [sflag:$0x3] =	stream.linear.gather [hbm4b:s15+s4], $0x50, $0x38;
	[tilespmem:$0x1BC00] =	vst v63  }
0x71: {  	s14 =	sadd.s32 $0x0, s16;
	s17 =	sadd.s32 $0x1, s13  }
0x72: {  	[tilespmem:s29], [sflag:$0x3] =	stream.linear.gather [hbm4b:s14+s4], $0x50, $0x38;
	[tilespmem:$0x1BC00] =	vst v63  }
0x73: {  	_ =	swait.ge [sflag:s17], $0x50  }
0x74: {  	[sflag:s17] =	ssyncset.done $0x0  }
0x75: {  	s18 =	smul.u32 $0xA000, s13;
	[sflag:s17] =	ssyncadd.s32 $0xFFFFFFB0  }
0x76: {  	_ =	swait.ge [sflag:s17], $0x50  }
0x77: {  	s25 =	sor.u32 $0x4, s13;
	s14 =	sshrl.u32 s18, $0x2;
	[sflag:s17] =	ssyncset.done $0x0  }
0x78: {  	s26 =	sshll.u32 s13, $0x7;
	s14 =	sor.u32 $0x400, s14;
	[sflag:s17] =	ssyncadd.s32 $0xFFFFFFB0  }
0x79: {  	[tilespmem:s14], [sflag:s25] =	stream.indirect.gather [hbm4b:s1+s23], $0x80, s26, s23, $0xb8;
	[tilespmem:$0x1BC00] =	vst v63  }
0x7a: {  	_ =	swait.ge [sflag:s25], $0x2800  }
0x7b: {  	[sflag:s25] =	ssyncset.done $0x0  }
0x7c: {  	s13 =	sadd.s32 $0x7, s13;
	s0 =	sor.u32 $0x200, s26;
	[sflag:s25] =	ssyncadd.s32 $0xFFFFD800  }
0x7d: {  	[spmem:s2] =	stream.indirect.scatter.add.f32 [tilespmem:s14], [sflag:s13], $0x80, s0, s23, $0xb8;
	[tilespmem:$0x1BC00] =	vst v63  }
0x7e: {  	_ =	swait.ge [sflag:s3], $0x2800  }
0x7f: {  	s17 =	rddreg [dreg:$0x7];
	[sflag:s3] =	ssyncset.done $0x0  }
0x80: {  	s18 =	rddreg [dreg:$0x6];
	[sflag:s3] =	ssyncadd.s32 $0xFFFFD800;
	s13 =	sadd.s32 $0x0, s17  }
0x81: {  	[tilespmem:s4], [sflag:$0x1] =	stream.linear.gather [hbm4b:s13+s4], $0x50, $0x38;
	[tilespmem:$0x1BC00] =	vst v63  }
0x82: {  	s25 =	sadd.s32 $0x0, s18  }
0x83: {  	[tilespmem:s19], [sflag:$0x1] =	stream.linear.gather [hbm4b:s25+s4], $0x50, $0x38;
	[tilespmem:$0x1BC00] =	vst v63  }
0x84: {  	_ =	swait.ge [sflag:s5], $0x50  }
0x85: {  	[sflag:s5] =	ssyncset.done $0x0  }
0x86: {  	[sflag:s5] =	ssyncadd.s32 $0xFFFFFFB0  }
0x87: {  	_ =	swait.ge [sflag:s5], $0x50  }
0x88: {  	[sflag:s5] =	ssyncset.done $0x0  }
0x89: {  	s14 =	simm.s32 $0x1;
	[sflag:s5] =	ssyncadd.s32 $0xFFFFFFB0  }
0x8a: {  	[tilespmem:s6], [sflag:$0x6] =	stream.indirect.gather [hbm4b:s1+s23], $0x80, s28, s23, $0xb8;
	[tilespmem:$0x1BC00] =	vst v63  }
0x8b: {  	s15 =	smul.u32 $0x3, s14;
	_ =	swait.ge [sflag:s7], $0x2800  }
0x8c: {  	[sflag:s7] =	ssyncset.done $0x0  }
0x8d: {  	s18 =	sadd.s32 $0x3, s15;
	[sflag:s7] =	ssyncadd.s32 $0xFFFFD800  }
0x8e: {  	[spmem:s2] =	stream.indirect.scatter.add.f32 [tilespmem:s6], [sflag:$0x9], $0x80, s29, s23, $0xb8;
	[tilespmem:$0x1BC00] =	vst v63  }
0x8f: {  	s17 =	sadd.s32 $0x4, s15;
	s0 =	sand.u32 $0xFF, s18;
	_ =	swait.ge [sflag:s8], $0x2800  }
0x90: {  	s31 =	smul.u32 $0xAB, s0;
	s26 =	rddreg [dreg:$0x5];
	[sflag:s8] =	ssyncset.done $0x0  }
0x91: {  	s25 =	rddreg [dreg:$0x4];
	s16 =	sadd.s32 $0x0, s26;
	[sflag:s8] =	ssyncadd.s32 $0xFFFFD800  }
0x92: {  	[tilespmem:s20], [sflag:$0x2] =	stream.linear.gather [hbm4b:s16+s4], $0x50, $0x38;
	[tilespmem:$0x1BC00] =	vst v63  }
0x93: {  	s25 =	sadd.s32 $0x0, s25;
	s26 =	sshrl.u32 s31, $0x9;
	s31 =	sand.u32 $0xFF, s17  }
0x94: {  	[tilespmem:s21], [sflag:$0x2] =	stream.linear.gather [hbm4b:s25+s4], $0x50, $0x38;
	[tilespmem:$0x1BC00] =	vst v63  }
0x95: {  	s15 =	simm.s32 $0x3C;
	s31 =	smul.u32 $0xAB, s31;
	_ =	swait.ge [sflag:s22], $0x50  }
0x96: {  	s13 =	simm.s32 $0x1E;
	s25 =	smul.u32 $0x3, s26;
	[sflag:s22] =	ssyncset.done $0x0  }
.LBB2_2:
0x97: {  	[sflag:s22] =	ssyncadd.s32 $0xFFFFFFB0  }
0x98: {  	s31 =	sshrl.u32 s31, $0x9;
	s18 =	ssub.s32 s18, s25;
	_ =	swait.ge [sflag:s22], $0x50  }
0x99: {  	s25 =	smul.u32 $0x3, s31;
	s18 =	sand.u32 $0xFF, s18;
	[sflag:s22] =	ssyncset.done $0x0  }
0x9a: {  	s31 =	smul.u32 $0xA000, s18;
	s26 =	sor.u32 $0x4, s18;
	[sflag:s22] =	ssyncadd.s32 $0xFFFFFFB0  }
0x9b: {  	[tilespmem:s24], [sflag:$0x4] =	stream.indirect.gather [hbm4b:s1+s23], $0x80, s4, s23, $0xb8;
	[tilespmem:$0x1BC00] =	vst v63  }
0x9c: {  	s0 =	sshll.u32 s18, $0x7;
	s18 =	sadd.s32 $0x7, s18;
	_ =	swait.ge [sflag:s26], $0x2800  }
0x9d: {  	s17 =	ssub.s32 s17, s25;
	s31 =	sshrl.u32 s31, $0x2;
	[sflag:s26] =	ssyncset.done $0x0  }
0x9e: {  	s0 =	sor.u32 $0x200, s0;
	s25 =	sor.u32 $0x400, s31;
	[sflag:s26] =	ssyncadd.s32 $0xFFFFD800  }
0x9f: {  	[spmem:s2] =	stream.indirect.scatter.add.f32 [tilespmem:s25], [sflag:s18], $0x80, s0, s23, $0xb8;
	[tilespmem:$0x1BC00] =	vst v63  }
0xa0: {  	s0 =	sand.u32 $0xFF, s17;
	_ =	swait.ge [sflag:s9], $0x2800  }
0xa1: {  	s25 =	smul.u32 $0xA000, s0;
	s17 =	rddreg [dreg:$0x9];
	[sflag:s9] =	ssyncset.done $0x0  }
0xa2: {  	s26 =	rddreg [dreg:$0x8];
	[sflag:s9] =	ssyncadd.s32 $0xFFFFD800;
	s17 =	sadd.s32 s13, s17  }
0xa3: {  	[tilespmem:s28], [sflag:$0x3] =	stream.linear.gather [hbm4b:s17+s4], $0x50, $0x38;
	[tilespmem:$0x1BC00] =	vst v63  }
0xa4: {  	s18 =	sshrl.u32 s25, $0x2;
	s26 =	sadd.s32 s13, s26;
	s25 =	sadd.s32 $0x1, s0  }
0xa5: {  	[tilespmem:s29], [sflag:$0x3] =	stream.linear.gather [hbm4b:s26+s4], $0x50, $0x38;
	[tilespmem:$0x1BC00] =	vst v63  }
0xa6: {  	_ =	swait.ge [sflag:s25], $0x50  }
0xa7: {  	[sflag:s25] =	ssyncset.done $0x0  }
0xa8: {  	[sflag:s25] =	ssyncadd.s32 $0xFFFFFFB0  }
0xa9: {  	_ =	swait.ge [sflag:s25], $0x50  }
0xaa: {  	s17 =	sor.u32 $0x4, s0;
	[sflag:s25] =	ssyncset.done $0x0  }
0xab: {  	s18 =	sor.u32 $0x400, s18;
	s26 =	sshll.u32 s0, $0x7;
	[sflag:s25] =	ssyncadd.s32 $0xFFFFFFB0  }
0xac: {  	[tilespmem:s18], [sflag:s17] =	stream.indirect.gather [hbm4b:s1+s23], $0x80, s26, s23, $0xb8;
	[tilespmem:$0x1BC00] =	vst v63  }
0xad: {  	_ =	swait.ge [sflag:s17], $0x2800  }
0xae: {  	[sflag:s17] =	ssyncset.done $0x0  }
0xaf: {  	s0 =	sadd.s32 $0x7, s0;
	s26 =	sor.u32 $0x200, s26;
	[sflag:s17] =	ssyncadd.s32 $0xFFFFD800  }
0xb0: {  	[spmem:s2] =	stream.indirect.scatter.add.f32 [tilespmem:s18], [sflag:s0], $0x80, s26, s23, $0xb8;
	[tilespmem:$0x1BC00] =	vst v63  }
0xb1: {  	_ =	swait.ge [sflag:s3], $0x2800  }
0xb2: {  	s25 =	rddreg [dreg:$0x7];
	[sflag:s3] =	ssyncset.done $0x0  }
0xb3: {  	s26 =	rddreg [dreg:$0x6];
	[sflag:s3] =	ssyncadd.s32 $0xFFFFD800;
	s0 =	sadd.s32 s13, s25  }
0xb4: {  	[tilespmem:s4], [sflag:$0x1] =	stream.linear.gather [hbm4b:s0+s4], $0x50, $0x38;
	[tilespmem:$0x1BC00] =	vst v63  }
0xb5: {  	s17 =	sadd.s32 s13, s26  }
0xb6: {  	[tilespmem:s19], [sflag:$0x1] =	stream.linear.gather [hbm4b:s17+s4], $0x50, $0x38;
	[tilespmem:$0x1BC00] =	vst v63  }
0xb7: {  	_ =	swait.ge [sflag:s5], $0x50  }
0xb8: {  	[sflag:s5] =	ssyncset.done $0x0  }
0xb9: {  	[sflag:s5] =	ssyncadd.s32 $0xFFFFFFB0  }
0xba: {  	_ =	swait.ge [sflag:s5], $0x50  }
0xbb: {  	[sflag:s5] =	ssyncset.done $0x0  }
0xbc: {  	[sflag:s5] =	ssyncadd.s32 $0xFFFFFFB0  }
0xbd: {  	[tilespmem:s6], [sflag:$0x6] =	stream.indirect.gather [hbm4b:s1+s23], $0x80, s28, s23, $0xb8;
	[tilespmem:$0x1BC00] =	vst v63  }
0xbe: {  	_ =	swait.ge [sflag:s7], $0x2800  }
0xbf: {  	s14 =	sadd.s32 $0x1, s14;
	[sflag:s7] =	ssyncset.done $0x0  }
0xc0: {  	p0 =	sne.s32 s15, $0x492;
	s18 =	smul.u32 $0x3, s14;
	[sflag:s7] =	ssyncadd.s32 $0xFFFFD800  }
0xc1: {  	[spmem:s2] =	stream.indirect.scatter.add.f32 [tilespmem:s6], [sflag:$0x9], $0x80, s29, s23, $0xb8;
	[tilespmem:$0x1BC00] =	vst v63  }
0xc2: {  	s16 =	smov.u32 s15;
	s15 =	sadd.s32 $0x1E, s15;
	_ =	swait.ge [sflag:s8], $0x2800  }
0xc3: {  	s17 =	sadd.s32 $0x4, s18;
	s25 =	rddreg [dreg:$0x5];
	[sflag:s8] =	ssyncset.done $0x0  }
0xc4: {  	s18 =	sadd.s32 $0x3, s18;
	s25 =	sadd.s32 s13, s25;
	[sflag:s8] =	ssyncadd.s32 $0xFFFFD800  }
0xc5: {  	[tilespmem:s20], [sflag:$0x2] =	stream.linear.gather [hbm4b:s25+s4], $0x50, $0x38;
	[tilespmem:$0x1BC00] =	vst v63  }
.Ltmp0:
0xc6: {  	s0 =	sand.u32 $0xFF, s18;
	s26 =	rddreg [dreg:$0x4];
	(pc) =	sbr.rel @p0 .LBB2_2-.Ltmp0, $4  }
0xc7: {  	s31 =	sand.u32 $0xFF, s17;
	s0 =	smul.u32 $0xAB, s0;
	s26 =	sadd.s32 s13, s26  }
0xc8: {  	[tilespmem:s21], [sflag:$0x2] =	stream.linear.gather [hbm4b:s26+s4], $0x50, $0x38;
	[tilespmem:$0x1BC00] =	vst v63  }
0xc9: {  	s31 =	smul.u32 $0xAB, s31;
	s0 =	sshrl.u32 s0, $0x9;
	_ =	swait.ge [sflag:s22], $0x50  }
0xca: {  	s13 =	smov.u32 s16;
	s25 =	smul.u32 $0x3, s0;
	[sflag:s22] =	ssyncset.done $0x0  }
0xcb: {  	[sflag:s22] =	ssyncadd.s32 $0xFFFFFFB0  }
0xcc: {  	s0 =	ssub.s32 s18, s25;
	_ =	swait.ge [sflag:s22], $0x50  }
0xcd: {  	s0 =	sand.u32 $0xFF, s0;
	[sflag:s22] =	ssyncset.done $0x0  }
0xce: {  	s14 =	sor.u32 $0x4, s0;
	[sflag:s22] =	ssyncadd.s32 $0xFFFFFFB0;
	s15 =	smul.u32 $0xA000, s0  }
0xcf: {  	[tilespmem:s24], [sflag:$0x4] =	stream.indirect.gather [hbm4b:s1+s23], $0x80, s4, s23, $0xb8;
	[tilespmem:$0x1BC00] =	vst v63  }
0xd0: {  	s26 =	sshll.u32 s0, $0x7;
	_ =	swait.ge [sflag:s14], $0x2800  }
0xd1: {  	s0 =	sadd.s32 $0x7, s0;
	s15 =	sshrl.u32 s15, $0x2;
	[sflag:s14] =	ssyncset.done $0x0  }
0xd2: {  	s15 =	sor.u32 $0x400, s15;
	[sflag:s14] =	ssyncadd.s32 $0xFFFFD800;
	s14 =	sor.u32 $0x200, s26  }
0xd3: {  	[spmem:s2] =	stream.indirect.scatter.add.f32 [tilespmem:s15], [sflag:s0], $0x80, s14, s23, $0xb8;
	[tilespmem:$0x1BC00] =	vst v63  }
0xd4: {  	s15 =	sshrl.u32 s31, $0x9  }
0xd5: {  	_ =	swait.ge [sflag:s9], $0x2800;
	s0 =	smul.u32 $0x3, s15  }
0xd6: {  	s16 =	rddreg [dreg:$0x9]  }
0xd7: {  	[sflag:s9] =	ssyncset.done $0x0;
	s0 =	ssub.s32 s17, s0;
	s17 =	rddreg [dreg:$0x8]  }
0xd8: {  	[sflag:s9] =	ssyncadd.s32 $0xFFFFD800;
	s14 =	sadd.s32 s13, s16;
	s0 =	sand.u32 $0xFF, s0  }
0xd9: {  	[tilespmem:s28], [sflag:$0x3] =	stream.linear.gather [hbm4b:s14+s4], $0x50, $0x38;
	[tilespmem:$0x1BC00] =	vst v63  }
0xda: {  	s18 =	sadd.s32 s13, s17;
	s25 =	sadd.s32 $0x1, s0  }
0xdb: {  	[tilespmem:s29], [sflag:$0x3] =	stream.linear.gather [hbm4b:s18+s4], $0x50, $0x38;
	[tilespmem:$0x1BC00] =	vst v63  }
0xdc: {  	_ =	swait.ge [sflag:s25], $0x50  }
0xdd: {  	[sflag:s25] =	ssyncset.done $0x0  }
0xde: {  	s26 =	smul.u32 $0xA000, s0;
	[sflag:s25] =	ssyncadd.s32 $0xFFFFFFB0  }
0xdf: {  	_ =	swait.ge [sflag:s25], $0x50  }
0xe0: {  	s16 =	sor.u32 $0x4, s0;
	s14 =	sshrl.u32 s26, $0x2;
	[sflag:s25] =	ssyncset.done $0x0  }
0xe1: {  	s31 =	sshll.u32 s0, $0x7;
	s14 =	sor.u32 $0x400, s14;
	[sflag:s25] =	ssyncadd.s32 $0xFFFFFFB0  }
0xe2: {  	[tilespmem:s14], [sflag:s16] =	stream.indirect.gather [hbm4b:s1+s23], $0x80, s31, s23, $0xb8;
	[tilespmem:$0x1BC00] =	vst v63  }
0xe3: {  	_ =	swait.ge [sflag:s16], $0x2800  }
0xe4: {  	[sflag:s16] =	ssyncset.done $0x0  }
0xe5: {  	s0 =	sadd.s32 $0x7, s0;
	s15 =	sor.u32 $0x200, s31;
	[sflag:s16] =	ssyncadd.s32 $0xFFFFD800  }
0xe6: {  	[spmem:s2] =	stream.indirect.scatter.add.f32 [tilespmem:s14], [sflag:s0], $0x80, s15, s23, $0xb8;
	[tilespmem:$0x1BC00] =	vst v63  }
0xe7: {  	_ =	swait.ge [sflag:s3], $0x2800  }
0xe8: {  	s14 =	rddreg [dreg:$0x7];
	[sflag:s3] =	ssyncset.done $0x0  }
0xe9: {  	s15 =	rddreg [dreg:$0x6];
	[sflag:s3] =	ssyncadd.s32 $0xFFFFD800;
	s0 =	sadd.s32 s13, s14  }
0xea: {  	[tilespmem:s4], [sflag:$0x1] =	stream.linear.gather [hbm4b:s0+s4], $0x50, $0x38;
	[tilespmem:$0x1BC00] =	vst v63  }
0xeb: {  	s16 =	sadd.s32 s13, s15  }
0xec: {  	[tilespmem:s19], [sflag:$0x1] =	stream.linear.gather [hbm4b:s16+s4], $0x50, $0x38;
	[tilespmem:$0x1BC00] =	vst v63  }
0xed: {  	_ =	swait.ge [sflag:s5], $0x50  }
0xee: {  	[sflag:s5] =	ssyncset.done $0x0  }
0xef: {  	[sflag:s5] =	ssyncadd.s32 $0xFFFFFFB0  }
0xf0: {  	_ =	swait.ge [sflag:s5], $0x50  }
0xf1: {  	[sflag:s5] =	ssyncset.done $0x0  }
0xf2: {  	[sflag:s5] =	ssyncadd.s32 $0xFFFFFFB0  }
0xf3: {  	[tilespmem:s6], [sflag:$0x6] =	stream.indirect.gather [hbm4b:s1+s23], $0x80, s28, s23, $0xb8;
	[tilespmem:$0x1BC00] =	vst v63  }
0xf4: {  	_ =	swait.ge [sflag:s7], $0x2800  }
0xf5: {  	[sflag:s7] =	ssyncset.done $0x0  }
0xf6: {  	[sflag:s7] =	ssyncadd.s32 $0xFFFFD800  }
0xf7: {  	[spmem:s2] =	stream.indirect.scatter.add.f32 [tilespmem:s6], [sflag:$0x9], $0x80, s29, s23, $0xb8;
	[tilespmem:$0x1BC00] =	vst v63  }
0xf8: {  	_ =	swait.ge [sflag:s8], $0x2800  }
0xf9: {  	s17 =	rddreg [dreg:$0x5];
	[sflag:s8] =	ssyncset.done $0x0  }
0xfa: {  	s18 =	rddreg [dreg:$0x4];
	s0 =	sadd.s32 s13, s17;
	[sflag:s8] =	ssyncadd.s32 $0xFFFFD800  }
0xfb: {  	[tilespmem:s20], [sflag:$0x2] =	stream.linear.gather [hbm4b:s0+s4], $0x50, $0x38;
	[tilespmem:$0x1BC00] =	vst v63  }
0xfc: {  	s25 =	sadd.s32 s13, s18  }
0xfd: {  	[tilespmem:s21], [sflag:$0x2] =	stream.linear.gather [hbm4b:s25+s4], $0x50, $0x38;
	[tilespmem:$0x1BC00] =	vst v63  }
0xfe: {  	_ =	swait.ge [sflag:s22], $0x50  }
0xff: {  	[sflag:s22] =	ssyncset.done $0x0  }
0x100: {  	[sflag:s22] =	ssyncadd.s32 $0xFFFFFFB0  }
0x101: {  	_ =	swait.ge [sflag:s22], $0x50  }
0x102: {  	[sflag:s22] =	ssyncset.done $0x0  }
0x103: {  	s14 =	simm.s32 $0x4;
	[sflag:s22] =	ssyncadd.s32 $0xFFFFFFB0  }
0x104: {  	[tilespmem:s24], [sflag:$0x4] =	stream.indirect.gather [hbm4b:s1+s23], $0x80, s4, s23, $0xb8;
	[tilespmem:$0x1BC00] =	vst v63  }
0x105: {  	_ =	swait.ge [sflag:s14], $0x2800  }
0x106: {  	[sflag:s14] =	ssyncset.done $0x0  }
0x107: {  	[sflag:s14] =	ssyncadd.s32 $0xFFFFD800  }
0x108: {  	[spmem:s2] =	stream.indirect.scatter.add.f32 [tilespmem:s24], [sflag:$0x7], $0x80, s19, s23, $0xb8;
	[tilespmem:$0x1BC00] =	vst v63  }
0x109: {  	_ =	swait.ge [sflag:s30], $0x50  }
0x10a: {  	[sflag:s30] =	ssyncset.done $0x0  }
0x10b: {  	[sflag:s30] =	ssyncadd.s32 $0xFFFFFFB0  }
0x10c: {  	_ =	swait.ge [sflag:s30], $0x50  }
0x10d: {  	[sflag:s30] =	ssyncset.done $0x0  }
0x10e: {  	s15 =	simm.s32 $0x2C00;
	s16 =	simm.s32 $0x5;
	[sflag:s30] =	ssyncadd.s32 $0xFFFFFFB0  }
0x10f: {  	[tilespmem:s15], [sflag:$0x5] =	stream.indirect.gather [hbm4b:s1+s23], $0x80, s20, s23, $0xb8;
	[tilespmem:$0x1BC00] =	vst v63  }
0x110: {  	_ =	swait.ge [sflag:s16], $0x2800  }
0x111: {  	[sflag:s16] =	ssyncset.done $0x0  }
0x112: {  	[sflag:s16] =	ssyncadd.s32 $0xFFFFD800  }
0x113: {  	[spmem:s2] =	stream.indirect.scatter.add.f32 [tilespmem:s15], [sflag:$0x8], $0x80, s21, s23, $0xb8;
	[tilespmem:$0x1BC00] =	vst v63  }
0x114: {  	_ =	swait.ge [sflag:s3], $0x2800  }
0x115: {  	[sflag:s3] =	ssyncset.done $0x0  }
0x116: {  	[sflag:s3] =	ssyncadd.s32 $0xFFFFD800  }
0x117: {  	_ =	swait.ge [sflag:s8], $0x2800  }
0x118: {  	[sflag:s8] =	ssyncset.done $0x0  }
0x119: {  	[sflag:s8] =	ssyncadd.s32 $0xFFFFD800  }
0x11a: {  	_ =	swait.ge [sflag:s9], $0x2800  }
0x11b: {  	[sflag:s9] =	ssyncset.done $0x0  }
0x11c: {  	[sflag:s9] =	ssyncadd.s32 $0xFFFFD800  }
0x11d: {  	[bflag:$0x0] =	sbarrier.arrive $0xFFFF  }
0x11e: {  	s13 =	simm.s32 $0xA;
	s26 =	rddreg [dreg:$0x16]  }
0x11f: {  	[hbm:s26], [sflag:s11] =	dma.local [spmem:s12], $0x2800  }
0x120: {  	_ =	swait.ge [sflag:s13], $0x2800  }
0x121: {  	s10 =	sadd.s32 $0x1, s10;
	s31 =	rddreg [dreg:$0x17]  }
0x122: {  	p0 =	sne.s32 s10, s31  }
.Ltmp1:
0x123: {  	_ = 	snop;
	(pc) =	sbr.rel @p0 .LBB2_1-.Ltmp1, $3  }
0x124: {  	_ =	sdelay $0x1  }
0x125: {  	[sflag:s13] =	ssyncset.done $0x0  }
0x126: {  	[sflag:s13] =	ssyncadd.s32 $0xFFFFD800  }
0x127: {  	_ =	sfence.sel $0x180000  }
0x128: {  	[bflag:$0x0] =	sbarrier.arrive $0xFFFF  }
0x129: {  	_ =	strace $0x9000004A  }
0x12a: {  	s0 =	stileid.u32;
	[bflag:$0x2] =	sbarrier.arrive $0xFFFF  }
0x12b: {  	p0 =	sne.s32 s0, $0x0;
	s0 =	rddreg [dreg:$0x3]  }
0x12c: {  	s0 =	sadd.s32 @!p0 $0x100000, s0  }
0x12d: {  	[sflag:s0] =	ssyncadd.tile.s32 @!p0 $0x1;
	_ =	shalt  }
.Lfunc_end2:
_tile_overlayer_lowered:
.L_overlay_start_2:
0x12e: {  	(tag) =	ssettag $0x2  }
0x12f: {  	s0 =	rddreg [dreg:$0x0];
	s2 =	stileid.u32  }
0x130: {  	s1 =	rddreg [dreg:$0x1];
	p0 =	sne.s32 s2, $0x0  }
0x131: {  	s3 =	rddreg [dreg:$0x2];
	[bflag:$0x3] =	sbarrier.arrive $0xFFFF;
	s2 =	simm.s32 @!p0 $0x1C0A  }
0x132: {  	[timem:s3], [sflag:s2] =	dma.local @!p0 [hbm:s0], s1  }
0x133: {  	s0 =	simm.s32 @!p0 $0xA  }
0x134: {  	_ =	swait.ge @!p0 [sflag:s0], s1  }
0x135: {  	s1 =	ssub.s32 @!p0 $0x0, s1;
	[sflag:s0] =	ssyncset.done @!p0 $0x0  }
0x136: {  	[sflag:s0] =	ssyncadd.s32 @!p0 s1  }
0x137: {  	[bflag:$0x3] =	sbarrier.arrive $0xFFFF  }
0x138: {  	_ =	shalt  }

// kernel: kernel.7.cloned.1.call-start
scs
__scs_entry_jumppad:
0x0: {  	(pc) =	sbr.rel $0x88, $3  }
0x1: {  	(tag) =	ssettag $0x0;
	lr =	simm.s32 $0x1  }
0x2: {  	[smem:$0x3F97] =	sst lr;
	_ =	strace $0xD0000000  }
0x3: {  	_ = 	snop  }
0x4: {  	_ = 	snop  }
0x5: {  	_ = 	snop  }
0x6: {  	_ = 	snop  }
0x7: {  	_ = 	snop  }
__scs_overlays_trampoline_lowered:
0x8: {  	[smem:$0x3FA6] =	sst s0  }
0x9: {  	[smem:$0x3FA7] =	sst s1  }
0xa: {  	[smem:$0x3FA8] =	sst s2  }
0xb: {  	[smem:$0x3FA9] =	sst s3  }
0xc: {  	[smem:$0x3FAA] =	sst s4  }
0xd: {  	[smem:$0x3FAB] =	sst s5  }
0xe: {  	[smem:$0x3FAC] =	sst s6  }
0xf: {  	[smem:$0x3FAD] =	sst s7  }
0x10: {  	[smem:$0x3FAE] =	sst s8  }
0x11: {  	[smem:$0x3FAF] =	sst s9;
	s0 =	simm.s32 @!p0 $0x0  }
0x12: {  	s1 =	sld [smem:$0x3F95];
	s0 =	simm.s32 @p0 $0x1  }
0x13: {  	[smem:$0x3FB0] =	sst s0;
	s0 =	simm.s32 @!p1 $0x0  }
0x14: {  	s2 =	sld [smem:$0x3F94];
	s0 =	simm.s32 @p1 $0x1  }
0x15: {  	[smem:$0x3FB1] =	sst s0;
	s0 =	simm.s32 @!p2 $0x0  }
0x16: {  	s3 =	sld [smem:$0x3FDB];
	s0 =	simm.s32 @p2 $0x1  }
0x17: {  	s4 =	simm.s32 $0x1BF5;
	[smem:$0x3FB3] =	sst s0  }
0x18: {  	s0 =	sld [smem:$0x3F96];
	_ =	swait.ge [sflag:s4], $0x0  }
0x19: {  	s7 =	sld [smem:$0x3F97]  }
0x1a: {  	s8 =	sadd.s32 $0xFFFFE003, lr  }
0x1b: {  	s9 =	sadd.s32 $0xFFFFFEF7, lr;
	s5 =	simm.s32 $0xFFFFFFFF;
	p2 =	slt.u32 s8, $0xFFFFF086  }
0x1c: {  	p1 =	slt.u32 s9, $0xF7A;
	s5 =	simm.s32 @!p2 $0x0  }
0x1d: {  	s5 =	simm.s32 @p1 $0x1;
	p0 =	seq.s32 s7, s2  }
0x1e: {  	s7 =	smul.u32 @!p0 $0xF7A, s2;
	p2 =	seq.s32 @!p0 s5, $0x0  }
0x1f: {  	s9 =	smul.u32 $0xF7A, s1;
	s8 =	simm.s32 @!p0 $0x1BF5;
	p2 =	por !p2, p0  }
0x20: {  	[sflag:s8] =	ssyncset.s32 @!p0 $0xFFFFF086;
	s6 =	sadd.s32 @!p0 s3, s7;
	s7 =	simm.s32 @!p0 $0x108  }
0x21: {  	s3 =	sadd.s32 s3, s9;
	s6 =	sadd.s32 @!p0 $0x88, s6;
	s7 =	simm.s32 @p2 $0x1082  }
0x22: {  	[simem:s7], [sflag:s8] =	dma.local @!p0 [hbm:s6], $0xF7A  }
0x23: {  	s9 =	sor.u32 $0xD0000000, s2;
	s6 =	simm.s32 $0x108;
	_ =	swait.ge @!p0 [sflag:s8], $0x0  }
0x24: {  	s3 =	sadd.s32 $0x88, s3;
	s6 =	simm.s32 @!p1 $0x1082;
	[sflag:s4] =	ssyncset.s32 $0xFFFFF086  }
0x25: {  	[simem:s6], [sflag:s4] =	dma.local [hbm:s3], $0xF7A  }
0x26: {  	[smem:$0x3F97] =	sst s1;
	(tag) =	ssettag s2;
	_ =	strace s9  }
0x27: {  	s1 =	sld [smem:$0x3FA7]  }
0x28: {  	s2 =	sld [smem:$0x3FA8]  }
0x29: {  	s4 =	sld [smem:$0x3FAA]  }
0x2a: {  	p0 =	seq.s32 s5, $0x0;
	s5 =	sld [smem:$0x3FAB]  }
0x2b: {  	s6 =	sld [smem:$0x3FAC]  }
0x2c: {  	s7 =	sld [smem:$0x3FAD]  }
0x2d: {  	s3 =	simm.s32 $0x108;
	s8 =	sld [smem:$0x3FAE]  }
0x2e: {  	s3 =	simm.s32 @!p0 $0x1082;
	s9 =	sld [smem:$0x3FAF]  }
0x2f: {  	lr =	sadd.s32 s0, s3;
	s0 =	sld [smem:$0x3FA6]  }
0x30: {  	s3 =	sld [smem:$0x3FA9]  }
0x31: {  	[smem:$0x3FB2] =	sst s10  }
0x32: {  	s10 =	sld [smem:$0x3FB0];
	_ =	sdelay $0x3  }
0x33: {  	p0 =	seq.s32 s10, $0x1;
	s10 =	sld [smem:$0x3FB2];
	_ =	sdelay $0x3  }
0x34: {  	[smem:$0x3FB2] =	sst s10  }
0x35: {  	s10 =	sld [smem:$0x3FB1];
	_ =	sdelay $0x3  }
0x36: {  	p1 =	seq.s32 s10, $0x1;
	s10 =	sld [smem:$0x3FB2];
	_ =	sdelay $0x3  }
0x37: {  	[smem:$0x3FB2] =	sst s10  }
0x38: {  	s10 =	sld [smem:$0x3FB3]  }
0x39: {  	_ = 	snop;
	(pc) =	sbr.ind lr, $3  }
0x3a: {  	_ = 	snop  }
0x3b: {  	_ = 	snop  }
0x3c: {  	p2 =	seq.s32 s10, $0x1;
	s10 =	sld [smem:$0x3FB2]  }
0x3d: {  	_ =	shalt  }
0x3e: {  	_ =	shalt  }
0x3f: {  	_ =	shalt  }
0x40: {  	_ =	shalt  }
0x41: {  	_ =	shalt  }
0x42: {  	_ =	shalt  }
0x43: {  	_ =	shalt  }
0x44: {  	_ =	shalt  }
0x45: {  	_ =	shalt  }
0x46: {  	_ =	shalt  }
0x47: {  	_ =	shalt  }
0x48: {  	_ =	shalt  }
0x49: {  	_ =	shalt  }
0x4a: {  	_ =	shalt  }
0x4b: {  	_ =	shalt  }
0x4c: {  	_ =	shalt  }
0x4d: {  	_ =	shalt  }
0x4e: {  	_ =	shalt  }
0x4f: {  	_ =	shalt  }
0x50: {  	_ =	shalt  }
0x51: {  	_ =	shalt  }
0x52: {  	_ =	shalt  }
0x53: {  	_ =	shalt  }
0x54: {  	_ =	shalt  }
0x55: {  	_ =	shalt  }
0x56: {  	_ =	shalt  }
0x57: {  	_ =	shalt  }
0x58: {  	_ =	shalt  }
0x59: {  	_ =	shalt  }
0x5a: {  	_ =	shalt  }
0x5b: {  	_ =	shalt  }
0x5c: {  	_ =	shalt  }
0x5d: {  	_ =	shalt  }
0x5e: {  	_ =	shalt  }
0x5f: {  	_ =	shalt  }
0x60: {  	_ =	shalt  }
0x61: {  	_ =	shalt  }
0x62: {  	_ =	shalt  }
0x63: {  	_ =	shalt  }
0x64: {  	_ =	shalt  }
0x65: {  	_ =	shalt  }
0x66: {  	_ =	shalt  }
0x67: {  	_ =	shalt  }
0x68: {  	_ =	shalt  }
0x69: {  	_ =	shalt  }
0x6a: {  	_ =	shalt  }
0x6b: {  	_ =	shalt  }
0x6c: {  	_ =	shalt  }
0x6d: {  	_ =	shalt  }
0x6e: {  	_ =	shalt  }
0x6f: {  	_ =	shalt  }
0x70: {  	_ =	shalt  }
0x71: {  	_ =	shalt  }
0x72: {  	_ =	shalt  }
0x73: {  	_ =	shalt  }
0x74: {  	_ =	shalt  }
0x75: {  	_ =	shalt  }
0x76: {  	_ =	shalt  }
0x77: {  	_ =	shalt  }
0x78: {  	_ =	shalt  }
0x79: {  	_ =	shalt  }
0x7a: {  	_ =	shalt  }
0x7b: {  	_ =	shalt  }
0x7c: {  	_ =	shalt  }
0x7d: {  	_ =	shalt  }
0x7e: {  	_ =	shalt  }
0x7f: {  	_ =	shalt  }
0x80: {  	_ =	shalt  }
0x81: {  	_ =	shalt  }
0x82: {  	_ =	shalt  }
0x83: {  	_ =	shalt  }
0x84: {  	_ =	shalt  }
0x85: {  	_ =	shalt  }
0x86: {  	_ =	shalt  }
0x87: {  	_ =	shalt  }
.Lfunc_end0:
.L_simem_size_0:
called_computation_lowered:
.L_overlay_start_0:
0x88: {  	s2 =	sld [smem:$0x3FD9]  }
0x89: {  	s3 =	sld [smem:$0x3FFE];
	_ =	sdelay $0x1  }
0x8a: {  	s1 =	srdreg.scid  }
0x8b: {  	s0 =	sand.u32 $0x1, s1  }
0x8c: {  	s17 =	sshll.u32 s0, $0xA;
	s2 =	sadd.s32 s3, s2  }
0x8d: {  	s2 =	sadd.s32 s2, s17  }
0x8e: {  	[smem:$0x3FBE] =	sst s2  }
0x8f: {  	_ = 	snop  }
0x90: {  	s2 =	sld [smem:$0x3FC9]  }
0x91: {  	s18 =	sld [smem:$0x3FD0];
	(tm) =	ssettm $0x1  }
0x92: {  	s4 =	sld [smem:$0x3FFB];
	_ =	sdelay $0x3  }
0x93: {  	_ =	strace s4  }
0x94: {  	s4 =	sld [smem:$0x3FFC];
	_ =	sdelay $0x3  }
0x95: {  	_ =	strace s4  }
0x96: {  	s4 =	sld [smem:$0x3FFD];
	_ =	sdelay $0x3  }
0x97: {  	_ =	strace s4  }
0x98: {  	_ =	strace $0x8FFFFFFF  }
0x99: {  	s19 =	sld [smem:$0x3FDB];
	_ =	sdelay $0x1  }
0x9a: {  	s5 =	simm.s32 $_scs_section_size  }
0x9b: {  	s6 =	simm.s32 $_size__tile_overlayer_lowered;
	s7 =	simm.s32 $_tile_overlayer_lowered  }
0x9c: {  	s22 =	simm.s32 $0x1BFF;
	s21 =	sshll.u32 s7, $0x1;
	s4 =	sadd.s32 s5, s19  }
0x9d: {  	s8 =	simm.s32 $0x0;
	s20 =	sshll.u32 s6, $0x1;
	s6 =	sadd.s32 s21, s4  }
0x9e: {  	[timem:s8], [sflag:s22] =	dma.local [hbm:s6], s20  }
0x9f: {  	_ =	swait.ge [sflag:s22], s20  }
0xa0: {  	s5 =	ssub.s32 $0x0, s20;
	[sflag:s22] =	ssyncset.done $0x0  }
0xa1: {  	[sflag:s22] =	ssyncadd.s32 s5;
	_ =	sdelay $0x1  }
0xa2: {  	s23 =	simm.s32 $0x1B8B  }
0xa3: {  	_ =	swait.ge [sflag:s23], $0x1  }
0xa4: {  	[sflag:s23] =	ssyncset.done $0x0  }
0xa5: {  	s25 =	simm.s32 $0x1B8E;
	s24 =	sld [smem:$0x3FFE];
	[sflag:s23] =	ssyncadd.s32 $0xFFFFFFFF  }
0xa6: {  	s26 =	simm.s32 $execute0_lowered;
	[smem:$0x3FD2] =	sst s25  }
0xa7: {  	s6 =	sshll.u32 s26, $0x1;
	_ =	strace $0x80000046;
	[dreg:$0x1] =	wrdreg $0xFFFFFFFF  }
0xa8: {  	s28 =	simm.s32 $_size_execute0_lowered;
	s4 =	sadd.s32 s4, s6;
	[dreg:$0x0] =	wrdreg $0x0  }
0xa9: {  	s6 =	sshll.u32 s28, $0x1;
	[dreg:$0x2] =	wrdreg s4  }
0xaa: {  	[dreg:$0x3] =	wrdreg s6  }
0xab: {  	[dreg:$0x4] =	wrdreg $0xC0  }
0xac: {  	_ =	task [dreg:s8], $0x5FFFF  }
0xad: {  	[dreg:$0x1] =	wrdreg $0xFFFFFFFF  }
0xae: {  	[dreg:$0x0] =	wrdreg $0x60  }
0xaf: {  	[dreg:$0x2] =	wrdreg s2  }
0xb0: {  	[dreg:$0x3] =	wrdreg s24  }
0xb1: {  	[dreg:$0x4] =	wrdreg s18  }
0xb2: {  	[dreg:$0x5] =	wrdreg $0x7C800  }
0xb3: {  	[dreg:$0x6] =	wrdreg $0x1BC800  }
0xb4: {  	[dreg:$0x7] =	wrdreg $0x9  }
0xb5: {  	_ =	task.clear_ibuf [dreg:s8], $0x8FFFF;
	_ =	strace $0x90000046  }
0xb6: {  	s29 =	simm.s32 $0x9;
	_ =	strace $0x80000048  }
0xb7: {  	_ =	swait.ge [sflag:s29], $0x1  }
0xb8: {  	[sflag:s29] =	ssyncadd.s32 $0xFFFFFFFF  }
0xb9: {  	_ =	strace $0x90000048  }
0xba: {  	_ =	sfence  }
0xbb: {  	s30 =	sld [smem:$0x0];
	_ =	sdelay $0x2  }
0xbc: {  	s31 =	sshll.u32 s1, $0xD;
	s1 =	sshrl.u32 s1, $0x2  }
0xbd: {  	s3 =	sand.u32 $0x4000, s31;
	s1 =	sadd.s32 s1, s30  }
0xbe: {  	s0 =	sor.u32 s3, s0;
	s1 =	sshll.u32 s1, $0x11  }
0xbf: {  	s0 =	sor.u32 s1, s0  }
0xc0: {  	s0 =	sadd.s32 $0x8F2B, s0  }
0xc1: {  	[sflag:s0] =	ssyncadd.remote.s32 $0x1  }
0xc2: {  	_ =	sfence.sel $0xFFFF  }
0xc3: {  	[dreg:$0x0] =	wrdreg $0xFFFFFFFF;
	(pc) =	sbr.abs _section_cstart, $3  }
0xc4: {  	[dreg:$0x1] =	wrdreg $0xFFFFFFFF  }
0xc5: {  	_ =	task.clear_ibuf [dreg:s8], $0x2FFFF;
	_ =	strace $0x9FFFFFFF  }
0xc6: {  	(tm) =	ssettm $0x7FFFFFFF  }
0xc7: {  	_ =	shalt  }
tec
execute0_lowered:
.L_overlay_start_1:
0x0: {  	(tag) =	ssettag $0x1  }
0x1: {  	s1 =	rddreg [dreg:$0x0]  }
0x2: {  	s0 =	rddreg [dreg:$0x1]  }
0x3: {  	s4 =	rddreg [dreg:$0x2]  }
0x4: {  	s2 =	rddreg [dreg:$0x3]  }
0x5: {  	s3 =	rddreg [dreg:$0x4]  }
0x6: {  	s5 =	simm.s32 $0x0;
	s6 =	srdreg.scid;
	s15 =	stileid.u32  }
0x7: {  	s28 =	simm.s32 $0x50;
	s29 =	simm.s32 $0x400;
	s8 =	smul.u32 $0x14000, s15  }
0x8: {  	[smem:$0x7FF] =	sst s5;
	s6 =	sand.u32 $0x1, s6;
	s20 =	smul.u32 $0x50000, s15  }
0x9: {  	s10 =	sadd.s32 $0xC400, s0;
	s11 =	sadd.s32 $0x2600, s0;
	s13 =	smul.u32 $0xA00, s15  }
0xa: {  	s12 =	sadd.s32 $0x16400, s0;
	s16 =	sadd.s32 $0x16200, s0;
	s24 =	smul.u32 $0x2710, s15  }
0xb: {  	s26 =	smul.u32 $0x500, s15;
	_ =	strace $0x80000047;
	[dreg:$0xc] =	wrdreg s12  }
0xc: {  	s7 =	smul.u32 $0x140000, s6;
	s9 =	sshll.u32 s6, $0x4;
	[dreg:$0xd] =	wrdreg s16  }
0xd: {  	s17 =	ssub.s32 $0x2, s6;
	s23 =	smul.u32 $0x27100, s6;
	s6 =	sshll.u32 s6, $0x7  }
0xe: {  	s9 =	sor.u32 s15, s9;
	s18 =	sshrl.u32 s17, $0x1;
	s13 =	sshrl.u32 s13, $0x2  }
0xf: {  	s6 =	sor.u32 s6, s26;
	s7 =	sadd.s32 s8, s7;
	s14 =	smul.u32 $0x2710, s9  }
0x10: {  	s9 =	sshrl.u32 s20, $0x2;
	s25 =	sadd.s32 s13, s3;
	s6 =	sshrl.u32 s6, $0x3  }
0x11: {  	s7 =	sshrl.u32 s7, $0x3;
	s9 =	sadd.s32 s9, s2;
	[dreg:$0x13] =	wrdreg s25  }
0x12: {  	s4 =	sadd.s32 s4, s6;
	s8 =	sshrl.u32 s14, $0x3;
	[dreg:$0x12] =	wrdreg s9  }
0x13: {  	s0 =	sadd.s32 s7, s0;
	[dreg:$0x16] =	wrdreg s4;
	s19 =	sadd.s32 s10, s8  }
0x14: {  	s7 =	ssub.s32 s17, s18;
	s21 =	sadd.s32 s11, s8;
	[dreg:$0xe] =	wrdreg s19  }
0x15: {  	s22 =	sadd.s32 $0xA, s8;
	s0 =	sadd.s32 $0x18C00, s0;
	[dreg:$0xf] =	wrdreg s21  }
0x16: {  	s30 =	sadd.s32 $0x14, s8;
	s14 =	sadd.s32 s10, s22;
	[dreg:$0x1b] =	wrdreg s0  }
0x17: {  	s18 =	sadd.s32 $0x1E, s8;
	s12 =	sadd.s32 s11, s22;
	[dreg:$0x10] =	wrdreg s14  }
0x18: {  	s31 =	sadd.s32 s10, s30;
	s13 =	sadd.s32 s11, s30;
	[dreg:$0x11] =	wrdreg s12  }
0x19: {  	s20 =	sadd.s32 s10, s18;
	s21 =	sadd.s32 s11, s18;
	[dreg:$0x14] =	wrdreg s31  }
0x1a: {  	s22 =	sadd.s32 $0x28, s8;
	s30 =	smax.u32 s7, $0x1;
	[dreg:$0x15] =	wrdreg s13  }
0x1b: {  	s0 =	simm.s32 $0x7C00;
	s7 =	simm.s32 $0x2;
	[dreg:$0x17] =	wrdreg s20  }
0x1c: {  	s18 =	simm.s32 $0x2C00;
	s12 =	sadd.s32 s24, s23;
	[dreg:$0x18] =	wrdreg s21  }
0x1d: {  	s24 =	sadd.s32 s10, s22;
	s4 =	sadd.s32 s11, s22;
	[dreg:$0x1c] =	wrdreg s30  }
0x1e: {  	s13 =	simm.s32 $0x6;
	s14 =	sadd.s32 $0x230, s12;
	[dreg:$0x19] =	wrdreg s24  }
0x1f: {  	s16 =	sadd.s32 $0x1E0, s12;
	s23 =	sadd.s32 $0x190, s12;
	[dreg:$0x1a] =	wrdreg s4  }
0x20: {  	s24 =	simm.s32 $0x80;
	s4 =	simm.s32 $0x100;
	s12 =	simm.s32 $0x5400  }
0x21: {  	s9 =	sshrl.u32 s14, $0x3;
	s6 =	sshrl.u32 s16, $0x3;
	s25 =	sshrl.u32 s23, $0x3  }
0x22: {  	s23 =	simm.s32 $0x200;
	s14 =	simm.s32 $0x8;
	s15 =	sadd.s32 s9, s11  }
0x23: {  	s16 =	simm.s32 $0x0;
	s17 =	sadd.s32 s9, s10;
	[dreg:$0x6] =	wrdreg s15  }
0x24: {  	s19 =	sadd.s32 s6, s11;
	s6 =	sadd.s32 s6, s10;
	[dreg:$0x7] =	wrdreg s17  }
0x25: {  	s26 =	sadd.s32 s25, s11;
	s31 =	sadd.s32 s25, s10;
	[dreg:$0x8] =	wrdreg s19  }
0x26: {  	s25 =	simm.s32 $0x280;
	s9 =	simm.s32 $0xA;
	[dreg:$0x9] =	wrdreg s6  }
0x27: {  	s10 =	simm.s32 $0x7;
	s11 =	simm.s32 $0x3;
	[dreg:$0xa] =	wrdreg s26  }
0x28: {  	[dreg:$0xb] =	wrdreg s31;
	s26 =	simm.s32 $0x1;
	s17 =	simm.s32 $0x4  }
0x29: {  	v0 =	vimm.f32 $1.000000000e+00;
	s6 =	simm.s32 $0x300;
	s19 =	simm.s32 $0x5;
	s15 =	simm.s32 $0x9  }
.LBB2_1:
0x2a: {  	s8 =	rddreg [dreg:$0xe]  }
0x2b: {  	[tilespmem:s5], [sflag:$0x1] =	stream.linear.gather [hbm4b:s8+s5], $0x50, $0x38;
	[tilespmem:$0x1BF00] =	vst v63  }
0x2c: {  	s22 =	rddreg [dreg:$0xf]  }
0x2d: {  	[tilespmem:s23], [sflag:$0x1] =	stream.linear.gather [hbm4b:s22+s5], $0x50, $0x38;
	[tilespmem:$0x1BF00] =	vst v63  }
0x2e: {  	s30 =	rddreg [dreg:$0x10]  }
0x2f: {  	[tilespmem:s24], [sflag:$0x2] =	stream.linear.gather [hbm4b:s30+s5], $0x50, $0x38;
	[tilespmem:$0x1BF00] =	vst v63  }
0x30: {  	s20 =	rddreg [dreg:$0x11]  }
0x31: {  	[tilespmem:s25], [sflag:$0x2] =	stream.linear.gather [hbm4b:s20+s5], $0x50, $0x38;
	[tilespmem:$0x1BF00] =	vst v63  }
0x32: {  	_ =	swait.ge [sflag:s26], $0x50  }
0x33: {  	[sflag:s26] =	ssyncset.done $0x0  }
0x34: {  	[sflag:s26] =	ssyncadd.s32 $0xFFFFFFB0  }
0x35: {  	s21 =	stileid.u32;
	_ =	swait.ge [sflag:s26], $0x50  }
0x36: {  	s8 =	sshll.u32 s21, $0x6;
	[sflag:s26] =	ssyncset.done $0x0;
	s22 =	rddreg [dreg:$0x12]  }
0x37: {  	s30 =	rddreg [dreg:$0xc];
	[sflag:s26] =	ssyncadd.s32 $0xFFFFFFB0;
	s21 =	sshrl.u32 s22, $0x3  }
0x38: {  	[tilespmem:s29], [sflag:$0x4] =	stream.indirect.gather [hbm4b:s1+s28], $0x80, s5, s28, $0xb8;
	[tilespmem:$0x1BF00] =	vst v63  }
0x39: {  	s20 =	sor.u32 $0x1C0A, s8;
	[dreg:$0x1e] =	wrdreg s21  }
0x3a: {  	[spmem:s21], [sflag:s20] =	dma.local [hbm:s30], $0x2800  }
0x3b: {  	_ =	swait.ge [sflag:s9], $0x2800;
	[dreg:$0x1d] =	wrdreg s20  }
0x3c: {  	s21 =	rddreg [dreg:$0x13]  }
0x3d: {  	[sflag:s9] =	ssyncset.done $0x0;
	s30 =	rddreg [dreg:$0xd];
	s22 =	sshrl.u32 s21, $0x3  }
0x3e: {  	[sflag:s9] =	ssyncadd.s32 $0xFFFFD800;
	[dreg:$0x1f] =	wrdreg s22  }
0x3f: {  	[spmem:s22], [sflag:s20] =	dma.local [hbm:s30], $0x50  }
0x40: {  	_ =	swait.ge [sflag:s9], $0x50  }
0x41: {  	[sflag:s9] =	ssyncset.done $0x0  }
0x42: {  	[sflag:s9] =	ssyncadd.s32 $0xFFFFFFB0  }
0x43: {  	[tilespmem:$0x7C00] =	vst v0  }
0x44: {  	[tilespmem:$0x7C10] =	vst v0  }
0x45: {  	[tilespmem:$0x7C20] =	vst v0  }
0x46: {  	[tilespmem:$0x7C30] =	vst v0  }
0x47: {  	[tilespmem:$0x7C40] =	vst v0  }
0x48: {  	[bflag:$0x0] =	sbarrier.arrive $0xFFFF  }
0x49: {  	_ =	swait.ge [sflag:s17], $0x2800  }
0x4a: {  	[sflag:s17] =	ssyncset.done $0x0  }
0x4b: {  	[sflag:s17] =	ssyncadd.s32 $0xFFFFD800  }
0x4c: {  	[spmem:s2] =	stream.indirect.scatter.add.f32 [tilespmem:s29], [sflag:$0x7], $0x80, s23, s28, $0xb8;
	[tilespmem:$0x1BF00] =	vst v63  }
0x4d: {  	_ = 	snop  }
0x4e: {  	[spmem:s3] =	stream.indirect.scatter.add.f32 [tilespmem:s0], [sflag:$0x7], $0x1, s23, s28, $0xb8;
	[tilespmem:$0x1BF00] =	vst v63  }
0x4f: {  	s22 =	rddreg [dreg:$0x14]  }
0x50: {  	[tilespmem:s4], [sflag:$0x3] =	stream.linear.gather [hbm4b:s22+s5], $0x50, $0x38;
	[tilespmem:$0x1BF00] =	vst v63  }
0x51: {  	s30 =	rddreg [dreg:$0x15]  }
0x52: {  	[tilespmem:s6], [sflag:$0x3] =	stream.linear.gather [hbm4b:s30+s5], $0x50, $0x38;
	[tilespmem:$0x1BF00] =	vst v63  }
0x53: {  	_ =	swait.ge [sflag:s7], $0x50  }
0x54: {  	[sflag:s7] =	ssyncset.done $0x0  }
0x55: {  	[sflag:s7] =	ssyncadd.s32 $0xFFFFFFB0  }
0x56: {  	_ =	swait.ge [sflag:s7], $0x50  }
0x57: {  	[sflag:s7] =	ssyncset.done $0x0  }
0x58: {  	[sflag:s7] =	ssyncadd.s32 $0xFFFFFFB0  }
0x59: {  	[tilespmem:s18], [sflag:$0x5] =	stream.indirect.gather [hbm4b:s1+s28], $0x80, s24, s28, $0xb8;
	[tilespmem:$0x1BF00] =	vst v63  }
0x5a: {  	_ =	swait.ge [sflag:s19], $0x2800  }
0x5b: {  	[sflag:s19] =	ssyncset.done $0x0  }
0x5c: {  	[sflag:s19] =	ssyncadd.s32 $0xFFFFD800  }
0x5d: {  	[spmem:s2] =	stream.indirect.scatter.add.f32 [tilespmem:s18], [sflag:$0x8], $0x80, s25, s28, $0xb8;
	[tilespmem:$0x1BF00] =	vst v63  }
0x5e: {  	_ = 	snop  }
0x5f: {  	[spmem:s3] =	stream.indirect.scatter.add.f32 [tilespmem:s0], [sflag:$0x8], $0x1, s25, s28, $0xb8;
	[tilespmem:$0x1BF00] =	vst v63  }
0x60: {  	_ =	swait.ge [sflag:s10], $0x2800  }
0x61: {  	[sflag:s10] =	ssyncset.done $0x0  }
0x62: {  	[sflag:s10] =	ssyncadd.s32 $0xFFFFD800  }
0x63: {  	_ =	swait.ge [sflag:s10], $0x50  }
0x64: {  	[sflag:s10] =	ssyncset.done $0x0  }
0x65: {  	s9 =	rddreg [dreg:$0x17];
	[sflag:s10] =	ssyncadd.s32 $0xFFFFFFB0  }
0x66: {  	[tilespmem:s5], [sflag:$0x1] =	stream.linear.gather [hbm4b:s9+s5], $0x50, $0x38;
	[tilespmem:$0x1BF00] =	vst v63  }
0x67: {  	s17 =	rddreg [dreg:$0x18]  }
0x68: {  	[tilespmem:s23], [sflag:$0x1] =	stream.linear.gather [hbm4b:s17+s5], $0x50, $0x38;
	[tilespmem:$0x1BF00] =	vst v63  }
0x69: {  	_ =	swait.ge [sflag:s11], $0x50  }
0x6a: {  	[sflag:s11] =	ssyncset.done $0x0  }
0x6b: {  	[sflag:s11] =	ssyncadd.s32 $0xFFFFFFB0  }
0x6c: {  	_ =	swait.ge [sflag:s11], $0x50  }
0x6d: {  	[sflag:s11] =	ssyncset.done $0x0  }
0x6e: {  	[sflag:s11] =	ssyncadd.s32 $0xFFFFFFB0  }
0x6f: {  	[tilespmem:s12], [sflag:$0x6] =	stream.indirect.gather [hbm4b:s1+s28], $0x80, s4, s28, $0xb8;
	[tilespmem:$0x1BF00] =	vst v63  }
0x70: {  	_ =	swait.ge [sflag:s13], $0x2800  }
0x71: {  	[sflag:s13] =	ssyncset.done $0x0  }
0x72: {  	[sflag:s13] =	ssyncadd.s32 $0xFFFFD800  }
0x73: {  	[spmem:s2] =	stream.indirect.scatter.add.f32 [tilespmem:s12], [sflag:$0x9], $0x80, s6, s28, $0xb8;
	[tilespmem:$0x1BF00] =	vst v63  }
0x74: {  	_ = 	snop  }
0x75: {  	[spmem:s3] =	stream.indirect.scatter.add.f32 [tilespmem:s0], [sflag:$0x9], $0x1, s6, s28, $0xb8;
	[tilespmem:$0x1BF00] =	vst v63  }
0x76: {  	_ =	swait.ge [sflag:s14], $0x2800  }
0x77: {  	[sflag:s14] =	ssyncset.done $0x0  }
0x78: {  	s8 =	smul.u32 $0x3, s5;
	[sflag:s14] =	ssyncadd.s32 $0xFFFFD800  }
0x79: {  	_ =	swait.ge [sflag:s14], $0x50  }
0x7a: {  	s20 =	sadd.s32 $0x3, s8;
	[sflag:s14] =	ssyncset.done $0x0  }
0x7b: {  	s21 =	sand.u32 $0xFF, s20;
	s18 =	rddreg [dreg:$0x19];
	[sflag:s14] =	ssyncadd.s32 $0xFFFFFFB0  }
0x7c: {  	[tilespmem:s24], [sflag:$0x2] =	stream.linear.gather [hbm4b:s18+s5], $0x50, $0x38;
	[tilespmem:$0x1BF00] =	vst v63  }
0x7d: {  	s19 =	rddreg [dreg:$0x1a];
	s18 =	smul.u32 $0xAB, s21  }
0x7e: {  	[tilespmem:s25], [sflag:$0x2] =	stream.linear.gather [hbm4b:s19+s5], $0x50, $0x38;
	[tilespmem:$0x1BF00] =	vst v63  }
0x7f: {  	s18 =	sshrl.u32 s18, $0x9;
	_ =	swait.ge [sflag:s26], $0x50  }
0x80: {  	s18 =	smul.u32 $0x3, s18;
	[sflag:s26] =	ssyncset.done $0x0  }
0x81: {  	[sflag:s26] =	ssyncadd.s32 $0xFFFFFFB0  }
0x82: {  	s9 =	ssub.s32 s20, s18;
	_ =	swait.ge [sflag:s26], $0x50  }
0x83: {  	s9 =	sand.u32 $0xFF, s9;
	[sflag:s26] =	ssyncset.done $0x0  }
0x84: {  	s22 =	smul.u32 $0xA000, s9;
	s30 =	sor.u32 $0x4, s9;
	[sflag:s26] =	ssyncadd.s32 $0xFFFFFFB0  }
0x85: {  	[tilespmem:s29], [sflag:$0x4] =	stream.indirect.gather [hbm4b:s1+s28], $0x80, s5, s28, $0xb8;
	[tilespmem:$0x1BF00] =	vst v63  }
0x86: {  	s8 =	sadd.s32 $0x4, s8;
	s17 =	sshll.u32 s9, $0x7;
	_ =	swait.ge [sflag:s30], $0x2800  }
0x87: {  	s9 =	sadd.s32 $0x7, s9;
	s18 =	sshrl.u32 s22, $0x2;
	[sflag:s30] =	ssyncset.done $0x0  }
0x88: {  	s21 =	sor.u32 $0x200, s17;
	s18 =	sor.u32 $0x400, s18;
	[sflag:s30] =	ssyncadd.s32 $0xFFFFD800  }
0x89: {  	[spmem:s2] =	stream.indirect.scatter.add.f32 [tilespmem:s18], [sflag:s9], $0x80, s21, s28, $0xb8;
	[tilespmem:$0x1BF00] =	vst v63  }
0x8a: {  	s22 =	sand.u32 $0xFF, s8  }
0x8b: {  	[spmem:s3] =	stream.indirect.scatter.add.f32 [tilespmem:s0], [sflag:s9], $0x1, s21, s28, $0xb8;
	[tilespmem:$0x1BF00] =	vst v63  }
0x8c: {  	s9 =	smul.u32 $0xAB, s22;
	_ =	swait.ge [sflag:s15], $0x2800  }
0x8d: {  	[sflag:s15] =	ssyncset.done $0x0  }
0x8e: {  	s9 =	sshrl.u32 s9, $0x9;
	[sflag:s15] =	ssyncadd.s32 $0xFFFFD800  }
0x8f: {  	s9 =	smul.u32 $0x3, s9;
	_ =	swait.ge [sflag:s15], $0x50  }
0x90: {  	s30 =	rddreg [dreg:$0xb]  }
0x91: {  	s8 =	ssub.s32 s8, s9;
	[sflag:s15] =	ssyncset.done $0x0;
	s17 =	rddreg [dreg:$0xa]  }
0x92: {  	s8 =	sand.u32 $0xFF, s8;
	[sflag:s15] =	ssyncadd.s32 $0xFFFFFFB0;
	s18 =	sadd.s32 $0x0, s30  }
0x93: {  	[tilespmem:s4], [sflag:$0x3] =	stream.linear.gather [hbm4b:s18+s5], $0x50, $0x38;
	[tilespmem:$0x1BF00] =	vst v63  }
0x94: {  	s9 =	sadd.s32 $0x0, s17;
	s19 =	sadd.s32 $0x1, s8  }
0x95: {  	[tilespmem:s6], [sflag:$0x3] =	stream.linear.gather [hbm4b:s9+s5], $0x50, $0x38;
	[tilespmem:$0x1BF00] =	vst v63  }
0x96: {  	_ =	swait.ge [sflag:s19], $0x50  }
0x97: {  	[sflag:s19] =	ssyncset.done $0x0  }
0x98: {  	s20 =	smul.u32 $0xA000, s8;
	[sflag:s19] =	ssyncadd.s32 $0xFFFFFFB0  }
0x99: {  	_ =	swait.ge [sflag:s19], $0x50  }
0x9a: {  	s21 =	sor.u32 $0x4, s8;
	s9 =	sshrl.u32 s20, $0x2;
	[sflag:s19] =	ssyncset.done $0x0  }
0x9b: {  	s22 =	sshll.u32 s8, $0x7;
	s9 =	sor.u32 $0x400, s9;
	[sflag:s19] =	ssyncadd.s32 $0xFFFFFFB0  }
0x9c: {  	[tilespmem:s9], [sflag:s21] =	stream.indirect.gather [hbm4b:s1+s28], $0x80, s22, s28, $0xb8;
	[tilespmem:$0x1BF00] =	vst v63  }
0x9d: {  	_ =	swait.ge [sflag:s21], $0x2800  }
0x9e: {  	[sflag:s21] =	ssyncset.done $0x0  }
0x9f: {  	s8 =	sadd.s32 $0x7, s8;
	s30 =	sor.u32 $0x200, s22;
	[sflag:s21] =	ssyncadd.s32 $0xFFFFD800  }
0xa0: {  	[spmem:s2] =	stream.indirect.scatter.add.f32 [tilespmem:s9], [sflag:s8], $0x80, s30, s28, $0xb8;
	[tilespmem:$0x1BF00] =	vst v63  }
0xa1: {  	_ = 	snop  }
0xa2: {  	[spmem:s3] =	stream.indirect.scatter.add.f32 [tilespmem:s0], [sflag:s8], $0x1, s30, s28, $0xb8;
	[tilespmem:$0x1BF00] =	vst v63  }
0xa3: {  	_ =	swait.ge [sflag:s10], $0x2800  }
0xa4: {  	[sflag:s10] =	ssyncset.done $0x0  }
0xa5: {  	[sflag:s10] =	ssyncadd.s32 $0xFFFFD800  }
0xa6: {  	_ =	swait.ge [sflag:s10], $0x50  }
0xa7: {  	s9 =	rddreg [dreg:$0x9];
	[sflag:s10] =	ssyncset.done $0x0  }
0xa8: {  	s17 =	rddreg [dreg:$0x8];
	[sflag:s10] =	ssyncadd.s32 $0xFFFFFFB0;
	s8 =	sadd.s32 $0x0, s9  }
0xa9: {  	[tilespmem:s5], [sflag:$0x1] =	stream.linear.gather [hbm4b:s8+s5], $0x50, $0x38;
	[tilespmem:$0x1BF00] =	vst v63  }
0xaa: {  	s18 =	sadd.s32 $0x0, s17  }
0xab: {  	[tilespmem:s23], [sflag:$0x1] =	stream.linear.gather [hbm4b:s18+s5], $0x50, $0x38;
	[tilespmem:$0x1BF00] =	vst v63  }
0xac: {  	_ =	swait.ge [sflag:s11], $0x50  }
0xad: {  	[sflag:s11] =	ssyncset.done $0x0  }
0xae: {  	[sflag:s11] =	ssyncadd.s32 $0xFFFFFFB0  }
0xaf: {  	_ =	swait.ge [sflag:s11], $0x50  }
0xb0: {  	[sflag:s11] =	ssyncset.done $0x0  }
0xb1: {  	[sflag:s11] =	ssyncadd.s32 $0xFFFFFFB0  }
0xb2: {  	[tilespmem:s12], [sflag:$0x6] =	stream.indirect.gather [hbm4b:s1+s28], $0x80, s4, s28, $0xb8;
	[tilespmem:$0x1BF00] =	vst v63  }
0xb3: {  	_ =	swait.ge [sflag:s13], $0x2800  }
0xb4: {  	[sflag:s13] =	ssyncset.done $0x0  }
0xb5: {  	[sflag:s13] =	ssyncadd.s32 $0xFFFFD800  }
0xb6: {  	[spmem:s2] =	stream.indirect.scatter.add.f32 [tilespmem:s12], [sflag:$0x9], $0x80, s6, s28, $0xb8;
	[tilespmem:$0x1BF00] =	vst v63  }
0xb7: {  	_ = 	snop  }
0xb8: {  	[spmem:s3] =	stream.indirect.scatter.add.f32 [tilespmem:s0], [sflag:$0x9], $0x1, s6, s28, $0xb8;
	[tilespmem:$0x1BF00] =	vst v63  }
0xb9: {  	s21 =	simm.s32 $0x1;
	_ =	swait.ge [sflag:s14], $0x2800  }
0xba: {  	s19 =	smul.u32 $0x3, s21;
	[sflag:s14] =	ssyncset.done $0x0  }
0xbb: {  	s20 =	simm.s32 $0x1E;
	[sflag:s14] =	ssyncadd.s32 $0xFFFFD800  }
0xbc: {  	s31 =	sadd.s32 $0x4, s19;
	s9 =	sadd.s32 $0x3, s19;
	_ =	swait.ge [sflag:s14], $0x50  }
0xbd: {  	s22 =	sand.u32 $0xFF, s9;
	s30 =	rddreg [dreg:$0x7];
	[sflag:s14] =	ssyncset.done $0x0  }
0xbe: {  	s17 =	rddreg [dreg:$0x6];
	s18 =	sadd.s32 $0x0, s30;
	[sflag:s14] =	ssyncadd.s32 $0xFFFFFFB0  }
0xbf: {  	[tilespmem:s24], [sflag:$0x2] =	stream.linear.gather [hbm4b:s18+s5], $0x50, $0x38;
	[tilespmem:$0x1BF00] =	vst v63  }
0xc0: {  	s22 =	smul.u32 $0xAB, s22;
	s19 =	sadd.s32 $0x0, s17;
	s30 =	sand.u32 $0xFF, s31  }
0xc1: {  	[tilespmem:s25], [sflag:$0x2] =	stream.linear.gather [hbm4b:s19+s5], $0x50, $0x38;
	[tilespmem:$0x1BF00] =	vst v63  }
0xc2: {  	s22 =	sshrl.u32 s22, $0x9;
	s18 =	smul.u32 $0xAB, s30;
	_ =	swait.ge [sflag:s26], $0x50  }
0xc3: {  	s19 =	smul.u32 $0x3, s22;
	s22 =	simm.s32 $0x3C;
	[sflag:s26] =	ssyncset.done $0x0  }
.LBB2_2:
0xc4: {  	[sflag:s26] =	ssyncadd.s32 $0xFFFFFFB0  }
0xc5: {  	s9 =	ssub.s32 s9, s19;
	_ =	swait.ge [sflag:s26], $0x50  }
0xc6: {  	s9 =	sand.u32 $0xFF, s9;
	[sflag:s26] =	ssyncset.done $0x0  }
0xc7: {  	s30 =	smul.u32 $0xA000, s9;
	s17 =	sor.u32 $0x4, s9;
	[sflag:s26] =	ssyncadd.s32 $0xFFFFFFB0  }
0xc8: {  	[tilespmem:s29], [sflag:$0x4] =	stream.indirect.gather [hbm4b:s1+s28], $0x80, s5, s28, $0xb8;
	[tilespmem:$0x1BF00] =	vst v63  }
0xc9: {  	s18 =	sshrl.u32 s18, $0x9;
	s19 =	sshrl.u32 s30, $0x2;
	_ =	swait.ge [sflag:s17], $0x2800  }
0xca: {  	s30 =	sshll.u32 s9, $0x7;
	s9 =	sadd.s32 $0x7, s9;
	[sflag:s17] =	ssyncset.done $0x0  }
0xcb: {  	s19 =	sor.u32 $0x400, s19;
	s30 =	sor.u32 $0x200, s30;
	[sflag:s17] =	ssyncadd.s32 $0xFFFFD800  }
0xcc: {  	[spmem:s2] =	stream.indirect.scatter.add.f32 [tilespmem:s19], [sflag:s9], $0x80, s30, s28, $0xb8;
	[tilespmem:$0x1BF00] =	vst v63  }
0xcd: {  	s18 =	smul.u32 $0x3, s18  }
0xce: {  	[spmem:s3] =	stream.indirect.scatter.add.f32 [tilespmem:s0], [sflag:s9], $0x1, s30, s28, $0xb8;
	[tilespmem:$0x1BF00] =	vst v63  }
0xcf: {  	s18 =	ssub.s32 s31, s18;
	_ =	swait.ge [sflag:s15], $0x2800  }
0xd0: {  	s18 =	sand.u32 $0xFF, s18;
	[sflag:s15] =	ssyncset.done $0x0  }
0xd1: {  	s17 =	smul.u32 $0xA000, s18;
	[sflag:s15] =	ssyncadd.s32 $0xFFFFD800  }
0xd2: {  	_ =	swait.ge [sflag:s15], $0x50  }
0xd3: {  	s9 =	sshrl.u32 s17, $0x2;
	s19 =	rddreg [dreg:$0xb];
	[sflag:s15] =	ssyncset.done $0x0  }
0xd4: {  	s30 =	rddreg [dreg:$0xa];
	[sflag:s15] =	ssyncadd.s32 $0xFFFFFFB0;
	s17 =	sadd.s32 s20, s19  }
0xd5: {  	[tilespmem:s4], [sflag:$0x3] =	stream.linear.gather [hbm4b:s17+s5], $0x50, $0x38;
	[tilespmem:$0x1BF00] =	vst v63  }
0xd6: {  	s30 =	sadd.s32 s20, s30;
	s19 =	sadd.s32 $0x1, s18  }
0xd7: {  	[tilespmem:s6], [sflag:$0x3] =	stream.linear.gather [hbm4b:s30+s5], $0x50, $0x38;
	[tilespmem:$0x1BF00] =	vst v63  }
0xd8: {  	_ =	swait.ge [sflag:s19], $0x50  }
0xd9: {  	[sflag:s19] =	ssyncset.done $0x0  }
0xda: {  	[sflag:s19] =	ssyncadd.s32 $0xFFFFFFB0  }
0xdb: {  	_ =	swait.ge [sflag:s19], $0x50  }
0xdc: {  	s9 =	sor.u32 $0x400, s9;
	[sflag:s19] =	ssyncset.done $0x0  }
0xdd: {  	s17 =	sor.u32 $0x4, s18;
	s30 =	sshll.u32 s18, $0x7;
	[sflag:s19] =	ssyncadd.s32 $0xFFFFFFB0  }
0xde: {  	[tilespmem:s9], [sflag:s17] =	stream.indirect.gather [hbm4b:s1+s28], $0x80, s30, s28, $0xb8;
	[tilespmem:$0x1BF00] =	vst v63  }
0xdf: {  	_ =	swait.ge [sflag:s17], $0x2800  }
0xe0: {  	[sflag:s17] =	ssyncset.done $0x0  }
0xe1: {  	s19 =	sor.u32 $0x200, s30;
	s30 =	sadd.s32 $0x7, s18;
	[sflag:s17] =	ssyncadd.s32 $0xFFFFD800  }
0xe2: {  	[spmem:s2] =	stream.indirect.scatter.add.f32 [tilespmem:s9], [sflag:s30], $0x80, s19, s28, $0xb8;
	[tilespmem:$0x1BF00] =	vst v63  }
0xe3: {  	_ = 	snop  }
0xe4: {  	[spmem:s3] =	stream.indirect.scatter.add.f32 [tilespmem:s0], [sflag:s30], $0x1, s19, s28, $0xb8;
	[tilespmem:$0x1BF00] =	vst v63  }
0xe5: {  	_ =	swait.ge [sflag:s10], $0x2800  }
0xe6: {  	[sflag:s10] =	ssyncset.done $0x0  }
0xe7: {  	[sflag:s10] =	ssyncadd.s32 $0xFFFFD800  }
0xe8: {  	_ =	swait.ge [sflag:s10], $0x50  }
0xe9: {  	s18 =	rddreg [dreg:$0x9];
	[sflag:s10] =	ssyncset.done $0x0  }
0xea: {  	s19 =	rddreg [dreg:$0x8];
	[sflag:s10] =	ssyncadd.s32 $0xFFFFFFB0;
	s9 =	sadd.s32 s20, s18  }
0xeb: {  	[tilespmem:s5], [sflag:$0x1] =	stream.linear.gather [hbm4b:s9+s5], $0x50, $0x38;
	[tilespmem:$0x1BF00] =	vst v63  }
0xec: {  	s30 =	sadd.s32 s20, s19  }
0xed: {  	[tilespmem:s23], [sflag:$0x1] =	stream.linear.gather [hbm4b:s30+s5], $0x50, $0x38;
	[tilespmem:$0x1BF00] =	vst v63  }
0xee: {  	_ =	swait.ge [sflag:s11], $0x50  }
0xef: {  	[sflag:s11] =	ssyncset.done $0x0  }
0xf0: {  	[sflag:s11] =	ssyncadd.s32 $0xFFFFFFB0  }
0xf1: {  	_ =	swait.ge [sflag:s11], $0x50  }
0xf2: {  	[sflag:s11] =	ssyncset.done $0x0  }
0xf3: {  	[sflag:s11] =	ssyncadd.s32 $0xFFFFFFB0  }
0xf4: {  	[tilespmem:s12], [sflag:$0x6] =	stream.indirect.gather [hbm4b:s1+s28], $0x80, s4, s28, $0xb8;
	[tilespmem:$0x1BF00] =	vst v63  }
0xf5: {  	_ =	swait.ge [sflag:s13], $0x2800  }
0xf6: {  	[sflag:s13] =	ssyncset.done $0x0  }
0xf7: {  	[sflag:s13] =	ssyncadd.s32 $0xFFFFD800  }
0xf8: {  	[spmem:s2] =	stream.indirect.scatter.add.f32 [tilespmem:s12], [sflag:$0x9], $0x80, s6, s28, $0xb8;
	[tilespmem:$0x1BF00] =	vst v63  }
0xf9: {  	_ = 	snop  }
0xfa: {  	[spmem:s3] =	stream.indirect.scatter.add.f32 [tilespmem:s0], [sflag:$0x9], $0x1, s6, s28, $0xb8;
	[tilespmem:$0x1BF00] =	vst v63  }
0xfb: {  	s21 =	sadd.s32 $0x1, s21;
	_ =	swait.ge [sflag:s14], $0x2800  }
0xfc: {  	s17 =	smul.u32 $0x3, s21;
	[sflag:s14] =	ssyncset.done $0x0  }
0xfd: {  	p0 =	sne.s32 s22, $0x492;
	[sflag:s14] =	ssyncadd.s32 $0xFFFFD800  }
0xfe: {  	s31 =	sadd.s32 $0x4, s17;
	s9 =	sadd.s32 $0x3, s17;
	_ =	swait.ge [sflag:s14], $0x50  }
0xff: {  	s30 =	sand.u32 $0xFF, s9;
	s19 =	rddreg [dreg:$0x7];
	[sflag:s14] =	ssyncset.done $0x0  }
0x100: {  	s17 =	sadd.s32 s20, s19;
	s19 =	smul.u32 $0xAB, s30;
	[sflag:s14] =	ssyncadd.s32 $0xFFFFFFB0  }
0x101: {  	[tilespmem:s24], [sflag:$0x2] =	stream.linear.gather [hbm4b:s17+s5], $0x50, $0x38;
	[tilespmem:$0x1BF00] =	vst v63  }
.Ltmp0:
0x102: {  	s8 =	smov.u32 s22;
	s18 =	rddreg [dreg:$0x6];
	(pc) =	sbr.rel @p0 .LBB2_2-.Ltmp0, $4  }
0x103: {  	s22 =	sadd.s32 $0x1E, s22;
	s18 =	sadd.s32 s20, s18;
	s19 =	sshrl.u32 s19, $0x9  }
0x104: {  	[tilespmem:s25], [sflag:$0x2] =	stream.linear.gather [hbm4b:s18+s5], $0x50, $0x38;
	[tilespmem:$0x1BF00] =	vst v63  }
0x105: {  	s30 =	sand.u32 $0xFF, s31;
	s19 =	smul.u32 $0x3, s19;
	_ =	swait.ge [sflag:s26], $0x50  }
0x106: {  	s20 =	smov.u32 s8;
	s18 =	smul.u32 $0xAB, s30;
	[sflag:s26] =	ssyncset.done $0x0  }
0x107: {  	[sflag:s26] =	ssyncadd.s32 $0xFFFFFFB0  }
0x108: {  	s8 =	ssub.s32 s9, s19;
	_ =	swait.ge [sflag:s26], $0x50  }
0x109: {  	s8 =	sand.u32 $0xFF, s8;
	[sflag:s26] =	ssyncset.done $0x0  }
0x10a: {  	s22 =	sor.u32 $0x4, s8;
	s17 =	smul.u32 $0xA000, s8;
	[sflag:s26] =	ssyncadd.s32 $0xFFFFFFB0  }
0x10b: {  	[tilespmem:s29], [sflag:$0x4] =	stream.indirect.gather [hbm4b:s1+s28], $0x80, s5, s28, $0xb8;
	[tilespmem:$0x1BF00] =	vst v63  }
0x10c: {  	s30 =	sshll.u32 s8, $0x7;
	_ =	swait.ge [sflag:s22], $0x2800  }
0x10d: {  	s8 =	sadd.s32 $0x7, s8;
	s17 =	sshrl.u32 s17, $0x2;
	[sflag:s22] =	ssyncset.done $0x0  }
0x10e: {  	s9 =	sor.u32 $0x200, s30;
	s17 =	sor.u32 $0x400, s17;
	[sflag:s22] =	ssyncadd.s32 $0xFFFFD800  }
0x10f: {  	[spmem:s2] =	stream.indirect.scatter.add.f32 [tilespmem:s17], [sflag:s8], $0x80, s9, s28, $0xb8;
	[tilespmem:$0x1BF00] =	vst v63  }
0x110: {  	_ = 	snop  }
0x111: {  	[spmem:s3] =	stream.indirect.scatter.add.f32 [tilespmem:s0], [sflag:s8], $0x1, s9, s28, $0xb8;
	[tilespmem:$0x1BF00] =	vst v63  }
0x112: {  	s9 =	sshrl.u32 s18, $0x9;
	_ =	swait.ge [sflag:s15], $0x2800  }
0x113: {  	s8 =	smul.u32 $0x3, s9;
	[sflag:s15] =	ssyncset.done $0x0  }
0x114: {  	[sflag:s15] =	ssyncadd.s32 $0xFFFFD800  }
0x115: {  	s8 =	ssub.s32 s31, s8;
	_ =	swait.ge [sflag:s15], $0x50  }
0x116: {  	s8 =	sand.u32 $0xFF, s8;
	s17 =	rddreg [dreg:$0xb];
	[sflag:s15] =	ssyncset.done $0x0  }
0x117: {  	s18 =	rddreg [dreg:$0xa];
	[sflag:s15] =	ssyncadd.s32 $0xFFFFFFB0;
	s9 =	sadd.s32 s20, s17  }
0x118: {  	[tilespmem:s4], [sflag:$0x3] =	stream.linear.gather [hbm4b:s9+s5], $0x50, $0x38;
	[tilespmem:$0x1BF00] =	vst v63  }
0x119: {  	s21 =	sadd.s32 $0x1, s8;
	s19 =	sadd.s32 s20, s18  }
0x11a: {  	[tilespmem:s6], [sflag:$0x3] =	stream.linear.gather [hbm4b:s19+s5], $0x50, $0x38;
	[tilespmem:$0x1BF00] =	vst v63  }
0x11b: {  	_ =	swait.ge [sflag:s21], $0x50  }
0x11c: {  	[sflag:s21] =	ssyncset.done $0x0  }
0x11d: {  	s22 =	smul.u32 $0xA000, s8;
	[sflag:s21] =	ssyncadd.s32 $0xFFFFFFB0  }
0x11e: {  	_ =	swait.ge [sflag:s21], $0x50  }
0x11f: {  	s30 =	sor.u32 $0x4, s8;
	s9 =	sshrl.u32 s22, $0x2;
	[sflag:s21] =	ssyncset.done $0x0  }
0x120: {  	s31 =	sshll.u32 s8, $0x7;
	s9 =	sor.u32 $0x400, s9;
	[sflag:s21] =	ssyncadd.s32 $0xFFFFFFB0  }
0x121: {  	[tilespmem:s9], [sflag:s30] =	stream.indirect.gather [hbm4b:s1+s28], $0x80, s31, s28, $0xb8;
	[tilespmem:$0x1BF00] =	vst v63  }
0x122: {  	_ =	swait.ge [sflag:s30], $0x2800  }
0x123: {  	[sflag:s30] =	ssyncset.done $0x0  }
0x124: {  	s8 =	sadd.s32 $0x7, s8;
	s17 =	sor.u32 $0x200, s31;
	[sflag:s30] =	ssyncadd.s32 $0xFFFFD800  }
0x125: {  	[spmem:s2] =	stream.indirect.scatter.add.f32 [tilespmem:s9], [sflag:s8], $0x80, s17, s28, $0xb8;
	[tilespmem:$0x1BF00] =	vst v63  }
0x126: {  	_ = 	snop  }
0x127: {  	[spmem:s3] =	stream.indirect.scatter.add.f32 [tilespmem:s0], [sflag:s8], $0x1, s17, s28, $0xb8;
	[tilespmem:$0x1BF00] =	vst v63  }
0x128: {  	_ =	swait.ge [sflag:s10], $0x2800  }
0x129: {  	[sflag:s10] =	ssyncset.done $0x0  }
0x12a: {  	[sflag:s10] =	ssyncadd.s32 $0xFFFFD800  }
0x12b: {  	_ =	swait.ge [sflag:s10], $0x50  }
0x12c: {  	s9 =	rddreg [dreg:$0x9];
	[sflag:s10] =	ssyncset.done $0x0  }
0x12d: {  	s17 =	rddreg [dreg:$0x8];
	[sflag:s10] =	ssyncadd.s32 $0xFFFFFFB0;
	s8 =	sadd.s32 s20, s9  }
0x12e: {  	[tilespmem:s5], [sflag:$0x1] =	stream.linear.gather [hbm4b:s8+s5], $0x50, $0x38;
	[tilespmem:$0x1BF00] =	vst v63  }
0x12f: {  	s18 =	sadd.s32 s20, s17  }
0x130: {  	[tilespmem:s23], [sflag:$0x1] =	stream.linear.gather [hbm4b:s18+s5], $0x50, $0x38;
	[tilespmem:$0x1BF00] =	vst v63  }
0x131: {  	_ =	swait.ge [sflag:s11], $0x50  }
0x132: {  	[sflag:s11] =	ssyncset.done $0x0  }
0x133: {  	[sflag:s11] =	ssyncadd.s32 $0xFFFFFFB0  }
0x134: {  	_ =	swait.ge [sflag:s11], $0x50  }
0x135: {  	[sflag:s11] =	ssyncset.done $0x0  }
0x136: {  	[sflag:s11] =	ssyncadd.s32 $0xFFFFFFB0  }
0x137: {  	[tilespmem:s12], [sflag:$0x6] =	stream.indirect.gather [hbm4b:s1+s28], $0x80, s4, s28, $0xb8;
	[tilespmem:$0x1BF00] =	vst v63  }
0x138: {  	_ =	swait.ge [sflag:s13], $0x2800  }
0x139: {  	[sflag:s13] =	ssyncset.done $0x0  }
0x13a: {  	[sflag:s13] =	ssyncadd.s32 $0xFFFFD800  }
0x13b: {  	[spmem:s2] =	stream.indirect.scatter.add.f32 [tilespmem:s12], [sflag:$0x9], $0x80, s6, s28, $0xb8;
	[tilespmem:$0x1BF00] =	vst v63  }
0x13c: {  	_ = 	snop  }
0x13d: {  	[spmem:s3] =	stream.indirect.scatter.add.f32 [tilespmem:s0], [sflag:$0x9], $0x1, s6, s28, $0xb8;
	[tilespmem:$0x1BF00] =	vst v63  }
0x13e: {  	_ =	swait.ge [sflag:s14], $0x2800  }
0x13f: {  	[sflag:s14] =	ssyncset.done $0x0  }
0x140: {  	[sflag:s14] =	ssyncadd.s32 $0xFFFFD800  }
0x141: {  	_ =	swait.ge [sflag:s14], $0x50  }
0x142: {  	s19 =	rddreg [dreg:$0x7];
	[sflag:s14] =	ssyncset.done $0x0  }
0x143: {  	s21 =	rddreg [dreg:$0x6];
	s8 =	sadd.s32 s20, s19;
	[sflag:s14] =	ssyncadd.s32 $0xFFFFFFB0  }
0x144: {  	[tilespmem:s24], [sflag:$0x2] =	stream.linear.gather [hbm4b:s8+s5], $0x50, $0x38;
	[tilespmem:$0x1BF00] =	vst v63  }
0x145: {  	s22 =	sadd.s32 s20, s21  }
0x146: {  	[tilespmem:s25], [sflag:$0x2] =	stream.linear.gather [hbm4b:s22+s5], $0x50, $0x38;
	[tilespmem:$0x1BF00] =	vst v63  }
0x147: {  	_ =	swait.ge [sflag:s26], $0x50  }
0x148: {  	[sflag:s26] =	ssyncset.done $0x0  }
0x149: {  	[sflag:s26] =	ssyncadd.s32 $0xFFFFFFB0  }
0x14a: {  	_ =	swait.ge [sflag:s26], $0x50  }
0x14b: {  	[sflag:s26] =	ssyncset.done $0x0  }
0x14c: {  	s17 =	simm.s32 $0x4;
	[sflag:s26] =	ssyncadd.s32 $0xFFFFFFB0  }
0x14d: {  	[tilespmem:s29], [sflag:$0x4] =	stream.indirect.gather [hbm4b:s1+s28], $0x80, s5, s28, $0xb8;
	[tilespmem:$0x1BF00] =	vst v63  }
0x14e: {  	_ =	swait.ge [sflag:s17], $0x2800  }
0x14f: {  	[sflag:s17] =	ssyncset.done $0x0  }
0x150: {  	[sflag:s17] =	ssyncadd.s32 $0xFFFFD800  }
0x151: {  	[spmem:s2] =	stream.indirect.scatter.add.f32 [tilespmem:s29], [sflag:$0x7], $0x80, s23, s28, $0xb8;
	[tilespmem:$0x1BF00] =	vst v63  }
0x152: {  	_ = 	snop  }
0x153: {  	[spmem:s3] =	stream.indirect.scatter.add.f32 [tilespmem:s0], [sflag:$0x7], $0x1, s23, s28, $0xb8;
	[tilespmem:$0x1BF00] =	vst v63  }
0x154: {  	_ =	swait.ge [sflag:s7], $0x50  }
0x155: {  	[sflag:s7] =	ssyncset.done $0x0  }
0x156: {  	[sflag:s7] =	ssyncadd.s32 $0xFFFFFFB0  }
0x157: {  	_ =	swait.ge [sflag:s7], $0x50  }
0x158: {  	[sflag:s7] =	ssyncset.done $0x0  }
0x159: {  	s18 =	simm.s32 $0x2C00;
	s19 =	simm.s32 $0x5;
	[sflag:s7] =	ssyncadd.s32 $0xFFFFFFB0  }
0x15a: {  	[tilespmem:s18], [sflag:$0x5] =	stream.indirect.gather [hbm4b:s1+s28], $0x80, s24, s28, $0xb8;
	[tilespmem:$0x1BF00] =	vst v63  }
0x15b: {  	_ =	swait.ge [sflag:s19], $0x2800  }
0x15c: {  	[sflag:s19] =	ssyncset.done $0x0  }
0x15d: {  	[sflag:s19] =	ssyncadd.s32 $0xFFFFD800  }
0x15e: {  	[spmem:s2] =	stream.indirect.scatter.add.f32 [tilespmem:s18], [sflag:$0x8], $0x80, s25, s28, $0xb8;
	[tilespmem:$0x1BF00] =	vst v63  }
0x15f: {  	_ = 	snop  }
0x160: {  	[spmem:s3] =	stream.indirect.scatter.add.f32 [tilespmem:s0], [sflag:$0x8], $0x1, s25, s28, $0xb8;
	[tilespmem:$0x1BF00] =	vst v63  }
0x161: {  	_ =	swait.ge [sflag:s10], $0x2800  }
0x162: {  	[sflag:s10] =	ssyncset.done $0x0  }
0x163: {  	[sflag:s10] =	ssyncadd.s32 $0xFFFFD800  }
0x164: {  	_ =	swait.ge [sflag:s10], $0x50  }
0x165: {  	[sflag:s10] =	ssyncset.done $0x0  }
0x166: {  	[sflag:s10] =	ssyncadd.s32 $0xFFFFFFB0  }
0x167: {  	_ =	swait.ge [sflag:s14], $0x2800  }
0x168: {  	[sflag:s14] =	ssyncset.done $0x0  }
0x169: {  	[sflag:s14] =	ssyncadd.s32 $0xFFFFD800  }
0x16a: {  	_ =	swait.ge [sflag:s14], $0x50  }
0x16b: {  	[sflag:s14] =	ssyncset.done $0x0  }
0x16c: {  	[sflag:s14] =	ssyncadd.s32 $0xFFFFFFB0  }
0x16d: {  	_ =	swait.ge [sflag:s15], $0x2800  }
0x16e: {  	[sflag:s15] =	ssyncset.done $0x0  }
0x16f: {  	[sflag:s15] =	ssyncadd.s32 $0xFFFFD800  }
0x170: {  	_ =	swait.ge [sflag:s15], $0x50  }
0x171: {  	[sflag:s15] =	ssyncset.done $0x0  }
0x172: {  	[sflag:s15] =	ssyncadd.s32 $0xFFFFFFB0  }
0x173: {  	[bflag:$0x0] =	sbarrier.arrive $0xFFFF  }
0x174: {  	s30 =	rddreg [dreg:$0x1b]  }
0x175: {  	s22 =	rddreg [dreg:$0x1d]  }
0x176: {  	s9 =	simm.s32 $0xA;
	s31 =	rddreg [dreg:$0x1e]  }
0x177: {  	[hbm:s30], [sflag:s22] =	dma.local [spmem:s31], $0x2800  }
0x178: {  	_ =	swait.ge [sflag:s9], $0x2800  }
0x179: {  	s21 =	simm.s32 $0x10;
	[sflag:s9] =	ssyncset.done $0x0;
	s20 =	rddreg [dreg:$0x16]  }
0x17a: {  	s31 =	simm.s32 $0x20;
	s30 =	rddreg [dreg:$0x1f];
	[sflag:s9] =	ssyncadd.s32 $0xFFFFD800  }
0x17b: {  	[hbm:s20@s31], [sflag:s22] =	dma.strided [spmem:s30@s21], $0x50, s26, $0x10   }
0x17c: {  	_ =	swait.ge [sflag:s9], $0x50  }
0x17d: {  	s16 =	sadd.s32 $0x1, s16;
	s31 =	rddreg [dreg:$0x1c]  }
0x17e: {  	p0 =	sne.s32 s16, s31  }
.Ltmp1:
0x17f: {  	_ = 	snop;
	(pc) =	sbr.rel @p0 .LBB2_1-.Ltmp1, $3  }
0x180: {  	_ =	sdelay $0x1  }
0x181: {  	[sflag:s9] =	ssyncset.done $0x0  }
0x182: {  	[sflag:s9] =	ssyncadd.s32 $0xFFFFFFB0  }
0x183: {  	_ =	sfence.sel $0x180000  }
0x184: {  	[bflag:$0x0] =	sbarrier.arrive $0xFFFF  }
0x185: {  	_ =	strace $0x90000047  }
0x186: {  	s0 =	stileid.u32;
	[bflag:$0x2] =	sbarrier.arrive $0xFFFF  }
0x187: {  	p0 =	sne.s32 s0, $0x0;
	s0 =	rddreg [dreg:$0x5]  }
0x188: {  	s0 =	sadd.s32 @!p0 $0x100000, s0  }
0x189: {  	[sflag:s0] =	ssyncadd.tile.s32 @!p0 $0x1;
	_ =	shalt  }
.Lfunc_end2:
_tile_overlayer_lowered:
.L_overlay_start_2:
0x18a: {  	(tag) =	ssettag $0x2  }
0x18b: {  	s0 =	rddreg [dreg:$0x0];
	s2 =	stileid.u32  }
0x18c: {  	s1 =	rddreg [dreg:$0x1];
	p0 =	sne.s32 s2, $0x0  }
0x18d: {  	s3 =	rddreg [dreg:$0x2];
	[bflag:$0x3] =	sbarrier.arrive $0xFFFF;
	s2 =	simm.s32 @!p0 $0x1C0A  }
0x18e: {  	[timem:s3], [sflag:s2] =	dma.local @!p0 [hbm:s0], s1  }
0x18f: {  	s0 =	simm.s32 @!p0 $0xA  }
0x190: {  	_ =	swait.ge @!p0 [sflag:s0], s1  }
0x191: {  	s1 =	ssub.s32 @!p0 $0x0, s1;
	[sflag:s0] =	ssyncset.done @!p0 $0x0  }
0x192: {  	[sflag:s0] =	ssyncadd.s32 @!p0 s1  }
0x193: {  	[bflag:$0x3] =	sbarrier.arrive $0xFFFF  }
0x194: {  	_ =	shalt  }

</sc_bundles>
